<compile_context>
chip_gen: v7x
topology: tpu7x:2x2x1
jax: 0.10.2.dev20260603
libtpu: 0.0.44.dev20260713+nightly
codegen_flags: <defaults>
</compile_context>

<pallas_src>
import functools

import jax
import jax.numpy as jnp
from jax import lax
from jax.experimental import pallas as pl
from jax.experimental.pallas import tpu as pltpu
from jax.experimental.pallas import tpu_sc as plsc

_N = 10000
_E = 320000
_D = 128
_EPS = 1e-5

_NC = 2
_NS = 16
_NW = _NC * _NS
_EPW = _E // _NW
_CH = 125
_NCH = _EPW // _CH
_SBC = 40
_NSB = _NCH // _SBC

_RCH = 100
_RNCH = _EPW // _RCH
_RSBC = 20
_RNSB = _RNCH // _RSBC
_NBUF = 3
_RPT = 624
_RPT_LAST = _N - _RPT * (_NS - 1)
_DGW = 16

_TCB = 2000


def _tile_rows_copy(s, copy):
    @pl.when(s < _NS - 1)
    def _():
        copy(pl.multiple_of(s * _RPT, 8), _RPT)

    @pl.when(s == _NS - 1)
    def _():
        copy(pl.multiple_of(s * _RPT, 8), _RPT_LAST)


def _seg_sum_body(with_deg, *refs):
    if with_deg:
        (y, srcT, dstT, z128, ones_h, deg_out, agg_out,
         acc, src_sb, dst_sb, buf0, buf1, buf2, sem0, sem1, sem2) = refs
    else:
        (y, srcT, dstT, z128, agg_out,
         acc, src_sb, dst_sb, buf0, buf1, buf2, sem0, sem1, sem2) = refs
    c = lax.axis_index("c")
    s = lax.axis_index("s")
    wid = s * _NC + c
    bufs = (buf0, buf1, buf2)
    sems = (sem0, sem1, sem2)
    _tile_rows_copy(s, lambda o, n: pltpu.sync_copy(z128.at[pl.ds(o, n)],
                                                    acc.at[pl.ds(o, n)]))

    if with_deg:
        pltpu.sync_copy(ones_h, buf0)
        plsc.subcore_barrier()

        def deg_superblock(sb, carry):
            pltpu.sync_copy(dstT.at[wid, sb], dst_sb)
            for k in range(_RSBC):
                pltpu.async_copy(buf0, acc.at[dst_sb.at[k]], sem0, add=True)
                if k >= 4:
                    pltpu.make_async_copy(buf0, acc.at[dst_sb.at[0]],
                                          sem0).wait()
            for _ in range(4):
                pltpu.make_async_copy(buf0, acc.at[dst_sb.at[0]],
                                      sem0).wait()
            return carry

        lax.fori_loop(0, _RNSB, deg_superblock, 0)
        plsc.subcore_barrier()
        _tile_rows_copy(s, lambda o, n: pltpu.sync_copy(
            acc.at[pl.ds(o, n)], deg_out.at[c, pl.ds(o, n)]))
        _tile_rows_copy(s, lambda o, n: pltpu.sync_copy(
            z128.at[pl.ds(o, n)], acc.at[pl.ds(o, n)]))

    plsc.subcore_barrier()

    def superblock(sb, carry):
        pltpu.sync_copy(srcT.at[wid, sb], src_sb)
        pltpu.sync_copy(dstT.at[wid, sb], dst_sb)
        for k in range(_NBUF):
            pltpu.async_copy(y.at[src_sb.at[k]], bufs[k], sems[k])
        for k in range(_RSBC):
            b = k % _NBUF
            pltpu.make_async_copy(y.at[src_sb.at[k]], bufs[b],
                                  sems[b]).wait()
            pltpu.sync_copy(bufs[b], acc.at[dst_sb.at[k]], add=True)
            if k + _NBUF < _RSBC:
                pltpu.async_copy(y.at[src_sb.at[k + _NBUF]], bufs[b],
                                 sems[b])
        return carry

    lax.fori_loop(0, _RNSB, superblock, 0)

    plsc.subcore_barrier()
    _tile_rows_copy(s, lambda o, n: pltpu.sync_copy(
        acc.at[pl.ds(o, n)], agg_out.at[c, pl.ds(o, n)]))


def _make_seg_sum(with_deg):
    mesh = plsc.VectorSubcoreMesh(core_axis_name="c", subcore_axis_name="s")
    out = jax.ShapeDtypeStruct((_NC, _N, _D), jnp.float32)
    return pl.kernel(
        functools.partial(_seg_sum_body, with_deg),
        out_type=(out, out) if with_deg else out,
        mesh=mesh,
        scratch_types=[
            pltpu.VMEM_SHARED((_N, _D), jnp.float32),
            pltpu.VMEM((_RSBC, _RCH), jnp.int32),
            pltpu.VMEM((_RSBC, _RCH), jnp.int32),
            pltpu.VMEM((_RCH, _D), jnp.float32),
            pltpu.VMEM((_RCH, _D), jnp.float32),
            pltpu.VMEM((_RCH, _D), jnp.float32),
            pltpu.SemaphoreType.DMA,
            pltpu.SemaphoreType.DMA,
            pltpu.SemaphoreType.DMA,
        ],
    )


def _mm_body(x_ref, w_ref, b_ref, ol_ref, or_ref):
    z = (jnp.dot(x_ref[...], w_ref[...], preferred_element_type=jnp.float32)
         + b_ref[...])
    ol_ref[...] = z[:, :_D]
    or_ref[...] = z[:, _D:]


def _mm(x, w, b):
    return pl.pallas_call(
        _mm_body,
        grid=(_N // _TCB,),
        in_specs=[
            pl.BlockSpec((_TCB, _D), lambda i: (i, 0)),
            pl.BlockSpec((_D, 2 * _D), lambda i: (0, 0)),
            pl.BlockSpec((1, 2 * _D), lambda i: (0, 0)),
        ],
        out_specs=[
            pl.BlockSpec((_TCB, _D), lambda i: (i, 0)),
            pl.BlockSpec((_TCB, _D), lambda i: (i, 0)),
        ],
        out_shape=[
            jax.ShapeDtypeStruct((_N, _D), jnp.float32),
            jax.ShapeDtypeStruct((_N, _D), jnp.float32),
        ],
    )(x, w, b)


def _combine_mm_body(agg_ref, degp_ref, yr_ref, g_ref, be_ref, w_ref, b_ref,
                     ol_ref, or_ref):
    inv = 1.0 / jnp.maximum(degp_ref[0] + degp_ref[1], 1.0)
    h = (agg_ref[0] + agg_ref[1]) * inv + yr_ref[...]
    bn_scale = g_ref[...] * (1.0 / (1.0 + _EPS) ** 0.5)
    h = jnp.maximum(h * bn_scale + be_ref[...], 0.0)
    z = (jnp.dot(h, w_ref[...], preferred_element_type=jnp.float32)
         + b_ref[...])
    ol_ref[...] = z[:, :_D]
    or_ref[...] = z[:, _D:]


def _combine_mm(agg, degp, yr, g, be, w, b):
    return pl.pallas_call(
        _combine_mm_body,
        grid=(_N // _TCB,),
        in_specs=[
            pl.BlockSpec((_NC, _TCB, _D), lambda i: (0, i, 0)),
            pl.BlockSpec((_NC, _TCB, _D), lambda i: (0, i, 0)),
            pl.BlockSpec((_TCB, _D), lambda i: (i, 0)),
            pl.BlockSpec((1, _D), lambda i: (0, 0)),
            pl.BlockSpec((1, _D), lambda i: (0, 0)),
            pl.BlockSpec((_D, 2 * _D), lambda i: (0, 0)),
            pl.BlockSpec((1, 2 * _D), lambda i: (0, 0)),
        ],
        out_specs=[
            pl.BlockSpec((_TCB, _D), lambda i: (i, 0)),
            pl.BlockSpec((_TCB, _D), lambda i: (i, 0)),
        ],
        out_shape=[
            jax.ShapeDtypeStruct((_N, _D), jnp.float32),
            jax.ShapeDtypeStruct((_N, _D), jnp.float32),
        ],
    )(agg, degp, yr, g, be, w, b)


def _final_body(agg_ref, degp_ref, yr_ref, o_ref):
    inv = 1.0 / jnp.maximum(degp_ref[0] + degp_ref[1], 1.0)
    o = (agg_ref[0] + agg_ref[1]) * inv + yr_ref[...]
    m = jnp.max(o, axis=-1, keepdims=True)
    lse = jnp.log(jnp.sum(jnp.exp(o - m), axis=-1, keepdims=True)) + m
    o_ref[...] = o - lse


def _final(agg, degp, yr):
    return pl.pallas_call(
        _final_body,
        grid=(_N // _TCB,),
        in_specs=[
            pl.BlockSpec((_NC, _TCB, _D), lambda i: (0, i, 0)),
            pl.BlockSpec((_NC, _TCB, _D), lambda i: (0, i, 0)),
            pl.BlockSpec((_TCB, _D), lambda i: (i, 0)),
        ],
        out_specs=pl.BlockSpec((_TCB, _D), lambda i: (i, 0)),
        out_shape=jax.ShapeDtypeStruct((_N, _D), jnp.float32),
    )(agg, degp, yr)


def kernel(x, edge_index, W1l, b1l, W1r, b1r, g1, be1, W2l, b2l, W2r, b2r):
    srcT = edge_index[0].reshape(_NW, _RNSB, _RSBC, _RCH)
    dstT = edge_index[1].reshape(_NW, _RNSB, _RSBC, _RCH)
    z128 = jnp.zeros((_N, _D), jnp.float32)
    ones_h = jnp.ones((_RCH, _D), jnp.float32)

    Wc1 = jnp.concatenate([W1l, W1r], axis=1)
    bc1 = jnp.concatenate([jnp.zeros_like(b1l), b1l + b1r])[None, :]
    y1l, y1r = _mm(x, Wc1, bc1)

    degp, agg1 = _make_seg_sum(True)(y1l, srcT, dstT, z128, ones_h)

    Wc2 = jnp.concatenate([W2l, W2r], axis=1)
    bc2 = jnp.concatenate([jnp.zeros_like(b2l), b2l + b2r])[None, :]
    y2l, y2r = _combine_mm(agg1, degp, y1r, g1[None, :], be1[None, :],
                           Wc2, bc2)

    agg2 = _make_seg_sum(False)(y2l, srcT, dstT, z128)

    return _final(agg2, degp, y2r)

# --- scband reference (transcript-rebuilt; emitter-appended) ---
"""Pipeline reference for scband-sage-80977313399688 (READ-ONLY COPY).

The authoritative reference and input builder live on the scoring server;
editing this copy changes nothing except your own understanding.
"""

import jax, jax.numpy as jnp
import numpy as np

N = 10000
E = 320000
D_IN = 128
D_HID = 128
D_OUT = 128
EPS = 1e-5


def setup_inputs(seed: int = 0) -> dict:
    key = jax.random.key(seed)
    ks = jax.random.split(key, 12)
    x = jax.random.normal(ks[0], (N, D_IN), dtype=jnp.float32)
    edge_index = jax.random.randint(ks[1], (2, E), 0, N, dtype=jnp.int32)
    s1 = 1.0 / np.sqrt(D_IN)
    s2 = 1.0 / np.sqrt(D_HID)
    W1l = jax.random.normal(ks[2], (D_IN, D_HID), dtype=jnp.float32) * s1
    b1l = jnp.zeros((D_HID,), dtype=jnp.float32)
    W1r = jax.random.normal(ks[3], (D_IN, D_HID), dtype=jnp.float32) * s1
    b1r = jnp.zeros((D_HID,), dtype=jnp.float32)
    g1 = jnp.ones((D_HID,), dtype=jnp.float32)
    be1 = jnp.zeros((D_HID,), dtype=jnp.float32)
    W2l = jax.random.normal(ks[4], (D_HID, D_OUT), dtype=jnp.float32) * s2
    b2l = jnp.zeros((D_OUT,), dtype=jnp.float32)
    W2r = jax.random.normal(ks[5], (D_HID, D_OUT), dtype=jnp.float32) * s2
    b2r = jnp.zeros((D_OUT,), dtype=jnp.float32)
    return {"x": x, "edge_index": edge_index, "W1l": W1l, "b1l": b1l,
            "W1r": W1r, "b1r": b1r, "g1": g1, "be1": be1,
            "W2l": W2l, "b2l": b2l, "W2r": W2r, "b2r": b2r}


def _sage_conv(x, src, dst, Wl, bl, Wr, br):
    # mean aggregation over incoming neighbors (scatter-add + degree normalize)
    msgs = x[src]
    agg = jax.ops.segment_sum(msgs, dst, num_segments=N)
    deg = jax.ops.segment_sum(jnp.ones((src.shape[0],), x.dtype), dst, num_segments=N)
    mean = agg / jnp.clip(deg, 1.0)[:, None]
    return mean @ Wl + bl + x @ Wr + br


def reference(x, edge_index, W1l, b1l, W1r, b1r, g1, be1, W2l, b2l, W2r, b2r):
    src = edge_index[0]
    dst = edge_index[1]
    h = _sage_conv(x, src, dst, W1l, b1l, W1r, b1r)
    # BatchNorm1d in eval mode with freshly-initialized running stats (mean=0, var=1)
    h = (h - 0.0) / jnp.sqrt(1.0 + EPS) * g1 + be1
    h = jax.nn.relu(h)
    # dropout in eval mode: identity
    h = _sage_conv(h, src, dst, W2l, b2l, W2r, b2r)
    return jax.nn.log_softmax(h, axis=-1)

if __name__ == "__main__":
    import jax
    _d = setup_inputs()
    print(jax.jit(kernel)(*tuple(_d.values())))

</pallas_src>

<mosaic_0001>
#map = affine_map<(d0, d1) -> (0, 0)>
#map1 = affine_map<(d0, d1) -> (0, 0, 0, 0)>
#map2 = affine_map<(d0, d1) -> (0, 0, 0)>
module attributes {stable_mosaic.version = 14 : i64} {
  func.func @_seg_sum_body(%arg0: i32, %arg1: i32, %arg2: memref<10000x128xf32, #tpu.memory_space<hbm>>, %arg3: memref<32x5x20x100xi32, #tpu.memory_space<hbm>>, %arg4: memref<32x5x20x100xi32, #tpu.memory_space<hbm>>, %arg5: memref<10000x128xf32, #tpu.memory_space<hbm>>, %arg6: memref<100x128xf32, #tpu.memory_space<hbm>>, %arg7: memref<2x10000x128xf32, #tpu.memory_space<hbm>>, %arg8: memref<2x10000x128xf32, #tpu.memory_space<hbm>>, %arg9: memref<10000x128xf32, #tpu.memory_space<vmem_shared>>, %arg10: memref<20x100xi32, #tpu.memory_space<vmem>>, %arg11: memref<20x100xi32, #tpu.memory_space<vmem>>, %arg12: memref<100x128xf32, #tpu.memory_space<vmem>>, %arg13: memref<100x128xf32, #tpu.memory_space<vmem>>, %arg14: memref<100x128xf32, #tpu.memory_space<vmem>>, %arg15: memref<!tpu.dma_semaphore, #tpu.memory_space<semaphore_mem>>, %arg16: memref<!tpu.dma_semaphore, #tpu.memory_space<semaphore_mem>>, %arg17: memref<!tpu.dma_semaphore, #tpu.memory_space<semaphore_mem>>) attributes {dimension_semantics = [#tpu.dimension_semantics<core_parallel>, #tpu.dimension_semantics<subcore_parallel>], iteration_bounds = array<i64: 2, 16>, scalar_prefetch = 0 : i64, scratch_operands = 9 : i64, tpu.core_type = #tpu.core_type<sc_vector_subcore>, window_params = [{transform_indices = #map}, {transform_indices = #map1}, {transform_indices = #map1}, {transform_indices = #map}, {transform_indices = #map}, {transform_indices = #map2}, {transform_indices = #map2}]} {
    %mul3A = arith.constant 2 : i32
    %mul3A_0 = arith.muli %arg1, %mul3A : i32
    %add3A = arith.addi %mul3A_0, %arg0 : i32
    %lt3A = arith.constant 15 : i32
    %lt3A_1 = arith.cmpi slt, %arg1, %lt3A : i32
    %convert_element_type3A = arith.extui %lt3A_1 : i1 to i32
    %cond3A = arith.constant 0 : i32
    %cond3A_2 = arith.cmpi ne, %convert_element_type3A, %cond3A : i32
    scf.if %cond3A_2 {
      %mul3A_51 = arith.constant 624 : i32
      %mul3A_52 = arith.muli %arg1, %mul3A_51 : i32
      %multiple_of3A = tpu.assume_multiple %mul3A_52, 8 : i32
      "tpu.region"() ({
        %run_scoped3A = tpu.sem_alloc : memref<!tpu.dma_semaphore, #tpu.memory_space<semaphore_mem>>
        %dma_start3A = arith.constant 0 : i32
        %dma_start3A_53 = tpu.memref_slice %arg9[%multiple_of3A, %dma_start3A] : memref<10000x128xf32, #tpu.memory_space<vmem_shared>> -> memref<624x128xf32, #tpu.memory_space<vmem_shared>>
        %dma_start3A_54 = arith.constant 0 : i32
        %dma_start3A_55 = tpu.memref_slice %arg5[%multiple_of3A, %dma_start3A_54] : memref<10000x128xf32, #tpu.memory_space<hbm>> -> memref<624x128xf32, #tpu.memory_space<hbm>>
        tpu.enqueue_dma source(%dma_start3A_55 : memref<624x128xf32, #tpu.memory_space<hbm>>) target(%dma_start3A_53 : memref<624x128xf32, #tpu.memory_space<vmem_shared>>) target_semaphore(%run_scoped3A : memref<!tpu.dma_semaphore, #tpu.memory_space<semaphore_mem>>)
        %dma_wait3A = arith.constant 0 : i32
        %dma_wait3A_56 = tpu.memref_slice %arg9[%multiple_of3A, %dma_wait3A] : memref<10000x128xf32, #tpu.memory_space<vmem_shared>> -> memref<624x128xf32, #tpu.memory_space<vmem_shared>>
        %dma_wait3A_57 = arith.constant 0 : i32
        %dma_wait3A_58 = tpu.memref_slice %arg5[%multiple_of3A, %dma_wait3A_57] : memref<10000x128xf32, #tpu.memory_space<hbm>> -> memref<624x128xf32, #tpu.memory_space<hbm>>
        tpu.wait_dma2 semaphore(%run_scoped3A : memref<!tpu.dma_semaphore, #tpu.memory_space<semaphore_mem>>) src(%dma_wait3A_58 : memref<624x128xf32, #tpu.memory_space<hbm>>) dst(%dma_wait3A_56 : memref<624x128xf32, #tpu.memory_space<vmem_shared>>)
        tpu.yield
      }) : () -> ()
    } else {
    }
    %eq3A = arith.constant 15 : i32
    %eq3A_3 = arith.cmpi eq, %arg1, %eq3A : i32
    %convert_element_type3A_4 = arith.extui %eq3A_3 : i1 to i32
    %cond3A_5 = arith.constant 0 : i32
    %cond3A_6 = arith.cmpi ne, %convert_element_type3A_4, %cond3A_5 : i32
    scf.if %cond3A_6 {
      %mul3A_51 = arith.constant 624 : i32
      %mul3A_52 = arith.muli %arg1, %mul3A_51 : i32
      %multiple_of3A = tpu.assume_multiple %mul3A_52, 8 : i32
      "tpu.region"() ({
        %run_scoped3A = tpu.sem_alloc : memref<!tpu.dma_semaphore, #tpu.memory_space<semaphore_mem>>
        %dma_start3A = arith.constant 0 : i32
        %dma_start3A_53 = tpu.memref_slice %arg9[%multiple_of3A, %dma_start3A] : memref<10000x128xf32, #tpu.memory_space<vmem_shared>> -> memref<640x128xf32, #tpu.memory_space<vmem_shared>>
        %dma_start3A_54 = arith.constant 0 : i32
        %dma_start3A_55 = tpu.memref_slice %arg5[%multiple_of3A, %dma_start3A_54] : memref<10000x128xf32, #tpu.memory_space<hbm>> -> memref<640x128xf32, #tpu.memory_space<hbm>>
        tpu.enqueue_dma source(%dma_start3A_55 : memref<640x128xf32, #tpu.memory_space<hbm>>) target(%dma_start3A_53 : memref<640x128xf32, #tpu.memory_space<vmem_shared>>) target_semaphore(%run_scoped3A : memref<!tpu.dma_semaphore, #tpu.memory_space<semaphore_mem>>)
        %dma_wait3A = arith.constant 0 : i32
        %dma_wait3A_56 = tpu.memref_slice %arg9[%multiple_of3A, %dma_wait3A] : memref<10000x128xf32, #tpu.memory_space<vmem_shared>> -> memref<640x128xf32, #tpu.memory_space<vmem_shared>>
        %dma_wait3A_57 = arith.constant 0 : i32
        %dma_wait3A_58 = tpu.memref_slice %arg5[%multiple_of3A, %dma_wait3A_57] : memref<10000x128xf32, #tpu.memory_space<hbm>> -> memref<640x128xf32, #tpu.memory_space<hbm>>
        tpu.wait_dma2 semaphore(%run_scoped3A : memref<!tpu.dma_semaphore, #tpu.memory_space<semaphore_mem>>) src(%dma_wait3A_58 : memref<640x128xf32, #tpu.memory_space<hbm>>) dst(%dma_wait3A_56 : memref<640x128xf32, #tpu.memory_space<vmem_shared>>)
        tpu.yield
      }) : () -> ()
    } else {
    }
    "tpu.region"() ({
      %run_scoped3A = tpu.sem_alloc : memref<!tpu.dma_semaphore, #tpu.memory_space<semaphore_mem>>
      tpu.enqueue_dma source(%arg6 : memref<100x128xf32, #tpu.memory_space<hbm>>) target(%arg12 : memref<100x128xf32, #tpu.memory_space<vmem>>) target_semaphore(%run_scoped3A : memref<!tpu.dma_semaphore, #tpu.memory_space<semaphore_mem>>)
      tpu.wait_dma2 semaphore(%run_scoped3A : memref<!tpu.dma_semaphore, #tpu.memory_space<semaphore_mem>>) src(%arg6 : memref<100x128xf32, #tpu.memory_space<hbm>>) dst(%arg12 : memref<100x128xf32, #tpu.memory_space<vmem>>)
      tpu.yield
    }) : () -> ()
    %barrier3A = arith.constant 0 : index
    tpu.barrier barrier_id(%barrier3A)
    %scan3A = arith.constant 0 : i32
    %scan3A_7 = arith.constant 0 : i32
    %scan3A_8 = arith.constant 5 : i32
    %scan3A_9 = arith.addi %scan3A_7, %scan3A_8 : i32
    %scan3A_10 = arith.constant 1 : i32
    scf.for %scan3A_51 = %scan3A_7 to %scan3A_9 step %scan3A_10  : i32 {
      "tpu.region"() ({
        %run_scoped3A = tpu.sem_alloc : memref<!tpu.dma_semaphore, #tpu.memory_space<semaphore_mem>>
        %dma_start3A_330 = arith.constant 0 : i32
        %dma_start3A_331 = arith.constant 0 : i32
        %dma_start3A_332 = tpu.memref_slice %arg4[%add3A, %scan3A_51, %dma_start3A_330, %dma_start3A_331] : memref<32x5x20x100xi32, #tpu.memory_space<hbm>> -> memref<1x1x20x100xi32, #tpu.memory_space<hbm>>
        %dma_start3A_333 = tpu.memref_squeeze %dma_start3A_332 : memref<1x1x20x100xi32, #tpu.memory_space<hbm>> -> memref<20x100xi32, #tpu.memory_space<hbm>>
        %dma_start3A_334 = arith.constant 0 : i32
        %dma_start3A_335 = arith.constant 0 : i32
        %dma_start3A_336 = tpu.memref_slice %arg4[%add3A, %scan3A_51, %dma_start3A_334, %dma_start3A_335] : memref<32x5x20x100xi32, #tpu.memory_space<hbm>> -> memref<1x1x20x100xi32, #tpu.memory_space<hbm>>
        %dma_start3A_337 = tpu.memref_squeeze %dma_start3A_336 : memref<1x1x20x100xi32, #tpu.memory_space<hbm>> -> memref<20x100xi32, #tpu.memory_space<hbm>>
        tpu.enqueue_dma source(%dma_start3A_337 : memref<20x100xi32, #tpu.memory_space<hbm>>) target(%arg11 : memref<20x100xi32, #tpu.memory_space<vmem>>) target_semaphore(%run_scoped3A : memref<!tpu.dma_semaphore, #tpu.memory_space<semaphore_mem>>)
        %dma_wait3A_338 = arith.constant 0 : i32
        %dma_wait3A_339 = arith.constant 0 : i32
        %dma_wait3A_340 = tpu.memref_slice %arg4[%add3A, %scan3A_51, %dma_wait3A_338, %dma_wait3A_339] : memref<32x5x20x100xi32, #tpu.memory_space<hbm>> -> memref<1x1x20x100xi32, #tpu.memory_space<hbm>>
        %dma_wait3A_341 = tpu.memref_squeeze %dma_wait3A_340 : memref<1x1x20x100xi32, #tpu.memory_space<hbm>> -> memref<20x100xi32, #tpu.memory_space<hbm>>
        %dma_wait3A_342 = arith.constant 0 : i32
        %dma_wait3A_343 = arith.constant 0 : i32
        %dma_wait3A_344 = tpu.memref_slice %arg4[%add3A, %scan3A_51, %dma_wait3A_342, %dma_wait3A_343] : memref<32x5x20x100xi32, #tpu.memory_space<hbm>> -> memref<1x1x20x100xi32, #tpu.memory_space<hbm>>
        %dma_wait3A_345 = tpu.memref_squeeze %dma_wait3A_344 : memref<1x1x20x100xi32, #tpu.memory_space<hbm>> -> memref<20x100xi32, #tpu.memory_space<hbm>>
        tpu.wait_dma2 semaphore(%run_scoped3A : memref<!tpu.dma_semaphore, #tpu.memory_space<semaphore_mem>>) src(%dma_wait3A_345 : memref<20x100xi32, #tpu.memory_space<hbm>>) dst(%arg11 : memref<20x100xi32, #tpu.memory_space<vmem>>)
        tpu.yield
      }) : () -> ()
      %dma_start3A = arith.constant 0 : i32
      %dma_start3A_52 = arith.constant 0 : i32
      %dma_start3A_53 = tpu.memref_slice %arg11[%dma_start3A, %dma_start3A_52] : memref<20x100xi32, #tpu.memory_space<vmem>> -> memref<1x100xi32, #tpu.memory_space<vmem>>
      %dma_start3A_54 = tpu.memref_squeeze %dma_start3A_53 : memref<1x100xi32, #tpu.memory_space<vmem>> -> memref<100xi32, #tpu.memory_space<vmem>>
      %dma_start3A_55 = arith.constant 0 : i32
      %dma_start3A_56 = arith.constant 0 : i32
      %dma_start3A_57 = tpu.memref_slice %arg9[%dma_start3A_55, %dma_start3A_56] : memref<10000x128xf32, #tpu.memory_space<vmem_shared>> -> memref<10000x128xf32, #tpu.memory_space<vmem_shared>>
      tpu.enqueue_indirect_dma source(%arg12 : memref<100x128xf32, #tpu.memory_space<vmem>>) target(%dma_start3A_57 : memref<10000x128xf32, #tpu.memory_space<vmem_shared>>) offsets(%dma_start3A_54 : memref<100xi32, #tpu.memory_space<vmem>>) semaphore(%arg15 : memref<!tpu.dma_semaphore, #tpu.memory_space<semaphore_mem>>) {add = true}
      %dma_start3A_58 = arith.constant 1 : i32
      %dma_start3A_59 = arith.constant 0 : i32
      %dma_start3A_60 = tpu.memref_slice %arg11[%dma_start3A_58, %dma_start3A_59] : memref<20x100xi32, #tpu.memory_space<vmem>> -> memref<1x100xi32, #tpu.memory_space<vmem>>
      %dma_start3A_61 = tpu.memref_squeeze %dma_start3A_60 : memref<1x100xi32, #tpu.memory_space<vmem>> -> memref<100xi32, #tpu.memory_space<vmem>>
      %dma_start3A_62 = arith.constant 0 : i32
      %dma_start3A_63 = arith.constant 0 : i32
      %dma_start3A_64 = tpu.memref_slice %arg9[%dma_start3A_62, %dma_start3A_63] : memref<10000x128xf32, #tpu.memory_space<vmem_shared>> -> memref<10000x128xf32, #tpu.memory_space<vmem_shared>>
      tpu.enqueue_indirect_dma source(%arg12 : memref<100x128xf32, #tpu.memory_space<vmem>>) target(%dma_start3A_64 : memref<10000x128xf32, #tpu.memory_space<vmem_shared>>) offsets(%dma_start3A_61 : memref<100xi32, #tpu.memory_space<vmem>>) semaphore(%arg15 : memref<!tpu.dma_semaphore, #tpu.memory_space<semaphore_mem>>) {add = true}
      %dma_start3A_65 = arith.constant 2 : i32
      %dma_start3A_66 = arith.constant 0 : i32
      %dma_start3A_67 = tpu.memref_slice %arg11[%dma_start3A_65, %dma_start3A_66] : memref<20x100xi32, #tpu.memory_space<vmem>> -> memref<1x100xi32, #tpu.memory_space<vmem>>
      %dma_start3A_68 = tpu.memref_squeeze %dma_start3A_67 : memref<1x100xi32, #tpu.memory_space<vmem>> -> memref<100xi32, #tpu.memory_space<vmem>>
      %dma_start3A_69 = arith.constant 0 : i32
      %dma_start3A_70 = arith.constant 0 : i32
      %dma_start3A_71 = tpu.memref_slice %arg9[%dma_start3A_69, %dma_start3A_70] : memref<10000x128xf32, #tpu.memory_space<vmem_shared>> -> memref<10000x128xf32, #tpu.memory_space<vmem_shared>>
      tpu.enqueue_indirect_dma source(%arg12 : memref<100x128xf32, #tpu.memory_space<vmem>>) target(%dma_start3A_71 : memref<10000x128xf32, #tpu.memory_space<vmem_shared>>) offsets(%dma_start3A_68 : memref<100xi32, #tpu.memory_space<vmem>>) semaphore(%arg15 : memref<!tpu.dma_semaphore, #tpu.memory_space<semaphore_mem>>) {add = true}
      %dma_start3A_72 = arith.constant 3 : i32
      %dma_start3A_73 = arith.constant 0 : i32
      %dma_start3A_74 = tpu.memref_slice %arg11[%dma_start3A_72, %dma_start3A_73] : memref<20x100xi32, #tpu.memory_space<vmem>> -> memref<1x100xi32, #tpu.memory_space<vmem>>
      %dma_start3A_75 = tpu.memref_squeeze %dma_start3A_74 : memref<1x100xi32, #tpu.memory_space<vmem>> -> memref<100xi32, #tpu.memory_space<vmem>>
      %dma_start3A_76 = arith.constant 0 : i32
      %dma_start3A_77 = arith.constant 0 : i32
      %dma_start3A_78 = tpu.memref_slice %arg9[%dma_start3A_76, %dma_start3A_77] : memref<10000x128xf32, #tpu.memory_space<vmem_shared>> -> memref<10000x128xf32, #tpu.memory_space<vmem_shared>>
      tpu.enqueue_indirect_dma source(%arg12 : memref<100x128xf32, #tpu.memory_space<vmem>>) target(%dma_start3A_78 : memref<10000x128xf32, #tpu.memory_space<vmem_shared>>) offsets(%dma_start3A_75 : memref<100xi32, #tpu.memory_space<vmem>>) semaphore(%arg15 : memref<!tpu.dma_semaphore, #tpu.memory_space<semaphore_mem>>) {add = true}
      %dma_start3A_79 = arith.constant 4 : i32
      %dma_start3A_80 = arith.constant 0 : i32
      %dma_start3A_81 = tpu.memref_slice %arg11[%dma_start3A_79, %dma_start3A_80] : memref<20x100xi32, #tpu.memory_space<vmem>> -> memref<1x100xi32, #tpu.memory_space<vmem>>
      %dma_start3A_82 = tpu.memref_squeeze %dma_start3A_81 : memref<1x100xi32, #tpu.memory_space<vmem>> -> memref<100xi32, #tpu.memory_space<vmem>>
      %dma_start3A_83 = arith.constant 0 : i32
      %dma_start3A_84 = arith.constant 0 : i32
      %dma_start3A_85 = tpu.memref_slice %arg9[%dma_start3A_83, %dma_start3A_84] : memref<10000x128xf32, #tpu.memory_space<vmem_shared>> -> memref<10000x128xf32, #tpu.memory_space<vmem_shared>>
      tpu.enqueue_indirect_dma source(%arg12 : memref<100x128xf32, #tpu.memory_space<vmem>>) target(%dma_start3A_85 : memref<10000x128xf32, #tpu.memory_space<vmem_shared>>) offsets(%dma_start3A_82 : memref<100xi32, #tpu.memory_space<vmem>>) semaphore(%arg15 : memref<!tpu.dma_semaphore, #tpu.memory_space<semaphore_mem>>) {add = true}
      %dma_wait3A = arith.constant 0 : i32
      %dma_wait3A_86 = arith.constant 0 : i32
      %dma_wait3A_87 = tpu.memref_slice %arg11[%dma_wait3A, %dma_wait3A_86] : memref<20x100xi32, #tpu.memory_space<vmem>> -> memref<1x100xi32, #tpu.memory_space<vmem>>
      %dma_wait3A_88 = tpu.memref_squeeze %dma_wait3A_87 : memref<1x100xi32, #tpu.memory_space<vmem>> -> memref<100xi32, #tpu.memory_space<vmem>>
      %dma_wait3A_89 = arith.constant 0 : i32
      %dma_wait3A_90 = arith.constant 0 : i32
      %dma_wait3A_91 = tpu.memref_slice %arg9[%dma_wait3A_89, %dma_wait3A_90] : memref<10000x128xf32, #tpu.memory_space<vmem_shared>> -> memref<10000x128xf32, #tpu.memory_space<vmem_shared>>
      tpu.wait_indirect_dma semaphore(%arg15 : memref<!tpu.dma_semaphore, #tpu.memory_space<semaphore_mem>>) src(%arg12 : memref<100x128xf32, #tpu.memory_space<vmem>>) dst(%dma_wait3A_91 : memref<10000x128xf32, #tpu.memory_space<vmem_shared>>)
      %dma_start3A_92 = arith.constant 5 : i32
      %dma_start3A_93 = arith.constant 0 : i32
      %dma_start3A_94 = tpu.memref_slice %arg11[%dma_start3A_92, %dma_start3A_93] : memref<20x100xi32, #tpu.memory_space<vmem>> -> memref<1x100xi32, #tpu.memory_space<vmem>>
      %dma_start3A_95 = tpu.memref_squeeze %dma_start3A_94 : memref<1x100xi32, #tpu.memory_space<vmem>> -> memref<100xi32, #tpu.memory_space<vmem>>
      %dma_start3A_96 = arith.constant 0 : i32
      %dma_start3A_97 = arith.constant 0 : i32
      %dma_start3A_98 = tpu.memref_slice %arg9[%dma_start3A_96, %dma_start3A_97] : memref<10000x128xf32, #tpu.memory_space<vmem_shared>> -> memref<10000x128xf32, #tpu.memory_space<vmem_shared>>
      tpu.enqueue_indirect_dma source(%arg12 : memref<100x128xf32, #tpu.memory_space<vmem>>) target(%dma_start3A_98 : memref<10000x128xf32, #tpu.memory_space<vmem_shared>>) offsets(%dma_start3A_95 : memref<100xi32, #tpu.memory_space<vmem>>) semaphore(%arg15 : memref<!tpu.dma_semaphore, #tpu.memory_space<semaphore_mem>>) {add = true}
      %dma_wait3A_99 = arith.constant 0 : i32
      %dma_wait3A_100 = arith.constant 0 : i32
      %dma_wait3A_101 = tpu.memref_slice %arg11[%dma_wait3A_99, %dma_wait3A_100] : memref<20x100xi32, #tpu.memory_space<vmem>> -> memref<1x100xi32, #tpu.memory_space<vmem>>
      %dma_wait3A_102 = tpu.memref_squeeze %dma_wait3A_101 : memref<1x100xi32, #tpu.memory_space<vmem>> -> memref<100xi32, #tpu.memory_space<vmem>>
      %dma_wait3A_103 = arith.constant 0 : i32
      %dma_wait3A_104 = arith.constant 0 : i32
      %dma_wait3A_105 = tpu.memref_slice %arg9[%dma_wait3A_103, %dma_wait3A_104] : memref<10000x128xf32, #tpu.memory_space<vmem_shared>> -> memref<10000x128xf32, #tpu.memory_space<vmem_shared>>
      tpu.wait_indirect_dma semaphore(%arg15 : memref<!tpu.dma_semaphore, #tpu.memory_space<semaphore_mem>>) src(%arg12 : memref<100x128xf32, #tpu.memory_space<vmem>>) dst(%dma_wait3A_105 : memref<10000x128xf32, #tpu.memory_space<vmem_shared>>)
      %dma_start3A_106 = arith.constant 6 : i32
      %dma_start3A_107 = arith.constant 0 : i32
      %dma_start3A_108 = tpu.memref_slice %arg11[%dma_start3A_106, %dma_start3A_107] : memref<20x100xi32, #tpu.memory_space<vmem>> -> memref<1x100xi32, #tpu.memory_space<vmem>>
      %dma_start3A_109 = tpu.memref_squeeze %dma_start3A_108 : memref<1x100xi32, #tpu.memory_space<vmem>> -> memref<100xi32, #tpu.memory_space<vmem>>
      %dma_start3A_110 = arith.constant 0 : i32
      %dma_start3A_111 = arith.constant 0 : i32
      %dma_start3A_112 = tpu.memref_slice %arg9[%dma_start3A_110, %dma_start3A_111] : memref<10000x128xf32, #tpu.memory_space<vmem_shared>> -> memref<10000x128xf32, #tpu.memory_space<vmem_shared>>
      tpu.enqueue_indirect_dma source(%arg12 : memref<100x128xf32, #tpu.memory_space<vmem>>) target(%dma_start3A_112 : memref<10000x128xf32, #tpu.memory_space<vmem_shared>>) offsets(%dma_start3A_109 : memref<100xi32, #tpu.memory_space<vmem>>) semaphore(%arg15 : memref<!tpu.dma_semaphore, #tpu.memory_space<semaphore_mem>>) {add = true}
      %dma_wait3A_113 = arith.constant 0 : i32
      %dma_wait3A_114 = arith.constant 0 : i32
      %dma_wait3A_115 = tpu.memref_slice %arg11[%dma_wait3A_113, %dma_wait3A_114] : memref<20x100xi32, #tpu.memory_space<vmem>> -> memref<1x100xi32, #tpu.memory_space<vmem>>
      %dma_wait3A_116 = tpu.memref_squeeze %dma_wait3A_115 : memref<1x100xi32, #tpu.memory_space<vmem>> -> memref<100xi32, #tpu.memory_space<vmem>>
      %dma_wait3A_117 = arith.constant 0 : i32
      %dma_wait3A_118 = arith.constant 0 : i32
      %dma_wait3A_119 = tpu.memref_slice %arg9[%dma_wait3A_117, %dma_wait3A_118] : memref<10000x128xf32, #tpu.memory_space<vmem_shared>> -> memref<10000x128xf32, #tpu.memory_space<vmem_shared>>
      tpu.wait_indirect_dma semaphore(%arg15 : memref<!tpu.dma_semaphore, #tpu.memory_space<semaphore_mem>>) src(%arg12 : memref<100x128xf32, #tpu.memory_space<vmem>>) dst(%dma_wait3A_119 : memref<10000x128xf32, #tpu.memory_space<vmem_shared>>)
      %dma_start3A_120 = arith.constant 7 : i32
      %dma_start3A_121 = arith.constant 0 : i32
      %dma_start3A_122 = tpu.memref_slice %arg11[%dma_start3A_120, %dma_start3A_121] : memref<20x100xi32, #tpu.memory_space<vmem>> -> memref<1x100xi32, #tpu.memory_space<vmem>>
      %dma_start3A_123 = tpu.memref_squeeze %dma_start3A_122 : memref<1x100xi32, #tpu.memory_space<vmem>> -> memref<100xi32, #tpu.memory_space<vmem>>
      %dma_start3A_124 = arith.constant 0 : i32
      %dma_start3A_125 = arith.constant 0 : i32
      %dma_start3A_126 = tpu.memref_slice %arg9[%dma_start3A_124, %dma_start3A_125] : memref<10000x128xf32, #tpu.memory_space<vmem_shared>> -> memref<10000x128xf32, #tpu.memory_space<vmem_shared>>
      tpu.enqueue_indirect_dma source(%arg12 : memref<100x128xf32, #tpu.memory_space<vmem>>) target(%dma_start3A_126 : memref<10000x128xf32, #tpu.memory_space<vmem_shared>>) offsets(%dma_start3A_123 : memref<100xi32, #tpu.memory_space<vmem>>) semaphore(%arg15 : memref<!tpu.dma_semaphore, #tpu.memory_space<semaphore_mem>>) {add = true}
      %dma_wait3A_127 = arith.constant 0 : i32
      %dma_wait3A_128 = arith.constant 0 : i32
      %dma_wait3A_129 = tpu.memref_slice %arg11[%dma_wait3A_127, %dma_wait3A_128] : memref<20x100xi32, #tpu.memory_space<vmem>> -> memref<1x100xi32, #tpu.memory_space<vmem>>
      %dma_wait3A_130 = tpu.memref_squeeze %dma_wait3A_129 : memref<1x100xi32, #tpu.memory_space<vmem>> -> memref<100xi32, #tpu.memory_space<vmem>>
      %dma_wait3A_131 = arith.constant 0 : i32
      %dma_wait3A_132 = arith.constant 0 : i32
      %dma_wait3A_133 = tpu.memref_slice %arg9[%dma_wait3A_131, %dma_wait3A_132] : memref<10000x128xf32, #tpu.memory_space<vmem_shared>> -> memref<10000x128xf32, #tpu.memory_space<vmem_shared>>
      tpu.wait_indirect_dma semaphore(%arg15 : memref<!tpu.dma_semaphore, #tpu.memory_space<semaphore_mem>>) src(%arg12 : memref<100x128xf32, #tpu.memory_space<vmem>>) dst(%dma_wait3A_133 : memref<10000x128xf32, #tpu.memory_space<vmem_shared>>)
      %dma_start3A_134 = arith.constant 8 : i32
      %dma_start3A_135 = arith.constant 0 : i32
      %dma_start3A_136 = tpu.memref_slice %arg11[%dma_start3A_134, %dma_start3A_135] : memref<20x100xi32, #tpu.memory_space<vmem>> -> memref<1x100xi32, #tpu.memory_space<vmem>>
      %dma_start3A_137 = tpu.memref_squeeze %dma_start3A_136 : memref<1x100xi32, #tpu.memory_space<vmem>> -> memref<100xi32, #tpu.memory_space<vmem>>
      %dma_start3A_138 = arith.constant 0 : i32
      %dma_start3A_139 = arith.constant 0 : i32
      %dma_start3A_140 = tpu.memref_slice %arg9[%dma_start3A_138, %dma_start3A_139] : memref<10000x128xf32, #tpu.memory_space<vmem_shared>> -> memref<10000x128xf32, #tpu.memory_space<vmem_shared>>
      tpu.enqueue_indirect_dma source(%arg12 : memref<100x128xf32, #tpu.memory_space<vmem>>) target(%dma_start3A_140 : memref<10000x128xf32, #tpu.memory_space<vmem_shared>>) offsets(%dma_start3A_137 : memref<100xi32, #tpu.memory_space<vmem>>) semaphore(%arg15 : memref<!tpu.dma_semaphore, #tpu.memory_space<semaphore_mem>>) {add = true}
      %dma_wait3A_141 = arith.constant 0 : i32
      %dma_wait3A_142 = arith.constant 0 : i32
      %dma_wait3A_143 = tpu.memref_slice %arg11[%dma_wait3A_141, %dma_wait3A_142] : memref<20x100xi32, #tpu.memory_space<vmem>> -> memref<1x100xi32, #tpu.memory_space<vmem>>
      %dma_wait3A_144 = tpu.memref_squeeze %dma_wait3A_143 : memref<1x100xi32, #tpu.memory_space<vmem>> -> memref<100xi32, #tpu.memory_space<vmem>>
      %dma_wait3A_145 = arith.constant 0 : i32
      %dma_wait3A_146 = arith.constant 0 : i32
      %dma_wait3A_147 = tpu.memref_slice %arg9[%dma_wait3A_145, %dma_wait3A_146] : memref<10000x128xf32, #tpu.memory_space<vmem_shared>> -> memref<10000x128xf32, #tpu.memory_space<vmem_shared>>
      tpu.wait_indirect_dma semaphore(%arg15 : memref<!tpu.dma_semaphore, #tpu.memory_space<semaphore_mem>>) src(%arg12 : memref<100x128xf32, #tpu.memory_space<vmem>>) dst(%dma_wait3A_147 : memref<10000x128xf32, #tpu.memory_space<vmem_shared>>)
      %dma_start3A_148 = arith.constant 9 : i32
      %dma_start3A_149 = arith.constant 0 : i32
      %dma_start3A_150 = tpu.memref_slice %arg11[%dma_start3A_148, %dma_start3A_149] : memref<20x100xi32, #tpu.memory_space<vmem>> -> memref<1x100xi32, #tpu.memory_space<vmem>>
      %dma_start3A_151 = tpu.memref_squeeze %dma_start3A_150 : memref<1x100xi32, #tpu.memory_space<vmem>> -> memref<100xi32, #tpu.memory_space<vmem>>
      %dma_start3A_152 = arith.constant 0 : i32
      %dma_start3A_153 = arith.constant 0 : i32
      %dma_start3A_154 = tpu.memref_slice %arg9[%dma_start3A_152, %dma_start3A_153] : memref<10000x128xf32, #tpu.memory_space<vmem_shared>> -> memref<10000x128xf32, #tpu.memory_space<vmem_shared>>
      tpu.enqueue_indirect_dma source(%arg12 : memref<100x128xf32, #tpu.memory_space<vmem>>) target(%dma_start3A_154 : memref<10000x128xf32, #tpu.memory_space<vmem_shared>>) offsets(%dma_start3A_151 : memref<100xi32, #tpu.memory_space<vmem>>) semaphore(%arg15 : memref<!tpu.dma_semaphore, #tpu.memory_space<semaphore_mem>>) {add = true}
      %dma_wait3A_155 = arith.constant 0 : i32
      %dma_wait3A_156 = arith.constant 0 : i32
      %dma_wait3A_157 = tpu.memref_slice %arg11[%dma_wait3A_155, %dma_wait3A_156] : memref<20x100xi32, #tpu.memory_space<vmem>> -> memref<1x100xi32, #tpu.memory_space<vmem>>
      %dma_wait3A_158 = tpu.memref_squeeze %dma_wait3A_157 : memref<1x100xi32, #tpu.memory_space<vmem>> -> memref<100xi32, #tpu.memory_space<vmem>>
      %dma_wait3A_159 = arith.constant 0 : i32
      %dma_wait3A_160 = arith.constant 0 : i32
      %dma_wait3A_161 = tpu.memref_slice %arg9[%dma_wait3A_159, %dma_wait3A_160] : memref<10000x128xf32, #tpu.memory_space<vmem_shared>> -> memref<10000x128xf32, #tpu.memory_space<vmem_shared>>
      tpu.wait_indirect_dma semaphore(%arg15 : memref<!tpu.dma_semaphore, #tpu.memory_space<semaphore_mem>>) src(%arg12 : memref<100x128xf32, #tpu.memory_space<vmem>>) dst(%dma_wait3A_161 : memref<10000x128xf32, #tpu.memory_space<vmem_shared>>)
      %dma_start3A_162 = arith.constant 10 : i32
      %dma_start3A_163 = arith.constant 0 : i32
      %dma_start3A_164 = tpu.memref_slice %arg11[%dma_start3A_162, %dma_start3A_163] : memref<20x100xi32, #tpu.memory_space<vmem>> -> memref<1x100xi32, #tpu.memory_space<vmem>>
      %dma_start3A_165 = tpu.memref_squeeze %dma_start3A_164 : memref<1x100xi32, #tpu.memory_space<vmem>> -> memref<100xi32, #tpu.memory_space<vmem>>
      %dma_start3A_166 = arith.constant 0 : i32
      %dma_start3A_167 = arith.constant 0 : i32
      %dma_start3A_168 = tpu.memref_slice %arg9[%dma_start3A_166, %dma_start3A_167] : memref<10000x128xf32, #tpu.memory_space<vmem_shared>> -> memref<10000x128xf32, #tpu.memory_space<vmem_shared>>
      tpu.enqueue_indirect_dma source(%arg12 : memref<100x128xf32, #tpu.memory_space<vmem>>) target(%dma_start3A_168 : memref<10000x128xf32, #tpu.memory_space<vmem_shared>>) offsets(%dma_start3A_165 : memref<100xi32, #tpu.memory_space<vmem>>) semaphore(%arg15 : memref<!tpu.dma_semaphore, #tpu.memory_space<semaphore_mem>>) {add = true}
      %dma_wait3A_169 = arith.constant 0 : i32
      %dma_wait3A_170 = arith.constant 0 : i32
      %dma_wait3A_171 = tpu.memref_slice %arg11[%dma_wait3A_169, %dma_wait3A_170] : memref<20x100xi32, #tpu.memory_space<vmem>> -> memref<1x100xi32, #tpu.memory_space<vmem>>
      %dma_wait3A_172 = tpu.memref_squeeze %dma_wait3A_171 : memref<1x100xi32, #tpu.memory_space<vmem>> -> memref<100xi32, #tpu.memory_space<vmem>>
      %dma_wait3A_173 = arith.constant 0 : i32
      %dma_wait3A_174 = arith.constant 0 : i32
      %dma_wait3A_175 = tpu.memref_slice %arg9[%dma_wait3A_173, %dma_wait3A_174] : memref<10000x128xf32, #tpu.memory_space<vmem_shared>> -> memref<10000x128xf32, #tpu.memory_space<vmem_shared>>
      tpu.wait_indirect_dma semaphore(%arg15 : memref<!tpu.dma_semaphore, #tpu.memory_space<semaphore_mem>>) src(%arg12 : memref<100x128xf32, #tpu.memory_space<vmem>>) dst(%dma_wait3A_175 : memref<10000x128xf32, #tpu.memory_space<vmem_shared>>)
      %dma_start3A_176 = arith.constant 11 : i32
      %dma_start3A_177 = arith.constant 0 : i32
      %dma_start3A_178 = tpu.memref_slice %arg11[%dma_start3A_176, %dma_start3A_177] : memref<20x100xi32, #tpu.memory_space<vmem>> -> memref<1x100xi32, #tpu.memory_space<vmem>>
      %dma_start3A_179 = tpu.memref_squeeze %dma_start3A_178 : memref<1x100xi32, #tpu.memory_space<vmem>> -> memref<100xi32, #tpu.memory_space<vmem>>
      %dma_start3A_180 = arith.constant 0 : i32
      %dma_start3A_181 = arith.constant 0 : i32
      %dma_start3A_182 = tpu.memref_slice %arg9[%dma_start3A_180, %dma_start3A_181] : memref<10000x128xf32, #tpu.memory_space<vmem_shared>> -> memref<10000x128xf32, #tpu.memory_space<vmem_shared>>
      tpu.enqueue_indirect_dma source(%arg12 : memref<100x128xf32, #tpu.memory_space<vmem>>) target(%dma_start3A_182 : memref<10000x128xf32, #tpu.memory_space<vmem_shared>>) offsets(%dma_start3A_179 : memref<100xi32, #tpu.memory_space<vmem>>) semaphore(%arg15 : memref<!tpu.dma_semaphore, #tpu.memory_space<semaphore_mem>>) {add = true}
      %dma_wait3A_183 = arith.constant 0 : i32
      %dma_wait3A_184 = arith.constant 0 : i32
      %dma_wait3A_185 = tpu.memref_slice %arg11[%dma_wait3A_183, %dma_wait3A_184] : memref<20x100xi32, #tpu.memory_space<vmem>> -> memref<1x100xi32, #tpu.memory_space<vmem>>
      %dma_wait3A_186 = tpu.memref_squeeze %dma_wait3A_185 : memref<1x100xi32, #tpu.memory_space<vmem>> -> memref<100xi32, #tpu.memory_space<vmem>>
      %dma_wait3A_187 = arith.constant 0 : i32
      %dma_wait3A_188 = arith.constant 0 : i32
      %dma_wait3A_189 = tpu.memref_slice %arg9[%dma_wait3A_187, %dma_wait3A_188] : memref<10000x128xf32, #tpu.memory_space<vmem_shared>> -> memref<10000x128xf32, #tpu.memory_space<vmem_shared>>
      tpu.wait_indirect_dma semaphore(%arg15 : memref<!tpu.dma_semaphore, #tpu.memory_space<semaphore_mem>>) src(%arg12 : memref<100x128xf32, #tpu.memory_space<vmem>>) dst(%dma_wait3A_189 : memref<10000x128xf32, #tpu.memory_space<vmem_shared>>)
      %dma_start3A_190 = arith.constant 12 : i32
      %dma_start3A_191 = arith.constant 0 : i32
      %dma_start3A_192 = tpu.memref_slice %arg11[%dma_start3A_190, %dma_start3A_191] : memref<20x100xi32, #tpu.memory_space<vmem>> -> memref<1x100xi32, #tpu.memory_space<vmem>>
      %dma_start3A_193 = tpu.memref_squeeze %dma_start3A_192 : memref<1x100xi32, #tpu.memory_space<vmem>> -> memref<100xi32, #tpu.memory_space<vmem>>
      %dma_start3A_194 = arith.constant 0 : i32
      %dma_start3A_195 = arith.constant 0 : i32
      %dma_start3A_196 = tpu.memref_slice %arg9[%dma_start3A_194, %dma_start3A_195] : memref<10000x128xf32, #tpu.memory_space<vmem_shared>> -> memref<10000x128xf32, #tpu.memory_space<vmem_shared>>
      tpu.enqueue_indirect_dma source(%arg12 : memref<100x128xf32, #tpu.memory_space<vmem>>) target(%dma_start3A_196 : memref<10000x128xf32, #tpu.memory_space<vmem_shared>>) offsets(%dma_start3A_193 : memref<100xi32, #tpu.memory_space<vmem>>) semaphore(%arg15 : memref<!tpu.dma_semaphore, #tpu.memory_space<semaphore_mem>>) {add = true}
      %dma_wait3A_197 = arith.constant 0 : i32
      %dma_wait3A_198 = arith.constant 0 : i32
      %dma_wait3A_199 = tpu.memref_slice %arg11[%dma_wait3A_197, %dma_wait3A_198] : memref<20x100xi32, #tpu.memory_space<vmem>> -> memref<1x100xi32, #tpu.memory_space<vmem>>
      %dma_wait3A_200 = tpu.memref_squeeze %dma_wait3A_199 : memref<1x100xi32, #tpu.memory_space<vmem>> -> memref<100xi32, #tpu.memory_space<vmem>>
      %dma_wait3A_201 = arith.constant 0 : i32
      %dma_wait3A_202 = arith.constant 0 : i32
      %dma_wait3A_203 = tpu.memref_slice %arg9[%dma_wait3A_201, %dma_wait3A_202] : memref<10000x128xf32, #tpu.memory_space<vmem_shared>> -> memref<10000x128xf32, #tpu.memory_space<vmem_shared>>
      tpu.wait_indirect_dma semaphore(%arg15 : memref<!tpu.dma_semaphore, #tpu.memory_space<semaphore_mem>>) src(%arg12 : memref<100x128xf32, #tpu.memory_space<vmem>>) dst(%dma_wait3A_203 : memref<10000x128xf32, #tpu.memory_space<vmem_shared>>)
      %dma_start3A_204 = arith.constant 13 : i32
      %dma_start3A_205 = arith.constant 0 : i32
      %dma_start3A_206 = tpu.memref_slice %arg11[%dma_start3A_204, %dma_start3A_205] : memref<20x100xi32, #tpu.memory_space<vmem>> -> memref<1x100xi32, #tpu.memory_space<vmem>>
      %dma_start3A_207 = tpu.memref_squeeze %dma_start3A_206 : memref<1x100xi32, #tpu.memory_space<vmem>> -> memref<100xi32, #tpu.memory_space<vmem>>
      %dma_start3A_208 = arith.constant 0 : i32
      %dma_start3A_209 = arith.constant 0 : i32
      %dma_start3A_210 = tpu.memref_slice %arg9[%dma_start3A_208, %dma_start3A_209] : memref<10000x128xf32, #tpu.memory_space<vmem_shared>> -> memref<10000x128xf32, #tpu.memory_space<vmem_shared>>
      tpu.enqueue_indirect_dma source(%arg12 : memref<100x128xf32, #tpu.memory_space<vmem>>) target(%dma_start3A_210 : memref<10000x128xf32, #tpu.memory_space<vmem_shared>>) offsets(%dma_start3A_207 : memref<100xi32, #tpu.memory_space<vmem>>) semaphore(%arg15 : memref<!tpu.dma_semaphore, #tpu.memory_space<semaphore_mem>>) {add = true}
      %dma_wait3A_211 = arith.constant 0 : i32
      %dma_wait3A_212 = arith.constant 0 : i32
      %dma_wait3A_213 = tpu.memref_slice %arg11[%dma_wait3A_211, %dma_wait3A_212] : memref<20x100xi32, #tpu.memory_space<vmem>> -> memref<1x100xi32, #tpu.memory_space<vmem>>
      %dma_wait3A_214 = tpu.memref_squeeze %dma_wait3A_213 : memref<1x100xi32, #tpu.memory_space<vmem>> -> memref<100xi32, #tpu.memory_space<vmem>>
      %dma_wait3A_215 = arith.constant 0 : i32
      %dma_wait3A_216 = arith.constant 0 : i32
      %dma_wait3A_217 = tpu.memref_slice %arg9[%dma_wait3A_215, %dma_wait3A_216] : memref<10000x128xf32, #tpu.memory_space<vmem_shared>> -> memref<10000x128xf32, #tpu.memory_space<vmem_shared>>
      tpu.wait_indirect_dma semaphore(%arg15 : memref<!tpu.dma_semaphore, #tpu.memory_space<semaphore_mem>>) src(%arg12 : memref<100x128xf32, #tpu.memory_space<vmem>>) dst(%dma_wait3A_217 : memref<10000x128xf32, #tpu.memory_space<vmem_shared>>)
      %dma_start3A_218 = arith.constant 14 : i32
      %dma_start3A_219 = arith.constant 0 : i32
      %dma_start3A_220 = tpu.memref_slice %arg11[%dma_start3A_218, %dma_start3A_219] : memref<20x100xi32, #tpu.memory_space<vmem>> -> memref<1x100xi32, #tpu.memory_space<vmem>>
      %dma_start3A_221 = tpu.memref_squeeze %dma_start3A_220 : memref<1x100xi32, #tpu.memory_space<vmem>> -> memref<100xi32, #tpu.memory_space<vmem>>
      %dma_start3A_222 = arith.constant 0 : i32
      %dma_start3A_223 = arith.constant 0 : i32
      %dma_start3A_224 = tpu.memref_slice %arg9[%dma_start3A_222, %dma_start3A_223] : memref<10000x128xf32, #tpu.memory_space<vmem_shared>> -> memref<10000x128xf32, #tpu.memory_space<vmem_shared>>
      tpu.enqueue_indirect_dma source(%arg12 : memref<100x128xf32, #tpu.memory_space<vmem>>) target(%dma_start3A_224 : memref<10000x128xf32, #tpu.memory_space<vmem_shared>>) offsets(%dma_start3A_221 : memref<100xi32, #tpu.memory_space<vmem>>) semaphore(%arg15 : memref<!tpu.dma_semaphore, #tpu.memory_space<semaphore_mem>>) {add = true}
      %dma_wait3A_225 = arith.constant 0 : i32
      %dma_wait3A_226 = arith.constant 0 : i32
      %dma_wait3A_227 = tpu.memref_slice %arg11[%dma_wait3A_225, %dma_wait3A_226] : memref<20x100xi32, #tpu.memory_space<vmem>> -> memref<1x100xi32, #tpu.memory_space<vmem>>
      %dma_wait3A_228 = tpu.memref_squeeze %dma_wait3A_227 : memref<1x100xi32, #tpu.memory_space<vmem>> -> memref<100xi32, #tpu.memory_space<vmem>>
      %dma_wait3A_229 = arith.constant 0 : i32
      %dma_wait3A_230 = arith.constant 0 : i32
      %dma_wait3A_231 = tpu.memref_slice %arg9[%dma_wait3A_229, %dma_wait3A_230] : memref<10000x128xf32, #tpu.memory_space<vmem_shared>> -> memref<10000x128xf32, #tpu.memory_space<vmem_shared>>
      tpu.wait_indirect_dma semaphore(%arg15 : memref<!tpu.dma_semaphore, #tpu.memory_space<semaphore_mem>>) src(%arg12 : memref<100x128xf32, #tpu.memory_space<vmem>>) dst(%dma_wait3A_231 : memref<10000x128xf32, #tpu.memory_space<vmem_shared>>)
      %dma_start3A_232 = arith.constant 15 : i32
      %dma_start3A_233 = arith.constant 0 : i32
      %dma_start3A_234 = tpu.memref_slice %arg11[%dma_start3A_232, %dma_start3A_233] : memref<20x100xi32, #tpu.memory_space<vmem>> -> memref<1x100xi32, #tpu.memory_space<vmem>>
      %dma_start3A_235 = tpu.memref_squeeze %dma_start3A_234 : memref<1x100xi32, #tpu.memory_space<vmem>> -> memref<100xi32, #tpu.memory_space<vmem>>
      %dma_start3A_236 = arith.constant 0 : i32
      %dma_start3A_237 = arith.constant 0 : i32
      %dma_start3A_238 = tpu.memref_slice %arg9[%dma_start3A_236, %dma_start3A_237] : memref<10000x128xf32, #tpu.memory_space<vmem_shared>> -> memref<10000x128xf32, #tpu.memory_space<vmem_shared>>
      tpu.enqueue_indirect_dma source(%arg12 : memref<100x128xf32, #tpu.memory_space<vmem>>) target(%dma_start3A_238 : memref<10000x128xf32, #tpu.memory_space<vmem_shared>>) offsets(%dma_start3A_235 : memref<100xi32, #tpu.memory_space<vmem>>) semaphore(%arg15 : memref<!tpu.dma_semaphore, #tpu.memory_space<semaphore_mem>>) {add = true}
      %dma_wait3A_239 = arith.constant 0 : i32
      %dma_wait3A_240 = arith.constant 0 : i32
      %dma_wait3A_241 = tpu.memref_slice %arg11[%dma_wait3A_239, %dma_wait3A_240] : memref<20x100xi32, #tpu.memory_space<vmem>> -> memref<1x100xi32, #tpu.memory_space<vmem>>
      %dma_wait3A_242 = tpu.memref_squeeze %dma_wait3A_241 : memref<1x100xi32, #tpu.memory_space<vmem>> -> memref<100xi32, #tpu.memory_space<vmem>>
      %dma_wait3A_243 = arith.constant 0 : i32
      %dma_wait3A_244 = arith.constant 0 : i32
      %dma_wait3A_245 = tpu.memref_slice %arg9[%dma_wait3A_243, %dma_wait3A_244] : memref<10000x128xf32, #tpu.memory_space<vmem_shared>> -> memref<10000x128xf32, #tpu.memory_space<vmem_shared>>
      tpu.wait_indirect_dma semaphore(%arg15 : memref<!tpu.dma_semaphore, #tpu.memory_space<semaphore_mem>>) src(%arg12 : memref<100x128xf32, #tpu.memory_space<vmem>>) dst(%dma_wait3A_245 : memref<10000x128xf32, #tpu.memory_space<vmem_shared>>)
      %dma_start3A_246 = arith.constant 16 : i32
      %dma_start3A_247 = arith.constant 0 : i32
      %dma_start3A_248 = tpu.memref_slice %arg11[%dma_start3A_246, %dma_start3A_247] : memref<20x100xi32, #tpu.memory_space<vmem>> -> memref<1x100xi32, #tpu.memory_space<vmem>>
      %dma_start3A_249 = tpu.memref_squeeze %dma_start3A_248 : memref<1x100xi32, #tpu.memory_space<vmem>> -> memref<100xi32, #tpu.memory_space<vmem>>
      %dma_start3A_250 = arith.constant 0 : i32
      %dma_start3A_251 = arith.constant 0 : i32
      %dma_start3A_252 = tpu.memref_slice %arg9[%dma_start3A_250, %dma_start3A_251] : memref<10000x128xf32, #tpu.memory_space<vmem_shared>> -> memref<10000x128xf32, #tpu.memory_space<vmem_shared>>
      tpu.enqueue_indirect_dma source(%arg12 : memref<100x128xf32, #tpu.memory_space<vmem>>) target(%dma_start3A_252 : memref<10000x128xf32, #tpu.memory_space<vmem_shared>>) offsets(%dma_start3A_249 : memref<100xi32, #tpu.memory_space<vmem>>) semaphore(%arg15 : memref<!tpu.dma_semaphore, #tpu.memory_space<semaphore_mem>>) {add = true}
      %dma_wait3A_253 = arith.constant 0 : i32
      %dma_wait3A_254 = arith.constant 0 : i32
      %dma_wait3A_255 = tpu.memref_slice %arg11[%dma_wait3A_253, %dma_wait3A_254] : memref<20x100xi32, #tpu.memory_space<vmem>> -> memref<1x100xi32, #tpu.memory_space<vmem>>
      %dma_wait3A_256 = tpu.memref_squeeze %dma_wait3A_255 : memref<1x100xi32, #tpu.memory_space<vmem>> -> memref<100xi32, #tpu.memory_space<vmem>>
      %dma_wait3A_257 = arith.constant 0 : i32
      %dma_wait3A_258 = arith.constant 0 : i32
      %dma_wait3A_259 = tpu.memref_slice %arg9[%dma_wait3A_257, %dma_wait3A_258] : memref<10000x128xf32, #tpu.memory_space<vmem_shared>> -> memref<10000x128xf32, #tpu.memory_space<vmem_shared>>
      tpu.wait_indirect_dma semaphore(%arg15 : memref<!tpu.dma_semaphore, #tpu.memory_space<semaphore_mem>>) src(%arg12 : memref<100x128xf32, #tpu.memory_space<vmem>>) dst(%dma_wait3A_259 : memref<10000x128xf32, #tpu.memory_space<vmem_shared>>)
      %dma_start3A_260 = arith.constant 17 : i32
      %dma_start3A_261 = arith.constant 0 : i32
      %dma_start3A_262 = tpu.memref_slice %arg11[%dma_start3A_260, %dma_start3A_261] : memref<20x100xi32, #tpu.memory_space<vmem>> -> memref<1x100xi32, #tpu.memory_space<vmem>>
      %dma_start3A_263 = tpu.memref_squeeze %dma_start3A_262 : memref<1x100xi32, #tpu.memory_space<vmem>> -> memref<100xi32, #tpu.memory_space<vmem>>
      %dma_start3A_264 = arith.constant 0 : i32
      %dma_start3A_265 = arith.constant 0 : i32
      %dma_start3A_266 = tpu.memref_slice %arg9[%dma_start3A_264, %dma_start3A_265] : memref<10000x128xf32, #tpu.memory_space<vmem_shared>> -> memref<10000x128xf32, #tpu.memory_space<vmem_shared>>
      tpu.enqueue_indirect_dma source(%arg12 : memref<100x128xf32, #tpu.memory_space<vmem>>) target(%dma_start3A_266 : memref<10000x128xf32, #tpu.memory_space<vmem_shared>>) offsets(%dma_start3A_263 : memref<100xi32, #tpu.memory_space<vmem>>) semaphore(%arg15 : memref<!tpu.dma_semaphore, #tpu.memory_space<semaphore_mem>>) {add = true}
      %dma_wait3A_267 = arith.constant 0 : i32
      %dma_wait3A_268 = arith.constant 0 : i32
      %dma_wait3A_269 = tpu.memref_slice %arg11[%dma_wait3A_267, %dma_wait3A_268] : memref<20x100xi32, #tpu.memory_space<vmem>> -> memref<1x100xi32, #tpu.memory_space<vmem>>
      %dma_wait3A_270 = tpu.memref_squeeze %dma_wait3A_269 : memref<1x100xi32, #tpu.memory_space<vmem>> -> memref<100xi32, #tpu.memory_space<vmem>>
      %dma_wait3A_271 = arith.constant 0 : i32
      %dma_wait3A_272 = arith.constant 0 : i32
      %dma_wait3A_273 = tpu.memref_slice %arg9[%dma_wait3A_271, %dma_wait3A_272] : memref<10000x128xf32, #tpu.memory_space<vmem_shared>> -> memref<10000x128xf32, #tpu.memory_space<vmem_shared>>
      tpu.wait_indirect_dma semaphore(%arg15 : memref<!tpu.dma_semaphore, #tpu.memory_space<semaphore_mem>>) src(%arg12 : memref<100x128xf32, #tpu.memory_space<vmem>>) dst(%dma_wait3A_273 : memref<10000x128xf32, #tpu.memory_space<vmem_shared>>)
      %dma_start3A_274 = arith.constant 18 : i32
      %dma_start3A_275 = arith.constant 0 : i32
      %dma_start3A_276 = tpu.memref_slice %arg11[%dma_start3A_274, %dma_start3A_275] : memref<20x100xi32, #tpu.memory_space<vmem>> -> memref<1x100xi32, #tpu.memory_space<vmem>>
      %dma_start3A_277 = tpu.memref_squeeze %dma_start3A_276 : memref<1x100xi32, #tpu.memory_space<vmem>> -> memref<100xi32, #tpu.memory_space<vmem>>
      %dma_start3A_278 = arith.constant 0 : i32
      %dma_start3A_279 = arith.constant 0 : i32
      %dma_start3A_280 = tpu.memref_slice %arg9[%dma_start3A_278, %dma_start3A_279] : memref<10000x128xf32, #tpu.memory_space<vmem_shared>> -> memref<10000x128xf32, #tpu.memory_space<vmem_shared>>
      tpu.enqueue_indirect_dma source(%arg12 : memref<100x128xf32, #tpu.memory_space<vmem>>) target(%dma_start3A_280 : memref<10000x128xf32, #tpu.memory_space<vmem_shared>>) offsets(%dma_start3A_277 : memref<100xi32, #tpu.memory_space<vmem>>) semaphore(%arg15 : memref<!tpu.dma_semaphore, #tpu.memory_space<semaphore_mem>>) {add = true}
      %dma_wait3A_281 = arith.constant 0 : i32
      %dma_wait3A_282 = arith.constant 0 : i32
      %dma_wait3A_283 = tpu.memref_slice %arg11[%dma_wait3A_281, %dma_wait3A_282] : memref<20x100xi32, #tpu.memory_space<vmem>> -> memref<1x100xi32, #tpu.memory_space<vmem>>
      %dma_wait3A_284 = tpu.memref_squeeze %dma_wait3A_283 : memref<1x100xi32, #tpu.memory_space<vmem>> -> memref<100xi32, #tpu.memory_space<vmem>>
      %dma_wait3A_285 = arith.constant 0 : i32
      %dma_wait3A_286 = arith.constant 0 : i32
      %dma_wait3A_287 = tpu.memref_slice %arg9[%dma_wait3A_285, %dma_wait3A_286] : memref<10000x128xf32, #tpu.memory_space<vmem_shared>> -> memref<10000x128xf32, #tpu.memory_space<vmem_shared>>
      tpu.wait_indirect_dma semaphore(%arg15 : memref<!tpu.dma_semaphore, #tpu.memory_space<semaphore_mem>>) src(%arg12 : memref<100x128xf32, #tpu.memory_space<vmem>>) dst(%dma_wait3A_287 : memref<10000x128xf32, #tpu.memory_space<vmem_shared>>)
      %dma_start3A_288 = arith.constant 19 : i32
      %dma_start3A_289 = arith.constant 0 : i32
      %dma_start3A_290 = tpu.memref_slice %arg11[%dma_start3A_288, %dma_start3A_289] : memref<20x100xi32, #tpu.memory_space<vmem>> -> memref<1x100xi32, #tpu.memory_space<vmem>>
      %dma_start3A_291 = tpu.memref_squeeze %dma_start3A_290 : memref<1x100xi32, #tpu.memory_space<vmem>> -> memref<100xi32, #tpu.memory_space<vmem>>
      %dma_start3A_292 = arith.constant 0 : i32
      %dma_start3A_293 = arith.constant 0 : i32
      %dma_start3A_294 = tpu.memref_slice %arg9[%dma_start3A_292, %dma_start3A_293] : memref<10000x128xf32, #tpu.memory_space<vmem_shared>> -> memref<10000x128xf32, #tpu.memory_space<vmem_shared>>
      tpu.enqueue_indirect_dma source(%arg12 : memref<100x128xf32, #tpu.memory_space<vmem>>) target(%dma_start3A_294 : memref<10000x128xf32, #tpu.memory_space<vmem_shared>>) offsets(%dma_start3A_291 : memref<100xi32, #tpu.memory_space<vmem>>) semaphore(%arg15 : memref<!tpu.dma_semaphore, #tpu.memory_space<semaphore_mem>>) {add = true}
      %dma_wait3A_295 = arith.constant 0 : i32
      %dma_wait3A_296 = arith.constant 0 : i32
      %dma_wait3A_297 = tpu.memref_slice %arg11[%dma_wait3A_295, %dma_wait3A_296] : memref<20x100xi32, #tpu.memory_space<vmem>> -> memref<1x100xi32, #tpu.memory_space<vmem>>
      %dma_wait3A_298 = tpu.memref_squeeze %dma_wait3A_297 : memref<1x100xi32, #tpu.memory_space<vmem>> -> memref<100xi32, #tpu.memory_space<vmem>>
      %dma_wait3A_299 = arith.constant 0 : i32
      %dma_wait3A_300 = arith.constant 0 : i32
      %dma_wait3A_301 = tpu.memref_slice %arg9[%dma_wait3A_299, %dma_wait3A_300] : memref<10000x128xf32, #tpu.memory_space<vmem_shared>> -> memref<10000x128xf32, #tpu.memory_space<vmem_shared>>
      tpu.wait_indirect_dma semaphore(%arg15 : memref<!tpu.dma_semaphore, #tpu.memory_space<semaphore_mem>>) src(%arg12 : memref<100x128xf32, #tpu.memory_space<vmem>>) dst(%dma_wait3A_301 : memref<10000x128xf32, #tpu.memory_space<vmem_shared>>)
      %dma_wait3A_302 = arith.constant 0 : i32
      %dma_wait3A_303 = arith.constant 0 : i32
      %dma_wait3A_304 = tpu.memref_slice %arg11[%dma_wait3A_302, %dma_wait3A_303] : memref<20x100xi32, #tpu.memory_space<vmem>> -> memref<1x100xi32, #tpu.memory_space<vmem>>
      %dma_wait3A_305 = tpu.memref_squeeze %dma_wait3A_304 : memref<1x100xi32, #tpu.memory_space<vmem>> -> memref<100xi32, #tpu.memory_space<vmem>>
      %dma_wait3A_306 = arith.constant 0 : i32
      %dma_wait3A_307 = arith.constant 0 : i32
      %dma_wait3A_308 = tpu.memref_slice %arg9[%dma_wait3A_306, %dma_wait3A_307] : memref<10000x128xf32, #tpu.memory_space<vmem_shared>> -> memref<10000x128xf32, #tpu.memory_space<vmem_shared>>
      tpu.wait_indirect_dma semaphore(%arg15 : memref<!tpu.dma_semaphore, #tpu.memory_space<semaphore_mem>>) src(%arg12 : memref<100x128xf32, #tpu.memory_space<vmem>>) dst(%dma_wait3A_308 : memref<10000x128xf32, #tpu.memory_space<vmem_shared>>)
      %dma_wait3A_309 = arith.constant 0 : i32
      %dma_wait3A_310 = arith.constant 0 : i32
      %dma_wait3A_311 = tpu.memref_slice %arg11[%dma_wait3A_309, %dma_wait3A_310] : memref<20x100xi32, #tpu.memory_space<vmem>> -> memref<1x100xi32, #tpu.memory_space<vmem>>
      %dma_wait3A_312 = tpu.memref_squeeze %dma_wait3A_311 : memref<1x100xi32, #tpu.memory_space<vmem>> -> memref<100xi32, #tpu.memory_space<vmem>>
      %dma_wait3A_313 = arith.constant 0 : i32
      %dma_wait3A_314 = arith.constant 0 : i32
      %dma_wait3A_315 = tpu.memref_slice %arg9[%dma_wait3A_313, %dma_wait3A_314] : memref<10000x128xf32, #tpu.memory_space<vmem_shared>> -> memref<10000x128xf32, #tpu.memory_space<vmem_shared>>
      tpu.wait_indirect_dma semaphore(%arg15 : memref<!tpu.dma_semaphore, #tpu.memory_space<semaphore_mem>>) src(%arg12 : memref<100x128xf32, #tpu.memory_space<vmem>>) dst(%dma_wait3A_315 : memref<10000x128xf32, #tpu.memory_space<vmem_shared>>)
      %dma_wait3A_316 = arith.constant 0 : i32
      %dma_wait3A_317 = arith.constant 0 : i32
      %dma_wait3A_318 = tpu.memref_slice %arg11[%dma_wait3A_316, %dma_wait3A_317] : memref<20x100xi32, #tpu.memory_space<vmem>> -> memref<1x100xi32, #tpu.memory_space<vmem>>
      %dma_wait3A_319 = tpu.memref_squeeze %dma_wait3A_318 : memref<1x100xi32, #tpu.memory_space<vmem>> -> memref<100xi32, #tpu.memory_space<vmem>>
      %dma_wait3A_320 = arith.constant 0 : i32
      %dma_wait3A_321 = arith.constant 0 : i32
      %dma_wait3A_322 = tpu.memref_slice %arg9[%dma_wait3A_320, %dma_wait3A_321] : memref<10000x128xf32, #tpu.memory_space<vmem_shared>> -> memref<10000x128xf32, #tpu.memory_space<vmem_shared>>
      tpu.wait_indirect_dma semaphore(%arg15 : memref<!tpu.dma_semaphore, #tpu.memory_space<semaphore_mem>>) src(%arg12 : memref<100x128xf32, #tpu.memory_space<vmem>>) dst(%dma_wait3A_322 : memref<10000x128xf32, #tpu.memory_space<vmem_shared>>)
      %dma_wait3A_323 = arith.constant 0 : i32
      %dma_wait3A_324 = arith.constant 0 : i32
      %dma_wait3A_325 = tpu.memref_slice %arg11[%dma_wait3A_323, %dma_wait3A_324] : memref<20x100xi32, #tpu.memory_space<vmem>> -> memref<1x100xi32, #tpu.memory_space<vmem>>
      %dma_wait3A_326 = tpu.memref_squeeze %dma_wait3A_325 : memref<1x100xi32, #tpu.memory_space<vmem>> -> memref<100xi32, #tpu.memory_space<vmem>>
      %dma_wait3A_327 = arith.constant 0 : i32
      %dma_wait3A_328 = arith.constant 0 : i32
      %dma_wait3A_329 = tpu.memref_slice %arg9[%dma_wait3A_327, %dma_wait3A_328] : memref<10000x128xf32, #tpu.memory_space<vmem_shared>> -> memref<10000x128xf32, #tpu.memory_space<vmem_shared>>
      tpu.wait_indirect_dma semaphore(%arg15 : memref<!tpu.dma_semaphore, #tpu.memory_space<semaphore_mem>>) src(%arg12 : memref<100x128xf32, #tpu.memory_space<vmem>>) dst(%dma_wait3A_329 : memref<10000x128xf32, #tpu.memory_space<vmem_shared>>)
    }
    %scan3A_11 = arith.constant 5 : i32
    %barrier3A_12 = arith.constant 0 : index
    tpu.barrier barrier_id(%barrier3A_12)
    %lt3A_13 = arith.constant 15 : i32
    %lt3A_14 = arith.cmpi slt, %arg1, %lt3A_13 : i32
    %convert_element_type3A_15 = arith.extui %lt3A_14 : i1 to i32
    %cond3A_16 = arith.constant 0 : i32
    %cond3A_17 = arith.cmpi ne, %convert_element_type3A_15, %cond3A_16 : i32
    scf.if %cond3A_17 {
      %mul3A_51 = arith.constant 624 : i32
      %mul3A_52 = arith.muli %arg1, %mul3A_51 : i32
      %multiple_of3A = tpu.assume_multiple %mul3A_52, 8 : i32
      "tpu.region"() ({
        %run_scoped3A = tpu.sem_alloc : memref<!tpu.dma_semaphore, #tpu.memory_space<semaphore_mem>>
        %dma_start3A = arith.constant 0 : i32
        %dma_start3A_53 = tpu.memref_slice %arg7[%arg0, %multiple_of3A, %dma_start3A] : memref<2x10000x128xf32, #tpu.memory_space<hbm>> -> memref<1x624x128xf32, #tpu.memory_space<hbm>>
        %dma_start3A_54 = tpu.memref_squeeze %dma_start3A_53 : memref<1x624x128xf32, #tpu.memory_space<hbm>> -> memref<624x128xf32, #tpu.memory_space<hbm>>
        %dma_start3A_55 = arith.constant 0 : i32
        %dma_start3A_56 = tpu.memref_slice %arg9[%multiple_of3A, %dma_start3A_55] : memref<10000x128xf32, #tpu.memory_space<vmem_shared>> -> memref<624x128xf32, #tpu.memory_space<vmem_shared>>
        tpu.enqueue_dma source(%dma_start3A_56 : memref<624x128xf32, #tpu.memory_space<vmem_shared>>) target(%dma_start3A_54 : memref<624x128xf32, #tpu.memory_space<hbm>>) target_semaphore(%run_scoped3A : memref<!tpu.dma_semaphore, #tpu.memory_space<semaphore_mem>>)
        %dma_wait3A = arith.constant 0 : i32
        %dma_wait3A_57 = tpu.memref_slice %arg7[%arg0, %multiple_of3A, %dma_wait3A] : memref<2x10000x128xf32, #tpu.memory_space<hbm>> -> memref<1x624x128xf32, #tpu.memory_space<hbm>>
        %dma_wait3A_58 = tpu.memref_squeeze %dma_wait3A_57 : memref<1x624x128xf32, #tpu.memory_space<hbm>> -> memref<624x128xf32, #tpu.memory_space<hbm>>
        %dma_wait3A_59 = arith.constant 0 : i32
        %dma_wait3A_60 = tpu.memref_slice %arg9[%multiple_of3A, %dma_wait3A_59] : memref<10000x128xf32, #tpu.memory_space<vmem_shared>> -> memref<624x128xf32, #tpu.memory_space<vmem_shared>>
        tpu.wait_dma2 semaphore(%run_scoped3A : memref<!tpu.dma_semaphore, #tpu.memory_space<semaphore_mem>>) src(%dma_wait3A_60 : memref<624x128xf32, #tpu.memory_space<vmem_shared>>) dst(%dma_wait3A_58 : memref<624x128xf32, #tpu.memory_space<hbm>>)
        tpu.yield
      }) : () -> ()
    } else {
    }
    %eq3A_18 = arith.constant 15 : i32
    %eq3A_19 = arith.cmpi eq, %arg1, %eq3A_18 : i32
    %convert_element_type3A_20 = arith.extui %eq3A_19 : i1 to i32
    %cond3A_21 = arith.constant 0 : i32
    %cond3A_22 = arith.cmpi ne, %convert_element_type3A_20, %cond3A_21 : i32
    scf.if %cond3A_22 {
      %mul3A_51 = arith.constant 624 : i32
      %mul3A_52 = arith.muli %arg1, %mul3A_51 : i32
      %multiple_of3A = tpu.assume_multiple %mul3A_52, 8 : i32
      "tpu.region"() ({
        %run_scoped3A = tpu.sem_alloc : memref<!tpu.dma_semaphore, #tpu.memory_space<semaphore_mem>>
        %dma_start3A = arith.constant 0 : i32
        %dma_start3A_53 = tpu.memref_slice %arg7[%arg0, %multiple_of3A, %dma_start3A] : memref<2x10000x128xf32, #tpu.memory_space<hbm>> -> memref<1x640x128xf32, #tpu.memory_space<hbm>>
        %dma_start3A_54 = tpu.memref_squeeze %dma_start3A_53 : memref<1x640x128xf32, #tpu.memory_space<hbm>> -> memref<640x128xf32, #tpu.memory_space<hbm>>
        %dma_start3A_55 = arith.constant 0 : i32
        %dma_start3A_56 = tpu.memref_slice %arg9[%multiple_of3A, %dma_start3A_55] : memref<10000x128xf32, #tpu.memory_space<vmem_shared>> -> memref<640x128xf32, #tpu.memory_space<vmem_shared>>
        tpu.enqueue_dma source(%dma_start3A_56 : memref<640x128xf32, #tpu.memory_space<vmem_shared>>) target(%dma_start3A_54 : memref<640x128xf32, #tpu.memory_space<hbm>>) target_semaphore(%run_scoped3A : memref<!tpu.dma_semaphore, #tpu.memory_space<semaphore_mem>>)
        %dma_wait3A = arith.constant 0 : i32
        %dma_wait3A_57 = tpu.memref_slice %arg7[%arg0, %multiple_of3A, %dma_wait3A] : memref<2x10000x128xf32, #tpu.memory_space<hbm>> -> memref<1x640x128xf32, #tpu.memory_space<hbm>>
        %dma_wait3A_58 = tpu.memref_squeeze %dma_wait3A_57 : memref<1x640x128xf32, #tpu.memory_space<hbm>> -> memref<640x128xf32, #tpu.memory_space<hbm>>
        %dma_wait3A_59 = arith.constant 0 : i32
        %dma_wait3A_60 = tpu.memref_slice %arg9[%multiple_of3A, %dma_wait3A_59] : memref<10000x128xf32, #tpu.memory_space<vmem_shared>> -> memref<640x128xf32, #tpu.memory_space<vmem_shared>>
        tpu.wait_dma2 semaphore(%run_scoped3A : memref<!tpu.dma_semaphore, #tpu.memory_space<semaphore_mem>>) src(%dma_wait3A_60 : memref<640x128xf32, #tpu.memory_space<vmem_shared>>) dst(%dma_wait3A_58 : memref<640x128xf32, #tpu.memory_space<hbm>>)
        tpu.yield
      }) : () -> ()
    } else {
    }
    %lt3A_23 = arith.constant 15 : i32
    %lt3A_24 = arith.cmpi slt, %arg1, %lt3A_23 : i32
    %convert_element_type3A_25 = arith.extui %lt3A_24 : i1 to i32
    %cond3A_26 = arith.constant 0 : i32
    %cond3A_27 = arith.cmpi ne, %convert_element_type3A_25, %cond3A_26 : i32
    scf.if %cond3A_27 {
      %mul3A_51 = arith.constant 624 : i32
      %mul3A_52 = arith.muli %arg1, %mul3A_51 : i32
      %multiple_of3A = tpu.assume_multiple %mul3A_52, 8 : i32
      "tpu.region"() ({
        %run_scoped3A = tpu.sem_alloc : memref<!tpu.dma_semaphore, #tpu.memory_space<semaphore_mem>>
        %dma_start3A = arith.constant 0 : i32
        %dma_start3A_53 = tpu.memref_slice %arg9[%multiple_of3A, %dma_start3A] : memref<10000x128xf32, #tpu.memory_space<vmem_shared>> -> memref<624x128xf32, #tpu.memory_space<vmem_shared>>
        %dma_start3A_54 = arith.constant 0 : i32
        %dma_start3A_55 = tpu.memref_slice %arg5[%multiple_of3A, %dma_start3A_54] : memref<10000x128xf32, #tpu.memory_space<hbm>> -> memref<624x128xf32, #tpu.memory_space<hbm>>
        tpu.enqueue_dma source(%dma_start3A_55 : memref<624x128xf32, #tpu.memory_space<hbm>>) target(%dma_start3A_53 : memref<624x128xf32, #tpu.memory_space<vmem_shared>>) target_semaphore(%run_scoped3A : memref<!tpu.dma_semaphore, #tpu.memory_space<semaphore_mem>>)
        %dma_wait3A = arith.constant 0 : i32
        %dma_wait3A_56 = tpu.memref_slice %arg9[%multiple_of3A, %dma_wait3A] : memref<10000x128xf32, #tpu.memory_space<vmem_shared>> -> memref<624x128xf32, #tpu.memory_space<vmem_shared>>
        %dma_wait3A_57 = arith.constant 0 : i32
        %dma_wait3A_58 = tpu.memref_slice %arg5[%multiple_of3A, %dma_wait3A_57] : memref<10000x128xf32, #tpu.memory_space<hbm>> -> memref<624x128xf32, #tpu.memory_space<hbm>>
        tpu.wait_dma2 semaphore(%run_scoped3A : memref<!tpu.dma_semaphore, #tpu.memory_space<semaphore_mem>>) src(%dma_wait3A_58 : memref<624x128xf32, #tpu.memory_space<hbm>>) dst(%dma_wait3A_56 : memref<624x128xf32, #tpu.memory_space<vmem_shared>>)
        tpu.yield
      }) : () -> ()
    } else {
    }
    %eq3A_28 = arith.constant 15 : i32
    %eq3A_29 = arith.cmpi eq, %arg1, %eq3A_28 : i32
    %convert_element_type3A_30 = arith.extui %eq3A_29 : i1 to i32
    %cond3A_31 = arith.constant 0 : i32
    %cond3A_32 = arith.cmpi ne, %convert_element_type3A_30, %cond3A_31 : i32
    scf.if %cond3A_32 {
      %mul3A_51 = arith.constant 624 : i32
      %mul3A_52 = arith.muli %arg1, %mul3A_51 : i32
      %multiple_of3A = tpu.assume_multiple %mul3A_52, 8 : i32
      "tpu.region"() ({
        %run_scoped3A = tpu.sem_alloc : memref<!tpu.dma_semaphore, #tpu.memory_space<semaphore_mem>>
        %dma_start3A = arith.constant 0 : i32
        %dma_start3A_53 = tpu.memref_slice %arg9[%multiple_of3A, %dma_start3A] : memref<10000x128xf32, #tpu.memory_space<vmem_shared>> -> memref<640x128xf32, #tpu.memory_space<vmem_shared>>
        %dma_start3A_54 = arith.constant 0 : i32
        %dma_start3A_55 = tpu.memref_slice %arg5[%multiple_of3A, %dma_start3A_54] : memref<10000x128xf32, #tpu.memory_space<hbm>> -> memref<640x128xf32, #tpu.memory_space<hbm>>
        tpu.enqueue_dma source(%dma_start3A_55 : memref<640x128xf32, #tpu.memory_space<hbm>>) target(%dma_start3A_53 : memref<640x128xf32, #tpu.memory_space<vmem_shared>>) target_semaphore(%run_scoped3A : memref<!tpu.dma_semaphore, #tpu.memory_space<semaphore_mem>>)
        %dma_wait3A = arith.constant 0 : i32
        %dma_wait3A_56 = tpu.memref_slice %arg9[%multiple_of3A, %dma_wait3A] : memref<10000x128xf32, #tpu.memory_space<vmem_shared>> -> memref<640x128xf32, #tpu.memory_space<vmem_shared>>
        %dma_wait3A_57 = arith.constant 0 : i32
        %dma_wait3A_58 = tpu.memref_slice %arg5[%multiple_of3A, %dma_wait3A_57] : memref<10000x128xf32, #tpu.memory_space<hbm>> -> memref<640x128xf32, #tpu.memory_space<hbm>>
        tpu.wait_dma2 semaphore(%run_scoped3A : memref<!tpu.dma_semaphore, #tpu.memory_space<semaphore_mem>>) src(%dma_wait3A_58 : memref<640x128xf32, #tpu.memory_space<hbm>>) dst(%dma_wait3A_56 : memref<640x128xf32, #tpu.memory_space<vmem_shared>>)
        tpu.yield
      }) : () -> ()
    } else {
    }
    %barrier3A_33 = arith.constant 0 : index
    tpu.barrier barrier_id(%barrier3A_33)
    %scan3A_34 = arith.constant 0 : i32
    %scan3A_35 = arith.constant 0 : i32
    %scan3A_36 = arith.constant 5 : i32
    %scan3A_37 = arith.addi %scan3A_35, %scan3A_36 : i32
    %scan3A_38 = arith.constant 1 : i32
    scf.for %scan3A_51 = %scan3A_35 to %scan3A_37 step %scan3A_38  : i32 {
      "tpu.region"() ({
        %run_scoped3A_349 = tpu.sem_alloc : memref<!tpu.dma_semaphore, #tpu.memory_space<semaphore_mem>>
        %dma_start3A_350 = arith.constant 0 : i32
        %dma_start3A_351 = arith.constant 0 : i32
        %dma_start3A_352 = tpu.memref_slice %arg3[%add3A, %scan3A_51, %dma_start3A_350, %dma_start3A_351] : memref<32x5x20x100xi32, #tpu.memory_space<hbm>> -> memref<1x1x20x100xi32, #tpu.memory_space<hbm>>
        %dma_start3A_353 = tpu.memref_squeeze %dma_start3A_352 : memref<1x1x20x100xi32, #tpu.memory_space<hbm>> -> memref<20x100xi32, #tpu.memory_space<hbm>>
        %dma_start3A_354 = arith.constant 0 : i32
        %dma_start3A_355 = arith.constant 0 : i32
        %dma_start3A_356 = tpu.memref_slice %arg3[%add3A, %scan3A_51, %dma_start3A_354, %dma_start3A_355] : memref<32x5x20x100xi32, #tpu.memory_space<hbm>> -> memref<1x1x20x100xi32, #tpu.memory_space<hbm>>
        %dma_start3A_357 = tpu.memref_squeeze %dma_start3A_356 : memref<1x1x20x100xi32, #tpu.memory_space<hbm>> -> memref<20x100xi32, #tpu.memory_space<hbm>>
        tpu.enqueue_dma source(%dma_start3A_357 : memref<20x100xi32, #tpu.memory_space<hbm>>) target(%arg10 : memref<20x100xi32, #tpu.memory_space<vmem>>) target_semaphore(%run_scoped3A_349 : memref<!tpu.dma_semaphore, #tpu.memory_space<semaphore_mem>>)
        %dma_wait3A_358 = arith.constant 0 : i32
        %dma_wait3A_359 = arith.constant 0 : i32
        %dma_wait3A_360 = tpu.memref_slice %arg3[%add3A, %scan3A_51, %dma_wait3A_358, %dma_wait3A_359] : memref<32x5x20x100xi32, #tpu.memory_space<hbm>> -> memref<1x1x20x100xi32, #tpu.memory_space<hbm>>
        %dma_wait3A_361 = tpu.memref_squeeze %dma_wait3A_360 : memref<1x1x20x100xi32, #tpu.memory_space<hbm>> -> memref<20x100xi32, #tpu.memory_space<hbm>>
        %dma_wait3A_362 = arith.constant 0 : i32
        %dma_wait3A_363 = arith.constant 0 : i32
        %dma_wait3A_364 = tpu.memref_slice %arg3[%add3A, %scan3A_51, %dma_wait3A_362, %dma_wait3A_363] : memref<32x5x20x100xi32, #tpu.memory_space<hbm>> -> memref<1x1x20x100xi32, #tpu.memory_space<hbm>>
        %dma_wait3A_365 = tpu.memref_squeeze %dma_wait3A_364 : memref<1x1x20x100xi32, #tpu.memory_space<hbm>> -> memref<20x100xi32, #tpu.memory_space<hbm>>
        tpu.wait_dma2 semaphore(%run_scoped3A_349 : memref<!tpu.dma_semaphore, #tpu.memory_space<semaphore_mem>>) src(%dma_wait3A_365 : memref<20x100xi32, #tpu.memory_space<hbm>>) dst(%arg10 : memref<20x100xi32, #tpu.memory_space<vmem>>)
        tpu.yield
      }) : () -> ()
      "tpu.region"() ({
        %run_scoped3A_349 = tpu.sem_alloc : memref<!tpu.dma_semaphore, #tpu.memory_space<semaphore_mem>>
        %dma_start3A_350 = arith.constant 0 : i32
        %dma_start3A_351 = arith.constant 0 : i32
        %dma_start3A_352 = tpu.memref_slice %arg4[%add3A, %scan3A_51, %dma_start3A_350, %dma_start3A_351] : memref<32x5x20x100xi32, #tpu.memory_space<hbm>> -> memref<1x1x20x100xi32, #tpu.memory_space<hbm>>
        %dma_start3A_353 = tpu.memref_squeeze %dma_start3A_352 : memref<1x1x20x100xi32, #tpu.memory_space<hbm>> -> memref<20x100xi32, #tpu.memory_space<hbm>>
        %dma_start3A_354 = arith.constant 0 : i32
        %dma_start3A_355 = arith.constant 0 : i32
        %dma_start3A_356 = tpu.memref_slice %arg4[%add3A, %scan3A_51, %dma_start3A_354, %dma_start3A_355] : memref<32x5x20x100xi32, #tpu.memory_space<hbm>> -> memref<1x1x20x100xi32, #tpu.memory_space<hbm>>
        %dma_start3A_357 = tpu.memref_squeeze %dma_start3A_356 : memref<1x1x20x100xi32, #tpu.memory_space<hbm>> -> memref<20x100xi32, #tpu.memory_space<hbm>>
        tpu.enqueue_dma source(%dma_start3A_357 : memref<20x100xi32, #tpu.memory_space<hbm>>) target(%arg11 : memref<20x100xi32, #tpu.memory_space<vmem>>) target_semaphore(%run_scoped3A_349 : memref<!tpu.dma_semaphore, #tpu.memory_space<semaphore_mem>>)
        %dma_wait3A_358 = arith.constant 0 : i32
        %dma_wait3A_359 = arith.constant 0 : i32
        %dma_wait3A_360 = tpu.memref_slice %arg4[%add3A, %scan3A_51, %dma_wait3A_358, %dma_wait3A_359] : memref<32x5x20x100xi32, #tpu.memory_space<hbm>> -> memref<1x1x20x100xi32, #tpu.memory_space<hbm>>
        %dma_wait3A_361 = tpu.memref_squeeze %dma_wait3A_360 : memref<1x1x20x100xi32, #tpu.memory_space<hbm>> -> memref<20x100xi32, #tpu.memory_space<hbm>>
        %dma_wait3A_362 = arith.constant 0 : i32
        %dma_wait3A_363 = arith.constant 0 : i32
        %dma_wait3A_364 = tpu.memref_slice %arg4[%add3A, %scan3A_51, %dma_wait3A_362, %dma_wait3A_363] : memref<32x5x20x100xi32, #tpu.memory_space<hbm>> -> memref<1x1x20x100xi32, #tpu.memory_space<hbm>>
        %dma_wait3A_365 = tpu.memref_squeeze %dma_wait3A_364 : memref<1x1x20x100xi32, #tpu.memory_space<hbm>> -> memref<20x100xi32, #tpu.memory_space<hbm>>
        tpu.wait_dma2 semaphore(%run_scoped3A_349 : memref<!tpu.dma_semaphore, #tpu.memory_space<semaphore_mem>>) src(%dma_wait3A_365 : memref<20x100xi32, #tpu.memory_space<hbm>>) dst(%arg11 : memref<20x100xi32, #tpu.memory_space<vmem>>)
        tpu.yield
      }) : () -> ()
      %dma_start3A = arith.constant 0 : i32
      %dma_start3A_52 = arith.constant 0 : i32
      %dma_start3A_53 = tpu.memref_slice %arg10[%dma_start3A, %dma_start3A_52] : memref<20x100xi32, #tpu.memory_space<vmem>> -> memref<1x100xi32, #tpu.memory_space<vmem>>
      %dma_start3A_54 = tpu.memref_squeeze %dma_start3A_53 : memref<1x100xi32, #tpu.memory_space<vmem>> -> memref<100xi32, #tpu.memory_space<vmem>>
      %dma_start3A_55 = arith.constant 0 : i32
      %dma_start3A_56 = arith.constant 0 : i32
      %dma_start3A_57 = tpu.memref_slice %arg2[%dma_start3A_55, %dma_start3A_56] : memref<10000x128xf32, #tpu.memory_space<hbm>> -> memref<10000x128xf32, #tpu.memory_space<hbm>>
      tpu.enqueue_indirect_dma source(%dma_start3A_57 : memref<10000x128xf32, #tpu.memory_space<hbm>>) target(%arg12 : memref<100x128xf32, #tpu.memory_space<vmem>>) offsets(%dma_start3A_54 : memref<100xi32, #tpu.memory_space<vmem>>) semaphore(%arg15 : memref<!tpu.dma_semaphore, #tpu.memory_space<semaphore_mem>>)
      %dma_start3A_58 = arith.constant 1 : i32
      %dma_start3A_59 = arith.constant 0 : i32
      %dma_start3A_60 = tpu.memref_slice %arg10[%dma_start3A_58, %dma_start3A_59] : memref<20x100xi32, #tpu.memory_space<vmem>> -> memref<1x100xi32, #tpu.memory_space<vmem>>
      %dma_start3A_61 = tpu.memref_squeeze %dma_start3A_60 : memref<1x100xi32, #tpu.memory_space<vmem>> -> memref<100xi32, #tpu.memory_space<vmem>>
      %dma_start3A_62 = arith.constant 0 : i32
      %dma_start3A_63 = arith.constant 0 : i32
      %dma_start3A_64 = tpu.memref_slice %arg2[%dma_start3A_62, %dma_start3A_63] : memref<10000x128xf32, #tpu.memory_space<hbm>> -> memref<10000x128xf32, #tpu.memory_space<hbm>>
      tpu.enqueue_indirect_dma source(%dma_start3A_64 : memref<10000x128xf32, #tpu.memory_space<hbm>>) target(%arg13 : memref<100x128xf32, #tpu.memory_space<vmem>>) offsets(%dma_start3A_61 : memref<100xi32, #tpu.memory_space<vmem>>) semaphore(%arg16 : memref<!tpu.dma_semaphore, #tpu.memory_space<semaphore_mem>>)
      %dma_start3A_65 = arith.constant 2 : i32
      %dma_start3A_66 = arith.constant 0 : i32
      %dma_start3A_67 = tpu.memref_slice %arg10[%dma_start3A_65, %dma_start3A_66] : memref<20x100xi32, #tpu.memory_space<vmem>> -> memref<1x100xi32, #tpu.memory_space<vmem>>
      %dma_start3A_68 = tpu.memref_squeeze %dma_start3A_67 : memref<1x100xi32, #tpu.memory_space<vmem>> -> memref<100xi32, #tpu.memory_space<vmem>>
      %dma_start3A_69 = arith.constant 0 : i32
      %dma_start3A_70 = arith.constant 0 : i32
      %dma_start3A_71 = tpu.memref_slice %arg2[%dma_start3A_69, %dma_start3A_70] : memref<10000x128xf32, #tpu.memory_space<hbm>> -> memref<10000x128xf32, #tpu.memory_space<hbm>>
      tpu.enqueue_indirect_dma source(%dma_start3A_71 : memref<10000x128xf32, #tpu.memory_space<hbm>>) target(%arg14 : memref<100x128xf32, #tpu.memory_space<vmem>>) offsets(%dma_start3A_68 : memref<100xi32, #tpu.memory_space<vmem>>) semaphore(%arg17 : memref<!tpu.dma_semaphore, #tpu.memory_space<semaphore_mem>>)
      %dma_wait3A = arith.constant 0 : i32
      %dma_wait3A_72 = arith.constant 0 : i32
      %dma_wait3A_73 = tpu.memref_slice %arg10[%dma_wait3A, %dma_wait3A_72] : memref<20x100xi32, #tpu.memory_space<vmem>> -> memref<1x100xi32, #tpu.memory_space<vmem>>
      %dma_wait3A_74 = tpu.memref_squeeze %dma_wait3A_73 : memref<1x100xi32, #tpu.memory_space<vmem>> -> memref<100xi32, #tpu.memory_space<vmem>>
      %dma_wait3A_75 = arith.constant 0 : i32
      %dma_wait3A_76 = arith.constant 0 : i32
      %dma_wait3A_77 = tpu.memref_slice %arg2[%dma_wait3A_75, %dma_wait3A_76] : memref<10000x128xf32, #tpu.memory_space<hbm>> -> memref<10000x128xf32, #tpu.memory_space<hbm>>
      tpu.wait_indirect_dma semaphore(%arg15 : memref<!tpu.dma_semaphore, #tpu.memory_space<semaphore_mem>>) src(%dma_wait3A_77 : memref<10000x128xf32, #tpu.memory_space<hbm>>) dst(%arg12 : memref<100x128xf32, #tpu.memory_space<vmem>>)
      %run_scoped3A = arith.constant 0 : i32
      "tpu.region"() ({
        %run_scoped3A_349 = tpu.sem_alloc : memref<!tpu.dma_semaphore, #tpu.memory_space<semaphore_mem>>
        %dma_start3A_350 = arith.constant 0 : i32
        %dma_start3A_351 = tpu.memref_slice %arg11[%run_scoped3A, %dma_start3A_350] : memref<20x100xi32, #tpu.memory_space<vmem>> -> memref<1x100xi32, #tpu.memory_space<vmem>>
        %dma_start3A_352 = tpu.memref_squeeze %dma_start3A_351 : memref<1x100xi32, #tpu.memory_space<vmem>> -> memref<100xi32, #tpu.memory_space<vmem>>
        %dma_start3A_353 = arith.constant 0 : i32
        %dma_start3A_354 = arith.constant 0 : i32
        %dma_start3A_355 = tpu.memref_slice %arg9[%dma_start3A_353, %dma_start3A_354] : memref<10000x128xf32, #tpu.memory_space<vmem_shared>> -> memref<10000x128xf32, #tpu.memory_space<vmem_shared>>
        tpu.enqueue_indirect_dma source(%arg12 : memref<100x128xf32, #tpu.memory_space<vmem>>) target(%dma_start3A_355 : memref<10000x128xf32, #tpu.memory_space<vmem_shared>>) offsets(%dma_start3A_352 : memref<100xi32, #tpu.memory_space<vmem>>) semaphore(%run_scoped3A_349 : memref<!tpu.dma_semaphore, #tpu.memory_space<semaphore_mem>>) {add = true}
        %dma_wait3A_356 = arith.constant 0 : i32
        %dma_wait3A_357 = tpu.memref_slice %arg11[%run_scoped3A, %dma_wait3A_356] : memref<20x100xi32, #tpu.memory_space<vmem>> -> memref<1x100xi32, #tpu.memory_space<vmem>>
        %dma_wait3A_358 = tpu.memref_squeeze %dma_wait3A_357 : memref<1x100xi32, #tpu.memory_space<vmem>> -> memref<100xi32, #tpu.memory_space<vmem>>
        %dma_wait3A_359 = arith.constant 0 : i32
        %dma_wait3A_360 = arith.constant 0 : i32
        %dma_wait3A_361 = tpu.memref_slice %arg9[%dma_wait3A_359, %dma_wait3A_360] : memref<10000x128xf32, #tpu.memory_space<vmem_shared>> -> memref<10000x128xf32, #tpu.memory_space<vmem_shared>>
        tpu.wait_indirect_dma semaphore(%run_scoped3A_349 : memref<!tpu.dma_semaphore, #tpu.memory_space<semaphore_mem>>) src(%arg12 : memref<100x128xf32, #tpu.memory_space<vmem>>) dst(%dma_wait3A_361 : memref<10000x128xf32, #tpu.memory_space<vmem_shared>>)
        tpu.yield
      }) : () -> ()
      %dma_start3A_78 = arith.constant 3 : i32
      %dma_start3A_79 = arith.constant 0 : i32
      %dma_start3A_80 = tpu.memref_slice %arg10[%dma_start3A_78, %dma_start3A_79] : memref<20x100xi32, #tpu.memory_space<vmem>> -> memref<1x100xi32, #tpu.memory_space<vmem>>
      %dma_start3A_81 = tpu.memref_squeeze %dma_start3A_80 : memref<1x100xi32, #tpu.memory_space<vmem>> -> memref<100xi32, #tpu.memory_space<vmem>>
      %dma_start3A_82 = arith.constant 0 : i32
      %dma_start3A_83 = arith.constant 0 : i32
      %dma_start3A_84 = tpu.memref_slice %arg2[%dma_start3A_82, %dma_start3A_83] : memref<10000x128xf32, #tpu.memory_space<hbm>> -> memref<10000x128xf32, #tpu.memory_space<hbm>>
      tpu.enqueue_indirect_dma source(%dma_start3A_84 : memref<10000x128xf32, #tpu.memory_space<hbm>>) target(%arg12 : memref<100x128xf32, #tpu.memory_space<vmem>>) offsets(%dma_start3A_81 : memref<100xi32, #tpu.memory_space<vmem>>) semaphore(%arg15 : memref<!tpu.dma_semaphore, #tpu.memory_space<semaphore_mem>>)
      %dma_wait3A_85 = arith.constant 1 : i32
      %dma_wait3A_86 = arith.constant 0 : i32
      %dma_wait3A_87 = tpu.memref_slice %arg10[%dma_wait3A_85, %dma_wait3A_86] : memref<20x100xi32, #tpu.memory_space<vmem>> -> memref<1x100xi32, #tpu.memory_space<vmem>>
      %dma_wait3A_88 = tpu.memref_squeeze %dma_wait3A_87 : memref<1x100xi32, #tpu.memory_space<vmem>> -> memref<100xi32, #tpu.memory_space<vmem>>
      %dma_wait3A_89 = arith.constant 0 : i32
      %dma_wait3A_90 = arith.constant 0 : i32
      %dma_wait3A_91 = tpu.memref_slice %arg2[%dma_wait3A_89, %dma_wait3A_90] : memref<10000x128xf32, #tpu.memory_space<hbm>> -> memref<10000x128xf32, #tpu.memory_space<hbm>>
      tpu.wait_indirect_dma semaphore(%arg16 : memref<!tpu.dma_semaphore, #tpu.memory_space<semaphore_mem>>) src(%dma_wait3A_91 : memref<10000x128xf32, #tpu.memory_space<hbm>>) dst(%arg13 : memref<100x128xf32, #tpu.memory_space<vmem>>)
      %run_scoped3A_92 = arith.constant 1 : i32
      "tpu.region"() ({
        %run_scoped3A_349 = tpu.sem_alloc : memref<!tpu.dma_semaphore, #tpu.memory_space<semaphore_mem>>
        %dma_start3A_350 = arith.constant 0 : i32
        %dma_start3A_351 = tpu.memref_slice %arg11[%run_scoped3A_92, %dma_start3A_350] : memref<20x100xi32, #tpu.memory_space<vmem>> -> memref<1x100xi32, #tpu.memory_space<vmem>>
        %dma_start3A_352 = tpu.memref_squeeze %dma_start3A_351 : memref<1x100xi32, #tpu.memory_space<vmem>> -> memref<100xi32, #tpu.memory_space<vmem>>
        %dma_start3A_353 = arith.constant 0 : i32
        %dma_start3A_354 = arith.constant 0 : i32
        %dma_start3A_355 = tpu.memref_slice %arg9[%dma_start3A_353, %dma_start3A_354] : memref<10000x128xf32, #tpu.memory_space<vmem_shared>> -> memref<10000x128xf32, #tpu.memory_space<vmem_shared>>
        tpu.enqueue_indirect_dma source(%arg13 : memref<100x128xf32, #tpu.memory_space<vmem>>) target(%dma_start3A_355 : memref<10000x128xf32, #tpu.memory_space<vmem_shared>>) offsets(%dma_start3A_352 : memref<100xi32, #tpu.memory_space<vmem>>) semaphore(%run_scoped3A_349 : memref<!tpu.dma_semaphore, #tpu.memory_space<semaphore_mem>>) {add = true}
        %dma_wait3A_356 = arith.constant 0 : i32
        %dma_wait3A_357 = tpu.memref_slice %arg11[%run_scoped3A_92, %dma_wait3A_356] : memref<20x100xi32, #tpu.memory_space<vmem>> -> memref<1x100xi32, #tpu.memory_space<vmem>>
        %dma_wait3A_358 = tpu.memref_squeeze %dma_wait3A_357 : memref<1x100xi32, #tpu.memory_space<vmem>> -> memref<100xi32, #tpu.memory_space<vmem>>
        %dma_wait3A_359 = arith.constant 0 : i32
        %dma_wait3A_360 = arith.constant 0 : i32
        %dma_wait3A_361 = tpu.memref_slice %arg9[%dma_wait3A_359, %dma_wait3A_360] : memref<10000x128xf32, #tpu.memory_space<vmem_shared>> -> memref<10000x128xf32, #tpu.memory_space<vmem_shared>>
        tpu.wait_indirect_dma semaphore(%run_scoped3A_349 : memref<!tpu.dma_semaphore, #tpu.memory_space<semaphore_mem>>) src(%arg13 : memref<100x128xf32, #tpu.memory_space<vmem>>) dst(%dma_wait3A_361 : memref<10000x128xf32, #tpu.memory_space<vmem_shared>>)
        tpu.yield
      }) : () -> ()
      %dma_start3A_93 = arith.constant 4 : i32
      %dma_start3A_94 = arith.constant 0 : i32
      %dma_start3A_95 = tpu.memref_slice %arg10[%dma_start3A_93, %dma_start3A_94] : memref<20x100xi32, #tpu.memory_space<vmem>> -> memref<1x100xi32, #tpu.memory_space<vmem>>
      %dma_start3A_96 = tpu.memref_squeeze %dma_start3A_95 : memref<1x100xi32, #tpu.memory_space<vmem>> -> memref<100xi32, #tpu.memory_space<vmem>>
      %dma_start3A_97 = arith.constant 0 : i32
      %dma_start3A_98 = arith.constant 0 : i32
      %dma_start3A_99 = tpu.memref_slice %arg2[%dma_start3A_97, %dma_start3A_98] : memref<10000x128xf32, #tpu.memory_space<hbm>> -> memref<10000x128xf32, #tpu.memory_space<hbm>>
      tpu.enqueue_indirect_dma source(%dma_start3A_99 : memref<10000x128xf32, #tpu.memory_space<hbm>>) target(%arg13 : memref<100x128xf32, #tpu.memory_space<vmem>>) offsets(%dma_start3A_96 : memref<100xi32, #tpu.memory_space<vmem>>) semaphore(%arg16 : memref<!tpu.dma_semaphore, #tpu.memory_space<semaphore_mem>>)
      %dma_wait3A_100 = arith.constant 2 : i32
      %dma_wait3A_101 = arith.constant 0 : i32
      %dma_wait3A_102 = tpu.memref_slice %arg10[%dma_wait3A_100, %dma_wait3A_101] : memref<20x100xi32, #tpu.memory_space<vmem>> -> memref<1x100xi32, #tpu.memory_space<vmem>>
      %dma_wait3A_103 = tpu.memref_squeeze %dma_wait3A_102 : memref<1x100xi32, #tpu.memory_space<vmem>> -> memref<100xi32, #tpu.memory_space<vmem>>
      %dma_wait3A_104 = arith.constant 0 : i32
      %dma_wait3A_105 = arith.constant 0 : i32
      %dma_wait3A_106 = tpu.memref_slice %arg2[%dma_wait3A_104, %dma_wait3A_105] : memref<10000x128xf32, #tpu.memory_space<hbm>> -> memref<10000x128xf32, #tpu.memory_space<hbm>>
      tpu.wait_indirect_dma semaphore(%arg17 : memref<!tpu.dma_semaphore, #tpu.memory_space<semaphore_mem>>) src(%dma_wait3A_106 : memref<10000x128xf32, #tpu.memory_space<hbm>>) dst(%arg14 : memref<100x128xf32, #tpu.memory_space<vmem>>)
      %run_scoped3A_107 = arith.constant 2 : i32
      "tpu.region"() ({
        %run_scoped3A_349 = tpu.sem_alloc : memref<!tpu.dma_semaphore, #tpu.memory_space<semaphore_mem>>
        %dma_start3A_350 = arith.constant 0 : i32
        %dma_start3A_351 = tpu.memref_slice %arg11[%run_scoped3A_107, %dma_start3A_350] : memref<20x100xi32, #tpu.memory_space<vmem>> -> memref<1x100xi32, #tpu.memory_space<vmem>>
        %dma_start3A_352 = tpu.memref_squeeze %dma_start3A_351 : memref<1x100xi32, #tpu.memory_space<vmem>> -> memref<100xi32, #tpu.memory_space<vmem>>
        %dma_start3A_353 = arith.constant 0 : i32
        %dma_start3A_354 = arith.constant 0 : i32
        %dma_start3A_355 = tpu.memref_slice %arg9[%dma_start3A_353, %dma_start3A_354] : memref<10000x128xf32, #tpu.memory_space<vmem_shared>> -> memref<10000x128xf32, #tpu.memory_space<vmem_shared>>
        tpu.enqueue_indirect_dma source(%arg14 : memref<100x128xf32, #tpu.memory_space<vmem>>) target(%dma_start3A_355 : memref<10000x128xf32, #tpu.memory_space<vmem_shared>>) offsets(%dma_start3A_352 : memref<100xi32, #tpu.memory_space<vmem>>) semaphore(%run_scoped3A_349 : memref<!tpu.dma_semaphore, #tpu.memory_space<semaphore_mem>>) {add = true}
        %dma_wait3A_356 = arith.constant 0 : i32
        %dma_wait3A_357 = tpu.memref_slice %arg11[%run_scoped3A_107, %dma_wait3A_356] : memref<20x100xi32, #tpu.memory_space<vmem>> -> memref<1x100xi32, #tpu.memory_space<vmem>>
        %dma_wait3A_358 = tpu.memref_squeeze %dma_wait3A_357 : memref<1x100xi32, #tpu.memory_space<vmem>> -> memref<100xi32, #tpu.memory_space<vmem>>
        %dma_wait3A_359 = arith.constant 0 : i32
        %dma_wait3A_360 = arith.constant 0 : i32
        %dma_wait3A_361 = tpu.memref_slice %arg9[%dma_wait3A_359, %dma_wait3A_360] : memref<10000x128xf32, #tpu.memory_space<vmem_shared>> -> memref<10000x128xf32, #tpu.memory_space<vmem_shared>>
        tpu.wait_indirect_dma semaphore(%run_scoped3A_349 : memref<!tpu.dma_semaphore, #tpu.memory_space<semaphore_mem>>) src(%arg14 : memref<100x128xf32, #tpu.memory_space<vmem>>) dst(%dma_wait3A_361 : memref<10000x128xf32, #tpu.memory_space<vmem_shared>>)
        tpu.yield
      }) : () -> ()
      %dma_start3A_108 = arith.constant 5 : i32
      %dma_start3A_109 = arith.constant 0 : i32
      %dma_start3A_110 = tpu.memref_slice %arg10[%dma_start3A_108, %dma_start3A_109] : memref<20x100xi32, #tpu.memory_space<vmem>> -> memref<1x100xi32, #tpu.memory_space<vmem>>
      %dma_start3A_111 = tpu.memref_squeeze %dma_start3A_110 : memref<1x100xi32, #tpu.memory_space<vmem>> -> memref<100xi32, #tpu.memory_space<vmem>>
      %dma_start3A_112 = arith.constant 0 : i32
      %dma_start3A_113 = arith.constant 0 : i32
      %dma_start3A_114 = tpu.memref_slice %arg2[%dma_start3A_112, %dma_start3A_113] : memref<10000x128xf32, #tpu.memory_space<hbm>> -> memref<10000x128xf32, #tpu.memory_space<hbm>>
      tpu.enqueue_indirect_dma source(%dma_start3A_114 : memref<10000x128xf32, #tpu.memory_space<hbm>>) target(%arg14 : memref<100x128xf32, #tpu.memory_space<vmem>>) offsets(%dma_start3A_111 : memref<100xi32, #tpu.memory_space<vmem>>) semaphore(%arg17 : memref<!tpu.dma_semaphore, #tpu.memory_space<semaphore_mem>>)
      %dma_wait3A_115 = arith.constant 3 : i32
      %dma_wait3A_116 = arith.constant 0 : i32
      %dma_wait3A_117 = tpu.memref_slice %arg10[%dma_wait3A_115, %dma_wait3A_116] : memref<20x100xi32, #tpu.memory_space<vmem>> -> memref<1x100xi32, #tpu.memory_space<vmem>>
      %dma_wait3A_118 = tpu.memref_squeeze %dma_wait3A_117 : memref<1x100xi32, #tpu.memory_space<vmem>> -> memref<100xi32, #tpu.memory_space<vmem>>
      %dma_wait3A_119 = arith.constant 0 : i32
      %dma_wait3A_120 = arith.constant 0 : i32
      %dma_wait3A_121 = tpu.memref_slice %arg2[%dma_wait3A_119, %dma_wait3A_120] : memref<10000x128xf32, #tpu.memory_space<hbm>> -> memref<10000x128xf32, #tpu.memory_space<hbm>>
      tpu.wait_indirect_dma semaphore(%arg15 : memref<!tpu.dma_semaphore, #tpu.memory_space<semaphore_mem>>) src(%dma_wait3A_121 : memref<10000x128xf32, #tpu.memory_space<hbm>>) dst(%arg12 : memref<100x128xf32, #tpu.memory_space<vmem>>)
      %run_scoped3A_122 = arith.constant 3 : i32
      "tpu.region"() ({
        %run_scoped3A_349 = tpu.sem_alloc : memref<!tpu.dma_semaphore, #tpu.memory_space<semaphore_mem>>
        %dma_start3A_350 = arith.constant 0 : i32
        %dma_start3A_351 = tpu.memref_slice %arg11[%run_scoped3A_122, %dma_start3A_350] : memref<20x100xi32, #tpu.memory_space<vmem>> -> memref<1x100xi32, #tpu.memory_space<vmem>>
        %dma_start3A_352 = tpu.memref_squeeze %dma_start3A_351 : memref<1x100xi32, #tpu.memory_space<vmem>> -> memref<100xi32, #tpu.memory_space<vmem>>
        %dma_start3A_353 = arith.constant 0 : i32
        %dma_start3A_354 = arith.constant 0 : i32
        %dma_start3A_355 = tpu.memref_slice %arg9[%dma_start3A_353, %dma_start3A_354] : memref<10000x128xf32, #tpu.memory_space<vmem_shared>> -> memref<10000x128xf32, #tpu.memory_space<vmem_shared>>
        tpu.enqueue_indirect_dma source(%arg12 : memref<100x128xf32, #tpu.memory_space<vmem>>) target(%dma_start3A_355 : memref<10000x128xf32, #tpu.memory_space<vmem_shared>>) offsets(%dma_start3A_352 : memref<100xi32, #tpu.memory_space<vmem>>) semaphore(%run_scoped3A_349 : memref<!tpu.dma_semaphore, #tpu.memory_space<semaphore_mem>>) {add = true}
        %dma_wait3A_356 = arith.constant 0 : i32
        %dma_wait3A_357 = tpu.memref_slice %arg11[%run_scoped3A_122, %dma_wait3A_356] : memref<20x100xi32, #tpu.memory_space<vmem>> -> memref<1x100xi32, #tpu.memory_space<vmem>>
        %dma_wait3A_358 = tpu.memref_squeeze %dma_wait3A_357 : memref<1x100xi32, #tpu.memory_space<vmem>> -> memref<100xi32, #tpu.memory_space<vmem>>
        %dma_wait3A_359 = arith.constant 0 : i32
        %dma_wait3A_360 = arith.constant 0 : i32
        %dma_wait3A_361 = tpu.memref_slice %arg9[%dma_wait3A_359, %dma_wait3A_360] : memref<10000x128xf32, #tpu.memory_space<vmem_shared>> -> memref<10000x128xf32, #tpu.memory_space<vmem_shared>>
        tpu.wait_indirect_dma semaphore(%run_scoped3A_349 : memref<!tpu.dma_semaphore, #tpu.memory_space<semaphore_mem>>) src(%arg12 : memref<100x128xf32, #tpu.memory_space<vmem>>) dst(%dma_wait3A_361 : memref<10000x128xf32, #tpu.memory_space<vmem_shared>>)
        tpu.yield
      }) : () -> ()
      %dma_start3A_123 = arith.constant 6 : i32
      %dma_start3A_124 = arith.constant 0 : i32
      %dma_start3A_125 = tpu.memref_slice %arg10[%dma_start3A_123, %dma_start3A_124] : memref<20x100xi32, #tpu.memory_space<vmem>> -> memref<1x100xi32, #tpu.memory_space<vmem>>
      %dma_start3A_126 = tpu.memref_squeeze %dma_start3A_125 : memref<1x100xi32, #tpu.memory_space<vmem>> -> memref<100xi32, #tpu.memory_space<vmem>>
      %dma_start3A_127 = arith.constant 0 : i32
      %dma_start3A_128 = arith.constant 0 : i32
      %dma_start3A_129 = tpu.memref_slice %arg2[%dma_start3A_127, %dma_start3A_128] : memref<10000x128xf32, #tpu.memory_space<hbm>> -> memref<10000x128xf32, #tpu.memory_space<hbm>>
      tpu.enqueue_indirect_dma source(%dma_start3A_129 : memref<10000x128xf32, #tpu.memory_space<hbm>>) target(%arg12 : memref<100x128xf32, #tpu.memory_space<vmem>>) offsets(%dma_start3A_126 : memref<100xi32, #tpu.memory_space<vmem>>) semaphore(%arg15 : memref<!tpu.dma_semaphore, #tpu.memory_space<semaphore_mem>>)
      %dma_wait3A_130 = arith.constant 4 : i32
      %dma_wait3A_131 = arith.constant 0 : i32
      %dma_wait3A_132 = tpu.memref_slice %arg10[%dma_wait3A_130, %dma_wait3A_131] : memref<20x100xi32, #tpu.memory_space<vmem>> -> memref<1x100xi32, #tpu.memory_space<vmem>>
      %dma_wait3A_133 = tpu.memref_squeeze %dma_wait3A_132 : memref<1x100xi32, #tpu.memory_space<vmem>> -> memref<100xi32, #tpu.memory_space<vmem>>
      %dma_wait3A_134 = arith.constant 0 : i32
      %dma_wait3A_135 = arith.constant 0 : i32
      %dma_wait3A_136 = tpu.memref_slice %arg2[%dma_wait3A_134, %dma_wait3A_135] : memref<10000x128xf32, #tpu.memory_space<hbm>> -> memref<10000x128xf32, #tpu.memory_space<hbm>>
      tpu.wait_indirect_dma semaphore(%arg16 : memref<!tpu.dma_semaphore, #tpu.memory_space<semaphore_mem>>) src(%dma_wait3A_136 : memref<10000x128xf32, #tpu.memory_space<hbm>>) dst(%arg13 : memref<100x128xf32, #tpu.memory_space<vmem>>)
      %run_scoped3A_137 = arith.constant 4 : i32
      "tpu.region"() ({
        %run_scoped3A_349 = tpu.sem_alloc : memref<!tpu.dma_semaphore, #tpu.memory_space<semaphore_mem>>
        %dma_start3A_350 = arith.constant 0 : i32
        %dma_start3A_351 = tpu.memref_slice %arg11[%run_scoped3A_137, %dma_start3A_350] : memref<20x100xi32, #tpu.memory_space<vmem>> -> memref<1x100xi32, #tpu.memory_space<vmem>>
        %dma_start3A_352 = tpu.memref_squeeze %dma_start3A_351 : memref<1x100xi32, #tpu.memory_space<vmem>> -> memref<100xi32, #tpu.memory_space<vmem>>
        %dma_start3A_353 = arith.constant 0 : i32
        %dma_start3A_354 = arith.constant 0 : i32
        %dma_start3A_355 = tpu.memref_slice %arg9[%dma_start3A_353, %dma_start3A_354] : memref<10000x128xf32, #tpu.memory_space<vmem_shared>> -> memref<10000x128xf32, #tpu.memory_space<vmem_shared>>
        tpu.enqueue_indirect_dma source(%arg13 : memref<100x128xf32, #tpu.memory_space<vmem>>) target(%dma_start3A_355 : memref<10000x128xf32, #tpu.memory_space<vmem_shared>>) offsets(%dma_start3A_352 : memref<100xi32, #tpu.memory_space<vmem>>) semaphore(%run_scoped3A_349 : memref<!tpu.dma_semaphore, #tpu.memory_space<semaphore_mem>>) {add = true}
        %dma_wait3A_356 = arith.constant 0 : i32
        %dma_wait3A_357 = tpu.memref_slice %arg11[%run_scoped3A_137, %dma_wait3A_356] : memref<20x100xi32, #tpu.memory_space<vmem>> -> memref<1x100xi32, #tpu.memory_space<vmem>>
        %dma_wait3A_358 = tpu.memref_squeeze %dma_wait3A_357 : memref<1x100xi32, #tpu.memory_space<vmem>> -> memref<100xi32, #tpu.memory_space<vmem>>
        %dma_wait3A_359 = arith.constant 0 : i32
        %dma_wait3A_360 = arith.constant 0 : i32
        %dma_wait3A_361 = tpu.memref_slice %arg9[%dma_wait3A_359, %dma_wait3A_360] : memref<10000x128xf32, #tpu.memory_space<vmem_shared>> -> memref<10000x128xf32, #tpu.memory_space<vmem_shared>>
        tpu.wait_indirect_dma semaphore(%run_scoped3A_349 : memref<!tpu.dma_semaphore, #tpu.memory_space<semaphore_mem>>) src(%arg13 : memref<100x128xf32, #tpu.memory_space<vmem>>) dst(%dma_wait3A_361 : memref<10000x128xf32, #tpu.memory_space<vmem_shared>>)
        tpu.yield
      }) : () -> ()
      %dma_start3A_138 = arith.constant 7 : i32
      %dma_start3A_139 = arith.constant 0 : i32
      %dma_start3A_140 = tpu.memref_slice %arg10[%dma_start3A_138, %dma_start3A_139] : memref<20x100xi32, #tpu.memory_space<vmem>> -> memref<1x100xi32, #tpu.memory_space<vmem>>
      %dma_start3A_141 = tpu.memref_squeeze %dma_start3A_140 : memref<1x100xi32, #tpu.memory_space<vmem>> -> memref<100xi32, #tpu.memory_space<vmem>>
      %dma_start3A_142 = arith.constant 0 : i32
      %dma_start3A_143 = arith.constant 0 : i32
      %dma_start3A_144 = tpu.memref_slice %arg2[%dma_start3A_142, %dma_start3A_143] : memref<10000x128xf32, #tpu.memory_space<hbm>> -> memref<10000x128xf32, #tpu.memory_space<hbm>>
      tpu.enqueue_indirect_dma source(%dma_start3A_144 : memref<10000x128xf32, #tpu.memory_space<hbm>>) target(%arg13 : memref<100x128xf32, #tpu.memory_space<vmem>>) offsets(%dma_start3A_141 : memref<100xi32, #tpu.memory_space<vmem>>) semaphore(%arg16 : memref<!tpu.dma_semaphore, #tpu.memory_space<semaphore_mem>>)
      %dma_wait3A_145 = arith.constant 5 : i32
      %dma_wait3A_146 = arith.constant 0 : i32
      %dma_wait3A_147 = tpu.memref_slice %arg10[%dma_wait3A_145, %dma_wait3A_146] : memref<20x100xi32, #tpu.memory_space<vmem>> -> memref<1x100xi32, #tpu.memory_space<vmem>>
      %dma_wait3A_148 = tpu.memref_squeeze %dma_wait3A_147 : memref<1x100xi32, #tpu.memory_space<vmem>> -> memref<100xi32, #tpu.memory_space<vmem>>
      %dma_wait3A_149 = arith.constant 0 : i32
      %dma_wait3A_150 = arith.constant 0 : i32
      %dma_wait3A_151 = tpu.memref_slice %arg2[%dma_wait3A_149, %dma_wait3A_150] : memref<10000x128xf32, #tpu.memory_space<hbm>> -> memref<10000x128xf32, #tpu.memory_space<hbm>>
      tpu.wait_indirect_dma semaphore(%arg17 : memref<!tpu.dma_semaphore, #tpu.memory_space<semaphore_mem>>) src(%dma_wait3A_151 : memref<10000x128xf32, #tpu.memory_space<hbm>>) dst(%arg14 : memref<100x128xf32, #tpu.memory_space<vmem>>)
      %run_scoped3A_152 = arith.constant 5 : i32
      "tpu.region"() ({
        %run_scoped3A_349 = tpu.sem_alloc : memref<!tpu.dma_semaphore, #tpu.memory_space<semaphore_mem>>
        %dma_start3A_350 = arith.constant 0 : i32
        %dma_start3A_351 = tpu.memref_slice %arg11[%run_scoped3A_152, %dma_start3A_350] : memref<20x100xi32, #tpu.memory_space<vmem>> -> memref<1x100xi32, #tpu.memory_space<vmem>>
        %dma_start3A_352 = tpu.memref_squeeze %dma_start3A_351 : memref<1x100xi32, #tpu.memory_space<vmem>> -> memref<100xi32, #tpu.memory_space<vmem>>
        %dma_start3A_353 = arith.constant 0 : i32
        %dma_start3A_354 = arith.constant 0 : i32
        %dma_start3A_355 = tpu.memref_slice %arg9[%dma_start3A_353, %dma_start3A_354] : memref<10000x128xf32, #tpu.memory_space<vmem_shared>> -> memref<10000x128xf32, #tpu.memory_space<vmem_shared>>
        tpu.enqueue_indirect_dma source(%arg14 : memref<100x128xf32, #tpu.memory_space<vmem>>) target(%dma_start3A_355 : memref<10000x128xf32, #tpu.memory_space<vmem_shared>>) offsets(%dma_start3A_352 : memref<100xi32, #tpu.memory_space<vmem>>) semaphore(%run_scoped3A_349 : memref<!tpu.dma_semaphore, #tpu.memory_space<semaphore_mem>>) {add = true}
        %dma_wait3A_356 = arith.constant 0 : i32
        %dma_wait3A_357 = tpu.memref_slice %arg11[%run_scoped3A_152, %dma_wait3A_356] : memref<20x100xi32, #tpu.memory_space<vmem>> -> memref<1x100xi32, #tpu.memory_space<vmem>>
        %dma_wait3A_358 = tpu.memref_squeeze %dma_wait3A_357 : memref<1x100xi32, #tpu.memory_space<vmem>> -> memref<100xi32, #tpu.memory_space<vmem>>
        %dma_wait3A_359 = arith.constant 0 : i32
        %dma_wait3A_360 = arith.constant 0 : i32
        %dma_wait3A_361 = tpu.memref_slice %arg9[%dma_wait3A_359, %dma_wait3A_360] : memref<10000x128xf32, #tpu.memory_space<vmem_shared>> -> memref<10000x128xf32, #tpu.memory_space<vmem_shared>>
        tpu.wait_indirect_dma semaphore(%run_scoped3A_349 : memref<!tpu.dma_semaphore, #tpu.memory_space<semaphore_mem>>) src(%arg14 : memref<100x128xf32, #tpu.memory_space<vmem>>) dst(%dma_wait3A_361 : memref<10000x128xf32, #tpu.memory_space<vmem_shared>>)
        tpu.yield
      }) : () -> ()
      %dma_start3A_153 = arith.constant 8 : i32
      %dma_start3A_154 = arith.constant 0 : i32
      %dma_start3A_155 = tpu.memref_slice %arg10[%dma_start3A_153, %dma_start3A_154] : memref<20x100xi32, #tpu.memory_space<vmem>> -> memref<1x100xi32, #tpu.memory_space<vmem>>
      %dma_start3A_156 = tpu.memref_squeeze %dma_start3A_155 : memref<1x100xi32, #tpu.memory_space<vmem>> -> memref<100xi32, #tpu.memory_space<vmem>>
      %dma_start3A_157 = arith.constant 0 : i32
      %dma_start3A_158 = arith.constant 0 : i32
      %dma_start3A_159 = tpu.memref_slice %arg2[%dma_start3A_157, %dma_start3A_158] : memref<10000x128xf32, #tpu.memory_space<hbm>> -> memref<10000x128xf32, #tpu.memory_space<hbm>>
      tpu.enqueue_indirect_dma source(%dma_start3A_159 : memref<10000x128xf32, #tpu.memory_space<hbm>>) target(%arg14 : memref<100x128xf32, #tpu.memory_space<vmem>>) offsets(%dma_start3A_156 : memref<100xi32, #tpu.memory_space<vmem>>) semaphore(%arg17 : memref<!tpu.dma_semaphore, #tpu.memory_space<semaphore_mem>>)
      %dma_wait3A_160 = arith.constant 6 : i32
      %dma_wait3A_161 = arith.constant 0 : i32
      %dma_wait3A_162 = tpu.memref_slice %arg10[%dma_wait3A_160, %dma_wait3A_161] : memref<20x100xi32, #tpu.memory_space<vmem>> -> memref<1x100xi32, #tpu.memory_space<vmem>>
      %dma_wait3A_163 = tpu.memref_squeeze %dma_wait3A_162 : memref<1x100xi32, #tpu.memory_space<vmem>> -> memref<100xi32, #tpu.memory_space<vmem>>
      %dma_wait3A_164 = arith.constant 0 : i32
      %dma_wait3A_165 = arith.constant 0 : i32
      %dma_wait3A_166 = tpu.memref_slice %arg2[%dma_wait3A_164, %dma_wait3A_165] : memref<10000x128xf32, #tpu.memory_space<hbm>> -> memref<10000x128xf32, #tpu.memory_space<hbm>>
      tpu.wait_indirect_dma semaphore(%arg15 : memref<!tpu.dma_semaphore, #tpu.memory_space<semaphore_mem>>) src(%dma_wait3A_166 : memref<10000x128xf32, #tpu.memory_space<hbm>>) dst(%arg12 : memref<100x128xf32, #tpu.memory_space<vmem>>)
      %run_scoped3A_167 = arith.constant 6 : i32
      "tpu.region"() ({
        %run_scoped3A_349 = tpu.sem_alloc : memref<!tpu.dma_semaphore, #tpu.memory_space<semaphore_mem>>
        %dma_start3A_350 = arith.constant 0 : i32
        %dma_start3A_351 = tpu.memref_slice %arg11[%run_scoped3A_167, %dma_start3A_350] : memref<20x100xi32, #tpu.memory_space<vmem>> -> memref<1x100xi32, #tpu.memory_space<vmem>>
        %dma_start3A_352 = tpu.memref_squeeze %dma_start3A_351 : memref<1x100xi32, #tpu.memory_space<vmem>> -> memref<100xi32, #tpu.memory_space<vmem>>
        %dma_start3A_353 = arith.constant 0 : i32
        %dma_start3A_354 = arith.constant 0 : i32
        %dma_start3A_355 = tpu.memref_slice %arg9[%dma_start3A_353, %dma_start3A_354] : memref<10000x128xf32, #tpu.memory_space<vmem_shared>> -> memref<10000x128xf32, #tpu.memory_space<vmem_shared>>
        tpu.enqueue_indirect_dma source(%arg12 : memref<100x128xf32, #tpu.memory_space<vmem>>) target(%dma_start3A_355 : memref<10000x128xf32, #tpu.memory_space<vmem_shared>>) offsets(%dma_start3A_352 : memref<100xi32, #tpu.memory_space<vmem>>) semaphore(%run_scoped3A_349 : memref<!tpu.dma_semaphore, #tpu.memory_space<semaphore_mem>>) {add = true}
        %dma_wait3A_356 = arith.constant 0 : i32
        %dma_wait3A_357 = tpu.memref_slice %arg11[%run_scoped3A_167, %dma_wait3A_356] : memref<20x100xi32, #tpu.memory_space<vmem>> -> memref<1x100xi32, #tpu.memory_space<vmem>>
        %dma_wait3A_358 = tpu.memref_squeeze %dma_wait3A_357 : memref<1x100xi32, #tpu.memory_space<vmem>> -> memref<100xi32, #tpu.memory_space<vmem>>
        %dma_wait3A_359 = arith.constant 0 : i32
        %dma_wait3A_360 = arith.constant 0 : i32
        %dma_wait3A_361 = tpu.memref_slice %arg9[%dma_wait3A_359, %dma_wait3A_360] : memref<10000x128xf32, #tpu.memory_space<vmem_shared>> -> memref<10000x128xf32, #tpu.memory_space<vmem_shared>>
        tpu.wait_indirect_dma semaphore(%run_scoped3A_349 : memref<!tpu.dma_semaphore, #tpu.memory_space<semaphore_mem>>) src(%arg12 : memref<100x128xf32, #tpu.memory_space<vmem>>) dst(%dma_wait3A_361 : memref<10000x128xf32, #tpu.memory_space<vmem_shared>>)
        tpu.yield
      }) : () -> ()
      %dma_start3A_168 = arith.constant 9 : i32
      %dma_start3A_169 = arith.constant 0 : i32
      %dma_start3A_170 = tpu.memref_slice %arg10[%dma_start3A_168, %dma_start3A_169] : memref<20x100xi32, #tpu.memory_space<vmem>> -> memref<1x100xi32, #tpu.memory_space<vmem>>
      %dma_start3A_171 = tpu.memref_squeeze %dma_start3A_170 : memref<1x100xi32, #tpu.memory_space<vmem>> -> memref<100xi32, #tpu.memory_space<vmem>>
      %dma_start3A_172 = arith.constant 0 : i32
      %dma_start3A_173 = arith.constant 0 : i32
      %dma_start3A_174 = tpu.memref_slice %arg2[%dma_start3A_172, %dma_start3A_173] : memref<10000x128xf32, #tpu.memory_space<hbm>> -> memref<10000x128xf32, #tpu.memory_space<hbm>>
      tpu.enqueue_indirect_dma source(%dma_start3A_174 : memref<10000x128xf32, #tpu.memory_space<hbm>>) target(%arg12 : memref<100x128xf32, #tpu.memory_space<vmem>>) offsets(%dma_start3A_171 : memref<100xi32, #tpu.memory_space<vmem>>) semaphore(%arg15 : memref<!tpu.dma_semaphore, #tpu.memory_space<semaphore_mem>>)
      %dma_wait3A_175 = arith.constant 7 : i32
      %dma_wait3A_176 = arith.constant 0 : i32
      %dma_wait3A_177 = tpu.memref_slice %arg10[%dma_wait3A_175, %dma_wait3A_176] : memref<20x100xi32, #tpu.memory_space<vmem>> -> memref<1x100xi32, #tpu.memory_space<vmem>>
      %dma_wait3A_178 = tpu.memref_squeeze %dma_wait3A_177 : memref<1x100xi32, #tpu.memory_space<vmem>> -> memref<100xi32, #tpu.memory_space<vmem>>
      %dma_wait3A_179 = arith.constant 0 : i32
      %dma_wait3A_180 = arith.constant 0 : i32
      %dma_wait3A_181 = tpu.memref_slice %arg2[%dma_wait3A_179, %dma_wait3A_180] : memref<10000x128xf32, #tpu.memory_space<hbm>> -> memref<10000x128xf32, #tpu.memory_space<hbm>>
      tpu.wait_indirect_dma semaphore(%arg16 : memref<!tpu.dma_semaphore, #tpu.memory_space<semaphore_mem>>) src(%dma_wait3A_181 : memref<10000x128xf32, #tpu.memory_space<hbm>>) dst(%arg13 : memref<100x128xf32, #tpu.memory_space<vmem>>)
      %run_scoped3A_182 = arith.constant 7 : i32
      "tpu.region"() ({
        %run_scoped3A_349 = tpu.sem_alloc : memref<!tpu.dma_semaphore, #tpu.memory_space<semaphore_mem>>
        %dma_start3A_350 = arith.constant 0 : i32
        %dma_start3A_351 = tpu.memref_slice %arg11[%run_scoped3A_182, %dma_start3A_350] : memref<20x100xi32, #tpu.memory_space<vmem>> -> memref<1x100xi32, #tpu.memory_space<vmem>>
        %dma_start3A_352 = tpu.memref_squeeze %dma_start3A_351 : memref<1x100xi32, #tpu.memory_space<vmem>> -> memref<100xi32, #tpu.memory_space<vmem>>
        %dma_start3A_353 = arith.constant 0 : i32
        %dma_start3A_354 = arith.constant 0 : i32
        %dma_start3A_355 = tpu.memref_slice %arg9[%dma_start3A_353, %dma_start3A_354] : memref<10000x128xf32, #tpu.memory_space<vmem_shared>> -> memref<10000x128xf32, #tpu.memory_space<vmem_shared>>
        tpu.enqueue_indirect_dma source(%arg13 : memref<100x128xf32, #tpu.memory_space<vmem>>) target(%dma_start3A_355 : memref<10000x128xf32, #tpu.memory_space<vmem_shared>>) offsets(%dma_start3A_352 : memref<100xi32, #tpu.memory_space<vmem>>) semaphore(%run_scoped3A_349 : memref<!tpu.dma_semaphore, #tpu.memory_space<semaphore_mem>>) {add = true}
        %dma_wait3A_356 = arith.constant 0 : i32
        %dma_wait3A_357 = tpu.memref_slice %arg11[%run_scoped3A_182, %dma_wait3A_356] : memref<20x100xi32, #tpu.memory_space<vmem>> -> memref<1x100xi32, #tpu.memory_space<vmem>>
        %dma_wait3A_358 = tpu.memref_squeeze %dma_wait3A_357 : memref<1x100xi32, #tpu.memory_space<vmem>> -> memref<100xi32, #tpu.memory_space<vmem>>
        %dma_wait3A_359 = arith.constant 0 : i32
        %dma_wait3A_360 = arith.constant 0 : i32
        %dma_wait3A_361 = tpu.memref_slice %arg9[%dma_wait3A_359, %dma_wait3A_360] : memref<10000x128xf32, #tpu.memory_space<vmem_shared>> -> memref<10000x128xf32, #tpu.memory_space<vmem_shared>>
        tpu.wait_indirect_dma semaphore(%run_scoped3A_349 : memref<!tpu.dma_semaphore, #tpu.memory_space<semaphore_mem>>) src(%arg13 : memref<100x128xf32, #tpu.memory_space<vmem>>) dst(%dma_wait3A_361 : memref<10000x128xf32, #tpu.memory_space<vmem_shared>>)
        tpu.yield
      }) : () -> ()
      %dma_start3A_183 = arith.constant 10 : i32
      %dma_start3A_184 = arith.constant 0 : i32
      %dma_start3A_185 = tpu.memref_slice %arg10[%dma_start3A_183, %dma_start3A_184] : memref<20x100xi32, #tpu.memory_space<vmem>> -> memref<1x100xi32, #tpu.memory_space<vmem>>
      %dma_start3A_186 = tpu.memref_squeeze %dma_start3A_185 : memref<1x100xi32, #tpu.memory_space<vmem>> -> memref<100xi32, #tpu.memory_space<vmem>>
      %dma_start3A_187 = arith.constant 0 : i32
      %dma_start3A_188 = arith.constant 0 : i32
      %dma_start3A_189 = tpu.memref_slice %arg2[%dma_start3A_187, %dma_start3A_188] : memref<10000x128xf32, #tpu.memory_space<hbm>> -> memref<10000x128xf32, #tpu.memory_space<hbm>>
      tpu.enqueue_indirect_dma source(%dma_start3A_189 : memref<10000x128xf32, #tpu.memory_space<hbm>>) target(%arg13 : memref<100x128xf32, #tpu.memory_space<vmem>>) offsets(%dma_start3A_186 : memref<100xi32, #tpu.memory_space<vmem>>) semaphore(%arg16 : memref<!tpu.dma_semaphore, #tpu.memory_space<semaphore_mem>>)
      %dma_wait3A_190 = arith.constant 8 : i32
      %dma_wait3A_191 = arith.constant 0 : i32
      %dma_wait3A_192 = tpu.memref_slice %arg10[%dma_wait3A_190, %dma_wait3A_191] : memref<20x100xi32, #tpu.memory_space<vmem>> -> memref<1x100xi32, #tpu.memory_space<vmem>>
      %dma_wait3A_193 = tpu.memref_squeeze %dma_wait3A_192 : memref<1x100xi32, #tpu.memory_space<vmem>> -> memref<100xi32, #tpu.memory_space<vmem>>
      %dma_wait3A_194 = arith.constant 0 : i32
      %dma_wait3A_195 = arith.constant 0 : i32
      %dma_wait3A_196 = tpu.memref_slice %arg2[%dma_wait3A_194, %dma_wait3A_195] : memref<10000x128xf32, #tpu.memory_space<hbm>> -> memref<10000x128xf32, #tpu.memory_space<hbm>>
      tpu.wait_indirect_dma semaphore(%arg17 : memref<!tpu.dma_semaphore, #tpu.memory_space<semaphore_mem>>) src(%dma_wait3A_196 : memref<10000x128xf32, #tpu.memory_space<hbm>>) dst(%arg14 : memref<100x128xf32, #tpu.memory_space<vmem>>)
      %run_scoped3A_197 = arith.constant 8 : i32
      "tpu.region"() ({
        %run_scoped3A_349 = tpu.sem_alloc : memref<!tpu.dma_semaphore, #tpu.memory_space<semaphore_mem>>
        %dma_start3A_350 = arith.constant 0 : i32
        %dma_start3A_351 = tpu.memref_slice %arg11[%run_scoped3A_197, %dma_start3A_350] : memref<20x100xi32, #tpu.memory_space<vmem>> -> memref<1x100xi32, #tpu.memory_space<vmem>>
        %dma_start3A_352 = tpu.memref_squeeze %dma_start3A_351 : memref<1x100xi32, #tpu.memory_space<vmem>> -> memref<100xi32, #tpu.memory_space<vmem>>
        %dma_start3A_353 = arith.constant 0 : i32
        %dma_start3A_354 = arith.constant 0 : i32
        %dma_start3A_355 = tpu.memref_slice %arg9[%dma_start3A_353, %dma_start3A_354] : memref<10000x128xf32, #tpu.memory_space<vmem_shared>> -> memref<10000x128xf32, #tpu.memory_space<vmem_shared>>
        tpu.enqueue_indirect_dma source(%arg14 : memref<100x128xf32, #tpu.memory_space<vmem>>) target(%dma_start3A_355 : memref<10000x128xf32, #tpu.memory_space<vmem_shared>>) offsets(%dma_start3A_352 : memref<100xi32, #tpu.memory_space<vmem>>) semaphore(%run_scoped3A_349 : memref<!tpu.dma_semaphore, #tpu.memory_space<semaphore_mem>>) {add = true}
        %dma_wait3A_356 = arith.constant 0 : i32
        %dma_wait3A_357 = tpu.memref_slice %arg11[%run_scoped3A_197, %dma_wait3A_356] : memref<20x100xi32, #tpu.memory_space<vmem>> -> memref<1x100xi32, #tpu.memory_space<vmem>>
        %dma_wait3A_358 = tpu.memref_squeeze %dma_wait3A_357 : memref<1x100xi32, #tpu.memory_space<vmem>> -> memref<100xi32, #tpu.memory_space<vmem>>
        %dma_wait3A_359 = arith.constant 0 : i32
        %dma_wait3A_360 = arith.constant 0 : i32
        %dma_wait3A_361 = tpu.memref_slice %arg9[%dma_wait3A_359, %dma_wait3A_360] : memref<10000x128xf32, #tpu.memory_space<vmem_shared>> -> memref<10000x128xf32, #tpu.memory_space<vmem_shared>>
        tpu.wait_indirect_dma semaphore(%run_scoped3A_349 : memref<!tpu.dma_semaphore, #tpu.memory_space<semaphore_mem>>) src(%arg14 : memref<100x128xf32, #tpu.memory_space<vmem>>) dst(%dma_wait3A_361 : memref<10000x128xf32, #tpu.memory_space<vmem_shared>>)
        tpu.yield
      }) : () -> ()
      %dma_start3A_198 = arith.constant 11 : i32
      %dma_start3A_199 = arith.constant 0 : i32
      %dma_start3A_200 = tpu.memref_slice %arg10[%dma_start3A_198, %dma_start3A_199] : memref<20x100xi32, #tpu.memory_space<vmem>> -> memref<1x100xi32, #tpu.memory_space<vmem>>
      %dma_start3A_201 = tpu.memref_squeeze %dma_start3A_200 : memref<1x100xi32, #tpu.memory_space<vmem>> -> memref<100xi32, #tpu.memory_space<vmem>>
      %dma_start3A_202 = arith.constant 0 : i32
      %dma_start3A_203 = arith.constant 0 : i32
      %dma_start3A_204 = tpu.memref_slice %arg2[%dma_start3A_202, %dma_start3A_203] : memref<10000x128xf32, #tpu.memory_space<hbm>> -> memref<10000x128xf32, #tpu.memory_space<hbm>>
      tpu.enqueue_indirect_dma source(%dma_start3A_204 : memref<10000x128xf32, #tpu.memory_space<hbm>>) target(%arg14 : memref<100x128xf32, #tpu.memory_space<vmem>>) offsets(%dma_start3A_201 : memref<100xi32, #tpu.memory_space<vmem>>) semaphore(%arg17 : memref<!tpu.dma_semaphore, #tpu.memory_space<semaphore_mem>>)
      %dma_wait3A_205 = arith.constant 9 : i32
      %dma_wait3A_206 = arith.constant 0 : i32
      %dma_wait3A_207 = tpu.memref_slice %arg10[%dma_wait3A_205, %dma_wait3A_206] : memref<20x100xi32, #tpu.memory_space<vmem>> -> memref<1x100xi32, #tpu.memory_space<vmem>>
      %dma_wait3A_208 = tpu.memref_squeeze %dma_wait3A_207 : memref<1x100xi32, #tpu.memory_space<vmem>> -> memref<100xi32, #tpu.memory_space<vmem>>
      %dma_wait3A_209 = arith.constant 0 : i32
      %dma_wait3A_210 = arith.constant 0 : i32
      %dma_wait3A_211 = tpu.memref_slice %arg2[%dma_wait3A_209, %dma_wait3A_210] : memref<10000x128xf32, #tpu.memory_space<hbm>> -> memref<10000x128xf32, #tpu.memory_space<hbm>>
      tpu.wait_indirect_dma semaphore(%arg15 : memref<!tpu.dma_semaphore, #tpu.memory_space<semaphore_mem>>) src(%dma_wait3A_211 : memref<10000x128xf32, #tpu.memory_space<hbm>>) dst(%arg12 : memref<100x128xf32, #tpu.memory_space<vmem>>)
      %run_scoped3A_212 = arith.constant 9 : i32
      "tpu.region"() ({
        %run_scoped3A_349 = tpu.sem_alloc : memref<!tpu.dma_semaphore, #tpu.memory_space<semaphore_mem>>
        %dma_start3A_350 = arith.constant 0 : i32
        %dma_start3A_351 = tpu.memref_slice %arg11[%run_scoped3A_212, %dma_start3A_350] : memref<20x100xi32, #tpu.memory_space<vmem>> -> memref<1x100xi32, #tpu.memory_space<vmem>>
        %dma_start3A_352 = tpu.memref_squeeze %dma_start3A_351 : memref<1x100xi32, #tpu.memory_space<vmem>> -> memref<100xi32, #tpu.memory_space<vmem>>
        %dma_start3A_353 = arith.constant 0 : i32
        %dma_start3A_354 = arith.constant 0 : i32
        %dma_start3A_355 = tpu.memref_slice %arg9[%dma_start3A_353, %dma_start3A_354] : memref<10000x128xf32, #tpu.memory_space<vmem_shared>> -> memref<10000x128xf32, #tpu.memory_space<vmem_shared>>
        tpu.enqueue_indirect_dma source(%arg12 : memref<100x128xf32, #tpu.memory_space<vmem>>) target(%dma_start3A_355 : memref<10000x128xf32, #tpu.memory_space<vmem_shared>>) offsets(%dma_start3A_352 : memref<100xi32, #tpu.memory_space<vmem>>) semaphore(%run_scoped3A_349 : memref<!tpu.dma_semaphore, #tpu.memory_space<semaphore_mem>>) {add = true}
        %dma_wait3A_356 = arith.constant 0 : i32
        %dma_wait3A_357 = tpu.memref_slice %arg11[%run_scoped3A_212, %dma_wait3A_356] : memref<20x100xi32, #tpu.memory_space<vmem>> -> memref<1x100xi32, #tpu.memory_space<vmem>>
        %dma_wait3A_358 = tpu.memref_squeeze %dma_wait3A_357 : memref<1x100xi32, #tpu.memory_space<vmem>> -> memref<100xi32, #tpu.memory_space<vmem>>
        %dma_wait3A_359 = arith.constant 0 : i32
        %dma_wait3A_360 = arith.constant 0 : i32
        %dma_wait3A_361 = tpu.memref_slice %arg9[%dma_wait3A_359, %dma_wait3A_360] : memref<10000x128xf32, #tpu.memory_space<vmem_shared>> -> memref<10000x128xf32, #tpu.memory_space<vmem_shared>>
        tpu.wait_indirect_dma semaphore(%run_scoped3A_349 : memref<!tpu.dma_semaphore, #tpu.memory_space<semaphore_mem>>) src(%arg12 : memref<100x128xf32, #tpu.memory_space<vmem>>) dst(%dma_wait3A_361 : memref<10000x128xf32, #tpu.memory_space<vmem_shared>>)
        tpu.yield
      }) : () -> ()
      %dma_start3A_213 = arith.constant 12 : i32
      %dma_start3A_214 = arith.constant 0 : i32
      %dma_start3A_215 = tpu.memref_slice %arg10[%dma_start3A_213, %dma_start3A_214] : memref<20x100xi32, #tpu.memory_space<vmem>> -> memref<1x100xi32, #tpu.memory_space<vmem>>
      %dma_start3A_216 = tpu.memref_squeeze %dma_start3A_215 : memref<1x100xi32, #tpu.memory_space<vmem>> -> memref<100xi32, #tpu.memory_space<vmem>>
      %dma_start3A_217 = arith.constant 0 : i32
      %dma_start3A_218 = arith.constant 0 : i32
      %dma_start3A_219 = tpu.memref_slice %arg2[%dma_start3A_217, %dma_start3A_218] : memref<10000x128xf32, #tpu.memory_space<hbm>> -> memref<10000x128xf32, #tpu.memory_space<hbm>>
      tpu.enqueue_indirect_dma source(%dma_start3A_219 : memref<10000x128xf32, #tpu.memory_space<hbm>>) target(%arg12 : memref<100x128xf32, #tpu.memory_space<vmem>>) offsets(%dma_start3A_216 : memref<100xi32, #tpu.memory_space<vmem>>) semaphore(%arg15 : memref<!tpu.dma_semaphore, #tpu.memory_space<semaphore_mem>>)
      %dma_wait3A_220 = arith.constant 10 : i32
      %dma_wait3A_221 = arith.constant 0 : i32
      %dma_wait3A_222 = tpu.memref_slice %arg10[%dma_wait3A_220, %dma_wait3A_221] : memref<20x100xi32, #tpu.memory_space<vmem>> -> memref<1x100xi32, #tpu.memory_space<vmem>>
      %dma_wait3A_223 = tpu.memref_squeeze %dma_wait3A_222 : memref<1x100xi32, #tpu.memory_space<vmem>> -> memref<100xi32, #tpu.memory_space<vmem>>
      %dma_wait3A_224 = arith.constant 0 : i32
      %dma_wait3A_225 = arith.constant 0 : i32
      %dma_wait3A_226 = tpu.memref_slice %arg2[%dma_wait3A_224, %dma_wait3A_225] : memref<10000x128xf32, #tpu.memory_space<hbm>> -> memref<10000x128xf32, #tpu.memory_space<hbm>>
      tpu.wait_indirect_dma semaphore(%arg16 : memref<!tpu.dma_semaphore, #tpu.memory_space<semaphore_mem>>) src(%dma_wait3A_226 : memref<10000x128xf32, #tpu.memory_space<hbm>>) dst(%arg13 : memref<100x128xf32, #tpu.memory_space<vmem>>)
      %run_scoped3A_227 = arith.constant 10 : i32
      "tpu.region"() ({
        %run_scoped3A_349 = tpu.sem_alloc : memref<!tpu.dma_semaphore, #tpu.memory_space<semaphore_mem>>
        %dma_start3A_350 = arith.constant 0 : i32
        %dma_start3A_351 = tpu.memref_slice %arg11[%run_scoped3A_227, %dma_start3A_350] : memref<20x100xi32, #tpu.memory_space<vmem>> -> memref<1x100xi32, #tpu.memory_space<vmem>>
        %dma_start3A_352 = tpu.memref_squeeze %dma_start3A_351 : memref<1x100xi32, #tpu.memory_space<vmem>> -> memref<100xi32, #tpu.memory_space<vmem>>
        %dma_start3A_353 = arith.constant 0 : i32
        %dma_start3A_354 = arith.constant 0 : i32
        %dma_start3A_355 = tpu.memref_slice %arg9[%dma_start3A_353, %dma_start3A_354] : memref<10000x128xf32, #tpu.memory_space<vmem_shared>> -> memref<10000x128xf32, #tpu.memory_space<vmem_shared>>
        tpu.enqueue_indirect_dma source(%arg13 : memref<100x128xf32, #tpu.memory_space<vmem>>) target(%dma_start3A_355 : memref<10000x128xf32, #tpu.memory_space<vmem_shared>>) offsets(%dma_start3A_352 : memref<100xi32, #tpu.memory_space<vmem>>) semaphore(%run_scoped3A_349 : memref<!tpu.dma_semaphore, #tpu.memory_space<semaphore_mem>>) {add = true}
        %dma_wait3A_356 = arith.constant 0 : i32
        %dma_wait3A_357 = tpu.memref_slice %arg11[%run_scoped3A_227, %dma_wait3A_356] : memref<20x100xi32, #tpu.memory_space<vmem>> -> memref<1x100xi32, #tpu.memory_space<vmem>>
        %dma_wait3A_358 = tpu.memref_squeeze %dma_wait3A_357 : memref<1x100xi32, #tpu.memory_space<vmem>> -> memref<100xi32, #tpu.memory_space<vmem>>
        %dma_wait3A_359 = arith.constant 0 : i32
        %dma_wait3A_360 = arith.constant 0 : i32
        %dma_wait3A_361 = tpu.memref_slice %arg9[%dma_wait3A_359, %dma_wait3A_360] : memref<10000x128xf32, #tpu.memory_space<vmem_shared>> -> memref<10000x128xf32, #tpu.memory_space<vmem_shared>>
        tpu.wait_indirect_dma semaphore(%run_scoped3A_349 : memref<!tpu.dma_semaphore, #tpu.memory_space<semaphore_mem>>) src(%arg13 : memref<100x128xf32, #tpu.memory_space<vmem>>) dst(%dma_wait3A_361 : memref<10000x128xf32, #tpu.memory_space<vmem_shared>>)
        tpu.yield
      }) : () -> ()
      %dma_start3A_228 = arith.constant 13 : i32
      %dma_start3A_229 = arith.constant 0 : i32
      %dma_start3A_230 = tpu.memref_slice %arg10[%dma_start3A_228, %dma_start3A_229] : memref<20x100xi32, #tpu.memory_space<vmem>> -> memref<1x100xi32, #tpu.memory_space<vmem>>
      %dma_start3A_231 = tpu.memref_squeeze %dma_start3A_230 : memref<1x100xi32, #tpu.memory_space<vmem>> -> memref<100xi32, #tpu.memory_space<vmem>>
      %dma_start3A_232 = arith.constant 0 : i32
      %dma_start3A_233 = arith.constant 0 : i32
      %dma_start3A_234 = tpu.memref_slice %arg2[%dma_start3A_232, %dma_start3A_233] : memref<10000x128xf32, #tpu.memory_space<hbm>> -> memref<10000x128xf32, #tpu.memory_space<hbm>>
      tpu.enqueue_indirect_dma source(%dma_start3A_234 : memref<10000x128xf32, #tpu.memory_space<hbm>>) target(%arg13 : memref<100x128xf32, #tpu.memory_space<vmem>>) offsets(%dma_start3A_231 : memref<100xi32, #tpu.memory_space<vmem>>) semaphore(%arg16 : memref<!tpu.dma_semaphore, #tpu.memory_space<semaphore_mem>>)
      %dma_wait3A_235 = arith.constant 11 : i32
      %dma_wait3A_236 = arith.constant 0 : i32
      %dma_wait3A_237 = tpu.memref_slice %arg10[%dma_wait3A_235, %dma_wait3A_236] : memref<20x100xi32, #tpu.memory_space<vmem>> -> memref<1x100xi32, #tpu.memory_space<vmem>>
      %dma_wait3A_238 = tpu.memref_squeeze %dma_wait3A_237 : memref<1x100xi32, #tpu.memory_space<vmem>> -> memref<100xi32, #tpu.memory_space<vmem>>
      %dma_wait3A_239 = arith.constant 0 : i32
      %dma_wait3A_240 = arith.constant 0 : i32
      %dma_wait3A_241 = tpu.memref_slice %arg2[%dma_wait3A_239, %dma_wait3A_240] : memref<10000x128xf32, #tpu.memory_space<hbm>> -> memref<10000x128xf32, #tpu.memory_space<hbm>>
      tpu.wait_indirect_dma semaphore(%arg17 : memref<!tpu.dma_semaphore, #tpu.memory_space<semaphore_mem>>) src(%dma_wait3A_241 : memref<10000x128xf32, #tpu.memory_space<hbm>>) dst(%arg14 : memref<100x128xf32, #tpu.memory_space<vmem>>)
      %run_scoped3A_242 = arith.constant 11 : i32
      "tpu.region"() ({
        %run_scoped3A_349 = tpu.sem_alloc : memref<!tpu.dma_semaphore, #tpu.memory_space<semaphore_mem>>
        %dma_start3A_350 = arith.constant 0 : i32
        %dma_start3A_351 = tpu.memref_slice %arg11[%run_scoped3A_242, %dma_start3A_350] : memref<20x100xi32, #tpu.memory_space<vmem>> -> memref<1x100xi32, #tpu.memory_space<vmem>>
        %dma_start3A_352 = tpu.memref_squeeze %dma_start3A_351 : memref<1x100xi32, #tpu.memory_space<vmem>> -> memref<100xi32, #tpu.memory_space<vmem>>
        %dma_start3A_353 = arith.constant 0 : i32
        %dma_start3A_354 = arith.constant 0 : i32
        %dma_start3A_355 = tpu.memref_slice %arg9[%dma_start3A_353, %dma_start3A_354] : memref<10000x128xf32, #tpu.memory_space<vmem_shared>> -> memref<10000x128xf32, #tpu.memory_space<vmem_shared>>
        tpu.enqueue_indirect_dma source(%arg14 : memref<100x128xf32, #tpu.memory_space<vmem>>) target(%dma_start3A_355 : memref<10000x128xf32, #tpu.memory_space<vmem_shared>>) offsets(%dma_start3A_352 : memref<100xi32, #tpu.memory_space<vmem>>) semaphore(%run_scoped3A_349 : memref<!tpu.dma_semaphore, #tpu.memory_space<semaphore_mem>>) {add = true}
        %dma_wait3A_356 = arith.constant 0 : i32
        %dma_wait3A_357 = tpu.memref_slice %arg11[%run_scoped3A_242, %dma_wait3A_356] : memref<20x100xi32, #tpu.memory_space<vmem>> -> memref<1x100xi32, #tpu.memory_space<vmem>>
        %dma_wait3A_358 = tpu.memref_squeeze %dma_wait3A_357 : memref<1x100xi32, #tpu.memory_space<vmem>> -> memref<100xi32, #tpu.memory_space<vmem>>
        %dma_wait3A_359 = arith.constant 0 : i32
        %dma_wait3A_360 = arith.constant 0 : i32
        %dma_wait3A_361 = tpu.memref_slice %arg9[%dma_wait3A_359, %dma_wait3A_360] : memref<10000x128xf32, #tpu.memory_space<vmem_shared>> -> memref<10000x128xf32, #tpu.memory_space<vmem_shared>>
        tpu.wait_indirect_dma semaphore(%run_scoped3A_349 : memref<!tpu.dma_semaphore, #tpu.memory_space<semaphore_mem>>) src(%arg14 : memref<100x128xf32, #tpu.memory_space<vmem>>) dst(%dma_wait3A_361 : memref<10000x128xf32, #tpu.memory_space<vmem_shared>>)
        tpu.yield
      }) : () -> ()
      %dma_start3A_243 = arith.constant 14 : i32
      %dma_start3A_244 = arith.constant 0 : i32
      %dma_start3A_245 = tpu.memref_slice %arg10[%dma_start3A_243, %dma_start3A_244] : memref<20x100xi32, #tpu.memory_space<vmem>> -> memref<1x100xi32, #tpu.memory_space<vmem>>
      %dma_start3A_246 = tpu.memref_squeeze %dma_start3A_245 : memref<1x100xi32, #tpu.memory_space<vmem>> -> memref<100xi32, #tpu.memory_space<vmem>>
      %dma_start3A_247 = arith.constant 0 : i32
      %dma_start3A_248 = arith.constant 0 : i32
      %dma_start3A_249 = tpu.memref_slice %arg2[%dma_start3A_247, %dma_start3A_248] : memref<10000x128xf32, #tpu.memory_space<hbm>> -> memref<10000x128xf32, #tpu.memory_space<hbm>>
      tpu.enqueue_indirect_dma source(%dma_start3A_249 : memref<10000x128xf32, #tpu.memory_space<hbm>>) target(%arg14 : memref<100x128xf32, #tpu.memory_space<vmem>>) offsets(%dma_start3A_246 : memref<100xi32, #tpu.memory_space<vmem>>) semaphore(%arg17 : memref<!tpu.dma_semaphore, #tpu.memory_space<semaphore_mem>>)
      %dma_wait3A_250 = arith.constant 12 : i32
      %dma_wait3A_251 = arith.constant 0 : i32
      %dma_wait3A_252 = tpu.memref_slice %arg10[%dma_wait3A_250, %dma_wait3A_251] : memref<20x100xi32, #tpu.memory_space<vmem>> -> memref<1x100xi32, #tpu.memory_space<vmem>>
      %dma_wait3A_253 = tpu.memref_squeeze %dma_wait3A_252 : memref<1x100xi32, #tpu.memory_space<vmem>> -> memref<100xi32, #tpu.memory_space<vmem>>
      %dma_wait3A_254 = arith.constant 0 : i32
      %dma_wait3A_255 = arith.constant 0 : i32
      %dma_wait3A_256 = tpu.memref_slice %arg2[%dma_wait3A_254, %dma_wait3A_255] : memref<10000x128xf32, #tpu.memory_space<hbm>> -> memref<10000x128xf32, #tpu.memory_space<hbm>>
      tpu.wait_indirect_dma semaphore(%arg15 : memref<!tpu.dma_semaphore, #tpu.memory_space<semaphore_mem>>) src(%dma_wait3A_256 : memref<10000x128xf32, #tpu.memory_space<hbm>>) dst(%arg12 : memref<100x128xf32, #tpu.memory_space<vmem>>)
      %run_scoped3A_257 = arith.constant 12 : i32
      "tpu.region"() ({
        %run_scoped3A_349 = tpu.sem_alloc : memref<!tpu.dma_semaphore, #tpu.memory_space<semaphore_mem>>
        %dma_start3A_350 = arith.constant 0 : i32
        %dma_start3A_351 = tpu.memref_slice %arg11[%run_scoped3A_257, %dma_start3A_350] : memref<20x100xi32, #tpu.memory_space<vmem>> -> memref<1x100xi32, #tpu.memory_space<vmem>>
        %dma_start3A_352 = tpu.memref_squeeze %dma_start3A_351 : memref<1x100xi32, #tpu.memory_space<vmem>> -> memref<100xi32, #tpu.memory_space<vmem>>
        %dma_start3A_353 = arith.constant 0 : i32
        %dma_start3A_354 = arith.constant 0 : i32
        %dma_start3A_355 = tpu.memref_slice %arg9[%dma_start3A_353, %dma_start3A_354] : memref<10000x128xf32, #tpu.memory_space<vmem_shared>> -> memref<10000x128xf32, #tpu.memory_space<vmem_shared>>
        tpu.enqueue_indirect_dma source(%arg12 : memref<100x128xf32, #tpu.memory_space<vmem>>) target(%dma_start3A_355 : memref<10000x128xf32, #tpu.memory_space<vmem_shared>>) offsets(%dma_start3A_352 : memref<100xi32, #tpu.memory_space<vmem>>) semaphore(%run_scoped3A_349 : memref<!tpu.dma_semaphore, #tpu.memory_space<semaphore_mem>>) {add = true}
        %dma_wait3A_356 = arith.constant 0 : i32
        %dma_wait3A_357 = tpu.memref_slice %arg11[%run_scoped3A_257, %dma_wait3A_356] : memref<20x100xi32, #tpu.memory_space<vmem>> -> memref<1x100xi32, #tpu.memory_space<vmem>>
        %dma_wait3A_358 = tpu.memref_squeeze %dma_wait3A_357 : memref<1x100xi32, #tpu.memory_space<vmem>> -> memref<100xi32, #tpu.memory_space<vmem>>
        %dma_wait3A_359 = arith.constant 0 : i32
        %dma_wait3A_360 = arith.constant 0 : i32
        %dma_wait3A_361 = tpu.memref_slice %arg9[%dma_wait3A_359, %dma_wait3A_360] : memref<10000x128xf32, #tpu.memory_space<vmem_shared>> -> memref<10000x128xf32, #tpu.memory_space<vmem_shared>>
        tpu.wait_indirect_dma semaphore(%run_scoped3A_349 : memref<!tpu.dma_semaphore, #tpu.memory_space<semaphore_mem>>) src(%arg12 : memref<100x128xf32, #tpu.memory_space<vmem>>) dst(%dma_wait3A_361 : memref<10000x128xf32, #tpu.memory_space<vmem_shared>>)
        tpu.yield
      }) : () -> ()
      %dma_start3A_258 = arith.constant 15 : i32
      %dma_start3A_259 = arith.constant 0 : i32
      %dma_start3A_260 = tpu.memref_slice %arg10[%dma_start3A_258, %dma_start3A_259] : memref<20x100xi32, #tpu.memory_space<vmem>> -> memref<1x100xi32, #tpu.memory_space<vmem>>
      %dma_start3A_261 = tpu.memref_squeeze %dma_start3A_260 : memref<1x100xi32, #tpu.memory_space<vmem>> -> memref<100xi32, #tpu.memory_space<vmem>>
      %dma_start3A_262 = arith.constant 0 : i32
      %dma_start3A_263 = arith.constant 0 : i32
      %dma_start3A_264 = tpu.memref_slice %arg2[%dma_start3A_262, %dma_start3A_263] : memref<10000x128xf32, #tpu.memory_space<hbm>> -> memref<10000x128xf32, #tpu.memory_space<hbm>>
      tpu.enqueue_indirect_dma source(%dma_start3A_264 : memref<10000x128xf32, #tpu.memory_space<hbm>>) target(%arg12 : memref<100x128xf32, #tpu.memory_space<vmem>>) offsets(%dma_start3A_261 : memref<100xi32, #tpu.memory_space<vmem>>) semaphore(%arg15 : memref<!tpu.dma_semaphore, #tpu.memory_space<semaphore_mem>>)
      %dma_wait3A_265 = arith.constant 13 : i32
      %dma_wait3A_266 = arith.constant 0 : i32
      %dma_wait3A_267 = tpu.memref_slice %arg10[%dma_wait3A_265, %dma_wait3A_266] : memref<20x100xi32, #tpu.memory_space<vmem>> -> memref<1x100xi32, #tpu.memory_space<vmem>>
      %dma_wait3A_268 = tpu.memref_squeeze %dma_wait3A_267 : memref<1x100xi32, #tpu.memory_space<vmem>> -> memref<100xi32, #tpu.memory_space<vmem>>
      %dma_wait3A_269 = arith.constant 0 : i32
      %dma_wait3A_270 = arith.constant 0 : i32
      %dma_wait3A_271 = tpu.memref_slice %arg2[%dma_wait3A_269, %dma_wait3A_270] : memref<10000x128xf32, #tpu.memory_space<hbm>> -> memref<10000x128xf32, #tpu.memory_space<hbm>>
      tpu.wait_indirect_dma semaphore(%arg16 : memref<!tpu.dma_semaphore, #tpu.memory_space<semaphore_mem>>) src(%dma_wait3A_271 : memref<10000x128xf32, #tpu.memory_space<hbm>>) dst(%arg13 : memref<100x128xf32, #tpu.memory_space<vmem>>)
      %run_scoped3A_272 = arith.constant 13 : i32
      "tpu.region"() ({
        %run_scoped3A_349 = tpu.sem_alloc : memref<!tpu.dma_semaphore, #tpu.memory_space<semaphore_mem>>
        %dma_start3A_350 = arith.constant 0 : i32
        %dma_start3A_351 = tpu.memref_slice %arg11[%run_scoped3A_272, %dma_start3A_350] : memref<20x100xi32, #tpu.memory_space<vmem>> -> memref<1x100xi32, #tpu.memory_space<vmem>>
        %dma_start3A_352 = tpu.memref_squeeze %dma_start3A_351 : memref<1x100xi32, #tpu.memory_space<vmem>> -> memref<100xi32, #tpu.memory_space<vmem>>
        %dma_start3A_353 = arith.constant 0 : i32
        %dma_start3A_354 = arith.constant 0 : i32
        %dma_start3A_355 = tpu.memref_slice %arg9[%dma_start3A_353, %dma_start3A_354] : memref<10000x128xf32, #tpu.memory_space<vmem_shared>> -> memref<10000x128xf32, #tpu.memory_space<vmem_shared>>
        tpu.enqueue_indirect_dma source(%arg13 : memref<100x128xf32, #tpu.memory_space<vmem>>) target(%dma_start3A_355 : memref<10000x128xf32, #tpu.memory_space<vmem_shared>>) offsets(%dma_start3A_352 : memref<100xi32, #tpu.memory_space<vmem>>) semaphore(%run_scoped3A_349 : memref<!tpu.dma_semaphore, #tpu.memory_space<semaphore_mem>>) {add = true}
        %dma_wait3A_356 = arith.constant 0 : i32
        %dma_wait3A_357 = tpu.memref_slice %arg11[%run_scoped3A_272, %dma_wait3A_356] : memref<20x100xi32, #tpu.memory_space<vmem>> -> memref<1x100xi32, #tpu.memory_space<vmem>>
        %dma_wait3A_358 = tpu.memref_squeeze %dma_wait3A_357 : memref<1x100xi32, #tpu.memory_space<vmem>> -> memref<100xi32, #tpu.memory_space<vmem>>
        %dma_wait3A_359 = arith.constant 0 : i32
        %dma_wait3A_360 = arith.constant 0 : i32
        %dma_wait3A_361 = tpu.memref_slice %arg9[%dma_wait3A_359, %dma_wait3A_360] : memref<10000x128xf32, #tpu.memory_space<vmem_shared>> -> memref<10000x128xf32, #tpu.memory_space<vmem_shared>>
        tpu.wait_indirect_dma semaphore(%run_scoped3A_349 : memref<!tpu.dma_semaphore, #tpu.memory_space<semaphore_mem>>) src(%arg13 : memref<100x128xf32, #tpu.memory_space<vmem>>) dst(%dma_wait3A_361 : memref<10000x128xf32, #tpu.memory_space<vmem_shared>>)
        tpu.yield
      }) : () -> ()
      %dma_start3A_273 = arith.constant 16 : i32
      %dma_start3A_274 = arith.constant 0 : i32
      %dma_start3A_275 = tpu.memref_slice %arg10[%dma_start3A_273, %dma_start3A_274] : memref<20x100xi32, #tpu.memory_space<vmem>> -> memref<1x100xi32, #tpu.memory_space<vmem>>
      %dma_start3A_276 = tpu.memref_squeeze %dma_start3A_275 : memref<1x100xi32, #tpu.memory_space<vmem>> -> memref<100xi32, #tpu.memory_space<vmem>>
      %dma_start3A_277 = arith.constant 0 : i32
      %dma_start3A_278 = arith.constant 0 : i32
      %dma_start3A_279 = tpu.memref_slice %arg2[%dma_start3A_277, %dma_start3A_278] : memref<10000x128xf32, #tpu.memory_space<hbm>> -> memref<10000x128xf32, #tpu.memory_space<hbm>>
      tpu.enqueue_indirect_dma source(%dma_start3A_279 : memref<10000x128xf32, #tpu.memory_space<hbm>>) target(%arg13 : memref<100x128xf32, #tpu.memory_space<vmem>>) offsets(%dma_start3A_276 : memref<100xi32, #tpu.memory_space<vmem>>) semaphore(%arg16 : memref<!tpu.dma_semaphore, #tpu.memory_space<semaphore_mem>>)
      %dma_wait3A_280 = arith.constant 14 : i32
      %dma_wait3A_281 = arith.constant 0 : i32
      %dma_wait3A_282 = tpu.memref_slice %arg10[%dma_wait3A_280, %dma_wait3A_281] : memref<20x100xi32, #tpu.memory_space<vmem>> -> memref<1x100xi32, #tpu.memory_space<vmem>>
      %dma_wait3A_283 = tpu.memref_squeeze %dma_wait3A_282 : memref<1x100xi32, #tpu.memory_space<vmem>> -> memref<100xi32, #tpu.memory_space<vmem>>
      %dma_wait3A_284 = arith.constant 0 : i32
      %dma_wait3A_285 = arith.constant 0 : i32
      %dma_wait3A_286 = tpu.memref_slice %arg2[%dma_wait3A_284, %dma_wait3A_285] : memref<10000x128xf32, #tpu.memory_space<hbm>> -> memref<10000x128xf32, #tpu.memory_space<hbm>>
      tpu.wait_indirect_dma semaphore(%arg17 : memref<!tpu.dma_semaphore, #tpu.memory_space<semaphore_mem>>) src(%dma_wait3A_286 : memref<10000x128xf32, #tpu.memory_space<hbm>>) dst(%arg14 : memref<100x128xf32, #tpu.memory_space<vmem>>)
      %run_scoped3A_287 = arith.constant 14 : i32
      "tpu.region"() ({
        %run_scoped3A_349 = tpu.sem_alloc : memref<!tpu.dma_semaphore, #tpu.memory_space<semaphore_mem>>
        %dma_start3A_350 = arith.constant 0 : i32
        %dma_start3A_351 = tpu.memref_slice %arg11[%run_scoped3A_287, %dma_start3A_350] : memref<20x100xi32, #tpu.memory_space<vmem>> -> memref<1x100xi32, #tpu.memory_space<vmem>>
        %dma_start3A_352 = tpu.memref_squeeze %dma_start3A_351 : memref<1x100xi32, #tpu.memory_space<vmem>> -> memref<100xi32, #tpu.memory_space<vmem>>
        %dma_start3A_353 = arith.constant 0 : i32
        %dma_start3A_354 = arith.constant 0 : i32
        %dma_start3A_355 = tpu.memref_slice %arg9[%dma_start3A_353, %dma_start3A_354] : memref<10000x128xf32, #tpu.memory_space<vmem_shared>> -> memref<10000x128xf32, #tpu.memory_space<vmem_shared>>
        tpu.enqueue_indirect_dma source(%arg14 : memref<100x128xf32, #tpu.memory_space<vmem>>) target(%dma_start3A_355 : memref<10000x128xf32, #tpu.memory_space<vmem_shared>>) offsets(%dma_start3A_352 : memref<100xi32, #tpu.memory_space<vmem>>) semaphore(%run_scoped3A_349 : memref<!tpu.dma_semaphore, #tpu.memory_space<semaphore_mem>>) {add = true}
        %dma_wait3A_356 = arith.constant 0 : i32
        %dma_wait3A_357 = tpu.memref_slice %arg11[%run_scoped3A_287, %dma_wait3A_356] : memref<20x100xi32, #tpu.memory_space<vmem>> -> memref<1x100xi32, #tpu.memory_space<vmem>>
        %dma_wait3A_358 = tpu.memref_squeeze %dma_wait3A_357 : memref<1x100xi32, #tpu.memory_space<vmem>> -> memref<100xi32, #tpu.memory_space<vmem>>
        %dma_wait3A_359 = arith.constant 0 : i32
        %dma_wait3A_360 = arith.constant 0 : i32
        %dma_wait3A_361 = tpu.memref_slice %arg9[%dma_wait3A_359, %dma_wait3A_360] : memref<10000x128xf32, #tpu.memory_space<vmem_shared>> -> memref<10000x128xf32, #tpu.memory_space<vmem_shared>>
        tpu.wait_indirect_dma semaphore(%run_scoped3A_349 : memref<!tpu.dma_semaphore, #tpu.memory_space<semaphore_mem>>) src(%arg14 : memref<100x128xf32, #tpu.memory_space<vmem>>) dst(%dma_wait3A_361 : memref<10000x128xf32, #tpu.memory_space<vmem_shared>>)
        tpu.yield
      }) : () -> ()
      %dma_start3A_288 = arith.constant 17 : i32
      %dma_start3A_289 = arith.constant 0 : i32
      %dma_start3A_290 = tpu.memref_slice %arg10[%dma_start3A_288, %dma_start3A_289] : memref<20x100xi32, #tpu.memory_space<vmem>> -> memref<1x100xi32, #tpu.memory_space<vmem>>
      %dma_start3A_291 = tpu.memref_squeeze %dma_start3A_290 : memref<1x100xi32, #tpu.memory_space<vmem>> -> memref<100xi32, #tpu.memory_space<vmem>>
      %dma_start3A_292 = arith.constant 0 : i32
      %dma_start3A_293 = arith.constant 0 : i32
      %dma_start3A_294 = tpu.memref_slice %arg2[%dma_start3A_292, %dma_start3A_293] : memref<10000x128xf32, #tpu.memory_space<hbm>> -> memref<10000x128xf32, #tpu.memory_space<hbm>>
      tpu.enqueue_indirect_dma source(%dma_start3A_294 : memref<10000x128xf32, #tpu.memory_space<hbm>>) target(%arg14 : memref<100x128xf32, #tpu.memory_space<vmem>>) offsets(%dma_start3A_291 : memref<100xi32, #tpu.memory_space<vmem>>) semaphore(%arg17 : memref<!tpu.dma_semaphore, #tpu.memory_space<semaphore_mem>>)
      %dma_wait3A_295 = arith.constant 15 : i32
      %dma_wait3A_296 = arith.constant 0 : i32
      %dma_wait3A_297 = tpu.memref_slice %arg10[%dma_wait3A_295, %dma_wait3A_296] : memref<20x100xi32, #tpu.memory_space<vmem>> -> memref<1x100xi32, #tpu.memory_space<vmem>>
      %dma_wait3A_298 = tpu.memref_squeeze %dma_wait3A_297 : memref<1x100xi32, #tpu.memory_space<vmem>> -> memref<100xi32, #tpu.memory_space<vmem>>
      %dma_wait3A_299 = arith.constant 0 : i32
      %dma_wait3A_300 = arith.constant 0 : i32
      %dma_wait3A_301 = tpu.memref_slice %arg2[%dma_wait3A_299, %dma_wait3A_300] : memref<10000x128xf32, #tpu.memory_space<hbm>> -> memref<10000x128xf32, #tpu.memory_space<hbm>>
      tpu.wait_indirect_dma semaphore(%arg15 : memref<!tpu.dma_semaphore, #tpu.memory_space<semaphore_mem>>) src(%dma_wait3A_301 : memref<10000x128xf32, #tpu.memory_space<hbm>>) dst(%arg12 : memref<100x128xf32, #tpu.memory_space<vmem>>)
      %run_scoped3A_302 = arith.constant 15 : i32
      "tpu.region"() ({
        %run_scoped3A_349 = tpu.sem_alloc : memref<!tpu.dma_semaphore, #tpu.memory_space<semaphore_mem>>
        %dma_start3A_350 = arith.constant 0 : i32
        %dma_start3A_351 = tpu.memref_slice %arg11[%run_scoped3A_302, %dma_start3A_350] : memref<20x100xi32, #tpu.memory_space<vmem>> -> memref<1x100xi32, #tpu.memory_space<vmem>>
        %dma_start3A_352 = tpu.memref_squeeze %dma_start3A_351 : memref<1x100xi32, #tpu.memory_space<vmem>> -> memref<100xi32, #tpu.memory_space<vmem>>
        %dma_start3A_353 = arith.constant 0 : i32
        %dma_start3A_354 = arith.constant 0 : i32
        %dma_start3A_355 = tpu.memref_slice %arg9[%dma_start3A_353, %dma_start3A_354] : memref<10000x128xf32, #tpu.memory_space<vmem_shared>> -> memref<10000x128xf32, #tpu.memory_space<vmem_shared>>
        tpu.enqueue_indirect_dma source(%arg12 : memref<100x128xf32, #tpu.memory_space<vmem>>) target(%dma_start3A_355 : memref<10000x128xf32, #tpu.memory_space<vmem_shared>>) offsets(%dma_start3A_352 : memref<100xi32, #tpu.memory_space<vmem>>) semaphore(%run_scoped3A_349 : memref<!tpu.dma_semaphore, #tpu.memory_space<semaphore_mem>>) {add = true}
        %dma_wait3A_356 = arith.constant 0 : i32
        %dma_wait3A_357 = tpu.memref_slice %arg11[%run_scoped3A_302, %dma_wait3A_356] : memref<20x100xi32, #tpu.memory_space<vmem>> -> memref<1x100xi32, #tpu.memory_space<vmem>>
        %dma_wait3A_358 = tpu.memref_squeeze %dma_wait3A_357 : memref<1x100xi32, #tpu.memory_space<vmem>> -> memref<100xi32, #tpu.memory_space<vmem>>
        %dma_wait3A_359 = arith.constant 0 : i32
        %dma_wait3A_360 = arith.constant 0 : i32
        %dma_wait3A_361 = tpu.memref_slice %arg9[%dma_wait3A_359, %dma_wait3A_360] : memref<10000x128xf32, #tpu.memory_space<vmem_shared>> -> memref<10000x128xf32, #tpu.memory_space<vmem_shared>>
        tpu.wait_indirect_dma semaphore(%run_scoped3A_349 : memref<!tpu.dma_semaphore, #tpu.memory_space<semaphore_mem>>) src(%arg12 : memref<100x128xf32, #tpu.memory_space<vmem>>) dst(%dma_wait3A_361 : memref<10000x128xf32, #tpu.memory_space<vmem_shared>>)
        tpu.yield
      }) : () -> ()
      %dma_start3A_303 = arith.constant 18 : i32
      %dma_start3A_304 = arith.constant 0 : i32
      %dma_start3A_305 = tpu.memref_slice %arg10[%dma_start3A_303, %dma_start3A_304] : memref<20x100xi32, #tpu.memory_space<vmem>> -> memref<1x100xi32, #tpu.memory_space<vmem>>
      %dma_start3A_306 = tpu.memref_squeeze %dma_start3A_305 : memref<1x100xi32, #tpu.memory_space<vmem>> -> memref<100xi32, #tpu.memory_space<vmem>>
      %dma_start3A_307 = arith.constant 0 : i32
      %dma_start3A_308 = arith.constant 0 : i32
      %dma_start3A_309 = tpu.memref_slice %arg2[%dma_start3A_307, %dma_start3A_308] : memref<10000x128xf32, #tpu.memory_space<hbm>> -> memref<10000x128xf32, #tpu.memory_space<hbm>>
      tpu.enqueue_indirect_dma source(%dma_start3A_309 : memref<10000x128xf32, #tpu.memory_space<hbm>>) target(%arg12 : memref<100x128xf32, #tpu.memory_space<vmem>>) offsets(%dma_start3A_306 : memref<100xi32, #tpu.memory_space<vmem>>) semaphore(%arg15 : memref<!tpu.dma_semaphore, #tpu.memory_space<semaphore_mem>>)
      %dma_wait3A_310 = arith.constant 16 : i32
      %dma_wait3A_311 = arith.constant 0 : i32
      %dma_wait3A_312 = tpu.memref_slice %arg10[%dma_wait3A_310, %dma_wait3A_311] : memref<20x100xi32, #tpu.memory_space<vmem>> -> memref<1x100xi32, #tpu.memory_space<vmem>>
      %dma_wait3A_313 = tpu.memref_squeeze %dma_wait3A_312 : memref<1x100xi32, #tpu.memory_space<vmem>> -> memref<100xi32, #tpu.memory_space<vmem>>
      %dma_wait3A_314 = arith.constant 0 : i32
      %dma_wait3A_315 = arith.constant 0 : i32
      %dma_wait3A_316 = tpu.memref_slice %arg2[%dma_wait3A_314, %dma_wait3A_315] : memref<10000x128xf32, #tpu.memory_space<hbm>> -> memref<10000x128xf32, #tpu.memory_space<hbm>>
      tpu.wait_indirect_dma semaphore(%arg16 : memref<!tpu.dma_semaphore, #tpu.memory_space<semaphore_mem>>) src(%dma_wait3A_316 : memref<10000x128xf32, #tpu.memory_space<hbm>>) dst(%arg13 : memref<100x128xf32, #tpu.memory_space<vmem>>)
      %run_scoped3A_317 = arith.constant 16 : i32
      "tpu.region"() ({
        %run_scoped3A_349 = tpu.sem_alloc : memref<!tpu.dma_semaphore, #tpu.memory_space<semaphore_mem>>
        %dma_start3A_350 = arith.constant 0 : i32
        %dma_start3A_351 = tpu.memref_slice %arg11[%run_scoped3A_317, %dma_start3A_350] : memref<20x100xi32, #tpu.memory_space<vmem>> -> memref<1x100xi32, #tpu.memory_space<vmem>>
        %dma_start3A_352 = tpu.memref_squeeze %dma_start3A_351 : memref<1x100xi32, #tpu.memory_space<vmem>> -> memref<100xi32, #tpu.memory_space<vmem>>
        %dma_start3A_353 = arith.constant 0 : i32
        %dma_start3A_354 = arith.constant 0 : i32
        %dma_start3A_355 = tpu.memref_slice %arg9[%dma_start3A_353, %dma_start3A_354] : memref<10000x128xf32, #tpu.memory_space<vmem_shared>> -> memref<10000x128xf32, #tpu.memory_space<vmem_shared>>
        tpu.enqueue_indirect_dma source(%arg13 : memref<100x128xf32, #tpu.memory_space<vmem>>) target(%dma_start3A_355 : memref<10000x128xf32, #tpu.memory_space<vmem_shared>>) offsets(%dma_start3A_352 : memref<100xi32, #tpu.memory_space<vmem>>) semaphore(%run_scoped3A_349 : memref<!tpu.dma_semaphore, #tpu.memory_space<semaphore_mem>>) {add = true}
        %dma_wait3A_356 = arith.constant 0 : i32
        %dma_wait3A_357 = tpu.memref_slice %arg11[%run_scoped3A_317, %dma_wait3A_356] : memref<20x100xi32, #tpu.memory_space<vmem>> -> memref<1x100xi32, #tpu.memory_space<vmem>>
        %dma_wait3A_358 = tpu.memref_squeeze %dma_wait3A_357 : memref<1x100xi32, #tpu.memory_space<vmem>> -> memref<100xi32, #tpu.memory_space<vmem>>
        %dma_wait3A_359 = arith.constant 0 : i32
        %dma_wait3A_360 = arith.constant 0 : i32
        %dma_wait3A_361 = tpu.memref_slice %arg9[%dma_wait3A_359, %dma_wait3A_360] : memref<10000x128xf32, #tpu.memory_space<vmem_shared>> -> memref<10000x128xf32, #tpu.memory_space<vmem_shared>>
        tpu.wait_indirect_dma semaphore(%run_scoped3A_349 : memref<!tpu.dma_semaphore, #tpu.memory_space<semaphore_mem>>) src(%arg13 : memref<100x128xf32, #tpu.memory_space<vmem>>) dst(%dma_wait3A_361 : memref<10000x128xf32, #tpu.memory_space<vmem_shared>>)
        tpu.yield
      }) : () -> ()
      %dma_start3A_318 = arith.constant 19 : i32
      %dma_start3A_319 = arith.constant 0 : i32
      %dma_start3A_320 = tpu.memref_slice %arg10[%dma_start3A_318, %dma_start3A_319] : memref<20x100xi32, #tpu.memory_space<vmem>> -> memref<1x100xi32, #tpu.memory_space<vmem>>
      %dma_start3A_321 = tpu.memref_squeeze %dma_start3A_320 : memref<1x100xi32, #tpu.memory_space<vmem>> -> memref<100xi32, #tpu.memory_space<vmem>>
      %dma_start3A_322 = arith.constant 0 : i32
      %dma_start3A_323 = arith.constant 0 : i32
      %dma_start3A_324 = tpu.memref_slice %arg2[%dma_start3A_322, %dma_start3A_323] : memref<10000x128xf32, #tpu.memory_space<hbm>> -> memref<10000x128xf32, #tpu.memory_space<hbm>>
      tpu.enqueue_indirect_dma source(%dma_start3A_324 : memref<10000x128xf32, #tpu.memory_space<hbm>>) target(%arg13 : memref<100x128xf32, #tpu.memory_space<vmem>>) offsets(%dma_start3A_321 : memref<100xi32, #tpu.memory_space<vmem>>) semaphore(%arg16 : memref<!tpu.dma_semaphore, #tpu.memory_space<semaphore_mem>>)
      %dma_wait3A_325 = arith.constant 17 : i32
      %dma_wait3A_326 = arith.constant 0 : i32
      %dma_wait3A_327 = tpu.memref_slice %arg10[%dma_wait3A_325, %dma_wait3A_326] : memref<20x100xi32, #tpu.memory_space<vmem>> -> memref<1x100xi32, #tpu.memory_space<vmem>>
      %dma_wait3A_328 = tpu.memref_squeeze %dma_wait3A_327 : memref<1x100xi32, #tpu.memory_space<vmem>> -> memref<100xi32, #tpu.memory_space<vmem>>
      %dma_wait3A_329 = arith.constant 0 : i32
      %dma_wait3A_330 = arith.constant 0 : i32
      %dma_wait3A_331 = tpu.memref_slice %arg2[%dma_wait3A_329, %dma_wait3A_330] : memref<10000x128xf32, #tpu.memory_space<hbm>> -> memref<10000x128xf32, #tpu.memory_space<hbm>>
      tpu.wait_indirect_dma semaphore(%arg17 : memref<!tpu.dma_semaphore, #tpu.memory_space<semaphore_mem>>) src(%dma_wait3A_331 : memref<10000x128xf32, #tpu.memory_space<hbm>>) dst(%arg14 : memref<100x128xf32, #tpu.memory_space<vmem>>)
      %run_scoped3A_332 = arith.constant 17 : i32
      "tpu.region"() ({
        %run_scoped3A_349 = tpu.sem_alloc : memref<!tpu.dma_semaphore, #tpu.memory_space<semaphore_mem>>
        %dma_start3A_350 = arith.constant 0 : i32
        %dma_start3A_351 = tpu.memref_slice %arg11[%run_scoped3A_332, %dma_start3A_350] : memref<20x100xi32, #tpu.memory_space<vmem>> -> memref<1x100xi32, #tpu.memory_space<vmem>>
        %dma_start3A_352 = tpu.memref_squeeze %dma_start3A_351 : memref<1x100xi32, #tpu.memory_space<vmem>> -> memref<100xi32, #tpu.memory_space<vmem>>
        %dma_start3A_353 = arith.constant 0 : i32
        %dma_start3A_354 = arith.constant 0 : i32
        %dma_start3A_355 = tpu.memref_slice %arg9[%dma_start3A_353, %dma_start3A_354] : memref<10000x128xf32, #tpu.memory_space<vmem_shared>> -> memref<10000x128xf32, #tpu.memory_space<vmem_shared>>
        tpu.enqueue_indirect_dma source(%arg14 : memref<100x128xf32, #tpu.memory_space<vmem>>) target(%dma_start3A_355 : memref<10000x128xf32, #tpu.memory_space<vmem_shared>>) offsets(%dma_start3A_352 : memref<100xi32, #tpu.memory_space<vmem>>) semaphore(%run_scoped3A_349 : memref<!tpu.dma_semaphore, #tpu.memory_space<semaphore_mem>>) {add = true}
        %dma_wait3A_356 = arith.constant 0 : i32
        %dma_wait3A_357 = tpu.memref_slice %arg11[%run_scoped3A_332, %dma_wait3A_356] : memref<20x100xi32, #tpu.memory_space<vmem>> -> memref<1x100xi32, #tpu.memory_space<vmem>>
        %dma_wait3A_358 = tpu.memref_squeeze %dma_wait3A_357 : memref<1x100xi32, #tpu.memory_space<vmem>> -> memref<100xi32, #tpu.memory_space<vmem>>
        %dma_wait3A_359 = arith.constant 0 : i32
        %dma_wait3A_360 = arith.constant 0 : i32
        %dma_wait3A_361 = tpu.memref_slice %arg9[%dma_wait3A_359, %dma_wait3A_360] : memref<10000x128xf32, #tpu.memory_space<vmem_shared>> -> memref<10000x128xf32, #tpu.memory_space<vmem_shared>>
        tpu.wait_indirect_dma semaphore(%run_scoped3A_349 : memref<!tpu.dma_semaphore, #tpu.memory_space<semaphore_mem>>) src(%arg14 : memref<100x128xf32, #tpu.memory_space<vmem>>) dst(%dma_wait3A_361 : memref<10000x128xf32, #tpu.memory_space<vmem_shared>>)
        tpu.yield
      }) : () -> ()
      %dma_wait3A_333 = arith.constant 18 : i32
      %dma_wait3A_334 = arith.constant 0 : i32
      %dma_wait3A_335 = tpu.memref_slice %arg10[%dma_wait3A_333, %dma_wait3A_334] : memref<20x100xi32, #tpu.memory_space<vmem>> -> memref<1x100xi32, #tpu.memory_space<vmem>>
      %dma_wait3A_336 = tpu.memref_squeeze %dma_wait3A_335 : memref<1x100xi32, #tpu.memory_space<vmem>> -> memref<100xi32, #tpu.memory_space<vmem>>
      %dma_wait3A_337 = arith.constant 0 : i32
      %dma_wait3A_338 = arith.constant 0 : i32
      %dma_wait3A_339 = tpu.memref_slice %arg2[%dma_wait3A_337, %dma_wait3A_338] : memref<10000x128xf32, #tpu.memory_space<hbm>> -> memref<10000x128xf32, #tpu.memory_space<hbm>>
      tpu.wait_indirect_dma semaphore(%arg15 : memref<!tpu.dma_semaphore, #tpu.memory_space<semaphore_mem>>) src(%dma_wait3A_339 : memref<10000x128xf32, #tpu.memory_space<hbm>>) dst(%arg12 : memref<100x128xf32, #tpu.memory_space<vmem>>)
      %run_scoped3A_340 = arith.constant 18 : i32
      "tpu.region"() ({
        %run_scoped3A_349 = tpu.sem_alloc : memref<!tpu.dma_semaphore, #tpu.memory_space<semaphore_mem>>
        %dma_start3A_350 = arith.constant 0 : i32
        %dma_start3A_351 = tpu.memref_slice %arg11[%run_scoped3A_340, %dma_start3A_350] : memref<20x100xi32, #tpu.memory_space<vmem>> -> memref<1x100xi32, #tpu.memory_space<vmem>>
        %dma_start3A_352 = tpu.memref_squeeze %dma_start3A_351 : memref<1x100xi32, #tpu.memory_space<vmem>> -> memref<100xi32, #tpu.memory_space<vmem>>
        %dma_start3A_353 = arith.constant 0 : i32
        %dma_start3A_354 = arith.constant 0 : i32
        %dma_start3A_355 = tpu.memref_slice %arg9[%dma_start3A_353, %dma_start3A_354] : memref<10000x128xf32, #tpu.memory_space<vmem_shared>> -> memref<10000x128xf32, #tpu.memory_space<vmem_shared>>
        tpu.enqueue_indirect_dma source(%arg12 : memref<100x128xf32, #tpu.memory_space<vmem>>) target(%dma_start3A_355 : memref<10000x128xf32, #tpu.memory_space<vmem_shared>>) offsets(%dma_start3A_352 : memref<100xi32, #tpu.memory_space<vmem>>) semaphore(%run_scoped3A_349 : memref<!tpu.dma_semaphore, #tpu.memory_space<semaphore_mem>>) {add = true}
        %dma_wait3A_356 = arith.constant 0 : i32
        %dma_wait3A_357 = tpu.memref_slice %arg11[%run_scoped3A_340, %dma_wait3A_356] : memref<20x100xi32, #tpu.memory_space<vmem>> -> memref<1x100xi32, #tpu.memory_space<vmem>>
        %dma_wait3A_358 = tpu.memref_squeeze %dma_wait3A_357 : memref<1x100xi32, #tpu.memory_space<vmem>> -> memref<100xi32, #tpu.memory_space<vmem>>
        %dma_wait3A_359 = arith.constant 0 : i32
        %dma_wait3A_360 = arith.constant 0 : i32
        %dma_wait3A_361 = tpu.memref_slice %arg9[%dma_wait3A_359, %dma_wait3A_360] : memref<10000x128xf32, #tpu.memory_space<vmem_shared>> -> memref<10000x128xf32, #tpu.memory_space<vmem_shared>>
        tpu.wait_indirect_dma semaphore(%run_scoped3A_349 : memref<!tpu.dma_semaphore, #tpu.memory_space<semaphore_mem>>) src(%arg12 : memref<100x128xf32, #tpu.memory_space<vmem>>) dst(%dma_wait3A_361 : memref<10000x128xf32, #tpu.memory_space<vmem_shared>>)
        tpu.yield
      }) : () -> ()
      %dma_wait3A_341 = arith.constant 19 : i32
      %dma_wait3A_342 = arith.constant 0 : i32
      %dma_wait3A_343 = tpu.memref_slice %arg10[%dma_wait3A_341, %dma_wait3A_342] : memref<20x100xi32, #tpu.memory_space<vmem>> -> memref<1x100xi32, #tpu.memory_space<vmem>>
      %dma_wait3A_344 = tpu.memref_squeeze %dma_wait3A_343 : memref<1x100xi32, #tpu.memory_space<vmem>> -> memref<100xi32, #tpu.memory_space<vmem>>
      %dma_wait3A_345 = arith.constant 0 : i32
      %dma_wait3A_346 = arith.constant 0 : i32
      %dma_wait3A_347 = tpu.memref_slice %arg2[%dma_wait3A_345, %dma_wait3A_346] : memref<10000x128xf32, #tpu.memory_space<hbm>> -> memref<10000x128xf32, #tpu.memory_space<hbm>>
      tpu.wait_indirect_dma semaphore(%arg16 : memref<!tpu.dma_semaphore, #tpu.memory_space<semaphore_mem>>) src(%dma_wait3A_347 : memref<10000x128xf32, #tpu.memory_space<hbm>>) dst(%arg13 : memref<100x128xf32, #tpu.memory_space<vmem>>)
      %run_scoped3A_348 = arith.constant 19 : i32
      "tpu.region"() ({
        %run_scoped3A_349 = tpu.sem_alloc : memref<!tpu.dma_semaphore, #tpu.memory_space<semaphore_mem>>
        %dma_start3A_350 = arith.constant 0 : i32
        %dma_start3A_351 = tpu.memref_slice %arg11[%run_scoped3A_348, %dma_start3A_350] : memref<20x100xi32, #tpu.memory_space<vmem>> -> memref<1x100xi32, #tpu.memory_space<vmem>>
        %dma_start3A_352 = tpu.memref_squeeze %dma_start3A_351 : memref<1x100xi32, #tpu.memory_space<vmem>> -> memref<100xi32, #tpu.memory_space<vmem>>
        %dma_start3A_353 = arith.constant 0 : i32
        %dma_start3A_354 = arith.constant 0 : i32
        %dma_start3A_355 = tpu.memref_slice %arg9[%dma_start3A_353, %dma_start3A_354] : memref<10000x128xf32, #tpu.memory_space<vmem_shared>> -> memref<10000x128xf32, #tpu.memory_space<vmem_shared>>
        tpu.enqueue_indirect_dma source(%arg13 : memref<100x128xf32, #tpu.memory_space<vmem>>) target(%dma_start3A_355 : memref<10000x128xf32, #tpu.memory_space<vmem_shared>>) offsets(%dma_start3A_352 : memref<100xi32, #tpu.memory_space<vmem>>) semaphore(%run_scoped3A_349 : memref<!tpu.dma_semaphore, #tpu.memory_space<semaphore_mem>>) {add = true}
        %dma_wait3A_356 = arith.constant 0 : i32
        %dma_wait3A_357 = tpu.memref_slice %arg11[%run_scoped3A_348, %dma_wait3A_356] : memref<20x100xi32, #tpu.memory_space<vmem>> -> memref<1x100xi32, #tpu.memory_space<vmem>>
        %dma_wait3A_358 = tpu.memref_squeeze %dma_wait3A_357 : memref<1x100xi32, #tpu.memory_space<vmem>> -> memref<100xi32, #tpu.memory_space<vmem>>
        %dma_wait3A_359 = arith.constant 0 : i32
        %dma_wait3A_360 = arith.constant 0 : i32
        %dma_wait3A_361 = tpu.memref_slice %arg9[%dma_wait3A_359, %dma_wait3A_360] : memref<10000x128xf32, #tpu.memory_space<vmem_shared>> -> memref<10000x128xf32, #tpu.memory_space<vmem_shared>>
        tpu.wait_indirect_dma semaphore(%run_scoped3A_349 : memref<!tpu.dma_semaphore, #tpu.memory_space<semaphore_mem>>) src(%arg13 : memref<100x128xf32, #tpu.memory_space<vmem>>) dst(%dma_wait3A_361 : memref<10000x128xf32, #tpu.memory_space<vmem_shared>>)
        tpu.yield
      }) : () -> ()
    }
    %scan3A_39 = arith.constant 5 : i32
    %barrier3A_40 = arith.constant 0 : index
    tpu.barrier barrier_id(%barrier3A_40)
    %lt3A_41 = arith.constant 15 : i32
    %lt3A_42 = arith.cmpi slt, %arg1, %lt3A_41 : i32
    %convert_element_type3A_43 = arith.extui %lt3A_42 : i1 to i32
    %cond3A_44 = arith.constant 0 : i32
    %cond3A_45 = arith.cmpi ne, %convert_element_type3A_43, %cond3A_44 : i32
    scf.if %cond3A_45 {
      %mul3A_51 = arith.constant 624 : i32
      %mul3A_52 = arith.muli %arg1, %mul3A_51 : i32
      %multiple_of3A = tpu.assume_multiple %mul3A_52, 8 : i32
      "tpu.region"() ({
        %run_scoped3A = tpu.sem_alloc : memref<!tpu.dma_semaphore, #tpu.memory_space<semaphore_mem>>
        %dma_start3A = arith.constant 0 : i32
        %dma_start3A_53 = tpu.memref_slice %arg8[%arg0, %multiple_of3A, %dma_start3A] : memref<2x10000x128xf32, #tpu.memory_space<hbm>> -> memref<1x624x128xf32, #tpu.memory_space<hbm>>
        %dma_start3A_54 = tpu.memref_squeeze %dma_start3A_53 : memref<1x624x128xf32, #tpu.memory_space<hbm>> -> memref<624x128xf32, #tpu.memory_space<hbm>>
        %dma_start3A_55 = arith.constant 0 : i32
        %dma_start3A_56 = tpu.memref_slice %arg9[%multiple_of3A, %dma_start3A_55] : memref<10000x128xf32, #tpu.memory_space<vmem_shared>> -> memref<624x128xf32, #tpu.memory_space<vmem_shared>>
        tpu.enqueue_dma source(%dma_start3A_56 : memref<624x128xf32, #tpu.memory_space<vmem_shared>>) target(%dma_start3A_54 : memref<624x128xf32, #tpu.memory_space<hbm>>) target_semaphore(%run_scoped3A : memref<!tpu.dma_semaphore, #tpu.memory_space<semaphore_mem>>)
        %dma_wait3A = arith.constant 0 : i32
        %dma_wait3A_57 = tpu.memref_slice %arg8[%arg0, %multiple_of3A, %dma_wait3A] : memref<2x10000x128xf32, #tpu.memory_space<hbm>> -> memref<1x624x128xf32, #tpu.memory_space<hbm>>
        %dma_wait3A_58 = tpu.memref_squeeze %dma_wait3A_57 : memref<1x624x128xf32, #tpu.memory_space<hbm>> -> memref<624x128xf32, #tpu.memory_space<hbm>>
        %dma_wait3A_59 = arith.constant 0 : i32
        %dma_wait3A_60 = tpu.memref_slice %arg9[%multiple_of3A, %dma_wait3A_59] : memref<10000x128xf32, #tpu.memory_space<vmem_shared>> -> memref<624x128xf32, #tpu.memory_space<vmem_shared>>
        tpu.wait_dma2 semaphore(%run_scoped3A : memref<!tpu.dma_semaphore, #tpu.memory_space<semaphore_mem>>) src(%dma_wait3A_60 : memref<624x128xf32, #tpu.memory_space<vmem_shared>>) dst(%dma_wait3A_58 : memref<624x128xf32, #tpu.memory_space<hbm>>)
        tpu.yield
      }) : () -> ()
    } else {
    }
    %eq3A_46 = arith.constant 15 : i32
    %eq3A_47 = arith.cmpi eq, %arg1, %eq3A_46 : i32
    %convert_element_type3A_48 = arith.extui %eq3A_47 : i1 to i32
    %cond3A_49 = arith.constant 0 : i32
    %cond3A_50 = arith.cmpi ne, %convert_element_type3A_48, %cond3A_49 : i32
    scf.if %cond3A_50 {
      %mul3A_51 = arith.constant 624 : i32
      %mul3A_52 = arith.muli %arg1, %mul3A_51 : i32
      %multiple_of3A = tpu.assume_multiple %mul3A_52, 8 : i32
      "tpu.region"() ({
        %run_scoped3A = tpu.sem_alloc : memref<!tpu.dma_semaphore, #tpu.memory_space<semaphore_mem>>
        %dma_start3A = arith.constant 0 : i32
        %dma_start3A_53 = tpu.memref_slice %arg8[%arg0, %multiple_of3A, %dma_start3A] : memref<2x10000x128xf32, #tpu.memory_space<hbm>> -> memref<1x640x128xf32, #tpu.memory_space<hbm>>
        %dma_start3A_54 = tpu.memref_squeeze %dma_start3A_53 : memref<1x640x128xf32, #tpu.memory_space<hbm>> -> memref<640x128xf32, #tpu.memory_space<hbm>>
        %dma_start3A_55 = arith.constant 0 : i32
        %dma_start3A_56 = tpu.memref_slice %arg9[%multiple_of3A, %dma_start3A_55] : memref<10000x128xf32, #tpu.memory_space<vmem_shared>> -> memref<640x128xf32, #tpu.memory_space<vmem_shared>>
        tpu.enqueue_dma source(%dma_start3A_56 : memref<640x128xf32, #tpu.memory_space<vmem_shared>>) target(%dma_start3A_54 : memref<640x128xf32, #tpu.memory_space<hbm>>) target_semaphore(%run_scoped3A : memref<!tpu.dma_semaphore, #tpu.memory_space<semaphore_mem>>)
        %dma_wait3A = arith.constant 0 : i32
        %dma_wait3A_57 = tpu.memref_slice %arg8[%arg0, %multiple_of3A, %dma_wait3A] : memref<2x10000x128xf32, #tpu.memory_space<hbm>> -> memref<1x640x128xf32, #tpu.memory_space<hbm>>
        %dma_wait3A_58 = tpu.memref_squeeze %dma_wait3A_57 : memref<1x640x128xf32, #tpu.memory_space<hbm>> -> memref<640x128xf32, #tpu.memory_space<hbm>>
        %dma_wait3A_59 = arith.constant 0 : i32
        %dma_wait3A_60 = tpu.memref_slice %arg9[%multiple_of3A, %dma_wait3A_59] : memref<10000x128xf32, #tpu.memory_space<vmem_shared>> -> memref<640x128xf32, #tpu.memory_space<vmem_shared>>
        tpu.wait_dma2 semaphore(%run_scoped3A : memref<!tpu.dma_semaphore, #tpu.memory_space<semaphore_mem>>) src(%dma_wait3A_60 : memref<640x128xf32, #tpu.memory_space<vmem_shared>>) dst(%dma_wait3A_58 : memref<640x128xf32, #tpu.memory_space<hbm>>)
        tpu.yield
      }) : () -> ()
    } else {
    }
    return
  }
}

#map = affine_map<(d0, d1) -> (0, 0)>
#map1 = affine_map<(d0, d1) -> (0, 0, 0, 0)>
#map2 = affine_map<(d0, d1) -> (0, 0, 0)>
module attributes {stable_mosaic.version = 14 : i64} {
  func.func @_seg_sum_body(%arg0: i32, %arg1: i32, %arg2: memref<10000x128xf32, #tpu.memory_space<hbm>>, %arg3: memref<32x5x20x100xi32, #tpu.memory_space<hbm>>, %arg4: memref<32x5x20x100xi32, #tpu.memory_space<hbm>>, %arg5: memref<10000x128xf32, #tpu.memory_space<hbm>>, %arg6: memref<2x10000x128xf32, #tpu.memory_space<hbm>>, %arg7: memref<10000x128xf32, #tpu.memory_space<vmem_shared>>, %arg8: memref<20x100xi32, #tpu.memory_space<vmem>>, %arg9: memref<20x100xi32, #tpu.memory_space<vmem>>, %arg10: memref<100x128xf32, #tpu.memory_space<vmem>>, %arg11: memref<100x128xf32, #tpu.memory_space<vmem>>, %arg12: memref<100x128xf32, #tpu.memory_space<vmem>>, %arg13: memref<!tpu.dma_semaphore, #tpu.memory_space<semaphore_mem>>, %arg14: memref<!tpu.dma_semaphore, #tpu.memory_space<semaphore_mem>>, %arg15: memref<!tpu.dma_semaphore, #tpu.memory_space<semaphore_mem>>) attributes {dimension_semantics = [#tpu.dimension_semantics<core_parallel>, #tpu.dimension_semantics<subcore_parallel>], iteration_bounds = array<i64: 2, 16>, scalar_prefetch = 0 : i64, scratch_operands = 9 : i64, tpu.core_type = #tpu.core_type<sc_vector_subcore>, window_params = [{transform_indices = #map}, {transform_indices = #map1}, {transform_indices = #map1}, {transform_indices = #map}, {transform_indices = #map2}]} {
    %mul3A = arith.constant 2 : i32
    %mul3A_0 = arith.muli %arg1, %mul3A : i32
    %add3A = arith.addi %mul3A_0, %arg0 : i32
    %lt3A = arith.constant 15 : i32
    %lt3A_1 = arith.cmpi slt, %arg1, %lt3A : i32
    %convert_element_type3A = arith.extui %lt3A_1 : i1 to i32
    %cond3A = arith.constant 0 : i32
    %cond3A_2 = arith.cmpi ne, %convert_element_type3A, %cond3A : i32
    scf.if %cond3A_2 {
      %mul3A_23 = arith.constant 624 : i32
      %mul3A_24 = arith.muli %arg1, %mul3A_23 : i32
      %multiple_of3A = tpu.assume_multiple %mul3A_24, 8 : i32
      "tpu.region"() ({
        %run_scoped3A = tpu.sem_alloc : memref<!tpu.dma_semaphore, #tpu.memory_space<semaphore_mem>>
        %dma_start3A = arith.constant 0 : i32
        %dma_start3A_25 = tpu.memref_slice %arg7[%multiple_of3A, %dma_start3A] : memref<10000x128xf32, #tpu.memory_space<vmem_shared>> -> memref<624x128xf32, #tpu.memory_space<vmem_shared>>
        %dma_start3A_26 = arith.constant 0 : i32
        %dma_start3A_27 = tpu.memref_slice %arg5[%multiple_of3A, %dma_start3A_26] : memref<10000x128xf32, #tpu.memory_space<hbm>> -> memref<624x128xf32, #tpu.memory_space<hbm>>
        tpu.enqueue_dma source(%dma_start3A_27 : memref<624x128xf32, #tpu.memory_space<hbm>>) target(%dma_start3A_25 : memref<624x128xf32, #tpu.memory_space<vmem_shared>>) target_semaphore(%run_scoped3A : memref<!tpu.dma_semaphore, #tpu.memory_space<semaphore_mem>>)
        %dma_wait3A = arith.constant 0 : i32
        %dma_wait3A_28 = tpu.memref_slice %arg7[%multiple_of3A, %dma_wait3A] : memref<10000x128xf32, #tpu.memory_space<vmem_shared>> -> memref<624x128xf32, #tpu.memory_space<vmem_shared>>
        %dma_wait3A_29 = arith.constant 0 : i32
        %dma_wait3A_30 = tpu.memref_slice %arg5[%multiple_of3A, %dma_wait3A_29] : memref<10000x128xf32, #tpu.memory_space<hbm>> -> memref<624x128xf32, #tpu.memory_space<hbm>>
        tpu.wait_dma2 semaphore(%run_scoped3A : memref<!tpu.dma_semaphore, #tpu.memory_space<semaphore_mem>>) src(%dma_wait3A_30 : memref<624x128xf32, #tpu.memory_space<hbm>>) dst(%dma_wait3A_28 : memref<624x128xf32, #tpu.memory_space<vmem_shared>>)
        tpu.yield
      }) : () -> ()
    } else {
    }
    %eq3A = arith.constant 15 : i32
    %eq3A_3 = arith.cmpi eq, %arg1, %eq3A : i32
    %convert_element_type3A_4 = arith.extui %eq3A_3 : i1 to i32
    %cond3A_5 = arith.constant 0 : i32
    %cond3A_6 = arith.cmpi ne, %convert_element_type3A_4, %cond3A_5 : i32
    scf.if %cond3A_6 {
      %mul3A_23 = arith.constant 624 : i32
      %mul3A_24 = arith.muli %arg1, %mul3A_23 : i32
      %multiple_of3A = tpu.assume_multiple %mul3A_24, 8 : i32
      "tpu.region"() ({
        %run_scoped3A = tpu.sem_alloc : memref<!tpu.dma_semaphore, #tpu.memory_space<semaphore_mem>>
        %dma_start3A = arith.constant 0 : i32
        %dma_start3A_25 = tpu.memref_slice %arg7[%multiple_of3A, %dma_start3A] : memref<10000x128xf32, #tpu.memory_space<vmem_shared>> -> memref<640x128xf32, #tpu.memory_space<vmem_shared>>
        %dma_start3A_26 = arith.constant 0 : i32
        %dma_start3A_27 = tpu.memref_slice %arg5[%multiple_of3A, %dma_start3A_26] : memref<10000x128xf32, #tpu.memory_space<hbm>> -> memref<640x128xf32, #tpu.memory_space<hbm>>
        tpu.enqueue_dma source(%dma_start3A_27 : memref<640x128xf32, #tpu.memory_space<hbm>>) target(%dma_start3A_25 : memref<640x128xf32, #tpu.memory_space<vmem_shared>>) target_semaphore(%run_scoped3A : memref<!tpu.dma_semaphore, #tpu.memory_space<semaphore_mem>>)
        %dma_wait3A = arith.constant 0 : i32
        %dma_wait3A_28 = tpu.memref_slice %arg7[%multiple_of3A, %dma_wait3A] : memref<10000x128xf32, #tpu.memory_space<vmem_shared>> -> memref<640x128xf32, #tpu.memory_space<vmem_shared>>
        %dma_wait3A_29 = arith.constant 0 : i32
        %dma_wait3A_30 = tpu.memref_slice %arg5[%multiple_of3A, %dma_wait3A_29] : memref<10000x128xf32, #tpu.memory_space<hbm>> -> memref<640x128xf32, #tpu.memory_space<hbm>>
        tpu.wait_dma2 semaphore(%run_scoped3A : memref<!tpu.dma_semaphore, #tpu.memory_space<semaphore_mem>>) src(%dma_wait3A_30 : memref<640x128xf32, #tpu.memory_space<hbm>>) dst(%dma_wait3A_28 : memref<640x128xf32, #tpu.memory_space<vmem_shared>>)
        tpu.yield
      }) : () -> ()
    } else {
    }
    %barrier3A = arith.constant 0 : index
    tpu.barrier barrier_id(%barrier3A)
    %scan3A = arith.constant 0 : i32
    %scan3A_7 = arith.constant 0 : i32
    %scan3A_8 = arith.constant 5 : i32
    %scan3A_9 = arith.addi %scan3A_7, %scan3A_8 : i32
    %scan3A_10 = arith.constant 1 : i32
    scf.for %scan3A_23 = %scan3A_7 to %scan3A_9 step %scan3A_10  : i32 {
      "tpu.region"() ({
        %run_scoped3A_321 = tpu.sem_alloc : memref<!tpu.dma_semaphore, #tpu.memory_space<semaphore_mem>>
        %dma_start3A_322 = arith.constant 0 : i32
        %dma_start3A_323 = arith.constant 0 : i32
        %dma_start3A_324 = tpu.memref_slice %arg3[%add3A, %scan3A_23, %dma_start3A_322, %dma_start3A_323] : memref<32x5x20x100xi32, #tpu.memory_space<hbm>> -> memref<1x1x20x100xi32, #tpu.memory_space<hbm>>
        %dma_start3A_325 = tpu.memref_squeeze %dma_start3A_324 : memref<1x1x20x100xi32, #tpu.memory_space<hbm>> -> memref<20x100xi32, #tpu.memory_space<hbm>>
        %dma_start3A_326 = arith.constant 0 : i32
        %dma_start3A_327 = arith.constant 0 : i32
        %dma_start3A_328 = tpu.memref_slice %arg3[%add3A, %scan3A_23, %dma_start3A_326, %dma_start3A_327] : memref<32x5x20x100xi32, #tpu.memory_space<hbm>> -> memref<1x1x20x100xi32, #tpu.memory_space<hbm>>
        %dma_start3A_329 = tpu.memref_squeeze %dma_start3A_328 : memref<1x1x20x100xi32, #tpu.memory_space<hbm>> -> memref<20x100xi32, #tpu.memory_space<hbm>>
        tpu.enqueue_dma source(%dma_start3A_329 : memref<20x100xi32, #tpu.memory_space<hbm>>) target(%arg8 : memref<20x100xi32, #tpu.memory_space<vmem>>) target_semaphore(%run_scoped3A_321 : memref<!tpu.dma_semaphore, #tpu.memory_space<semaphore_mem>>)
        %dma_wait3A_330 = arith.constant 0 : i32
        %dma_wait3A_331 = arith.constant 0 : i32
        %dma_wait3A_332 = tpu.memref_slice %arg3[%add3A, %scan3A_23, %dma_wait3A_330, %dma_wait3A_331] : memref<32x5x20x100xi32, #tpu.memory_space<hbm>> -> memref<1x1x20x100xi32, #tpu.memory_space<hbm>>
        %dma_wait3A_333 = tpu.memref_squeeze %dma_wait3A_332 : memref<1x1x20x100xi32, #tpu.memory_space<hbm>> -> memref<20x100xi32, #tpu.memory_space<hbm>>
        %dma_wait3A_334 = arith.constant 0 : i32
        %dma_wait3A_335 = arith.constant 0 : i32
        %dma_wait3A_336 = tpu.memref_slice %arg3[%add3A, %scan3A_23, %dma_wait3A_334, %dma_wait3A_335] : memref<32x5x20x100xi32, #tpu.memory_space<hbm>> -> memref<1x1x20x100xi32, #tpu.memory_space<hbm>>
        %dma_wait3A_337 = tpu.memref_squeeze %dma_wait3A_336 : memref<1x1x20x100xi32, #tpu.memory_space<hbm>> -> memref<20x100xi32, #tpu.memory_space<hbm>>
        tpu.wait_dma2 semaphore(%run_scoped3A_321 : memref<!tpu.dma_semaphore, #tpu.memory_space<semaphore_mem>>) src(%dma_wait3A_337 : memref<20x100xi32, #tpu.memory_space<hbm>>) dst(%arg8 : memref<20x100xi32, #tpu.memory_space<vmem>>)
        tpu.yield
      }) : () -> ()
      "tpu.region"() ({
        %run_scoped3A_321 = tpu.sem_alloc : memref<!tpu.dma_semaphore, #tpu.memory_space<semaphore_mem>>
        %dma_start3A_322 = arith.constant 0 : i32
        %dma_start3A_323 = arith.constant 0 : i32
        %dma_start3A_324 = tpu.memref_slice %arg4[%add3A, %scan3A_23, %dma_start3A_322, %dma_start3A_323] : memref<32x5x20x100xi32, #tpu.memory_space<hbm>> -> memref<1x1x20x100xi32, #tpu.memory_space<hbm>>
        %dma_start3A_325 = tpu.memref_squeeze %dma_start3A_324 : memref<1x1x20x100xi32, #tpu.memory_space<hbm>> -> memref<20x100xi32, #tpu.memory_space<hbm>>
        %dma_start3A_326 = arith.constant 0 : i32
        %dma_start3A_327 = arith.constant 0 : i32
        %dma_start3A_328 = tpu.memref_slice %arg4[%add3A, %scan3A_23, %dma_start3A_326, %dma_start3A_327] : memref<32x5x20x100xi32, #tpu.memory_space<hbm>> -> memref<1x1x20x100xi32, #tpu.memory_space<hbm>>
        %dma_start3A_329 = tpu.memref_squeeze %dma_start3A_328 : memref<1x1x20x100xi32, #tpu.memory_space<hbm>> -> memref<20x100xi32, #tpu.memory_space<hbm>>
        tpu.enqueue_dma source(%dma_start3A_329 : memref<20x100xi32, #tpu.memory_space<hbm>>) target(%arg9 : memref<20x100xi32, #tpu.memory_space<vmem>>) target_semaphore(%run_scoped3A_321 : memref<!tpu.dma_semaphore, #tpu.memory_space<semaphore_mem>>)
        %dma_wait3A_330 = arith.constant 0 : i32
        %dma_wait3A_331 = arith.constant 0 : i32
        %dma_wait3A_332 = tpu.memref_slice %arg4[%add3A, %scan3A_23, %dma_wait3A_330, %dma_wait3A_331] : memref<32x5x20x100xi32, #tpu.memory_space<hbm>> -> memref<1x1x20x100xi32, #tpu.memory_space<hbm>>
        %dma_wait3A_333 = tpu.memref_squeeze %dma_wait3A_332 : memref<1x1x20x100xi32, #tpu.memory_space<hbm>> -> memref<20x100xi32, #tpu.memory_space<hbm>>
        %dma_wait3A_334 = arith.constant 0 : i32
        %dma_wait3A_335 = arith.constant 0 : i32
        %dma_wait3A_336 = tpu.memref_slice %arg4[%add3A, %scan3A_23, %dma_wait3A_334, %dma_wait3A_335] : memref<32x5x20x100xi32, #tpu.memory_space<hbm>> -> memref<1x1x20x100xi32, #tpu.memory_space<hbm>>
        %dma_wait3A_337 = tpu.memref_squeeze %dma_wait3A_336 : memref<1x1x20x100xi32, #tpu.memory_space<hbm>> -> memref<20x100xi32, #tpu.memory_space<hbm>>
        tpu.wait_dma2 semaphore(%run_scoped3A_321 : memref<!tpu.dma_semaphore, #tpu.memory_space<semaphore_mem>>) src(%dma_wait3A_337 : memref<20x100xi32, #tpu.memory_space<hbm>>) dst(%arg9 : memref<20x100xi32, #tpu.memory_space<vmem>>)
        tpu.yield
      }) : () -> ()
      %dma_start3A = arith.constant 0 : i32
      %dma_start3A_24 = arith.constant 0 : i32
      %dma_start3A_25 = tpu.memref_slice %arg8[%dma_start3A, %dma_start3A_24] : memref<20x100xi32, #tpu.memory_space<vmem>> -> memref<1x100xi32, #tpu.memory_space<vmem>>
      %dma_start3A_26 = tpu.memref_squeeze %dma_start3A_25 : memref<1x100xi32, #tpu.memory_space<vmem>> -> memref<100xi32, #tpu.memory_space<vmem>>
      %dma_start3A_27 = arith.constant 0 : i32
      %dma_start3A_28 = arith.constant 0 : i32
      %dma_start3A_29 = tpu.memref_slice %arg2[%dma_start3A_27, %dma_start3A_28] : memref<10000x128xf32, #tpu.memory_space<hbm>> -> memref<10000x128xf32, #tpu.memory_space<hbm>>
      tpu.enqueue_indirect_dma source(%dma_start3A_29 : memref<10000x128xf32, #tpu.memory_space<hbm>>) target(%arg10 : memref<100x128xf32, #tpu.memory_space<vmem>>) offsets(%dma_start3A_26 : memref<100xi32, #tpu.memory_space<vmem>>) semaphore(%arg13 : memref<!tpu.dma_semaphore, #tpu.memory_space<semaphore_mem>>)
      %dma_start3A_30 = arith.constant 1 : i32
      %dma_start3A_31 = arith.constant 0 : i32
      %dma_start3A_32 = tpu.memref_slice %arg8[%dma_start3A_30, %dma_start3A_31] : memref<20x100xi32, #tpu.memory_space<vmem>> -> memref<1x100xi32, #tpu.memory_space<vmem>>
      %dma_start3A_33 = tpu.memref_squeeze %dma_start3A_32 : memref<1x100xi32, #tpu.memory_space<vmem>> -> memref<100xi32, #tpu.memory_space<vmem>>
      %dma_start3A_34 = arith.constant 0 : i32
      %dma_start3A_35 = arith.constant 0 : i32
      %dma_start3A_36 = tpu.memref_slice %arg2[%dma_start3A_34, %dma_start3A_35] : memref<10000x128xf32, #tpu.memory_space<hbm>> -> memref<10000x128xf32, #tpu.memory_space<hbm>>
      tpu.enqueue_indirect_dma source(%dma_start3A_36 : memref<10000x128xf32, #tpu.memory_space<hbm>>) target(%arg11 : memref<100x128xf32, #tpu.memory_space<vmem>>) offsets(%dma_start3A_33 : memref<100xi32, #tpu.memory_space<vmem>>) semaphore(%arg14 : memref<!tpu.dma_semaphore, #tpu.memory_space<semaphore_mem>>)
      %dma_start3A_37 = arith.constant 2 : i32
      %dma_start3A_38 = arith.constant 0 : i32
      %dma_start3A_39 = tpu.memref_slice %arg8[%dma_start3A_37, %dma_start3A_38] : memref<20x100xi32, #tpu.memory_space<vmem>> -> memref<1x100xi32, #tpu.memory_space<vmem>>
      %dma_start3A_40 = tpu.memref_squeeze %dma_start3A_39 : memref<1x100xi32, #tpu.memory_space<vmem>> -> memref<100xi32, #tpu.memory_space<vmem>>
      %dma_start3A_41 = arith.constant 0 : i32
      %dma_start3A_42 = arith.constant 0 : i32
      %dma_start3A_43 = tpu.memref_slice %arg2[%dma_start3A_41, %dma_start3A_42] : memref<10000x128xf32, #tpu.memory_space<hbm>> -> memref<10000x128xf32, #tpu.memory_space<hbm>>
      tpu.enqueue_indirect_dma source(%dma_start3A_43 : memref<10000x128xf32, #tpu.memory_space<hbm>>) target(%arg12 : memref<100x128xf32, #tpu.memory_space<vmem>>) offsets(%dma_start3A_40 : memref<100xi32, #tpu.memory_space<vmem>>) semaphore(%arg15 : memref<!tpu.dma_semaphore, #tpu.memory_space<semaphore_mem>>)
      %dma_wait3A = arith.constant 0 : i32
      %dma_wait3A_44 = arith.constant 0 : i32
      %dma_wait3A_45 = tpu.memref_slice %arg8[%dma_wait3A, %dma_wait3A_44] : memref<20x100xi32, #tpu.memory_space<vmem>> -> memref<1x100xi32, #tpu.memory_space<vmem>>
      %dma_wait3A_46 = tpu.memref_squeeze %dma_wait3A_45 : memref<1x100xi32, #tpu.memory_space<vmem>> -> memref<100xi32, #tpu.memory_space<vmem>>
      %dma_wait3A_47 = arith.constant 0 : i32
      %dma_wait3A_48 = arith.constant 0 : i32
      %dma_wait3A_49 = tpu.memref_slice %arg2[%dma_wait3A_47, %dma_wait3A_48] : memref<10000x128xf32, #tpu.memory_space<hbm>> -> memref<10000x128xf32, #tpu.memory_space<hbm>>
      tpu.wait_indirect_dma semaphore(%arg13 : memref<!tpu.dma_semaphore, #tpu.memory_space<semaphore_mem>>) src(%dma_wait3A_49 : memref<10000x128xf32, #tpu.memory_space<hbm>>) dst(%arg10 : memref<100x128xf32, #tpu.memory_space<vmem>>)
      %run_scoped3A = arith.constant 0 : i32
      "tpu.region"() ({
        %run_scoped3A_321 = tpu.sem_alloc : memref<!tpu.dma_semaphore, #tpu.memory_space<semaphore_mem>>
        %dma_start3A_322 = arith.constant 0 : i32
        %dma_start3A_323 = tpu.memref_slice %arg9[%run_scoped3A, %dma_start3A_322] : memref<20x100xi32, #tpu.memory_space<vmem>> -> memref<1x100xi32, #tpu.memory_space<vmem>>
        %dma_start3A_324 = tpu.memref_squeeze %dma_start3A_323 : memref<1x100xi32, #tpu.memory_space<vmem>> -> memref<100xi32, #tpu.memory_space<vmem>>
        %dma_start3A_325 = arith.constant 0 : i32
        %dma_start3A_326 = arith.constant 0 : i32
        %dma_start3A_327 = tpu.memref_slice %arg7[%dma_start3A_325, %dma_start3A_326] : memref<10000x128xf32, #tpu.memory_space<vmem_shared>> -> memref<10000x128xf32, #tpu.memory_space<vmem_shared>>
        tpu.enqueue_indirect_dma source(%arg10 : memref<100x128xf32, #tpu.memory_space<vmem>>) target(%dma_start3A_327 : memref<10000x128xf32, #tpu.memory_space<vmem_shared>>) offsets(%dma_start3A_324 : memref<100xi32, #tpu.memory_space<vmem>>) semaphore(%run_scoped3A_321 : memref<!tpu.dma_semaphore, #tpu.memory_space<semaphore_mem>>) {add = true}
        %dma_wait3A_328 = arith.constant 0 : i32
        %dma_wait3A_329 = tpu.memref_slice %arg9[%run_scoped3A, %dma_wait3A_328] : memref<20x100xi32, #tpu.memory_space<vmem>> -> memref<1x100xi32, #tpu.memory_space<vmem>>
        %dma_wait3A_330 = tpu.memref_squeeze %dma_wait3A_329 : memref<1x100xi32, #tpu.memory_space<vmem>> -> memref<100xi32, #tpu.memory_space<vmem>>
        %dma_wait3A_331 = arith.constant 0 : i32
        %dma_wait3A_332 = arith.constant 0 : i32
        %dma_wait3A_333 = tpu.memref_slice %arg7[%dma_wait3A_331, %dma_wait3A_332] : memref<10000x128xf32, #tpu.memory_space<vmem_shared>> -> memref<10000x128xf32, #tpu.memory_space<vmem_shared>>
        tpu.wait_indirect_dma semaphore(%run_scoped3A_321 : memref<!tpu.dma_semaphore, #tpu.memory_space<semaphore_mem>>) src(%arg10 : memref<100x128xf32, #tpu.memory_space<vmem>>) dst(%dma_wait3A_333 : memref<10000x128xf32, #tpu.memory_space<vmem_shared>>)
        tpu.yield
      }) : () -> ()
      %dma_start3A_50 = arith.constant 3 : i32
      %dma_start3A_51 = arith.constant 0 : i32
      %dma_start3A_52 = tpu.memref_slice %arg8[%dma_start3A_50, %dma_start3A_51] : memref<20x100xi32, #tpu.memory_space<vmem>> -> memref<1x100xi32, #tpu.memory_space<vmem>>
      %dma_start3A_53 = tpu.memref_squeeze %dma_start3A_52 : memref<1x100xi32, #tpu.memory_space<vmem>> -> memref<100xi32, #tpu.memory_space<vmem>>
      %dma_start3A_54 = arith.constant 0 : i32
      %dma_start3A_55 = arith.constant 0 : i32
      %dma_start3A_56 = tpu.memref_slice %arg2[%dma_start3A_54, %dma_start3A_55] : memref<10000x128xf32, #tpu.memory_space<hbm>> -> memref<10000x128xf32, #tpu.memory_space<hbm>>
      tpu.enqueue_indirect_dma source(%dma_start3A_56 : memref<10000x128xf32, #tpu.memory_space<hbm>>) target(%arg10 : memref<100x128xf32, #tpu.memory_space<vmem>>) offsets(%dma_start3A_53 : memref<100xi32, #tpu.memory_space<vmem>>) semaphore(%arg13 : memref<!tpu.dma_semaphore, #tpu.memory_space<semaphore_mem>>)
      %dma_wait3A_57 = arith.constant 1 : i32
      %dma_wait3A_58 = arith.constant 0 : i32
      %dma_wait3A_59 = tpu.memref_slice %arg8[%dma_wait3A_57, %dma_wait3A_58] : memref<20x100xi32, #tpu.memory_space<vmem>> -> memref<1x100xi32, #tpu.memory_space<vmem>>
      %dma_wait3A_60 = tpu.memref_squeeze %dma_wait3A_59 : memref<1x100xi32, #tpu.memory_space<vmem>> -> memref<100xi32, #tpu.memory_space<vmem>>
      %dma_wait3A_61 = arith.constant 0 : i32
      %dma_wait3A_62 = arith.constant 0 : i32
      %dma_wait3A_63 = tpu.memref_slice %arg2[%dma_wait3A_61, %dma_wait3A_62] : memref<10000x128xf32, #tpu.memory_space<hbm>> -> memref<10000x128xf32, #tpu.memory_space<hbm>>
      tpu.wait_indirect_dma semaphore(%arg14 : memref<!tpu.dma_semaphore, #tpu.memory_space<semaphore_mem>>) src(%dma_wait3A_63 : memref<10000x128xf32, #tpu.memory_space<hbm>>) dst(%arg11 : memref<100x128xf32, #tpu.memory_space<vmem>>)
      %run_scoped3A_64 = arith.constant 1 : i32
      "tpu.region"() ({
        %run_scoped3A_321 = tpu.sem_alloc : memref<!tpu.dma_semaphore, #tpu.memory_space<semaphore_mem>>
        %dma_start3A_322 = arith.constant 0 : i32
        %dma_start3A_323 = tpu.memref_slice %arg9[%run_scoped3A_64, %dma_start3A_322] : memref<20x100xi32, #tpu.memory_space<vmem>> -> memref<1x100xi32, #tpu.memory_space<vmem>>
        %dma_start3A_324 = tpu.memref_squeeze %dma_start3A_323 : memref<1x100xi32, #tpu.memory_space<vmem>> -> memref<100xi32, #tpu.memory_space<vmem>>
        %dma_start3A_325 = arith.constant 0 : i32
        %dma_start3A_326 = arith.constant 0 : i32
        %dma_start3A_327 = tpu.memref_slice %arg7[%dma_start3A_325, %dma_start3A_326] : memref<10000x128xf32, #tpu.memory_space<vmem_shared>> -> memref<10000x128xf32, #tpu.memory_space<vmem_shared>>
        tpu.enqueue_indirect_dma source(%arg11 : memref<100x128xf32, #tpu.memory_space<vmem>>) target(%dma_start3A_327 : memref<10000x128xf32, #tpu.memory_space<vmem_shared>>) offsets(%dma_start3A_324 : memref<100xi32, #tpu.memory_space<vmem>>) semaphore(%run_scoped3A_321 : memref<!tpu.dma_semaphore, #tpu.memory_space<semaphore_mem>>) {add = true}
        %dma_wait3A_328 = arith.constant 0 : i32
        %dma_wait3A_329 = tpu.memref_slice %arg9[%run_scoped3A_64, %dma_wait3A_328] : memref<20x100xi32, #tpu.memory_space<vmem>> -> memref<1x100xi32, #tpu.memory_space<vmem>>
        %dma_wait3A_330 = tpu.memref_squeeze %dma_wait3A_329 : memref<1x100xi32, #tpu.memory_space<vmem>> -> memref<100xi32, #tpu.memory_space<vmem>>
        %dma_wait3A_331 = arith.constant 0 : i32
        %dma_wait3A_332 = arith.constant 0 : i32
        %dma_wait3A_333 = tpu.memref_slice %arg7[%dma_wait3A_331, %dma_wait3A_332] : memref<10000x128xf32, #tpu.memory_space<vmem_shared>> -> memref<10000x128xf32, #tpu.memory_space<vmem_shared>>
        tpu.wait_indirect_dma semaphore(%run_scoped3A_321 : memref<!tpu.dma_semaphore, #tpu.memory_space<semaphore_mem>>) src(%arg11 : memref<100x128xf32, #tpu.memory_space<vmem>>) dst(%dma_wait3A_333 : memref<10000x128xf32, #tpu.memory_space<vmem_shared>>)
        tpu.yield
      }) : () -> ()
      %dma_start3A_65 = arith.constant 4 : i32
      %dma_start3A_66 = arith.constant 0 : i32
      %dma_start3A_67 = tpu.memref_slice %arg8[%dma_start3A_65, %dma_start3A_66] : memref<20x100xi32, #tpu.memory_space<vmem>> -> memref<1x100xi32, #tpu.memory_space<vmem>>
      %dma_start3A_68 = tpu.memref_squeeze %dma_start3A_67 : memref<1x100xi32, #tpu.memory_space<vmem>> -> memref<100xi32, #tpu.memory_space<vmem>>
      %dma_start3A_69 = arith.constant 0 : i32
      %dma_start3A_70 = arith.constant 0 : i32
      %dma_start3A_71 = tpu.memref_slice %arg2[%dma_start3A_69, %dma_start3A_70] : memref<10000x128xf32, #tpu.memory_space<hbm>> -> memref<10000x128xf32, #tpu.memory_space<hbm>>
      tpu.enqueue_indirect_dma source(%dma_start3A_71 : memref<10000x128xf32, #tpu.memory_space<hbm>>) target(%arg11 : memref<100x128xf32, #tpu.memory_space<vmem>>) offsets(%dma_start3A_68 : memref<100xi32, #tpu.memory_space<vmem>>) semaphore(%arg14 : memref<!tpu.dma_semaphore, #tpu.memory_space<semaphore_mem>>)
      %dma_wait3A_72 = arith.constant 2 : i32
      %dma_wait3A_73 = arith.constant 0 : i32
      %dma_wait3A_74 = tpu.memref_slice %arg8[%dma_wait3A_72, %dma_wait3A_73] : memref<20x100xi32, #tpu.memory_space<vmem>> -> memref<1x100xi32, #tpu.memory_space<vmem>>
      %dma_wait3A_75 = tpu.memref_squeeze %dma_wait3A_74 : memref<1x100xi32, #tpu.memory_space<vmem>> -> memref<100xi32, #tpu.memory_space<vmem>>
      %dma_wait3A_76 = arith.constant 0 : i32
      %dma_wait3A_77 = arith.constant 0 : i32
      %dma_wait3A_78 = tpu.memref_slice %arg2[%dma_wait3A_76, %dma_wait3A_77] : memref<10000x128xf32, #tpu.memory_space<hbm>> -> memref<10000x128xf32, #tpu.memory_space<hbm>>
      tpu.wait_indirect_dma semaphore(%arg15 : memref<!tpu.dma_semaphore, #tpu.memory_space<semaphore_mem>>) src(%dma_wait3A_78 : memref<10000x128xf32, #tpu.memory_space<hbm>>) dst(%arg12 : memref<100x128xf32, #tpu.memory_space<vmem>>)
      %run_scoped3A_79 = arith.constant 2 : i32
      "tpu.region"() ({
        %run_scoped3A_321 = tpu.sem_alloc : memref<!tpu.dma_semaphore, #tpu.memory_space<semaphore_mem>>
        %dma_start3A_322 = arith.constant 0 : i32
        %dma_start3A_323 = tpu.memref_slice %arg9[%run_scoped3A_79, %dma_start3A_322] : memref<20x100xi32, #tpu.memory_space<vmem>> -> memref<1x100xi32, #tpu.memory_space<vmem>>
        %dma_start3A_324 = tpu.memref_squeeze %dma_start3A_323 : memref<1x100xi32, #tpu.memory_space<vmem>> -> memref<100xi32, #tpu.memory_space<vmem>>
        %dma_start3A_325 = arith.constant 0 : i32
        %dma_start3A_326 = arith.constant 0 : i32
        %dma_start3A_327 = tpu.memref_slice %arg7[%dma_start3A_325, %dma_start3A_326] : memref<10000x128xf32, #tpu.memory_space<vmem_shared>> -> memref<10000x128xf32, #tpu.memory_space<vmem_shared>>
        tpu.enqueue_indirect_dma source(%arg12 : memref<100x128xf32, #tpu.memory_space<vmem>>) target(%dma_start3A_327 : memref<10000x128xf32, #tpu.memory_space<vmem_shared>>) offsets(%dma_start3A_324 : memref<100xi32, #tpu.memory_space<vmem>>) semaphore(%run_scoped3A_321 : memref<!tpu.dma_semaphore, #tpu.memory_space<semaphore_mem>>) {add = true}
        %dma_wait3A_328 = arith.constant 0 : i32
        %dma_wait3A_329 = tpu.memref_slice %arg9[%run_scoped3A_79, %dma_wait3A_328] : memref<20x100xi32, #tpu.memory_space<vmem>> -> memref<1x100xi32, #tpu.memory_space<vmem>>
        %dma_wait3A_330 = tpu.memref_squeeze %dma_wait3A_329 : memref<1x100xi32, #tpu.memory_space<vmem>> -> memref<100xi32, #tpu.memory_space<vmem>>
        %dma_wait3A_331 = arith.constant 0 : i32
        %dma_wait3A_332 = arith.constant 0 : i32
        %dma_wait3A_333 = tpu.memref_slice %arg7[%dma_wait3A_331, %dma_wait3A_332] : memref<10000x128xf32, #tpu.memory_space<vmem_shared>> -> memref<10000x128xf32, #tpu.memory_space<vmem_shared>>
        tpu.wait_indirect_dma semaphore(%run_scoped3A_321 : memref<!tpu.dma_semaphore, #tpu.memory_space<semaphore_mem>>) src(%arg12 : memref<100x128xf32, #tpu.memory_space<vmem>>) dst(%dma_wait3A_333 : memref<10000x128xf32, #tpu.memory_space<vmem_shared>>)
        tpu.yield
      }) : () -> ()
      %dma_start3A_80 = arith.constant 5 : i32
      %dma_start3A_81 = arith.constant 0 : i32
      %dma_start3A_82 = tpu.memref_slice %arg8[%dma_start3A_80, %dma_start3A_81] : memref<20x100xi32, #tpu.memory_space<vmem>> -> memref<1x100xi32, #tpu.memory_space<vmem>>
      %dma_start3A_83 = tpu.memref_squeeze %dma_start3A_82 : memref<1x100xi32, #tpu.memory_space<vmem>> -> memref<100xi32, #tpu.memory_space<vmem>>
      %dma_start3A_84 = arith.constant 0 : i32
      %dma_start3A_85 = arith.constant 0 : i32
      %dma_start3A_86 = tpu.memref_slice %arg2[%dma_start3A_84, %dma_start3A_85] : memref<10000x128xf32, #tpu.memory_space<hbm>> -> memref<10000x128xf32, #tpu.memory_space<hbm>>
      tpu.enqueue_indirect_dma source(%dma_start3A_86 : memref<10000x128xf32, #tpu.memory_space<hbm>>) target(%arg12 : memref<100x128xf32, #tpu.memory_space<vmem>>) offsets(%dma_start3A_83 : memref<100xi32, #tpu.memory_space<vmem>>) semaphore(%arg15 : memref<!tpu.dma_semaphore, #tpu.memory_space<semaphore_mem>>)
      %dma_wait3A_87 = arith.constant 3 : i32
      %dma_wait3A_88 = arith.constant 0 : i32
      %dma_wait3A_89 = tpu.memref_slice %arg8[%dma_wait3A_87, %dma_wait3A_88] : memref<20x100xi32, #tpu.memory_space<vmem>> -> memref<1x100xi32, #tpu.memory_space<vmem>>
      %dma_wait3A_90 = tpu.memref_squeeze %dma_wait3A_89 : memref<1x100xi32, #tpu.memory_space<vmem>> -> memref<100xi32, #tpu.memory_space<vmem>>
      %dma_wait3A_91 = arith.constant 0 : i32
      %dma_wait3A_92 = arith.constant 0 : i32
      %dma_wait3A_93 = tpu.memref_slice %arg2[%dma_wait3A_91, %dma_wait3A_92] : memref<10000x128xf32, #tpu.memory_space<hbm>> -> memref<10000x128xf32, #tpu.memory_space<hbm>>
      tpu.wait_indirect_dma semaphore(%arg13 : memref<!tpu.dma_semaphore, #tpu.memory_space<semaphore_mem>>) src(%dma_wait3A_93 : memref<10000x128xf32, #tpu.memory_space<hbm>>) dst(%arg10 : memref<100x128xf32, #tpu.memory_space<vmem>>)
      %run_scoped3A_94 = arith.constant 3 : i32
      "tpu.region"() ({
        %run_scoped3A_321 = tpu.sem_alloc : memref<!tpu.dma_semaphore, #tpu.memory_space<semaphore_mem>>
        %dma_start3A_322 = arith.constant 0 : i32
        %dma_start3A_323 = tpu.memref_slice %arg9[%run_scoped3A_94, %dma_start3A_322] : memref<20x100xi32, #tpu.memory_space<vmem>> -> memref<1x100xi32, #tpu.memory_space<vmem>>
        %dma_start3A_324 = tpu.memref_squeeze %dma_start3A_323 : memref<1x100xi32, #tpu.memory_space<vmem>> -> memref<100xi32, #tpu.memory_space<vmem>>
        %dma_start3A_325 = arith.constant 0 : i32
        %dma_start3A_326 = arith.constant 0 : i32
        %dma_start3A_327 = tpu.memref_slice %arg7[%dma_start3A_325, %dma_start3A_326] : memref<10000x128xf32, #tpu.memory_space<vmem_shared>> -> memref<10000x128xf32, #tpu.memory_space<vmem_shared>>
        tpu.enqueue_indirect_dma source(%arg10 : memref<100x128xf32, #tpu.memory_space<vmem>>) target(%dma_start3A_327 : memref<10000x128xf32, #tpu.memory_space<vmem_shared>>) offsets(%dma_start3A_324 : memref<100xi32, #tpu.memory_space<vmem>>) semaphore(%run_scoped3A_321 : memref<!tpu.dma_semaphore, #tpu.memory_space<semaphore_mem>>) {add = true}
        %dma_wait3A_328 = arith.constant 0 : i32
        %dma_wait3A_329 = tpu.memref_slice %arg9[%run_scoped3A_94, %dma_wait3A_328] : memref<20x100xi32, #tpu.memory_space<vmem>> -> memref<1x100xi32, #tpu.memory_space<vmem>>
        %dma_wait3A_330 = tpu.memref_squeeze %dma_wait3A_329 : memref<1x100xi32, #tpu.memory_space<vmem>> -> memref<100xi32, #tpu.memory_space<vmem>>
        %dma_wait3A_331 = arith.constant 0 : i32
        %dma_wait3A_332 = arith.constant 0 : i32
        %dma_wait3A_333 = tpu.memref_slice %arg7[%dma_wait3A_331, %dma_wait3A_332] : memref<10000x128xf32, #tpu.memory_space<vmem_shared>> -> memref<10000x128xf32, #tpu.memory_space<vmem_shared>>
        tpu.wait_indirect_dma semaphore(%run_scoped3A_321 : memref<!tpu.dma_semaphore, #tpu.memory_space<semaphore_mem>>) src(%arg10 : memref<100x128xf32, #tpu.memory_space<vmem>>) dst(%dma_wait3A_333 : memref<10000x128xf32, #tpu.memory_space<vmem_shared>>)
        tpu.yield
      }) : () -> ()
      %dma_start3A_95 = arith.constant 6 : i32
      %dma_start3A_96 = arith.constant 0 : i32
      %dma_start3A_97 = tpu.memref_slice %arg8[%dma_start3A_95, %dma_start3A_96] : memref<20x100xi32, #tpu.memory_space<vmem>> -> memref<1x100xi32, #tpu.memory_space<vmem>>
      %dma_start3A_98 = tpu.memref_squeeze %dma_start3A_97 : memref<1x100xi32, #tpu.memory_space<vmem>> -> memref<100xi32, #tpu.memory_space<vmem>>
      %dma_start3A_99 = arith.constant 0 : i32
      %dma_start3A_100 = arith.constant 0 : i32
      %dma_start3A_101 = tpu.memref_slice %arg2[%dma_start3A_99, %dma_start3A_100] : memref<10000x128xf32, #tpu.memory_space<hbm>> -> memref<10000x128xf32, #tpu.memory_space<hbm>>
      tpu.enqueue_indirect_dma source(%dma_start3A_101 : memref<10000x128xf32, #tpu.memory_space<hbm>>) target(%arg10 : memref<100x128xf32, #tpu.memory_space<vmem>>) offsets(%dma_start3A_98 : memref<100xi32, #tpu.memory_space<vmem>>) semaphore(%arg13 : memref<!tpu.dma_semaphore, #tpu.memory_space<semaphore_mem>>)
      %dma_wait3A_102 = arith.constant 4 : i32
      %dma_wait3A_103 = arith.constant 0 : i32
      %dma_wait3A_104 = tpu.memref_slice %arg8[%dma_wait3A_102, %dma_wait3A_103] : memref<20x100xi32, #tpu.memory_space<vmem>> -> memref<1x100xi32, #tpu.memory_space<vmem>>
      %dma_wait3A_105 = tpu.memref_squeeze %dma_wait3A_104 : memref<1x100xi32, #tpu.memory_space<vmem>> -> memref<100xi32, #tpu.memory_space<vmem>>
      %dma_wait3A_106 = arith.constant 0 : i32
      %dma_wait3A_107 = arith.constant 0 : i32
      %dma_wait3A_108 = tpu.memref_slice %arg2[%dma_wait3A_106, %dma_wait3A_107] : memref<10000x128xf32, #tpu.memory_space<hbm>> -> memref<10000x128xf32, #tpu.memory_space<hbm>>
      tpu.wait_indirect_dma semaphore(%arg14 : memref<!tpu.dma_semaphore, #tpu.memory_space<semaphore_mem>>) src(%dma_wait3A_108 : memref<10000x128xf32, #tpu.memory_space<hbm>>) dst(%arg11 : memref<100x128xf32, #tpu.memory_space<vmem>>)
      %run_scoped3A_109 = arith.constant 4 : i32
      "tpu.region"() ({
        %run_scoped3A_321 = tpu.sem_alloc : memref<!tpu.dma_semaphore, #tpu.memory_space<semaphore_mem>>
        %dma_start3A_322 = arith.constant 0 : i32
        %dma_start3A_323 = tpu.memref_slice %arg9[%run_scoped3A_109, %dma_start3A_322] : memref<20x100xi32, #tpu.memory_space<vmem>> -> memref<1x100xi32, #tpu.memory_space<vmem>>
        %dma_start3A_324 = tpu.memref_squeeze %dma_start3A_323 : memref<1x100xi32, #tpu.memory_space<vmem>> -> memref<100xi32, #tpu.memory_space<vmem>>
        %dma_start3A_325 = arith.constant 0 : i32
        %dma_start3A_326 = arith.constant 0 : i32
        %dma_start3A_327 = tpu.memref_slice %arg7[%dma_start3A_325, %dma_start3A_326] : memref<10000x128xf32, #tpu.memory_space<vmem_shared>> -> memref<10000x128xf32, #tpu.memory_space<vmem_shared>>
        tpu.enqueue_indirect_dma source(%arg11 : memref<100x128xf32, #tpu.memory_space<vmem>>) target(%dma_start3A_327 : memref<10000x128xf32, #tpu.memory_space<vmem_shared>>) offsets(%dma_start3A_324 : memref<100xi32, #tpu.memory_space<vmem>>) semaphore(%run_scoped3A_321 : memref<!tpu.dma_semaphore, #tpu.memory_space<semaphore_mem>>) {add = true}
        %dma_wait3A_328 = arith.constant 0 : i32
        %dma_wait3A_329 = tpu.memref_slice %arg9[%run_scoped3A_109, %dma_wait3A_328] : memref<20x100xi32, #tpu.memory_space<vmem>> -> memref<1x100xi32, #tpu.memory_space<vmem>>
        %dma_wait3A_330 = tpu.memref_squeeze %dma_wait3A_329 : memref<1x100xi32, #tpu.memory_space<vmem>> -> memref<100xi32, #tpu.memory_space<vmem>>
        %dma_wait3A_331 = arith.constant 0 : i32
        %dma_wait3A_332 = arith.constant 0 : i32
        %dma_wait3A_333 = tpu.memref_slice %arg7[%dma_wait3A_331, %dma_wait3A_332] : memref<10000x128xf32, #tpu.memory_space<vmem_shared>> -> memref<10000x128xf32, #tpu.memory_space<vmem_shared>>
        tpu.wait_indirect_dma semaphore(%run_scoped3A_321 : memref<!tpu.dma_semaphore, #tpu.memory_space<semaphore_mem>>) src(%arg11 : memref<100x128xf32, #tpu.memory_space<vmem>>) dst(%dma_wait3A_333 : memref<10000x128xf32, #tpu.memory_space<vmem_shared>>)
        tpu.yield
      }) : () -> ()
      %dma_start3A_110 = arith.constant 7 : i32
      %dma_start3A_111 = arith.constant 0 : i32
      %dma_start3A_112 = tpu.memref_slice %arg8[%dma_start3A_110, %dma_start3A_111] : memref<20x100xi32, #tpu.memory_space<vmem>> -> memref<1x100xi32, #tpu.memory_space<vmem>>
      %dma_start3A_113 = tpu.memref_squeeze %dma_start3A_112 : memref<1x100xi32, #tpu.memory_space<vmem>> -> memref<100xi32, #tpu.memory_space<vmem>>
      %dma_start3A_114 = arith.constant 0 : i32
      %dma_start3A_115 = arith.constant 0 : i32
      %dma_start3A_116 = tpu.memref_slice %arg2[%dma_start3A_114, %dma_start3A_115] : memref<10000x128xf32, #tpu.memory_space<hbm>> -> memref<10000x128xf32, #tpu.memory_space<hbm>>
      tpu.enqueue_indirect_dma source(%dma_start3A_116 : memref<10000x128xf32, #tpu.memory_space<hbm>>) target(%arg11 : memref<100x128xf32, #tpu.memory_space<vmem>>) offsets(%dma_start3A_113 : memref<100xi32, #tpu.memory_space<vmem>>) semaphore(%arg14 : memref<!tpu.dma_semaphore, #tpu.memory_space<semaphore_mem>>)
      %dma_wait3A_117 = arith.constant 5 : i32
      %dma_wait3A_118 = arith.constant 0 : i32
      %dma_wait3A_119 = tpu.memref_slice %arg8[%dma_wait3A_117, %dma_wait3A_118] : memref<20x100xi32, #tpu.memory_space<vmem>> -> memref<1x100xi32, #tpu.memory_space<vmem>>
      %dma_wait3A_120 = tpu.memref_squeeze %dma_wait3A_119 : memref<1x100xi32, #tpu.memory_space<vmem>> -> memref<100xi32, #tpu.memory_space<vmem>>
      %dma_wait3A_121 = arith.constant 0 : i32
      %dma_wait3A_122 = arith.constant 0 : i32
      %dma_wait3A_123 = tpu.memref_slice %arg2[%dma_wait3A_121, %dma_wait3A_122] : memref<10000x128xf32, #tpu.memory_space<hbm>> -> memref<10000x128xf32, #tpu.memory_space<hbm>>
      tpu.wait_indirect_dma semaphore(%arg15 : memref<!tpu.dma_semaphore, #tpu.memory_space<semaphore_mem>>) src(%dma_wait3A_123 : memref<10000x128xf32, #tpu.memory_space<hbm>>) dst(%arg12 : memref<100x128xf32, #tpu.memory_space<vmem>>)
      %run_scoped3A_124 = arith.constant 5 : i32
      "tpu.region"() ({
        %run_scoped3A_321 = tpu.sem_alloc : memref<!tpu.dma_semaphore, #tpu.memory_space<semaphore_mem>>
        %dma_start3A_322 = arith.constant 0 : i32
        %dma_start3A_323 = tpu.memref_slice %arg9[%run_scoped3A_124, %dma_start3A_322] : memref<20x100xi32, #tpu.memory_space<vmem>> -> memref<1x100xi32, #tpu.memory_space<vmem>>
        %dma_start3A_324 = tpu.memref_squeeze %dma_start3A_323 : memref<1x100xi32, #tpu.memory_space<vmem>> -> memref<100xi32, #tpu.memory_space<vmem>>
        %dma_start3A_325 = arith.constant 0 : i32
        %dma_start3A_326 = arith.constant 0 : i32
        %dma_start3A_327 = tpu.memref_slice %arg7[%dma_start3A_325, %dma_start3A_326] : memref<10000x128xf32, #tpu.memory_space<vmem_shared>> -> memref<10000x128xf32, #tpu.memory_space<vmem_shared>>
        tpu.enqueue_indirect_dma source(%arg12 : memref<100x128xf32, #tpu.memory_space<vmem>>) target(%dma_start3A_327 : memref<10000x128xf32, #tpu.memory_space<vmem_shared>>) offsets(%dma_start3A_324 : memref<100xi32, #tpu.memory_space<vmem>>) semaphore(%run_scoped3A_321 : memref<!tpu.dma_semaphore, #tpu.memory_space<semaphore_mem>>) {add = true}
        %dma_wait3A_328 = arith.constant 0 : i32
        %dma_wait3A_329 = tpu.memref_slice %arg9[%run_scoped3A_124, %dma_wait3A_328] : memref<20x100xi32, #tpu.memory_space<vmem>> -> memref<1x100xi32, #tpu.memory_space<vmem>>
        %dma_wait3A_330 = tpu.memref_squeeze %dma_wait3A_329 : memref<1x100xi32, #tpu.memory_space<vmem>> -> memref<100xi32, #tpu.memory_space<vmem>>
        %dma_wait3A_331 = arith.constant 0 : i32
        %dma_wait3A_332 = arith.constant 0 : i32
        %dma_wait3A_333 = tpu.memref_slice %arg7[%dma_wait3A_331, %dma_wait3A_332] : memref<10000x128xf32, #tpu.memory_space<vmem_shared>> -> memref<10000x128xf32, #tpu.memory_space<vmem_shared>>
        tpu.wait_indirect_dma semaphore(%run_scoped3A_321 : memref<!tpu.dma_semaphore, #tpu.memory_space<semaphore_mem>>) src(%arg12 : memref<100x128xf32, #tpu.memory_space<vmem>>) dst(%dma_wait3A_333 : memref<10000x128xf32, #tpu.memory_space<vmem_shared>>)
        tpu.yield
      }) : () -> ()
      %dma_start3A_125 = arith.constant 8 : i32
      %dma_start3A_126 = arith.constant 0 : i32
      %dma_start3A_127 = tpu.memref_slice %arg8[%dma_start3A_125, %dma_start3A_126] : memref<20x100xi32, #tpu.memory_space<vmem>> -> memref<1x100xi32, #tpu.memory_space<vmem>>
      %dma_start3A_128 = tpu.memref_squeeze %dma_start3A_127 : memref<1x100xi32, #tpu.memory_space<vmem>> -> memref<100xi32, #tpu.memory_space<vmem>>
      %dma_start3A_129 = arith.constant 0 : i32
      %dma_start3A_130 = arith.constant 0 : i32
      %dma_start3A_131 = tpu.memref_slice %arg2[%dma_start3A_129, %dma_start3A_130] : memref<10000x128xf32, #tpu.memory_space<hbm>> -> memref<10000x128xf32, #tpu.memory_space<hbm>>
      tpu.enqueue_indirect_dma source(%dma_start3A_131 : memref<10000x128xf32, #tpu.memory_space<hbm>>) target(%arg12 : memref<100x128xf32, #tpu.memory_space<vmem>>) offsets(%dma_start3A_128 : memref<100xi32, #tpu.memory_space<vmem>>) semaphore(%arg15 : memref<!tpu.dma_semaphore, #tpu.memory_space<semaphore_mem>>)
      %dma_wait3A_132 = arith.constant 6 : i32
      %dma_wait3A_133 = arith.constant 0 : i32
      %dma_wait3A_134 = tpu.memref_slice %arg8[%dma_wait3A_132, %dma_wait3A_133] : memref<20x100xi32, #tpu.memory_space<vmem>> -> memref<1x100xi32, #tpu.memory_space<vmem>>
      %dma_wait3A_135 = tpu.memref_squeeze %dma_wait3A_134 : memref<1x100xi32, #tpu.memory_space<vmem>> -> memref<100xi32, #tpu.memory_space<vmem>>
      %dma_wait3A_136 = arith.constant 0 : i32
      %dma_wait3A_137 = arith.constant 0 : i32
      %dma_wait3A_138 = tpu.memref_slice %arg2[%dma_wait3A_136, %dma_wait3A_137] : memref<10000x128xf32, #tpu.memory_space<hbm>> -> memref<10000x128xf32, #tpu.memory_space<hbm>>
      tpu.wait_indirect_dma semaphore(%arg13 : memref<!tpu.dma_semaphore, #tpu.memory_space<semaphore_mem>>) src(%dma_wait3A_138 : memref<10000x128xf32, #tpu.memory_space<hbm>>) dst(%arg10 : memref<100x128xf32, #tpu.memory_space<vmem>>)
      %run_scoped3A_139 = arith.constant 6 : i32
      "tpu.region"() ({
        %run_scoped3A_321 = tpu.sem_alloc : memref<!tpu.dma_semaphore, #tpu.memory_space<semaphore_mem>>
        %dma_start3A_322 = arith.constant 0 : i32
        %dma_start3A_323 = tpu.memref_slice %arg9[%run_scoped3A_139, %dma_start3A_322] : memref<20x100xi32, #tpu.memory_space<vmem>> -> memref<1x100xi32, #tpu.memory_space<vmem>>
        %dma_start3A_324 = tpu.memref_squeeze %dma_start3A_323 : memref<1x100xi32, #tpu.memory_space<vmem>> -> memref<100xi32, #tpu.memory_space<vmem>>
        %dma_start3A_325 = arith.constant 0 : i32
        %dma_start3A_326 = arith.constant 0 : i32
        %dma_start3A_327 = tpu.memref_slice %arg7[%dma_start3A_325, %dma_start3A_326] : memref<10000x128xf32, #tpu.memory_space<vmem_shared>> -> memref<10000x128xf32, #tpu.memory_space<vmem_shared>>
        tpu.enqueue_indirect_dma source(%arg10 : memref<100x128xf32, #tpu.memory_space<vmem>>) target(%dma_start3A_327 : memref<10000x128xf32, #tpu.memory_space<vmem_shared>>) offsets(%dma_start3A_324 : memref<100xi32, #tpu.memory_space<vmem>>) semaphore(%run_scoped3A_321 : memref<!tpu.dma_semaphore, #tpu.memory_space<semaphore_mem>>) {add = true}
        %dma_wait3A_328 = arith.constant 0 : i32
        %dma_wait3A_329 = tpu.memref_slice %arg9[%run_scoped3A_139, %dma_wait3A_328] : memref<20x100xi32, #tpu.memory_space<vmem>> -> memref<1x100xi32, #tpu.memory_space<vmem>>
        %dma_wait3A_330 = tpu.memref_squeeze %dma_wait3A_329 : memref<1x100xi32, #tpu.memory_space<vmem>> -> memref<100xi32, #tpu.memory_space<vmem>>
        %dma_wait3A_331 = arith.constant 0 : i32
        %dma_wait3A_332 = arith.constant 0 : i32
        %dma_wait3A_333 = tpu.memref_slice %arg7[%dma_wait3A_331, %dma_wait3A_332] : memref<10000x128xf32, #tpu.memory_space<vmem_shared>> -> memref<10000x128xf32, #tpu.memory_space<vmem_shared>>
        tpu.wait_indirect_dma semaphore(%run_scoped3A_321 : memref<!tpu.dma_semaphore, #tpu.memory_space<semaphore_mem>>) src(%arg10 : memref<100x128xf32, #tpu.memory_space<vmem>>) dst(%dma_wait3A_333 : memref<10000x128xf32, #tpu.memory_space<vmem_shared>>)
        tpu.yield
      }) : () -> ()
      %dma_start3A_140 = arith.constant 9 : i32
      %dma_start3A_141 = arith.constant 0 : i32
      %dma_start3A_142 = tpu.memref_slice %arg8[%dma_start3A_140, %dma_start3A_141] : memref<20x100xi32, #tpu.memory_space<vmem>> -> memref<1x100xi32, #tpu.memory_space<vmem>>
      %dma_start3A_143 = tpu.memref_squeeze %dma_start3A_142 : memref<1x100xi32, #tpu.memory_space<vmem>> -> memref<100xi32, #tpu.memory_space<vmem>>
      %dma_start3A_144 = arith.constant 0 : i32
      %dma_start3A_145 = arith.constant 0 : i32
      %dma_start3A_146 = tpu.memref_slice %arg2[%dma_start3A_144, %dma_start3A_145] : memref<10000x128xf32, #tpu.memory_space<hbm>> -> memref<10000x128xf32, #tpu.memory_space<hbm>>
      tpu.enqueue_indirect_dma source(%dma_start3A_146 : memref<10000x128xf32, #tpu.memory_space<hbm>>) target(%arg10 : memref<100x128xf32, #tpu.memory_space<vmem>>) offsets(%dma_start3A_143 : memref<100xi32, #tpu.memory_space<vmem>>) semaphore(%arg13 : memref<!tpu.dma_semaphore, #tpu.memory_space<semaphore_mem>>)
      %dma_wait3A_147 = arith.constant 7 : i32
      %dma_wait3A_148 = arith.constant 0 : i32
      %dma_wait3A_149 = tpu.memref_slice %arg8[%dma_wait3A_147, %dma_wait3A_148] : memref<20x100xi32, #tpu.memory_space<vmem>> -> memref<1x100xi32, #tpu.memory_space<vmem>>
      %dma_wait3A_150 = tpu.memref_squeeze %dma_wait3A_149 : memref<1x100xi32, #tpu.memory_space<vmem>> -> memref<100xi32, #tpu.memory_space<vmem>>
      %dma_wait3A_151 = arith.constant 0 : i32
      %dma_wait3A_152 = arith.constant 0 : i32
      %dma_wait3A_153 = tpu.memref_slice %arg2[%dma_wait3A_151, %dma_wait3A_152] : memref<10000x128xf32, #tpu.memory_space<hbm>> -> memref<10000x128xf32, #tpu.memory_space<hbm>>
      tpu.wait_indirect_dma semaphore(%arg14 : memref<!tpu.dma_semaphore, #tpu.memory_space<semaphore_mem>>) src(%dma_wait3A_153 : memref<10000x128xf32, #tpu.memory_space<hbm>>) dst(%arg11 : memref<100x128xf32, #tpu.memory_space<vmem>>)
      %run_scoped3A_154 = arith.constant 7 : i32
      "tpu.region"() ({
        %run_scoped3A_321 = tpu.sem_alloc : memref<!tpu.dma_semaphore, #tpu.memory_space<semaphore_mem>>
        %dma_start3A_322 = arith.constant 0 : i32
        %dma_start3A_323 = tpu.memref_slice %arg9[%run_scoped3A_154, %dma_start3A_322] : memref<20x100xi32, #tpu.memory_space<vmem>> -> memref<1x100xi32, #tpu.memory_space<vmem>>
        %dma_start3A_324 = tpu.memref_squeeze %dma_start3A_323 : memref<1x100xi32, #tpu.memory_space<vmem>> -> memref<100xi32, #tpu.memory_space<vmem>>
        %dma_start3A_325 = arith.constant 0 : i32
        %dma_start3A_326 = arith.constant 0 : i32
        %dma_start3A_327 = tpu.memref_slice %arg7[%dma_start3A_325, %dma_start3A_326] : memref<10000x128xf32, #tpu.memory_space<vmem_shared>> -> memref<10000x128xf32, #tpu.memory_space<vmem_shared>>
        tpu.enqueue_indirect_dma source(%arg11 : memref<100x128xf32, #tpu.memory_space<vmem>>) target(%dma_start3A_327 : memref<10000x128xf32, #tpu.memory_space<vmem_shared>>) offsets(%dma_start3A_324 : memref<100xi32, #tpu.memory_space<vmem>>) semaphore(%run_scoped3A_321 : memref<!tpu.dma_semaphore, #tpu.memory_space<semaphore_mem>>) {add = true}
        %dma_wait3A_328 = arith.constant 0 : i32
        %dma_wait3A_329 = tpu.memref_slice %arg9[%run_scoped3A_154, %dma_wait3A_328] : memref<20x100xi32, #tpu.memory_space<vmem>> -> memref<1x100xi32, #tpu.memory_space<vmem>>
        %dma_wait3A_330 = tpu.memref_squeeze %dma_wait3A_329 : memref<1x100xi32, #tpu.memory_space<vmem>> -> memref<100xi32, #tpu.memory_space<vmem>>
        %dma_wait3A_331 = arith.constant 0 : i32
        %dma_wait3A_332 = arith.constant 0 : i32
        %dma_wait3A_333 = tpu.memref_slice %arg7[%dma_wait3A_331, %dma_wait3A_332] : memref<10000x128xf32, #tpu.memory_space<vmem_shared>> -> memref<10000x128xf32, #tpu.memory_space<vmem_shared>>
        tpu.wait_indirect_dma semaphore(%run_scoped3A_321 : memref<!tpu.dma_semaphore, #tpu.memory_space<semaphore_mem>>) src(%arg11 : memref<100x128xf32, #tpu.memory_space<vmem>>) dst(%dma_wait3A_333 : memref<10000x128xf32, #tpu.memory_space<vmem_shared>>)
        tpu.yield
      }) : () -> ()
      %dma_start3A_155 = arith.constant 10 : i32
      %dma_start3A_156 = arith.constant 0 : i32
      %dma_start3A_157 = tpu.memref_slice %arg8[%dma_start3A_155, %dma_start3A_156] : memref<20x100xi32, #tpu.memory_space<vmem>> -> memref<1x100xi32, #tpu.memory_space<vmem>>
      %dma_start3A_158 = tpu.memref_squeeze %dma_start3A_157 : memref<1x100xi32, #tpu.memory_space<vmem>> -> memref<100xi32, #tpu.memory_space<vmem>>
      %dma_start3A_159 = arith.constant 0 : i32
      %dma_start3A_160 = arith.constant 0 : i32
      %dma_start3A_161 = tpu.memref_slice %arg2[%dma_start3A_159, %dma_start3A_160] : memref<10000x128xf32, #tpu.memory_space<hbm>> -> memref<10000x128xf32, #tpu.memory_space<hbm>>
      tpu.enqueue_indirect_dma source(%dma_start3A_161 : memref<10000x128xf32, #tpu.memory_space<hbm>>) target(%arg11 : memref<100x128xf32, #tpu.memory_space<vmem>>) offsets(%dma_start3A_158 : memref<100xi32, #tpu.memory_space<vmem>>) semaphore(%arg14 : memref<!tpu.dma_semaphore, #tpu.memory_space<semaphore_mem>>)
      %dma_wait3A_162 = arith.constant 8 : i32
      %dma_wait3A_163 = arith.constant 0 : i32
      %dma_wait3A_164 = tpu.memref_slice %arg8[%dma_wait3A_162, %dma_wait3A_163] : memref<20x100xi32, #tpu.memory_space<vmem>> -> memref<1x100xi32, #tpu.memory_space<vmem>>
      %dma_wait3A_165 = tpu.memref_squeeze %dma_wait3A_164 : memref<1x100xi32, #tpu.memory_space<vmem>> -> memref<100xi32, #tpu.memory_space<vmem>>
      %dma_wait3A_166 = arith.constant 0 : i32
      %dma_wait3A_167 = arith.constant 0 : i32
      %dma_wait3A_168 = tpu.memref_slice %arg2[%dma_wait3A_166, %dma_wait3A_167] : memref<10000x128xf32, #tpu.memory_space<hbm>> -> memref<10000x128xf32, #tpu.memory_space<hbm>>
      tpu.wait_indirect_dma semaphore(%arg15 : memref<!tpu.dma_semaphore, #tpu.memory_space<semaphore_mem>>) src(%dma_wait3A_168 : memref<10000x128xf32, #tpu.memory_space<hbm>>) dst(%arg12 : memref<100x128xf32, #tpu.memory_space<vmem>>)
      %run_scoped3A_169 = arith.constant 8 : i32
      "tpu.region"() ({
        %run_scoped3A_321 = tpu.sem_alloc : memref<!tpu.dma_semaphore, #tpu.memory_space<semaphore_mem>>
        %dma_start3A_322 = arith.constant 0 : i32
        %dma_start3A_323 = tpu.memref_slice %arg9[%run_scoped3A_169, %dma_start3A_322] : memref<20x100xi32, #tpu.memory_space<vmem>> -> memref<1x100xi32, #tpu.memory_space<vmem>>
        %dma_start3A_324 = tpu.memref_squeeze %dma_start3A_323 : memref<1x100xi32, #tpu.memory_space<vmem>> -> memref<100xi32, #tpu.memory_space<vmem>>
        %dma_start3A_325 = arith.constant 0 : i32
        %dma_start3A_326 = arith.constant 0 : i32
        %dma_start3A_327 = tpu.memref_slice %arg7[%dma_start3A_325, %dma_start3A_326] : memref<10000x128xf32, #tpu.memory_space<vmem_shared>> -> memref<10000x128xf32, #tpu.memory_space<vmem_shared>>
        tpu.enqueue_indirect_dma source(%arg12 : memref<100x128xf32, #tpu.memory_space<vmem>>) target(%dma_start3A_327 : memref<10000x128xf32, #tpu.memory_space<vmem_shared>>) offsets(%dma_start3A_324 : memref<100xi32, #tpu.memory_space<vmem>>) semaphore(%run_scoped3A_321 : memref<!tpu.dma_semaphore, #tpu.memory_space<semaphore_mem>>) {add = true}
        %dma_wait3A_328 = arith.constant 0 : i32
        %dma_wait3A_329 = tpu.memref_slice %arg9[%run_scoped3A_169, %dma_wait3A_328] : memref<20x100xi32, #tpu.memory_space<vmem>> -> memref<1x100xi32, #tpu.memory_space<vmem>>
        %dma_wait3A_330 = tpu.memref_squeeze %dma_wait3A_329 : memref<1x100xi32, #tpu.memory_space<vmem>> -> memref<100xi32, #tpu.memory_space<vmem>>
        %dma_wait3A_331 = arith.constant 0 : i32
        %dma_wait3A_332 = arith.constant 0 : i32
        %dma_wait3A_333 = tpu.memref_slice %arg7[%dma_wait3A_331, %dma_wait3A_332] : memref<10000x128xf32, #tpu.memory_space<vmem_shared>> -> memref<10000x128xf32, #tpu.memory_space<vmem_shared>>
        tpu.wait_indirect_dma semaphore(%run_scoped3A_321 : memref<!tpu.dma_semaphore, #tpu.memory_space<semaphore_mem>>) src(%arg12 : memref<100x128xf32, #tpu.memory_space<vmem>>) dst(%dma_wait3A_333 : memref<10000x128xf32, #tpu.memory_space<vmem_shared>>)
        tpu.yield
      }) : () -> ()
      %dma_start3A_170 = arith.constant 11 : i32
      %dma_start3A_171 = arith.constant 0 : i32
      %dma_start3A_172 = tpu.memref_slice %arg8[%dma_start3A_170, %dma_start3A_171] : memref<20x100xi32, #tpu.memory_space<vmem>> -> memref<1x100xi32, #tpu.memory_space<vmem>>
      %dma_start3A_173 = tpu.memref_squeeze %dma_start3A_172 : memref<1x100xi32, #tpu.memory_space<vmem>> -> memref<100xi32, #tpu.memory_space<vmem>>
      %dma_start3A_174 = arith.constant 0 : i32
      %dma_start3A_175 = arith.constant 0 : i32
      %dma_start3A_176 = tpu.memref_slice %arg2[%dma_start3A_174, %dma_start3A_175] : memref<10000x128xf32, #tpu.memory_space<hbm>> -> memref<10000x128xf32, #tpu.memory_space<hbm>>
      tpu.enqueue_indirect_dma source(%dma_start3A_176 : memref<10000x128xf32, #tpu.memory_space<hbm>>) target(%arg12 : memref<100x128xf32, #tpu.memory_space<vmem>>) offsets(%dma_start3A_173 : memref<100xi32, #tpu.memory_space<vmem>>) semaphore(%arg15 : memref<!tpu.dma_semaphore, #tpu.memory_space<semaphore_mem>>)
      %dma_wait3A_177 = arith.constant 9 : i32
      %dma_wait3A_178 = arith.constant 0 : i32
      %dma_wait3A_179 = tpu.memref_slice %arg8[%dma_wait3A_177, %dma_wait3A_178] : memref<20x100xi32, #tpu.memory_space<vmem>> -> memref<1x100xi32, #tpu.memory_space<vmem>>
      %dma_wait3A_180 = tpu.memref_squeeze %dma_wait3A_179 : memref<1x100xi32, #tpu.memory_space<vmem>> -> memref<100xi32, #tpu.memory_space<vmem>>
      %dma_wait3A_181 = arith.constant 0 : i32
      %dma_wait3A_182 = arith.constant 0 : i32
      %dma_wait3A_183 = tpu.memref_slice %arg2[%dma_wait3A_181, %dma_wait3A_182] : memref<10000x128xf32, #tpu.memory_space<hbm>> -> memref<10000x128xf32, #tpu.memory_space<hbm>>
      tpu.wait_indirect_dma semaphore(%arg13 : memref<!tpu.dma_semaphore, #tpu.memory_space<semaphore_mem>>) src(%dma_wait3A_183 : memref<10000x128xf32, #tpu.memory_space<hbm>>) dst(%arg10 : memref<100x128xf32, #tpu.memory_space<vmem>>)
      %run_scoped3A_184 = arith.constant 9 : i32
      "tpu.region"() ({
        %run_scoped3A_321 = tpu.sem_alloc : memref<!tpu.dma_semaphore, #tpu.memory_space<semaphore_mem>>
        %dma_start3A_322 = arith.constant 0 : i32
        %dma_start3A_323 = tpu.memref_slice %arg9[%run_scoped3A_184, %dma_start3A_322] : memref<20x100xi32, #tpu.memory_space<vmem>> -> memref<1x100xi32, #tpu.memory_space<vmem>>
        %dma_start3A_324 = tpu.memref_squeeze %dma_start3A_323 : memref<1x100xi32, #tpu.memory_space<vmem>> -> memref<100xi32, #tpu.memory_space<vmem>>
        %dma_start3A_325 = arith.constant 0 : i32
        %dma_start3A_326 = arith.constant 0 : i32
        %dma_start3A_327 = tpu.memref_slice %arg7[%dma_start3A_325, %dma_start3A_326] : memref<10000x128xf32, #tpu.memory_space<vmem_shared>> -> memref<10000x128xf32, #tpu.memory_space<vmem_shared>>
        tpu.enqueue_indirect_dma source(%arg10 : memref<100x128xf32, #tpu.memory_space<vmem>>) target(%dma_start3A_327 : memref<10000x128xf32, #tpu.memory_space<vmem_shared>>) offsets(%dma_start3A_324 : memref<100xi32, #tpu.memory_space<vmem>>) semaphore(%run_scoped3A_321 : memref<!tpu.dma_semaphore, #tpu.memory_space<semaphore_mem>>) {add = true}
        %dma_wait3A_328 = arith.constant 0 : i32
        %dma_wait3A_329 = tpu.memref_slice %arg9[%run_scoped3A_184, %dma_wait3A_328] : memref<20x100xi32, #tpu.memory_space<vmem>> -> memref<1x100xi32, #tpu.memory_space<vmem>>
        %dma_wait3A_330 = tpu.memref_squeeze %dma_wait3A_329 : memref<1x100xi32, #tpu.memory_space<vmem>> -> memref<100xi32, #tpu.memory_space<vmem>>
        %dma_wait3A_331 = arith.constant 0 : i32
        %dma_wait3A_332 = arith.constant 0 : i32
        %dma_wait3A_333 = tpu.memref_slice %arg7[%dma_wait3A_331, %dma_wait3A_332] : memref<10000x128xf32, #tpu.memory_space<vmem_shared>> -> memref<10000x128xf32, #tpu.memory_space<vmem_shared>>
        tpu.wait_indirect_dma semaphore(%run_scoped3A_321 : memref<!tpu.dma_semaphore, #tpu.memory_space<semaphore_mem>>) src(%arg10 : memref<100x128xf32, #tpu.memory_space<vmem>>) dst(%dma_wait3A_333 : memref<10000x128xf32, #tpu.memory_space<vmem_shared>>)
        tpu.yield
      }) : () -> ()
      %dma_start3A_185 = arith.constant 12 : i32
      %dma_start3A_186 = arith.constant 0 : i32
      %dma_start3A_187 = tpu.memref_slice %arg8[%dma_start3A_185, %dma_start3A_186] : memref<20x100xi32, #tpu.memory_space<vmem>> -> memref<1x100xi32, #tpu.memory_space<vmem>>
      %dma_start3A_188 = tpu.memref_squeeze %dma_start3A_187 : memref<1x100xi32, #tpu.memory_space<vmem>> -> memref<100xi32, #tpu.memory_space<vmem>>
      %dma_start3A_189 = arith.constant 0 : i32
      %dma_start3A_190 = arith.constant 0 : i32
      %dma_start3A_191 = tpu.memref_slice %arg2[%dma_start3A_189, %dma_start3A_190] : memref<10000x128xf32, #tpu.memory_space<hbm>> -> memref<10000x128xf32, #tpu.memory_space<hbm>>
      tpu.enqueue_indirect_dma source(%dma_start3A_191 : memref<10000x128xf32, #tpu.memory_space<hbm>>) target(%arg10 : memref<100x128xf32, #tpu.memory_space<vmem>>) offsets(%dma_start3A_188 : memref<100xi32, #tpu.memory_space<vmem>>) semaphore(%arg13 : memref<!tpu.dma_semaphore, #tpu.memory_space<semaphore_mem>>)
      %dma_wait3A_192 = arith.constant 10 : i32
      %dma_wait3A_193 = arith.constant 0 : i32
      %dma_wait3A_194 = tpu.memref_slice %arg8[%dma_wait3A_192, %dma_wait3A_193] : memref<20x100xi32, #tpu.memory_space<vmem>> -> memref<1x100xi32, #tpu.memory_space<vmem>>
      %dma_wait3A_195 = tpu.memref_squeeze %dma_wait3A_194 : memref<1x100xi32, #tpu.memory_space<vmem>> -> memref<100xi32, #tpu.memory_space<vmem>>
      %dma_wait3A_196 = arith.constant 0 : i32
      %dma_wait3A_197 = arith.constant 0 : i32
      %dma_wait3A_198 = tpu.memref_slice %arg2[%dma_wait3A_196, %dma_wait3A_197] : memref<10000x128xf32, #tpu.memory_space<hbm>> -> memref<10000x128xf32, #tpu.memory_space<hbm>>
      tpu.wait_indirect_dma semaphore(%arg14 : memref<!tpu.dma_semaphore, #tpu.memory_space<semaphore_mem>>) src(%dma_wait3A_198 : memref<10000x128xf32, #tpu.memory_space<hbm>>) dst(%arg11 : memref<100x128xf32, #tpu.memory_space<vmem>>)
      %run_scoped3A_199 = arith.constant 10 : i32
      "tpu.region"() ({
        %run_scoped3A_321 = tpu.sem_alloc : memref<!tpu.dma_semaphore, #tpu.memory_space<semaphore_mem>>
        %dma_start3A_322 = arith.constant 0 : i32
        %dma_start3A_323 = tpu.memref_slice %arg9[%run_scoped3A_199, %dma_start3A_322] : memref<20x100xi32, #tpu.memory_space<vmem>> -> memref<1x100xi32, #tpu.memory_space<vmem>>
        %dma_start3A_324 = tpu.memref_squeeze %dma_start3A_323 : memref<1x100xi32, #tpu.memory_space<vmem>> -> memref<100xi32, #tpu.memory_space<vmem>>
        %dma_start3A_325 = arith.constant 0 : i32
        %dma_start3A_326 = arith.constant 0 : i32
        %dma_start3A_327 = tpu.memref_slice %arg7[%dma_start3A_325, %dma_start3A_326] : memref<10000x128xf32, #tpu.memory_space<vmem_shared>> -> memref<10000x128xf32, #tpu.memory_space<vmem_shared>>
        tpu.enqueue_indirect_dma source(%arg11 : memref<100x128xf32, #tpu.memory_space<vmem>>) target(%dma_start3A_327 : memref<10000x128xf32, #tpu.memory_space<vmem_shared>>) offsets(%dma_start3A_324 : memref<100xi32, #tpu.memory_space<vmem>>) semaphore(%run_scoped3A_321 : memref<!tpu.dma_semaphore, #tpu.memory_space<semaphore_mem>>) {add = true}
        %dma_wait3A_328 = arith.constant 0 : i32
        %dma_wait3A_329 = tpu.memref_slice %arg9[%run_scoped3A_199, %dma_wait3A_328] : memref<20x100xi32, #tpu.memory_space<vmem>> -> memref<1x100xi32, #tpu.memory_space<vmem>>
        %dma_wait3A_330 = tpu.memref_squeeze %dma_wait3A_329 : memref<1x100xi32, #tpu.memory_space<vmem>> -> memref<100xi32, #tpu.memory_space<vmem>>
        %dma_wait3A_331 = arith.constant 0 : i32
        %dma_wait3A_332 = arith.constant 0 : i32
        %dma_wait3A_333 = tpu.memref_slice %arg7[%dma_wait3A_331, %dma_wait3A_332] : memref<10000x128xf32, #tpu.memory_space<vmem_shared>> -> memref<10000x128xf32, #tpu.memory_space<vmem_shared>>
        tpu.wait_indirect_dma semaphore(%run_scoped3A_321 : memref<!tpu.dma_semaphore, #tpu.memory_space<semaphore_mem>>) src(%arg11 : memref<100x128xf32, #tpu.memory_space<vmem>>) dst(%dma_wait3A_333 : memref<10000x128xf32, #tpu.memory_space<vmem_shared>>)
        tpu.yield
      }) : () -> ()
      %dma_start3A_200 = arith.constant 13 : i32
      %dma_start3A_201 = arith.constant 0 : i32
      %dma_start3A_202 = tpu.memref_slice %arg8[%dma_start3A_200, %dma_start3A_201] : memref<20x100xi32, #tpu.memory_space<vmem>> -> memref<1x100xi32, #tpu.memory_space<vmem>>
      %dma_start3A_203 = tpu.memref_squeeze %dma_start3A_202 : memref<1x100xi32, #tpu.memory_space<vmem>> -> memref<100xi32, #tpu.memory_space<vmem>>
      %dma_start3A_204 = arith.constant 0 : i32
      %dma_start3A_205 = arith.constant 0 : i32
      %dma_start3A_206 = tpu.memref_slice %arg2[%dma_start3A_204, %dma_start3A_205] : memref<10000x128xf32, #tpu.memory_space<hbm>> -> memref<10000x128xf32, #tpu.memory_space<hbm>>
      tpu.enqueue_indirect_dma source(%dma_start3A_206 : memref<10000x128xf32, #tpu.memory_space<hbm>>) target(%arg11 : memref<100x128xf32, #tpu.memory_space<vmem>>) offsets(%dma_start3A_203 : memref<100xi32, #tpu.memory_space<vmem>>) semaphore(%arg14 : memref<!tpu.dma_semaphore, #tpu.memory_space<semaphore_mem>>)
      %dma_wait3A_207 = arith.constant 11 : i32
      %dma_wait3A_208 = arith.constant 0 : i32
      %dma_wait3A_209 = tpu.memref_slice %arg8[%dma_wait3A_207, %dma_wait3A_208] : memref<20x100xi32, #tpu.memory_space<vmem>> -> memref<1x100xi32, #tpu.memory_space<vmem>>
      %dma_wait3A_210 = tpu.memref_squeeze %dma_wait3A_209 : memref<1x100xi32, #tpu.memory_space<vmem>> -> memref<100xi32, #tpu.memory_space<vmem>>
      %dma_wait3A_211 = arith.constant 0 : i32
      %dma_wait3A_212 = arith.constant 0 : i32
      %dma_wait3A_213 = tpu.memref_slice %arg2[%dma_wait3A_211, %dma_wait3A_212] : memref<10000x128xf32, #tpu.memory_space<hbm>> -> memref<10000x128xf32, #tpu.memory_space<hbm>>
      tpu.wait_indirect_dma semaphore(%arg15 : memref<!tpu.dma_semaphore, #tpu.memory_space<semaphore_mem>>) src(%dma_wait3A_213 : memref<10000x128xf32, #tpu.memory_space<hbm>>) dst(%arg12 : memref<100x128xf32, #tpu.memory_space<vmem>>)
      %run_scoped3A_214 = arith.constant 11 : i32
      "tpu.region"() ({
        %run_scoped3A_321 = tpu.sem_alloc : memref<!tpu.dma_semaphore, #tpu.memory_space<semaphore_mem>>
        %dma_start3A_322 = arith.constant 0 : i32
        %dma_start3A_323 = tpu.memref_slice %arg9[%run_scoped3A_214, %dma_start3A_322] : memref<20x100xi32, #tpu.memory_space<vmem>> -> memref<1x100xi32, #tpu.memory_space<vmem>>
        %dma_start3A_324 = tpu.memref_squeeze %dma_start3A_323 : memref<1x100xi32, #tpu.memory_space<vmem>> -> memref<100xi32, #tpu.memory_space<vmem>>
        %dma_start3A_325 = arith.constant 0 : i32
        %dma_start3A_326 = arith.constant 0 : i32
        %dma_start3A_327 = tpu.memref_slice %arg7[%dma_start3A_325, %dma_start3A_326] : memref<10000x128xf32, #tpu.memory_space<vmem_shared>> -> memref<10000x128xf32, #tpu.memory_space<vmem_shared>>
        tpu.enqueue_indirect_dma source(%arg12 : memref<100x128xf32, #tpu.memory_space<vmem>>) target(%dma_start3A_327 : memref<10000x128xf32, #tpu.memory_space<vmem_shared>>) offsets(%dma_start3A_324 : memref<100xi32, #tpu.memory_space<vmem>>) semaphore(%run_scoped3A_321 : memref<!tpu.dma_semaphore, #tpu.memory_space<semaphore_mem>>) {add = true}
        %dma_wait3A_328 = arith.constant 0 : i32
        %dma_wait3A_329 = tpu.memref_slice %arg9[%run_scoped3A_214, %dma_wait3A_328] : memref<20x100xi32, #tpu.memory_space<vmem>> -> memref<1x100xi32, #tpu.memory_space<vmem>>
        %dma_wait3A_330 = tpu.memref_squeeze %dma_wait3A_329 : memref<1x100xi32, #tpu.memory_space<vmem>> -> memref<100xi32, #tpu.memory_space<vmem>>
        %dma_wait3A_331 = arith.constant 0 : i32
        %dma_wait3A_332 = arith.constant 0 : i32
        %dma_wait3A_333 = tpu.memref_slice %arg7[%dma_wait3A_331, %dma_wait3A_332] : memref<10000x128xf32, #tpu.memory_space<vmem_shared>> -> memref<10000x128xf32, #tpu.memory_space<vmem_shared>>
        tpu.wait_indirect_dma semaphore(%run_scoped3A_321 : memref<!tpu.dma_semaphore, #tpu.memory_space<semaphore_mem>>) src(%arg12 : memref<100x128xf32, #tpu.memory_space<vmem>>) dst(%dma_wait3A_333 : memref<10000x128xf32, #tpu.memory_space<vmem_shared>>)
        tpu.yield
      }) : () -> ()
      %dma_start3A_215 = arith.constant 14 : i32
      %dma_start3A_216 = arith.constant 0 : i32
      %dma_start3A_217 = tpu.memref_slice %arg8[%dma_start3A_215, %dma_start3A_216] : memref<20x100xi32, #tpu.memory_space<vmem>> -> memref<1x100xi32, #tpu.memory_space<vmem>>
      %dma_start3A_218 = tpu.memref_squeeze %dma_start3A_217 : memref<1x100xi32, #tpu.memory_space<vmem>> -> memref<100xi32, #tpu.memory_space<vmem>>
      %dma_start3A_219 = arith.constant 0 : i32
      %dma_start3A_220 = arith.constant 0 : i32
      %dma_start3A_221 = tpu.memref_slice %arg2[%dma_start3A_219, %dma_start3A_220] : memref<10000x128xf32, #tpu.memory_space<hbm>> -> memref<10000x128xf32, #tpu.memory_space<hbm>>
      tpu.enqueue_indirect_dma source(%dma_start3A_221 : memref<10000x128xf32, #tpu.memory_space<hbm>>) target(%arg12 : memref<100x128xf32, #tpu.memory_space<vmem>>) offsets(%dma_start3A_218 : memref<100xi32, #tpu.memory_space<vmem>>) semaphore(%arg15 : memref<!tpu.dma_semaphore, #tpu.memory_space<semaphore_mem>>)
      %dma_wait3A_222 = arith.constant 12 : i32
      %dma_wait3A_223 = arith.constant 0 : i32
      %dma_wait3A_224 = tpu.memref_slice %arg8[%dma_wait3A_222, %dma_wait3A_223] : memref<20x100xi32, #tpu.memory_space<vmem>> -> memref<1x100xi32, #tpu.memory_space<vmem>>
      %dma_wait3A_225 = tpu.memref_squeeze %dma_wait3A_224 : memref<1x100xi32, #tpu.memory_space<vmem>> -> memref<100xi32, #tpu.memory_space<vmem>>
      %dma_wait3A_226 = arith.constant 0 : i32
      %dma_wait3A_227 = arith.constant 0 : i32
      %dma_wait3A_228 = tpu.memref_slice %arg2[%dma_wait3A_226, %dma_wait3A_227] : memref<10000x128xf32, #tpu.memory_space<hbm>> -> memref<10000x128xf32, #tpu.memory_space<hbm>>
      tpu.wait_indirect_dma semaphore(%arg13 : memref<!tpu.dma_semaphore, #tpu.memory_space<semaphore_mem>>) src(%dma_wait3A_228 : memref<10000x128xf32, #tpu.memory_space<hbm>>) dst(%arg10 : memref<100x128xf32, #tpu.memory_space<vmem>>)
      %run_scoped3A_229 = arith.constant 12 : i32
      "tpu.region"() ({
        %run_scoped3A_321 = tpu.sem_alloc : memref<!tpu.dma_semaphore, #tpu.memory_space<semaphore_mem>>
        %dma_start3A_322 = arith.constant 0 : i32
        %dma_start3A_323 = tpu.memref_slice %arg9[%run_scoped3A_229, %dma_start3A_322] : memref<20x100xi32, #tpu.memory_space<vmem>> -> memref<1x100xi32, #tpu.memory_space<vmem>>
        %dma_start3A_324 = tpu.memref_squeeze %dma_start3A_323 : memref<1x100xi32, #tpu.memory_space<vmem>> -> memref<100xi32, #tpu.memory_space<vmem>>
        %dma_start3A_325 = arith.constant 0 : i32
        %dma_start3A_326 = arith.constant 0 : i32
        %dma_start3A_327 = tpu.memref_slice %arg7[%dma_start3A_325, %dma_start3A_326] : memref<10000x128xf32, #tpu.memory_space<vmem_shared>> -> memref<10000x128xf32, #tpu.memory_space<vmem_shared>>
        tpu.enqueue_indirect_dma source(%arg10 : memref<100x128xf32, #tpu.memory_space<vmem>>) target(%dma_start3A_327 : memref<10000x128xf32, #tpu.memory_space<vmem_shared>>) offsets(%dma_start3A_324 : memref<100xi32, #tpu.memory_space<vmem>>) semaphore(%run_scoped3A_321 : memref<!tpu.dma_semaphore, #tpu.memory_space<semaphore_mem>>) {add = true}
        %dma_wait3A_328 = arith.constant 0 : i32
        %dma_wait3A_329 = tpu.memref_slice %arg9[%run_scoped3A_229, %dma_wait3A_328] : memref<20x100xi32, #tpu.memory_space<vmem>> -> memref<1x100xi32, #tpu.memory_space<vmem>>
        %dma_wait3A_330 = tpu.memref_squeeze %dma_wait3A_329 : memref<1x100xi32, #tpu.memory_space<vmem>> -> memref<100xi32, #tpu.memory_space<vmem>>
        %dma_wait3A_331 = arith.constant 0 : i32
        %dma_wait3A_332 = arith.constant 0 : i32
        %dma_wait3A_333 = tpu.memref_slice %arg7[%dma_wait3A_331, %dma_wait3A_332] : memref<10000x128xf32, #tpu.memory_space<vmem_shared>> -> memref<10000x128xf32, #tpu.memory_space<vmem_shared>>
        tpu.wait_indirect_dma semaphore(%run_scoped3A_321 : memref<!tpu.dma_semaphore, #tpu.memory_space<semaphore_mem>>) src(%arg10 : memref<100x128xf32, #tpu.memory_space<vmem>>) dst(%dma_wait3A_333 : memref<10000x128xf32, #tpu.memory_space<vmem_shared>>)
        tpu.yield
      }) : () -> ()
      %dma_start3A_230 = arith.constant 15 : i32
      %dma_start3A_231 = arith.constant 0 : i32
      %dma_start3A_232 = tpu.memref_slice %arg8[%dma_start3A_230, %dma_start3A_231] : memref<20x100xi32, #tpu.memory_space<vmem>> -> memref<1x100xi32, #tpu.memory_space<vmem>>
      %dma_start3A_233 = tpu.memref_squeeze %dma_start3A_232 : memref<1x100xi32, #tpu.memory_space<vmem>> -> memref<100xi32, #tpu.memory_space<vmem>>
      %dma_start3A_234 = arith.constant 0 : i32
      %dma_start3A_235 = arith.constant 0 : i32
      %dma_start3A_236 = tpu.memref_slice %arg2[%dma_start3A_234, %dma_start3A_235] : memref<10000x128xf32, #tpu.memory_space<hbm>> -> memref<10000x128xf32, #tpu.memory_space<hbm>>
      tpu.enqueue_indirect_dma source(%dma_start3A_236 : memref<10000x128xf32, #tpu.memory_space<hbm>>) target(%arg10 : memref<100x128xf32, #tpu.memory_space<vmem>>) offsets(%dma_start3A_233 : memref<100xi32, #tpu.memory_space<vmem>>) semaphore(%arg13 : memref<!tpu.dma_semaphore, #tpu.memory_space<semaphore_mem>>)
      %dma_wait3A_237 = arith.constant 13 : i32
      %dma_wait3A_238 = arith.constant 0 : i32
      %dma_wait3A_239 = tpu.memref_slice %arg8[%dma_wait3A_237, %dma_wait3A_238] : memref<20x100xi32, #tpu.memory_space<vmem>> -> memref<1x100xi32, #tpu.memory_space<vmem>>
      %dma_wait3A_240 = tpu.memref_squeeze %dma_wait3A_239 : memref<1x100xi32, #tpu.memory_space<vmem>> -> memref<100xi32, #tpu.memory_space<vmem>>
      %dma_wait3A_241 = arith.constant 0 : i32
      %dma_wait3A_242 = arith.constant 0 : i32
      %dma_wait3A_243 = tpu.memref_slice %arg2[%dma_wait3A_241, %dma_wait3A_242] : memref<10000x128xf32, #tpu.memory_space<hbm>> -> memref<10000x128xf32, #tpu.memory_space<hbm>>
      tpu.wait_indirect_dma semaphore(%arg14 : memref<!tpu.dma_semaphore, #tpu.memory_space<semaphore_mem>>) src(%dma_wait3A_243 : memref<10000x128xf32, #tpu.memory_space<hbm>>) dst(%arg11 : memref<100x128xf32, #tpu.memory_space<vmem>>)
      %run_scoped3A_244 = arith.constant 13 : i32
      "tpu.region"() ({
        %run_scoped3A_321 = tpu.sem_alloc : memref<!tpu.dma_semaphore, #tpu.memory_space<semaphore_mem>>
        %dma_start3A_322 = arith.constant 0 : i32
        %dma_start3A_323 = tpu.memref_slice %arg9[%run_scoped3A_244, %dma_start3A_322] : memref<20x100xi32, #tpu.memory_space<vmem>> -> memref<1x100xi32, #tpu.memory_space<vmem>>
        %dma_start3A_324 = tpu.memref_squeeze %dma_start3A_323 : memref<1x100xi32, #tpu.memory_space<vmem>> -> memref<100xi32, #tpu.memory_space<vmem>>
        %dma_start3A_325 = arith.constant 0 : i32
        %dma_start3A_326 = arith.constant 0 : i32
        %dma_start3A_327 = tpu.memref_slice %arg7[%dma_start3A_325, %dma_start3A_326] : memref<10000x128xf32, #tpu.memory_space<vmem_shared>> -> memref<10000x128xf32, #tpu.memory_space<vmem_shared>>
        tpu.enqueue_indirect_dma source(%arg11 : memref<100x128xf32, #tpu.memory_space<vmem>>) target(%dma_start3A_327 : memref<10000x128xf32, #tpu.memory_space<vmem_shared>>) offsets(%dma_start3A_324 : memref<100xi32, #tpu.memory_space<vmem>>) semaphore(%run_scoped3A_321 : memref<!tpu.dma_semaphore, #tpu.memory_space<semaphore_mem>>) {add = true}
        %dma_wait3A_328 = arith.constant 0 : i32
        %dma_wait3A_329 = tpu.memref_slice %arg9[%run_scoped3A_244, %dma_wait3A_328] : memref<20x100xi32, #tpu.memory_space<vmem>> -> memref<1x100xi32, #tpu.memory_space<vmem>>
        %dma_wait3A_330 = tpu.memref_squeeze %dma_wait3A_329 : memref<1x100xi32, #tpu.memory_space<vmem>> -> memref<100xi32, #tpu.memory_space<vmem>>
        %dma_wait3A_331 = arith.constant 0 : i32
        %dma_wait3A_332 = arith.constant 0 : i32
        %dma_wait3A_333 = tpu.memref_slice %arg7[%dma_wait3A_331, %dma_wait3A_332] : memref<10000x128xf32, #tpu.memory_space<vmem_shared>> -> memref<10000x128xf32, #tpu.memory_space<vmem_shared>>
        tpu.wait_indirect_dma semaphore(%run_scoped3A_321 : memref<!tpu.dma_semaphore, #tpu.memory_space<semaphore_mem>>) src(%arg11 : memref<100x128xf32, #tpu.memory_space<vmem>>) dst(%dma_wait3A_333 : memref<10000x128xf32, #tpu.memory_space<vmem_shared>>)
        tpu.yield
      }) : () -> ()
      %dma_start3A_245 = arith.constant 16 : i32
      %dma_start3A_246 = arith.constant 0 : i32
      %dma_start3A_247 = tpu.memref_slice %arg8[%dma_start3A_245, %dma_start3A_246] : memref<20x100xi32, #tpu.memory_space<vmem>> -> memref<1x100xi32, #tpu.memory_space<vmem>>
      %dma_start3A_248 = tpu.memref_squeeze %dma_start3A_247 : memref<1x100xi32, #tpu.memory_space<vmem>> -> memref<100xi32, #tpu.memory_space<vmem>>
      %dma_start3A_249 = arith.constant 0 : i32
      %dma_start3A_250 = arith.constant 0 : i32
      %dma_start3A_251 = tpu.memref_slice %arg2[%dma_start3A_249, %dma_start3A_250] : memref<10000x128xf32, #tpu.memory_space<hbm>> -> memref<10000x128xf32, #tpu.memory_space<hbm>>
      tpu.enqueue_indirect_dma source(%dma_start3A_251 : memref<10000x128xf32, #tpu.memory_space<hbm>>) target(%arg11 : memref<100x128xf32, #tpu.memory_space<vmem>>) offsets(%dma_start3A_248 : memref<100xi32, #tpu.memory_space<vmem>>) semaphore(%arg14 : memref<!tpu.dma_semaphore, #tpu.memory_space<semaphore_mem>>)
      %dma_wait3A_252 = arith.constant 14 : i32
      %dma_wait3A_253 = arith.constant 0 : i32
      %dma_wait3A_254 = tpu.memref_slice %arg8[%dma_wait3A_252, %dma_wait3A_253] : memref<20x100xi32, #tpu.memory_space<vmem>> -> memref<1x100xi32, #tpu.memory_space<vmem>>
      %dma_wait3A_255 = tpu.memref_squeeze %dma_wait3A_254 : memref<1x100xi32, #tpu.memory_space<vmem>> -> memref<100xi32, #tpu.memory_space<vmem>>
      %dma_wait3A_256 = arith.constant 0 : i32
      %dma_wait3A_257 = arith.constant 0 : i32
      %dma_wait3A_258 = tpu.memref_slice %arg2[%dma_wait3A_256, %dma_wait3A_257] : memref<10000x128xf32, #tpu.memory_space<hbm>> -> memref<10000x128xf32, #tpu.memory_space<hbm>>
      tpu.wait_indirect_dma semaphore(%arg15 : memref<!tpu.dma_semaphore, #tpu.memory_space<semaphore_mem>>) src(%dma_wait3A_258 : memref<10000x128xf32, #tpu.memory_space<hbm>>) dst(%arg12 : memref<100x128xf32, #tpu.memory_space<vmem>>)
      %run_scoped3A_259 = arith.constant 14 : i32
      "tpu.region"() ({
        %run_scoped3A_321 = tpu.sem_alloc : memref<!tpu.dma_semaphore, #tpu.memory_space<semaphore_mem>>
        %dma_start3A_322 = arith.constant 0 : i32
        %dma_start3A_323 = tpu.memref_slice %arg9[%run_scoped3A_259, %dma_start3A_322] : memref<20x100xi32, #tpu.memory_space<vmem>> -> memref<1x100xi32, #tpu.memory_space<vmem>>
        %dma_start3A_324 = tpu.memref_squeeze %dma_start3A_323 : memref<1x100xi32, #tpu.memory_space<vmem>> -> memref<100xi32, #tpu.memory_space<vmem>>
        %dma_start3A_325 = arith.constant 0 : i32
        %dma_start3A_326 = arith.constant 0 : i32
        %dma_start3A_327 = tpu.memref_slice %arg7[%dma_start3A_325, %dma_start3A_326] : memref<10000x128xf32, #tpu.memory_space<vmem_shared>> -> memref<10000x128xf32, #tpu.memory_space<vmem_shared>>
        tpu.enqueue_indirect_dma source(%arg12 : memref<100x128xf32, #tpu.memory_space<vmem>>) target(%dma_start3A_327 : memref<10000x128xf32, #tpu.memory_space<vmem_shared>>) offsets(%dma_start3A_324 : memref<100xi32, #tpu.memory_space<vmem>>) semaphore(%run_scoped3A_321 : memref<!tpu.dma_semaphore, #tpu.memory_space<semaphore_mem>>) {add = true}
        %dma_wait3A_328 = arith.constant 0 : i32
        %dma_wait3A_329 = tpu.memref_slice %arg9[%run_scoped3A_259, %dma_wait3A_328] : memref<20x100xi32, #tpu.memory_space<vmem>> -> memref<1x100xi32, #tpu.memory_space<vmem>>
        %dma_wait3A_330 = tpu.memref_squeeze %dma_wait3A_329 : memref<1x100xi32, #tpu.memory_space<vmem>> -> memref<100xi32, #tpu.memory_space<vmem>>
        %dma_wait3A_331 = arith.constant 0 : i32
        %dma_wait3A_332 = arith.constant 0 : i32
        %dma_wait3A_333 = tpu.memref_slice %arg7[%dma_wait3A_331, %dma_wait3A_332] : memref<10000x128xf32, #tpu.memory_space<vmem_shared>> -> memref<10000x128xf32, #tpu.memory_space<vmem_shared>>
        tpu.wait_indirect_dma semaphore(%run_scoped3A_321 : memref<!tpu.dma_semaphore, #tpu.memory_space<semaphore_mem>>) src(%arg12 : memref<100x128xf32, #tpu.memory_space<vmem>>) dst(%dma_wait3A_333 : memref<10000x128xf32, #tpu.memory_space<vmem_shared>>)
        tpu.yield
      }) : () -> ()
      %dma_start3A_260 = arith.constant 17 : i32
      %dma_start3A_261 = arith.constant 0 : i32
      %dma_start3A_262 = tpu.memref_slice %arg8[%dma_start3A_260, %dma_start3A_261] : memref<20x100xi32, #tpu.memory_space<vmem>> -> memref<1x100xi32, #tpu.memory_space<vmem>>
      %dma_start3A_263 = tpu.memref_squeeze %dma_start3A_262 : memref<1x100xi32, #tpu.memory_space<vmem>> -> memref<100xi32, #tpu.memory_space<vmem>>
      %dma_start3A_264 = arith.constant 0 : i32
      %dma_start3A_265 = arith.constant 0 : i32
      %dma_start3A_266 = tpu.memref_slice %arg2[%dma_start3A_264, %dma_start3A_265] : memref<10000x128xf32, #tpu.memory_space<hbm>> -> memref<10000x128xf32, #tpu.memory_space<hbm>>
      tpu.enqueue_indirect_dma source(%dma_start3A_266 : memref<10000x128xf32, #tpu.memory_space<hbm>>) target(%arg12 : memref<100x128xf32, #tpu.memory_space<vmem>>) offsets(%dma_start3A_263 : memref<100xi32, #tpu.memory_space<vmem>>) semaphore(%arg15 : memref<!tpu.dma_semaphore, #tpu.memory_space<semaphore_mem>>)
      %dma_wait3A_267 = arith.constant 15 : i32
      %dma_wait3A_268 = arith.constant 0 : i32
      %dma_wait3A_269 = tpu.memref_slice %arg8[%dma_wait3A_267, %dma_wait3A_268] : memref<20x100xi32, #tpu.memory_space<vmem>> -> memref<1x100xi32, #tpu.memory_space<vmem>>
      %dma_wait3A_270 = tpu.memref_squeeze %dma_wait3A_269 : memref<1x100xi32, #tpu.memory_space<vmem>> -> memref<100xi32, #tpu.memory_space<vmem>>
      %dma_wait3A_271 = arith.constant 0 : i32
      %dma_wait3A_272 = arith.constant 0 : i32
      %dma_wait3A_273 = tpu.memref_slice %arg2[%dma_wait3A_271, %dma_wait3A_272] : memref<10000x128xf32, #tpu.memory_space<hbm>> -> memref<10000x128xf32, #tpu.memory_space<hbm>>
      tpu.wait_indirect_dma semaphore(%arg13 : memref<!tpu.dma_semaphore, #tpu.memory_space<semaphore_mem>>) src(%dma_wait3A_273 : memref<10000x128xf32, #tpu.memory_space<hbm>>) dst(%arg10 : memref<100x128xf32, #tpu.memory_space<vmem>>)
      %run_scoped3A_274 = arith.constant 15 : i32
      "tpu.region"() ({
        %run_scoped3A_321 = tpu.sem_alloc : memref<!tpu.dma_semaphore, #tpu.memory_space<semaphore_mem>>
        %dma_start3A_322 = arith.constant 0 : i32
        %dma_start3A_323 = tpu.memref_slice %arg9[%run_scoped3A_274, %dma_start3A_322] : memref<20x100xi32, #tpu.memory_space<vmem>> -> memref<1x100xi32, #tpu.memory_space<vmem>>
        %dma_start3A_324 = tpu.memref_squeeze %dma_start3A_323 : memref<1x100xi32, #tpu.memory_space<vmem>> -> memref<100xi32, #tpu.memory_space<vmem>>
        %dma_start3A_325 = arith.constant 0 : i32
        %dma_start3A_326 = arith.constant 0 : i32
        %dma_start3A_327 = tpu.memref_slice %arg7[%dma_start3A_325, %dma_start3A_326] : memref<10000x128xf32, #tpu.memory_space<vmem_shared>> -> memref<10000x128xf32, #tpu.memory_space<vmem_shared>>
        tpu.enqueue_indirect_dma source(%arg10 : memref<100x128xf32, #tpu.memory_space<vmem>>) target(%dma_start3A_327 : memref<10000x128xf32, #tpu.memory_space<vmem_shared>>) offsets(%dma_start3A_324 : memref<100xi32, #tpu.memory_space<vmem>>) semaphore(%run_scoped3A_321 : memref<!tpu.dma_semaphore, #tpu.memory_space<semaphore_mem>>) {add = true}
        %dma_wait3A_328 = arith.constant 0 : i32
        %dma_wait3A_329 = tpu.memref_slice %arg9[%run_scoped3A_274, %dma_wait3A_328] : memref<20x100xi32, #tpu.memory_space<vmem>> -> memref<1x100xi32, #tpu.memory_space<vmem>>
        %dma_wait3A_330 = tpu.memref_squeeze %dma_wait3A_329 : memref<1x100xi32, #tpu.memory_space<vmem>> -> memref<100xi32, #tpu.memory_space<vmem>>
        %dma_wait3A_331 = arith.constant 0 : i32
        %dma_wait3A_332 = arith.constant 0 : i32
        %dma_wait3A_333 = tpu.memref_slice %arg7[%dma_wait3A_331, %dma_wait3A_332] : memref<10000x128xf32, #tpu.memory_space<vmem_shared>> -> memref<10000x128xf32, #tpu.memory_space<vmem_shared>>
        tpu.wait_indirect_dma semaphore(%run_scoped3A_321 : memref<!tpu.dma_semaphore, #tpu.memory_space<semaphore_mem>>) src(%arg10 : memref<100x128xf32, #tpu.memory_space<vmem>>) dst(%dma_wait3A_333 : memref<10000x128xf32, #tpu.memory_space<vmem_shared>>)
        tpu.yield
      }) : () -> ()
      %dma_start3A_275 = arith.constant 18 : i32
      %dma_start3A_276 = arith.constant 0 : i32
      %dma_start3A_277 = tpu.memref_slice %arg8[%dma_start3A_275, %dma_start3A_276] : memref<20x100xi32, #tpu.memory_space<vmem>> -> memref<1x100xi32, #tpu.memory_space<vmem>>
      %dma_start3A_278 = tpu.memref_squeeze %dma_start3A_277 : memref<1x100xi32, #tpu.memory_space<vmem>> -> memref<100xi32, #tpu.memory_space<vmem>>
      %dma_start3A_279 = arith.constant 0 : i32
      %dma_start3A_280 = arith.constant 0 : i32
      %dma_start3A_281 = tpu.memref_slice %arg2[%dma_start3A_279, %dma_start3A_280] : memref<10000x128xf32, #tpu.memory_space<hbm>> -> memref<10000x128xf32, #tpu.memory_space<hbm>>
      tpu.enqueue_indirect_dma source(%dma_start3A_281 : memref<10000x128xf32, #tpu.memory_space<hbm>>) target(%arg10 : memref<100x128xf32, #tpu.memory_space<vmem>>) offsets(%dma_start3A_278 : memref<100xi32, #tpu.memory_space<vmem>>) semaphore(%arg13 : memref<!tpu.dma_semaphore, #tpu.memory_space<semaphore_mem>>)
      %dma_wait3A_282 = arith.constant 16 : i32
      %dma_wait3A_283 = arith.constant 0 : i32
      %dma_wait3A_284 = tpu.memref_slice %arg8[%dma_wait3A_282, %dma_wait3A_283] : memref<20x100xi32, #tpu.memory_space<vmem>> -> memref<1x100xi32, #tpu.memory_space<vmem>>
      %dma_wait3A_285 = tpu.memref_squeeze %dma_wait3A_284 : memref<1x100xi32, #tpu.memory_space<vmem>> -> memref<100xi32, #tpu.memory_space<vmem>>
      %dma_wait3A_286 = arith.constant 0 : i32
      %dma_wait3A_287 = arith.constant 0 : i32
      %dma_wait3A_288 = tpu.memref_slice %arg2[%dma_wait3A_286, %dma_wait3A_287] : memref<10000x128xf32, #tpu.memory_space<hbm>> -> memref<10000x128xf32, #tpu.memory_space<hbm>>
      tpu.wait_indirect_dma semaphore(%arg14 : memref<!tpu.dma_semaphore, #tpu.memory_space<semaphore_mem>>) src(%dma_wait3A_288 : memref<10000x128xf32, #tpu.memory_space<hbm>>) dst(%arg11 : memref<100x128xf32, #tpu.memory_space<vmem>>)
      %run_scoped3A_289 = arith.constant 16 : i32
      "tpu.region"() ({
        %run_scoped3A_321 = tpu.sem_alloc : memref<!tpu.dma_semaphore, #tpu.memory_space<semaphore_mem>>
        %dma_start3A_322 = arith.constant 0 : i32
        %dma_start3A_323 = tpu.memref_slice %arg9[%run_scoped3A_289, %dma_start3A_322] : memref<20x100xi32, #tpu.memory_space<vmem>> -> memref<1x100xi32, #tpu.memory_space<vmem>>
        %dma_start3A_324 = tpu.memref_squeeze %dma_start3A_323 : memref<1x100xi32, #tpu.memory_space<vmem>> -> memref<100xi32, #tpu.memory_space<vmem>>
        %dma_start3A_325 = arith.constant 0 : i32
        %dma_start3A_326 = arith.constant 0 : i32
        %dma_start3A_327 = tpu.memref_slice %arg7[%dma_start3A_325, %dma_start3A_326] : memref<10000x128xf32, #tpu.memory_space<vmem_shared>> -> memref<10000x128xf32, #tpu.memory_space<vmem_shared>>
        tpu.enqueue_indirect_dma source(%arg11 : memref<100x128xf32, #tpu.memory_space<vmem>>) target(%dma_start3A_327 : memref<10000x128xf32, #tpu.memory_space<vmem_shared>>) offsets(%dma_start3A_324 : memref<100xi32, #tpu.memory_space<vmem>>) semaphore(%run_scoped3A_321 : memref<!tpu.dma_semaphore, #tpu.memory_space<semaphore_mem>>) {add = true}
        %dma_wait3A_328 = arith.constant 0 : i32
        %dma_wait3A_329 = tpu.memref_slice %arg9[%run_scoped3A_289, %dma_wait3A_328] : memref<20x100xi32, #tpu.memory_space<vmem>> -> memref<1x100xi32, #tpu.memory_space<vmem>>
        %dma_wait3A_330 = tpu.memref_squeeze %dma_wait3A_329 : memref<1x100xi32, #tpu.memory_space<vmem>> -> memref<100xi32, #tpu.memory_space<vmem>>
        %dma_wait3A_331 = arith.constant 0 : i32
        %dma_wait3A_332 = arith.constant 0 : i32
        %dma_wait3A_333 = tpu.memref_slice %arg7[%dma_wait3A_331, %dma_wait3A_332] : memref<10000x128xf32, #tpu.memory_space<vmem_shared>> -> memref<10000x128xf32, #tpu.memory_space<vmem_shared>>
        tpu.wait_indirect_dma semaphore(%run_scoped3A_321 : memref<!tpu.dma_semaphore, #tpu.memory_space<semaphore_mem>>) src(%arg11 : memref<100x128xf32, #tpu.memory_space<vmem>>) dst(%dma_wait3A_333 : memref<10000x128xf32, #tpu.memory_space<vmem_shared>>)
        tpu.yield
      }) : () -> ()
      %dma_start3A_290 = arith.constant 19 : i32
      %dma_start3A_291 = arith.constant 0 : i32
      %dma_start3A_292 = tpu.memref_slice %arg8[%dma_start3A_290, %dma_start3A_291] : memref<20x100xi32, #tpu.memory_space<vmem>> -> memref<1x100xi32, #tpu.memory_space<vmem>>
      %dma_start3A_293 = tpu.memref_squeeze %dma_start3A_292 : memref<1x100xi32, #tpu.memory_space<vmem>> -> memref<100xi32, #tpu.memory_space<vmem>>
      %dma_start3A_294 = arith.constant 0 : i32
      %dma_start3A_295 = arith.constant 0 : i32
      %dma_start3A_296 = tpu.memref_slice %arg2[%dma_start3A_294, %dma_start3A_295] : memref<10000x128xf32, #tpu.memory_space<hbm>> -> memref<10000x128xf32, #tpu.memory_space<hbm>>
      tpu.enqueue_indirect_dma source(%dma_start3A_296 : memref<10000x128xf32, #tpu.memory_space<hbm>>) target(%arg11 : memref<100x128xf32, #tpu.memory_space<vmem>>) offsets(%dma_start3A_293 : memref<100xi32, #tpu.memory_space<vmem>>) semaphore(%arg14 : memref<!tpu.dma_semaphore, #tpu.memory_space<semaphore_mem>>)
      %dma_wait3A_297 = arith.constant 17 : i32
      %dma_wait3A_298 = arith.constant 0 : i32
      %dma_wait3A_299 = tpu.memref_slice %arg8[%dma_wait3A_297, %dma_wait3A_298] : memref<20x100xi32, #tpu.memory_space<vmem>> -> memref<1x100xi32, #tpu.memory_space<vmem>>
      %dma_wait3A_300 = tpu.memref_squeeze %dma_wait3A_299 : memref<1x100xi32, #tpu.memory_space<vmem>> -> memref<100xi32, #tpu.memory_space<vmem>>
      %dma_wait3A_301 = arith.constant 0 : i32
      %dma_wait3A_302 = arith.constant 0 : i32
      %dma_wait3A_303 = tpu.memref_slice %arg2[%dma_wait3A_301, %dma_wait3A_302] : memref<10000x128xf32, #tpu.memory_space<hbm>> -> memref<10000x128xf32, #tpu.memory_space<hbm>>
      tpu.wait_indirect_dma semaphore(%arg15 : memref<!tpu.dma_semaphore, #tpu.memory_space<semaphore_mem>>) src(%dma_wait3A_303 : memref<10000x128xf32, #tpu.memory_space<hbm>>) dst(%arg12 : memref<100x128xf32, #tpu.memory_space<vmem>>)
      %run_scoped3A_304 = arith.constant 17 : i32
      "tpu.region"() ({
        %run_scoped3A_321 = tpu.sem_alloc : memref<!tpu.dma_semaphore, #tpu.memory_space<semaphore_mem>>
        %dma_start3A_322 = arith.constant 0 : i32
        %dma_start3A_323 = tpu.memref_slice %arg9[%run_scoped3A_304, %dma_start3A_322] : memref<20x100xi32, #tpu.memory_space<vmem>> -> memref<1x100xi32, #tpu.memory_space<vmem>>
        %dma_start3A_324 = tpu.memref_squeeze %dma_start3A_323 : memref<1x100xi32, #tpu.memory_space<vmem>> -> memref<100xi32, #tpu.memory_space<vmem>>
        %dma_start3A_325 = arith.constant 0 : i32
        %dma_start3A_326 = arith.constant 0 : i32
        %dma_start3A_327 = tpu.memref_slice %arg7[%dma_start3A_325, %dma_start3A_326] : memref<10000x128xf32, #tpu.memory_space<vmem_shared>> -> memref<10000x128xf32, #tpu.memory_space<vmem_shared>>
        tpu.enqueue_indirect_dma source(%arg12 : memref<100x128xf32, #tpu.memory_space<vmem>>) target(%dma_start3A_327 : memref<10000x128xf32, #tpu.memory_space<vmem_shared>>) offsets(%dma_start3A_324 : memref<100xi32, #tpu.memory_space<vmem>>) semaphore(%run_scoped3A_321 : memref<!tpu.dma_semaphore, #tpu.memory_space<semaphore_mem>>) {add = true}
        %dma_wait3A_328 = arith.constant 0 : i32
        %dma_wait3A_329 = tpu.memref_slice %arg9[%run_scoped3A_304, %dma_wait3A_328] : memref<20x100xi32, #tpu.memory_space<vmem>> -> memref<1x100xi32, #tpu.memory_space<vmem>>
        %dma_wait3A_330 = tpu.memref_squeeze %dma_wait3A_329 : memref<1x100xi32, #tpu.memory_space<vmem>> -> memref<100xi32, #tpu.memory_space<vmem>>
        %dma_wait3A_331 = arith.constant 0 : i32
        %dma_wait3A_332 = arith.constant 0 : i32
        %dma_wait3A_333 = tpu.memref_slice %arg7[%dma_wait3A_331, %dma_wait3A_332] : memref<10000x128xf32, #tpu.memory_space<vmem_shared>> -> memref<10000x128xf32, #tpu.memory_space<vmem_shared>>
        tpu.wait_indirect_dma semaphore(%run_scoped3A_321 : memref<!tpu.dma_semaphore, #tpu.memory_space<semaphore_mem>>) src(%arg12 : memref<100x128xf32, #tpu.memory_space<vmem>>) dst(%dma_wait3A_333 : memref<10000x128xf32, #tpu.memory_space<vmem_shared>>)
        tpu.yield
      }) : () -> ()
      %dma_wait3A_305 = arith.constant 18 : i32
      %dma_wait3A_306 = arith.constant 0 : i32
      %dma_wait3A_307 = tpu.memref_slice %arg8[%dma_wait3A_305, %dma_wait3A_306] : memref<20x100xi32, #tpu.memory_space<vmem>> -> memref<1x100xi32, #tpu.memory_space<vmem>>
      %dma_wait3A_308 = tpu.memref_squeeze %dma_wait3A_307 : memref<1x100xi32, #tpu.memory_space<vmem>> -> memref<100xi32, #tpu.memory_space<vmem>>
      %dma_wait3A_309 = arith.constant 0 : i32
      %dma_wait3A_310 = arith.constant 0 : i32
      %dma_wait3A_311 = tpu.memref_slice %arg2[%dma_wait3A_309, %dma_wait3A_310] : memref<10000x128xf32, #tpu.memory_space<hbm>> -> memref<10000x128xf32, #tpu.memory_space<hbm>>
      tpu.wait_indirect_dma semaphore(%arg13 : memref<!tpu.dma_semaphore, #tpu.memory_space<semaphore_mem>>) src(%dma_wait3A_311 : memref<10000x128xf32, #tpu.memory_space<hbm>>) dst(%arg10 : memref<100x128xf32, #tpu.memory_space<vmem>>)
      %run_scoped3A_312 = arith.constant 18 : i32
      "tpu.region"() ({
        %run_scoped3A_321 = tpu.sem_alloc : memref<!tpu.dma_semaphore, #tpu.memory_space<semaphore_mem>>
        %dma_start3A_322 = arith.constant 0 : i32
        %dma_start3A_323 = tpu.memref_slice %arg9[%run_scoped3A_312, %dma_start3A_322] : memref<20x100xi32, #tpu.memory_space<vmem>> -> memref<1x100xi32, #tpu.memory_space<vmem>>
        %dma_start3A_324 = tpu.memref_squeeze %dma_start3A_323 : memref<1x100xi32, #tpu.memory_space<vmem>> -> memref<100xi32, #tpu.memory_space<vmem>>
        %dma_start3A_325 = arith.constant 0 : i32
        %dma_start3A_326 = arith.constant 0 : i32
        %dma_start3A_327 = tpu.memref_slice %arg7[%dma_start3A_325, %dma_start3A_326] : memref<10000x128xf32, #tpu.memory_space<vmem_shared>> -> memref<10000x128xf32, #tpu.memory_space<vmem_shared>>
        tpu.enqueue_indirect_dma source(%arg10 : memref<100x128xf32, #tpu.memory_space<vmem>>) target(%dma_start3A_327 : memref<10000x128xf32, #tpu.memory_space<vmem_shared>>) offsets(%dma_start3A_324 : memref<100xi32, #tpu.memory_space<vmem>>) semaphore(%run_scoped3A_321 : memref<!tpu.dma_semaphore, #tpu.memory_space<semaphore_mem>>) {add = true}
        %dma_wait3A_328 = arith.constant 0 : i32
        %dma_wait3A_329 = tpu.memref_slice %arg9[%run_scoped3A_312, %dma_wait3A_328] : memref<20x100xi32, #tpu.memory_space<vmem>> -> memref<1x100xi32, #tpu.memory_space<vmem>>
        %dma_wait3A_330 = tpu.memref_squeeze %dma_wait3A_329 : memref<1x100xi32, #tpu.memory_space<vmem>> -> memref<100xi32, #tpu.memory_space<vmem>>
        %dma_wait3A_331 = arith.constant 0 : i32
        %dma_wait3A_332 = arith.constant 0 : i32
        %dma_wait3A_333 = tpu.memref_slice %arg7[%dma_wait3A_331, %dma_wait3A_332] : memref<10000x128xf32, #tpu.memory_space<vmem_shared>> -> memref<10000x128xf32, #tpu.memory_space<vmem_shared>>
        tpu.wait_indirect_dma semaphore(%run_scoped3A_321 : memref<!tpu.dma_semaphore, #tpu.memory_space<semaphore_mem>>) src(%arg10 : memref<100x128xf32, #tpu.memory_space<vmem>>) dst(%dma_wait3A_333 : memref<10000x128xf32, #tpu.memory_space<vmem_shared>>)
        tpu.yield
      }) : () -> ()
      %dma_wait3A_313 = arith.constant 19 : i32
      %dma_wait3A_314 = arith.constant 0 : i32
      %dma_wait3A_315 = tpu.memref_slice %arg8[%dma_wait3A_313, %dma_wait3A_314] : memref<20x100xi32, #tpu.memory_space<vmem>> -> memref<1x100xi32, #tpu.memory_space<vmem>>
      %dma_wait3A_316 = tpu.memref_squeeze %dma_wait3A_315 : memref<1x100xi32, #tpu.memory_space<vmem>> -> memref<100xi32, #tpu.memory_space<vmem>>
      %dma_wait3A_317 = arith.constant 0 : i32
      %dma_wait3A_318 = arith.constant 0 : i32
      %dma_wait3A_319 = tpu.memref_slice %arg2[%dma_wait3A_317, %dma_wait3A_318] : memref<10000x128xf32, #tpu.memory_space<hbm>> -> memref<10000x128xf32, #tpu.memory_space<hbm>>
      tpu.wait_indirect_dma semaphore(%arg14 : memref<!tpu.dma_semaphore, #tpu.memory_space<semaphore_mem>>) src(%dma_wait3A_319 : memref<10000x128xf32, #tpu.memory_space<hbm>>) dst(%arg11 : memref<100x128xf32, #tpu.memory_space<vmem>>)
      %run_scoped3A_320 = arith.constant 19 : i32
      "tpu.region"() ({
        %run_scoped3A_321 = tpu.sem_alloc : memref<!tpu.dma_semaphore, #tpu.memory_space<semaphore_mem>>
        %dma_start3A_322 = arith.constant 0 : i32
        %dma_start3A_323 = tpu.memref_slice %arg9[%run_scoped3A_320, %dma_start3A_322] : memref<20x100xi32, #tpu.memory_space<vmem>> -> memref<1x100xi32, #tpu.memory_space<vmem>>
        %dma_start3A_324 = tpu.memref_squeeze %dma_start3A_323 : memref<1x100xi32, #tpu.memory_space<vmem>> -> memref<100xi32, #tpu.memory_space<vmem>>
        %dma_start3A_325 = arith.constant 0 : i32
        %dma_start3A_326 = arith.constant 0 : i32
        %dma_start3A_327 = tpu.memref_slice %arg7[%dma_start3A_325, %dma_start3A_326] : memref<10000x128xf32, #tpu.memory_space<vmem_shared>> -> memref<10000x128xf32, #tpu.memory_space<vmem_shared>>
        tpu.enqueue_indirect_dma source(%arg11 : memref<100x128xf32, #tpu.memory_space<vmem>>) target(%dma_start3A_327 : memref<10000x128xf32, #tpu.memory_space<vmem_shared>>) offsets(%dma_start3A_324 : memref<100xi32, #tpu.memory_space<vmem>>) semaphore(%run_scoped3A_321 : memref<!tpu.dma_semaphore, #tpu.memory_space<semaphore_mem>>) {add = true}
        %dma_wait3A_328 = arith.constant 0 : i32
        %dma_wait3A_329 = tpu.memref_slice %arg9[%run_scoped3A_320, %dma_wait3A_328] : memref<20x100xi32, #tpu.memory_space<vmem>> -> memref<1x100xi32, #tpu.memory_space<vmem>>
        %dma_wait3A_330 = tpu.memref_squeeze %dma_wait3A_329 : memref<1x100xi32, #tpu.memory_space<vmem>> -> memref<100xi32, #tpu.memory_space<vmem>>
        %dma_wait3A_331 = arith.constant 0 : i32
        %dma_wait3A_332 = arith.constant 0 : i32
        %dma_wait3A_333 = tpu.memref_slice %arg7[%dma_wait3A_331, %dma_wait3A_332] : memref<10000x128xf32, #tpu.memory_space<vmem_shared>> -> memref<10000x128xf32, #tpu.memory_space<vmem_shared>>
        tpu.wait_indirect_dma semaphore(%run_scoped3A_321 : memref<!tpu.dma_semaphore, #tpu.memory_space<semaphore_mem>>) src(%arg11 : memref<100x128xf32, #tpu.memory_space<vmem>>) dst(%dma_wait3A_333 : memref<10000x128xf32, #tpu.memory_space<vmem_shared>>)
        tpu.yield
      }) : () -> ()
    }
    %scan3A_11 = arith.constant 5 : i32
    %barrier3A_12 = arith.constant 0 : index
    tpu.barrier barrier_id(%barrier3A_12)
    %lt3A_13 = arith.constant 15 : i32
    %lt3A_14 = arith.cmpi slt, %arg1, %lt3A_13 : i32
    %convert_element_type3A_15 = arith.extui %lt3A_14 : i1 to i32
    %cond3A_16 = arith.constant 0 : i32
    %cond3A_17 = arith.cmpi ne, %convert_element_type3A_15, %cond3A_16 : i32
    scf.if %cond3A_17 {
      %mul3A_23 = arith.constant 624 : i32
      %mul3A_24 = arith.muli %arg1, %mul3A_23 : i32
      %multiple_of3A = tpu.assume_multiple %mul3A_24, 8 : i32
      "tpu.region"() ({
        %run_scoped3A = tpu.sem_alloc : memref<!tpu.dma_semaphore, #tpu.memory_space<semaphore_mem>>
        %dma_start3A = arith.constant 0 : i32
        %dma_start3A_25 = tpu.memref_slice %arg6[%arg0, %multiple_of3A, %dma_start3A] : memref<2x10000x128xf32, #tpu.memory_space<hbm>> -> memref<1x624x128xf32, #tpu.memory_space<hbm>>
        %dma_start3A_26 = tpu.memref_squeeze %dma_start3A_25 : memref<1x624x128xf32, #tpu.memory_space<hbm>> -> memref<624x128xf32, #tpu.memory_space<hbm>>
        %dma_start3A_27 = arith.constant 0 : i32
        %dma_start3A_28 = tpu.memref_slice %arg7[%multiple_of3A, %dma_start3A_27] : memref<10000x128xf32, #tpu.memory_space<vmem_shared>> -> memref<624x128xf32, #tpu.memory_space<vmem_shared>>
        tpu.enqueue_dma source(%dma_start3A_28 : memref<624x128xf32, #tpu.memory_space<vmem_shared>>) target(%dma_start3A_26 : memref<624x128xf32, #tpu.memory_space<hbm>>) target_semaphore(%run_scoped3A : memref<!tpu.dma_semaphore, #tpu.memory_space<semaphore_mem>>)
        %dma_wait3A = arith.constant 0 : i32
        %dma_wait3A_29 = tpu.memref_slice %arg6[%arg0, %multiple_of3A, %dma_wait3A] : memref<2x10000x128xf32, #tpu.memory_space<hbm>> -> memref<1x624x128xf32, #tpu.memory_space<hbm>>
        %dma_wait3A_30 = tpu.memref_squeeze %dma_wait3A_29 : memref<1x624x128xf32, #tpu.memory_space<hbm>> -> memref<624x128xf32, #tpu.memory_space<hbm>>
        %dma_wait3A_31 = arith.constant 0 : i32
        %dma_wait3A_32 = tpu.memref_slice %arg7[%multiple_of3A, %dma_wait3A_31] : memref<10000x128xf32, #tpu.memory_space<vmem_shared>> -> memref<624x128xf32, #tpu.memory_space<vmem_shared>>
        tpu.wait_dma2 semaphore(%run_scoped3A : memref<!tpu.dma_semaphore, #tpu.memory_space<semaphore_mem>>) src(%dma_wait3A_32 : memref<624x128xf32, #tpu.memory_space<vmem_shared>>) dst(%dma_wait3A_30 : memref<624x128xf32, #tpu.memory_space<hbm>>)
        tpu.yield
      }) : () -> ()
    } else {
    }
    %eq3A_18 = arith.constant 15 : i32
    %eq3A_19 = arith.cmpi eq, %arg1, %eq3A_18 : i32
    %convert_element_type3A_20 = arith.extui %eq3A_19 : i1 to i32
    %cond3A_21 = arith.constant 0 : i32
    %cond3A_22 = arith.cmpi ne, %convert_element_type3A_20, %cond3A_21 : i32
    scf.if %cond3A_22 {
      %mul3A_23 = arith.constant 624 : i32
      %mul3A_24 = arith.muli %arg1, %mul3A_23 : i32
      %multiple_of3A = tpu.assume_multiple %mul3A_24, 8 : i32
      "tpu.region"() ({
        %run_scoped3A = tpu.sem_alloc : memref<!tpu.dma_semaphore, #tpu.memory_space<semaphore_mem>>
        %dma_start3A = arith.constant 0 : i32
        %dma_start3A_25 = tpu.memref_slice %arg6[%arg0, %multiple_of3A, %dma_start3A] : memref<2x10000x128xf32, #tpu.memory_space<hbm>> -> memref<1x640x128xf32, #tpu.memory_space<hbm>>
        %dma_start3A_26 = tpu.memref_squeeze %dma_start3A_25 : memref<1x640x128xf32, #tpu.memory_space<hbm>> -> memref<640x128xf32, #tpu.memory_space<hbm>>
        %dma_start3A_27 = arith.constant 0 : i32
        %dma_start3A_28 = tpu.memref_slice %arg7[%multiple_of3A, %dma_start3A_27] : memref<10000x128xf32, #tpu.memory_space<vmem_shared>> -> memref<640x128xf32, #tpu.memory_space<vmem_shared>>
        tpu.enqueue_dma source(%dma_start3A_28 : memref<640x128xf32, #tpu.memory_space<vmem_shared>>) target(%dma_start3A_26 : memref<640x128xf32, #tpu.memory_space<hbm>>) target_semaphore(%run_scoped3A : memref<!tpu.dma_semaphore, #tpu.memory_space<semaphore_mem>>)
        %dma_wait3A = arith.constant 0 : i32
        %dma_wait3A_29 = tpu.memref_slice %arg6[%arg0, %multiple_of3A, %dma_wait3A] : memref<2x10000x128xf32, #tpu.memory_space<hbm>> -> memref<1x640x128xf32, #tpu.memory_space<hbm>>
        %dma_wait3A_30 = tpu.memref_squeeze %dma_wait3A_29 : memref<1x640x128xf32, #tpu.memory_space<hbm>> -> memref<640x128xf32, #tpu.memory_space<hbm>>
        %dma_wait3A_31 = arith.constant 0 : i32
        %dma_wait3A_32 = tpu.memref_slice %arg7[%multiple_of3A, %dma_wait3A_31] : memref<10000x128xf32, #tpu.memory_space<vmem_shared>> -> memref<640x128xf32, #tpu.memory_space<vmem_shared>>
        tpu.wait_dma2 semaphore(%run_scoped3A : memref<!tpu.dma_semaphore, #tpu.memory_space<semaphore_mem>>) src(%dma_wait3A_32 : memref<640x128xf32, #tpu.memory_space<vmem_shared>>) dst(%dma_wait3A_30 : memref<640x128xf32, #tpu.memory_space<hbm>>)
        tpu.yield
      }) : () -> ()
    } else {
    }
    return
  }
}

module attributes {stable_mosaic.version = 14 : i64} {
  func.func @_mm_body(%arg0: i32, %arg1: memref<2000x128xf32, #tpu.memory_space<vmem>>, %arg2: memref<128x256xf32, #tpu.memory_space<vmem>>, %arg3: memref<1x256xf32, #tpu.memory_space<vmem>>, %arg4: memref<2000x128xf32, #tpu.memory_space<vmem>>, %arg5: memref<2000x128xf32, #tpu.memory_space<vmem>>) attributes {dimension_semantics = [#tpu.dimension_semantics<arbitrary>], iteration_bounds = array<i64: 5>, scalar_prefetch = 0 : i64, scratch_operands = 0 : i64, tpu.core_type = #tpu.core_type<tc>, window_params = [{transform_indices = @transform_0, window_bounds = array<i64: 2000, 128>}, {pipeline_mode = #tpu.pipeline_mode<synchronous>, transform_indices = @transform_1, window_bounds = array<i64: 128, 256>}, {pipeline_mode = #tpu.pipeline_mode<synchronous>, transform_indices = @transform_2, window_bounds = array<i64: 1, 256>}, {transform_indices = @transform_3, window_bounds = array<i64: 2000, 128>}, {transform_indices = @transform_4, window_bounds = array<i64: 2000, 128>}]} {
    %get3A = arith.constant 0 : index
    %get3A_0 = arith.constant 0 : index
    %get3A_1 = vector.load %arg1[%get3A, %get3A_0] : memref<2000x128xf32, #tpu.memory_space<vmem>>, vector<2000x128xf32>
    %get3A_2 = arith.constant 0 : index
    %get3A_3 = arith.constant 0 : index
    %get3A_4 = vector.load %arg2[%get3A_2, %get3A_3] : memref<128x256xf32, #tpu.memory_space<vmem>>, vector<128x256xf32>
    %dot_general3A = arith.constant dense<0.000000e+00> : vector<2000x256xf32>
    %dot_general3A_5 = tpu.matmul %get3A_1, %get3A_4, %dot_general3A {dimension_numbers = #tpu.dot_dimension_numbers<[1], [0], [0], [1], [0, 0, 1, 1], [], []>, transpose_lhs_hint = false} : vector<2000x128xf32>, vector<128x256xf32>, vector<2000x256xf32> -> vector<2000x256xf32>
    %get3A_6 = arith.constant 0 : index
    %get3A_7 = arith.constant 0 : index
    %get3A_8 = vector.load %arg3[%get3A_6, %get3A_7] : memref<1x256xf32, #tpu.memory_space<vmem>>, vector<1x256xf32>
    %add3A = vector.broadcast %get3A_8 : vector<1x256xf32> to vector<2000x256xf32>
    %add3A_9 = arith.addf %dot_general3A_5, %add3A : vector<2000x256xf32>
    %slice3A = vector.extract_strided_slice %add3A_9 {offsets = [0, 0], sizes = [2000, 128], strides = [1, 1]} : vector<2000x256xf32> to vector<2000x128xf32>
    %swap3A = arith.constant 0 : index
    %swap3A_10 = arith.constant 0 : index
    %swap3A_11 = vector.load %arg4[%swap3A, %swap3A_10] : memref<2000x128xf32, #tpu.memory_space<vmem>>, vector<2000x128xf32>
    tpu.vector_store %arg4[%swap3A, %swap3A_10], %slice3A {strides = array<i32>} : memref<2000x128xf32, #tpu.memory_space<vmem>>, vector<2000x128xf32>,
    %slice3A_12 = vector.extract_strided_slice %add3A_9 {offsets = [0, 128], sizes = [2000, 128], strides = [1, 1]} : vector<2000x256xf32> to vector<2000x128xf32>
    %swap3A_13 = arith.constant 0 : index
    %swap3A_14 = arith.constant 0 : index
    %swap3A_15 = vector.load %arg5[%swap3A_13, %swap3A_14] : memref<2000x128xf32, #tpu.memory_space<vmem>>, vector<2000x128xf32>
    tpu.vector_store %arg5[%swap3A_13, %swap3A_14], %slice3A_12 {strides = array<i32>} : memref<2000x128xf32, #tpu.memory_space<vmem>>, vector<2000x128xf32>,
    return
  }
  func.func @transform_0(%arg0: i32) -> (i32, i32) {
    %c0_i32 = arith.constant 0 : i32
    %c0_i32_0 = arith.constant 0 : i32
    return %arg0, %c0_i32 : i32, i32
  }
  func.func @transform_1(%arg0: i32) -> (i32, i32) {
    %c0_i32 = arith.constant 0 : i32
    %c0_i32_0 = arith.constant 0 : i32
    %c0_i32_1 = arith.constant 0 : i32
    return %c0_i32, %c0_i32_0 : i32, i32
  }
  func.func @transform_2(%arg0: i32) -> (i32, i32) {
    %c0_i32 = arith.constant 0 : i32
    %c0_i32_0 = arith.constant 0 : i32
    %c0_i32_1 = arith.constant 0 : i32
    return %c0_i32, %c0_i32_0 : i32, i32
  }
  func.func @transform_3(%arg0: i32) -> (i32, i32) {
    %c0_i32 = arith.constant 0 : i32
    %c0_i32_0 = arith.constant 0 : i32
    return %arg0, %c0_i32 : i32, i32
  }
  func.func @transform_4(%arg0: i32) -> (i32, i32) {
    %c0_i32 = arith.constant 0 : i32
    %c0_i32_0 = arith.constant 0 : i32
    return %arg0, %c0_i32 : i32, i32
  }
}

module attributes {stable_mosaic.version = 14 : i64} {
  func.func @_combine_mm_body(%arg0: i32, %arg1: memref<2x2000x128xf32, #tpu.memory_space<vmem>>, %arg2: memref<2x2000x128xf32, #tpu.memory_space<vmem>>, %arg3: memref<2000x128xf32, #tpu.memory_space<vmem>>, %arg4: memref<1x128xf32, #tpu.memory_space<vmem>>, %arg5: memref<1x128xf32, #tpu.memory_space<vmem>>, %arg6: memref<128x256xf32, #tpu.memory_space<vmem>>, %arg7: memref<1x256xf32, #tpu.memory_space<vmem>>, %arg8: memref<2000x128xf32, #tpu.memory_space<vmem>>, %arg9: memref<2000x128xf32, #tpu.memory_space<vmem>>) attributes {dimension_semantics = [#tpu.dimension_semantics<arbitrary>], iteration_bounds = array<i64: 5>, scalar_prefetch = 0 : i64, scratch_operands = 0 : i64, tpu.core_type = #tpu.core_type<tc>, window_params = [{transform_indices = @transform_0, window_bounds = array<i64: 2, 2000, 128>}, {transform_indices = @transform_1, window_bounds = array<i64: 2, 2000, 128>}, {transform_indices = @transform_2, window_bounds = array<i64: 2000, 128>}, {pipeline_mode = #tpu.pipeline_mode<synchronous>, transform_indices = @transform_3, window_bounds = array<i64: 1, 128>}, {pipeline_mode = #tpu.pipeline_mode<synchronous>, transform_indices = @transform_4, window_bounds = array<i64: 1, 128>}, {pipeline_mode = #tpu.pipeline_mode<synchronous>, transform_indices = @transform_5, window_bounds = array<i64: 128, 256>}, {pipeline_mode = #tpu.pipeline_mode<synchronous>, transform_indices = @transform_6, window_bounds = array<i64: 1, 256>}, {transform_indices = @transform_7, window_bounds = array<i64: 2000, 128>}, {transform_indices = @transform_8, window_bounds = array<i64: 2000, 128>}]} {
    %get3A = arith.constant 0 : index
    %get3A_0 = arith.constant 0 : index
    %get3A_1 = arith.constant 0 : index
    %get3A_2 = vector.load %arg2[%get3A, %get3A_0, %get3A_1] : memref<2x2000x128xf32, #tpu.memory_space<vmem>>, vector<1x2000x128xf32>
    %get3A_3 = vector.shape_cast %get3A_2 : vector<1x2000x128xf32> to vector<2000x128xf32>
    %get3A_4 = arith.constant 1 : index
    %get3A_5 = arith.constant 0 : index
    %get3A_6 = arith.constant 0 : index
    %get3A_7 = vector.load %arg2[%get3A_4, %get3A_5, %get3A_6] : memref<2x2000x128xf32, #tpu.memory_space<vmem>>, vector<1x2000x128xf32>
    %get3A_8 = vector.shape_cast %get3A_7 : vector<1x2000x128xf32> to vector<2000x128xf32>
    %add3A = arith.addf %get3A_3, %get3A_8 : vector<2000x128xf32>
    %max3A = arith.constant 1.000000e+00 : f32
    %max3A_9 = vector.broadcast %max3A : f32 to vector<2000x128xf32>
    %max3A_10 = arith.maximumf %add3A, %max3A_9 : vector<2000x128xf32>
    %div3A = arith.constant 1.000000e+00 : f32
    %div3A_11 = vector.broadcast %div3A : f32 to vector<2000x128xf32>
    %div3A_12 = arith.divf %div3A_11, %max3A_10 : vector<2000x128xf32>
    %get3A_13 = arith.constant 0 : index
    %get3A_14 = arith.constant 0 : index
    %get3A_15 = arith.constant 0 : index
    %get3A_16 = vector.load %arg1[%get3A_13, %get3A_14, %get3A_15] : memref<2x2000x128xf32, #tpu.memory_space<vmem>>, vector<1x2000x128xf32>
    %get3A_17 = vector.shape_cast %get3A_16 : vector<1x2000x128xf32> to vector<2000x128xf32>
    %get3A_18 = arith.constant 1 : index
    %get3A_19 = arith.constant 0 : index
    %get3A_20 = arith.constant 0 : index
    %get3A_21 = vector.load %arg1[%get3A_18, %get3A_19, %get3A_20] : memref<2x2000x128xf32, #tpu.memory_space<vmem>>, vector<1x2000x128xf32>
    %get3A_22 = vector.shape_cast %get3A_21 : vector<1x2000x128xf32> to vector<2000x128xf32>
    %add3A_23 = arith.addf %get3A_17, %get3A_22 : vector<2000x128xf32>
    %mul3A = arith.mulf %add3A_23, %div3A_12 : vector<2000x128xf32>
    %get3A_24 = arith.constant 0 : index
    %get3A_25 = arith.constant 0 : index
    %get3A_26 = vector.load %arg3[%get3A_24, %get3A_25] : memref<2000x128xf32, #tpu.memory_space<vmem>>, vector<2000x128xf32>
    %add3A_27 = arith.addf %mul3A, %get3A_26 : vector<2000x128xf32>
    %get3A_28 = arith.constant 0 : index
    %get3A_29 = arith.constant 0 : index
    %get3A_30 = vector.load %arg4[%get3A_28, %get3A_29] : memref<1x128xf32, #tpu.memory_space<vmem>>, vector<1x128xf32>
    %mul3A_31 = arith.constant 0.999994993 : f32
    %mul3A_32 = vector.broadcast %mul3A_31 : f32 to vector<1x128xf32>
    %mul3A_33 = arith.mulf %get3A_30, %mul3A_32 : vector<1x128xf32>
    %mul3A_34 = vector.broadcast %mul3A_33 : vector<1x128xf32> to vector<2000x128xf32>
    %mul3A_35 = arith.mulf %add3A_27, %mul3A_34 : vector<2000x128xf32>
    %get3A_36 = arith.constant 0 : index
    %get3A_37 = arith.constant 0 : index
    %get3A_38 = vector.load %arg5[%get3A_36, %get3A_37] : memref<1x128xf32, #tpu.memory_space<vmem>>, vector<1x128xf32>
    %add3A_39 = vector.broadcast %get3A_38 : vector<1x128xf32> to vector<2000x128xf32>
    %add3A_40 = arith.addf %mul3A_35, %add3A_39 : vector<2000x128xf32>
    %max3A_41 = arith.constant 0.000000e+00 : f32
    %max3A_42 = vector.broadcast %max3A_41 : f32 to vector<2000x128xf32>
    %max3A_43 = arith.maximumf %add3A_40, %max3A_42 : vector<2000x128xf32>
    %get3A_44 = arith.constant 0 : index
    %get3A_45 = arith.constant 0 : index
    %get3A_46 = vector.load %arg6[%get3A_44, %get3A_45] : memref<128x256xf32, #tpu.memory_space<vmem>>, vector<128x256xf32>
    %dot_general3A = arith.constant dense<0.000000e+00> : vector<2000x256xf32>
    %dot_general3A_47 = tpu.matmul %max3A_43, %get3A_46, %dot_general3A {dimension_numbers = #tpu.dot_dimension_numbers<[1], [0], [0], [1], [0, 0, 1, 1], [], []>, transpose_lhs_hint = false} : vector<2000x128xf32>, vector<128x256xf32>, vector<2000x256xf32> -> vector<2000x256xf32>
    %get3A_48 = arith.constant 0 : index
    %get3A_49 = arith.constant 0 : index
    %get3A_50 = vector.load %arg7[%get3A_48, %get3A_49] : memref<1x256xf32, #tpu.memory_space<vmem>>, vector<1x256xf32>
    %add3A_51 = vector.broadcast %get3A_50 : vector<1x256xf32> to vector<2000x256xf32>
    %add3A_52 = arith.addf %dot_general3A_47, %add3A_51 : vector<2000x256xf32>
    %slice3A = vector.extract_strided_slice %add3A_52 {offsets = [0, 0], sizes = [2000, 128], strides = [1, 1]} : vector<2000x256xf32> to vector<2000x128xf32>
    %swap3A = arith.constant 0 : index
    %swap3A_53 = arith.constant 0 : index
    %swap3A_54 = vector.load %arg8[%swap3A, %swap3A_53] : memref<2000x128xf32, #tpu.memory_space<vmem>>, vector<2000x128xf32>
    tpu.vector_store %arg8[%swap3A, %swap3A_53], %slice3A {strides = array<i32>} : memref<2000x128xf32, #tpu.memory_space<vmem>>, vector<2000x128xf32>,
    %slice3A_55 = vector.extract_strided_slice %add3A_52 {offsets = [0, 128], sizes = [2000, 128], strides = [1, 1]} : vector<2000x256xf32> to vector<2000x128xf32>
    %swap3A_56 = arith.constant 0 : index
    %swap3A_57 = arith.constant 0 : index
    %swap3A_58 = vector.load %arg9[%swap3A_56, %swap3A_57] : memref<2000x128xf32, #tpu.memory_space<vmem>>, vector<2000x128xf32>
    tpu.vector_store %arg9[%swap3A_56, %swap3A_57], %slice3A_55 {strides = array<i32>} : memref<2000x128xf32, #tpu.memory_space<vmem>>, vector<2000x128xf32>,
    return
  }
  func.func @transform_0(%arg0: i32) -> (i32, i32, i32) {
    %c0_i32 = arith.constant 0 : i32
    %c0_i32_0 = arith.constant 0 : i32
    %c0_i32_1 = arith.constant 0 : i32
    return %c0_i32, %arg0, %c0_i32_0 : i32, i32, i32
  }
  func.func @transform_1(%arg0: i32) -> (i32, i32, i32) {
    %c0_i32 = arith.constant 0 : i32
    %c0_i32_0 = arith.constant 0 : i32
    %c0_i32_1 = arith.constant 0 : i32
    return %c0_i32, %arg0, %c0_i32_0 : i32, i32, i32
  }
  func.func @transform_2(%arg0: i32) -> (i32, i32) {
    %c0_i32 = arith.constant 0 : i32
    %c0_i32_0 = arith.constant 0 : i32
    return %arg0, %c0_i32 : i32, i32
  }
  func.func @transform_3(%arg0: i32) -> (i32, i32) {
    %c0_i32 = arith.constant 0 : i32
    %c0_i32_0 = arith.constant 0 : i32
    %c0_i32_1 = arith.constant 0 : i32
    return %c0_i32, %c0_i32_0 : i32, i32
  }
  func.func @transform_4(%arg0: i32) -> (i32, i32) {
    %c0_i32 = arith.constant 0 : i32
    %c0_i32_0 = arith.constant 0 : i32
    %c0_i32_1 = arith.constant 0 : i32
    return %c0_i32, %c0_i32_0 : i32, i32
  }
  func.func @transform_5(%arg0: i32) -> (i32, i32) {
    %c0_i32 = arith.constant 0 : i32
    %c0_i32_0 = arith.constant 0 : i32
    %c0_i32_1 = arith.constant 0 : i32
    return %c0_i32, %c0_i32_0 : i32, i32
  }
  func.func @transform_6(%arg0: i32) -> (i32, i32) {
    %c0_i32 = arith.constant 0 : i32
    %c0_i32_0 = arith.constant 0 : i32
    %c0_i32_1 = arith.constant 0 : i32
    return %c0_i32, %c0_i32_0 : i32, i32
  }
  func.func @transform_7(%arg0: i32) -> (i32, i32) {
    %c0_i32 = arith.constant 0 : i32
    %c0_i32_0 = arith.constant 0 : i32
    return %arg0, %c0_i32 : i32, i32
  }
  func.func @transform_8(%arg0: i32) -> (i32, i32) {
    %c0_i32 = arith.constant 0 : i32
    %c0_i32_0 = arith.constant 0 : i32
    return %arg0, %c0_i32 : i32, i32
  }
}

module attributes {stable_mosaic.version = 14 : i64} {
  func.func @_final_body(%arg0: i32, %arg1: memref<2x2000x128xf32, #tpu.memory_space<vmem>>, %arg2: memref<2x2000x128xf32, #tpu.memory_space<vmem>>, %arg3: memref<2000x128xf32, #tpu.memory_space<vmem>>, %arg4: memref<2000x128xf32, #tpu.memory_space<vmem>>) attributes {dimension_semantics = [#tpu.dimension_semantics<arbitrary>], iteration_bounds = array<i64: 5>, scalar_prefetch = 0 : i64, scratch_operands = 0 : i64, tpu.core_type = #tpu.core_type<tc>, window_params = [{transform_indices = @transform_0, window_bounds = array<i64: 2, 2000, 128>}, {transform_indices = @transform_1, window_bounds = array<i64: 2, 2000, 128>}, {transform_indices = @transform_2, window_bounds = array<i64: 2000, 128>}, {transform_indices = @transform_3, window_bounds = array<i64: 2000, 128>}]} {
    %get3A = arith.constant 0 : index
    %get3A_0 = arith.constant 0 : index
    %get3A_1 = arith.constant 0 : index
    %get3A_2 = vector.load %arg2[%get3A, %get3A_0, %get3A_1] : memref<2x2000x128xf32, #tpu.memory_space<vmem>>, vector<1x2000x128xf32>
    %get3A_3 = vector.shape_cast %get3A_2 : vector<1x2000x128xf32> to vector<2000x128xf32>
    %get3A_4 = arith.constant 1 : index
    %get3A_5 = arith.constant 0 : index
    %get3A_6 = arith.constant 0 : index
    %get3A_7 = vector.load %arg2[%get3A_4, %get3A_5, %get3A_6] : memref<2x2000x128xf32, #tpu.memory_space<vmem>>, vector<1x2000x128xf32>
    %get3A_8 = vector.shape_cast %get3A_7 : vector<1x2000x128xf32> to vector<2000x128xf32>
    %add3A = arith.addf %get3A_3, %get3A_8 : vector<2000x128xf32>
    %max3A = arith.constant 1.000000e+00 : f32
    %max3A_9 = vector.broadcast %max3A : f32 to vector<2000x128xf32>
    %max3A_10 = arith.maximumf %add3A, %max3A_9 : vector<2000x128xf32>
    %div3A = arith.constant 1.000000e+00 : f32
    %div3A_11 = vector.broadcast %div3A : f32 to vector<2000x128xf32>
    %div3A_12 = arith.divf %div3A_11, %max3A_10 : vector<2000x128xf32>
    %get3A_13 = arith.constant 0 : index
    %get3A_14 = arith.constant 0 : index
    %get3A_15 = arith.constant 0 : index
    %get3A_16 = vector.load %arg1[%get3A_13, %get3A_14, %get3A_15] : memref<2x2000x128xf32, #tpu.memory_space<vmem>>, vector<1x2000x128xf32>
    %get3A_17 = vector.shape_cast %get3A_16 : vector<1x2000x128xf32> to vector<2000x128xf32>
    %get3A_18 = arith.constant 1 : index
    %get3A_19 = arith.constant 0 : index
    %get3A_20 = arith.constant 0 : index
    %get3A_21 = vector.load %arg1[%get3A_18, %get3A_19, %get3A_20] : memref<2x2000x128xf32, #tpu.memory_space<vmem>>, vector<1x2000x128xf32>
    %get3A_22 = vector.shape_cast %get3A_21 : vector<1x2000x128xf32> to vector<2000x128xf32>
    %add3A_23 = arith.addf %get3A_17, %get3A_22 : vector<2000x128xf32>
    %mul3A = arith.mulf %add3A_23, %div3A_12 : vector<2000x128xf32>
    %get3A_24 = arith.constant 0 : index
    %get3A_25 = arith.constant 0 : index
    %get3A_26 = vector.load %arg3[%get3A_24, %get3A_25] : memref<2000x128xf32, #tpu.memory_space<vmem>>, vector<2000x128xf32>
    %add3A_27 = arith.addf %mul3A, %get3A_26 : vector<2000x128xf32>
    %reduce_max3A = arith.constant dense<0xFF800000> : vector<2000xf32>
    %reduce_max3A_28 = vector.multi_reduction <maximumf>, %add3A_27, %reduce_max3A [1] : vector<2000x128xf32> to vector<2000xf32>
    %broadcast_in_dim3A = vector.shape_cast %reduce_max3A_28 : vector<2000xf32> to vector<2000x1xf32>
    %sub3A = vector.broadcast %broadcast_in_dim3A : vector<2000x1xf32> to vector<2000x128xf32>
    %sub3A_29 = arith.subf %add3A_27, %sub3A : vector<2000x128xf32>
    %exp3A = math.exp %sub3A_29 : vector<2000x128xf32>
    %reduce_sum3A = arith.constant dense<0.000000e+00> : vector<2000xf32>
    %reduce_sum3A_30 = vector.multi_reduction <add>, %exp3A, %reduce_sum3A [1] : vector<2000x128xf32> to vector<2000xf32>
    %broadcast_in_dim3A_31 = vector.shape_cast %reduce_sum3A_30 : vector<2000xf32> to vector<2000x1xf32>
    %log3A = math.log %broadcast_in_dim3A_31 : vector<2000x1xf32>
    %add3A_32 = arith.addf %log3A, %broadcast_in_dim3A : vector<2000x1xf32>
    %sub3A_33 = vector.broadcast %add3A_32 : vector<2000x1xf32> to vector<2000x128xf32>
    %sub3A_34 = arith.subf %add3A_27, %sub3A_33 : vector<2000x128xf32>
    %swap3A = arith.constant 0 : index
    %swap3A_35 = arith.constant 0 : index
    %swap3A_36 = vector.load %arg4[%swap3A, %swap3A_35] : memref<2000x128xf32, #tpu.memory_space<vmem>>, vector<2000x128xf32>
    tpu.vector_store %arg4[%swap3A, %swap3A_35], %sub3A_34 {strides = array<i32>} : memref<2000x128xf32, #tpu.memory_space<vmem>>, vector<2000x128xf32>,
    return
  }
  func.func @transform_0(%arg0: i32) -> (i32, i32, i32) {
    %c0_i32 = arith.constant 0 : i32
    %c0_i32_0 = arith.constant 0 : i32
    %c0_i32_1 = arith.constant 0 : i32
    return %c0_i32, %arg0, %c0_i32_0 : i32, i32, i32
  }
  func.func @transform_1(%arg0: i32) -> (i32, i32, i32) {
    %c0_i32 = arith.constant 0 : i32
    %c0_i32_0 = arith.constant 0 : i32
    %c0_i32_1 = arith.constant 0 : i32
    return %c0_i32, %arg0, %c0_i32_0 : i32, i32, i32
  }
  func.func @transform_2(%arg0: i32) -> (i32, i32) {
    %c0_i32 = arith.constant 0 : i32
    %c0_i32_0 = arith.constant 0 : i32
    return %arg0, %c0_i32 : i32, i32
  }
  func.func @transform_3(%arg0: i32) -> (i32, i32) {
    %c0_i32 = arith.constant 0 : i32
    %c0_i32_0 = arith.constant 0 : i32
    return %arg0, %c0_i32 : i32, i32
  }
}

</mosaic_0001>

<sc_bundles>
// kernel: kernel.10.cloned.1.call-start
scs
__scs_entry_jumppad:
0x0: {  	(pc) =	sbr.rel $0x88, $3  }
0x1: {  	(tag) =	ssettag $0x0;
	lr =	simm.s32 $0x1  }
0x2: {  	[smem:$0x3F95] =	sst lr;
	_ =	strace $0xD0000000  }
0x3: {  	_ = 	snop  }
0x4: {  	_ = 	snop  }
0x5: {  	_ = 	snop  }
0x6: {  	_ = 	snop  }
0x7: {  	_ = 	snop  }
__scs_overlays_trampoline_lowered:
0x8: {  	[smem:$0x3FA4] =	sst s0  }
0x9: {  	[smem:$0x3FA5] =	sst s1  }
0xa: {  	[smem:$0x3FA6] =	sst s2  }
0xb: {  	[smem:$0x3FA7] =	sst s3  }
0xc: {  	[smem:$0x3FA8] =	sst s4  }
0xd: {  	[smem:$0x3FA9] =	sst s5  }
0xe: {  	[smem:$0x3FAA] =	sst s6  }
0xf: {  	[smem:$0x3FAB] =	sst s7  }
0x10: {  	[smem:$0x3FAC] =	sst s8  }
0x11: {  	[smem:$0x3FAD] =	sst s9;
	s0 =	simm.s32 @!p0 $0x0  }
0x12: {  	s1 =	sld [smem:$0x3F93];
	s0 =	simm.s32 @p0 $0x1  }
0x13: {  	[smem:$0x3FAE] =	sst s0;
	s0 =	simm.s32 @!p1 $0x0  }
0x14: {  	s2 =	sld [smem:$0x3F92];
	s0 =	simm.s32 @p1 $0x1  }
0x15: {  	[smem:$0x3FAF] =	sst s0;
	s0 =	simm.s32 @!p2 $0x0  }
0x16: {  	s3 =	sld [smem:$0x3FDB];
	s0 =	simm.s32 @p2 $0x1  }
0x17: {  	s4 =	simm.s32 $0x1BF5;
	[smem:$0x3FB1] =	sst s0  }
0x18: {  	s0 =	sld [smem:$0x3F94];
	_ =	swait.ge [sflag:s4], $0x0  }
0x19: {  	s7 =	sld [smem:$0x3F95]  }
0x1a: {  	s8 =	sadd.s32 $0xFFFFE003, lr  }
0x1b: {  	s9 =	sadd.s32 $0xFFFFFEF7, lr;
	s5 =	simm.s32 $0xFFFFFFFF;
	p2 =	slt.u32 s8, $0xFFFFF086  }
0x1c: {  	p1 =	slt.u32 s9, $0xF7A;
	s5 =	simm.s32 @!p2 $0x0  }
0x1d: {  	s5 =	simm.s32 @p1 $0x1;
	p0 =	seq.s32 s7, s2  }
0x1e: {  	s7 =	smul.u32 @!p0 $0xF7A, s2;
	p2 =	seq.s32 @!p0 s5, $0x0  }
0x1f: {  	s9 =	smul.u32 $0xF7A, s1;
	s8 =	simm.s32 @!p0 $0x1BF5;
	p2 =	por !p2, p0  }
0x20: {  	[sflag:s8] =	ssyncset.s32 @!p0 $0xFFFFF086;
	s6 =	sadd.s32 @!p0 s3, s7;
	s7 =	simm.s32 @!p0 $0x108  }
0x21: {  	s3 =	sadd.s32 s3, s9;
	s6 =	sadd.s32 @!p0 $0x88, s6;
	s7 =	simm.s32 @p2 $0x1082  }
0x22: {  	[simem:s7], [sflag:s8] =	dma.local @!p0 [hbm:s6], $0xF7A  }
0x23: {  	s9 =	sor.u32 $0xD0000000, s2;
	s6 =	simm.s32 $0x108;
	_ =	swait.ge @!p0 [sflag:s8], $0x0  }
0x24: {  	s3 =	sadd.s32 $0x88, s3;
	s6 =	simm.s32 @!p1 $0x1082;
	[sflag:s4] =	ssyncset.s32 $0xFFFFF086  }
0x25: {  	[simem:s6], [sflag:s4] =	dma.local [hbm:s3], $0xF7A  }
0x26: {  	[smem:$0x3F95] =	sst s1;
	(tag) =	ssettag s2;
	_ =	strace s9  }
0x27: {  	s1 =	sld [smem:$0x3FA5]  }
0x28: {  	s2 =	sld [smem:$0x3FA6]  }
0x29: {  	s4 =	sld [smem:$0x3FA8]  }
0x2a: {  	p0 =	seq.s32 s5, $0x0;
	s5 =	sld [smem:$0x3FA9]  }
0x2b: {  	s6 =	sld [smem:$0x3FAA]  }
0x2c: {  	s7 =	sld [smem:$0x3FAB]  }
0x2d: {  	s3 =	simm.s32 $0x108;
	s8 =	sld [smem:$0x3FAC]  }
0x2e: {  	s3 =	simm.s32 @!p0 $0x1082;
	s9 =	sld [smem:$0x3FAD]  }
0x2f: {  	lr =	sadd.s32 s0, s3;
	s0 =	sld [smem:$0x3FA4]  }
0x30: {  	s3 =	sld [smem:$0x3FA7]  }
0x31: {  	[smem:$0x3FB0] =	sst s10  }
0x32: {  	s10 =	sld [smem:$0x3FAE];
	_ =	sdelay $0x3  }
0x33: {  	p0 =	seq.s32 s10, $0x1;
	s10 =	sld [smem:$0x3FB0];
	_ =	sdelay $0x3  }
0x34: {  	[smem:$0x3FB0] =	sst s10  }
0x35: {  	s10 =	sld [smem:$0x3FAF];
	_ =	sdelay $0x3  }
0x36: {  	p1 =	seq.s32 s10, $0x1;
	s10 =	sld [smem:$0x3FB0];
	_ =	sdelay $0x3  }
0x37: {  	[smem:$0x3FB0] =	sst s10  }
0x38: {  	s10 =	sld [smem:$0x3FB1]  }
0x39: {  	_ = 	snop;
	(pc) =	sbr.ind lr, $3  }
0x3a: {  	_ = 	snop  }
0x3b: {  	_ = 	snop  }
0x3c: {  	p2 =	seq.s32 s10, $0x1;
	s10 =	sld [smem:$0x3FB0]  }
0x3d: {  	_ =	shalt  }
0x3e: {  	_ =	shalt  }
0x3f: {  	_ =	shalt  }
0x40: {  	_ =	shalt  }
0x41: {  	_ =	shalt  }
0x42: {  	_ =	shalt  }
0x43: {  	_ =	shalt  }
0x44: {  	_ =	shalt  }
0x45: {  	_ =	shalt  }
0x46: {  	_ =	shalt  }
0x47: {  	_ =	shalt  }
0x48: {  	_ =	shalt  }
0x49: {  	_ =	shalt  }
0x4a: {  	_ =	shalt  }
0x4b: {  	_ =	shalt  }
0x4c: {  	_ =	shalt  }
0x4d: {  	_ =	shalt  }
0x4e: {  	_ =	shalt  }
0x4f: {  	_ =	shalt  }
0x50: {  	_ =	shalt  }
0x51: {  	_ =	shalt  }
0x52: {  	_ =	shalt  }
0x53: {  	_ =	shalt  }
0x54: {  	_ =	shalt  }
0x55: {  	_ =	shalt  }
0x56: {  	_ =	shalt  }
0x57: {  	_ =	shalt  }
0x58: {  	_ =	shalt  }
0x59: {  	_ =	shalt  }
0x5a: {  	_ =	shalt  }
0x5b: {  	_ =	shalt  }
0x5c: {  	_ =	shalt  }
0x5d: {  	_ =	shalt  }
0x5e: {  	_ =	shalt  }
0x5f: {  	_ =	shalt  }
0x60: {  	_ =	shalt  }
0x61: {  	_ =	shalt  }
0x62: {  	_ =	shalt  }
0x63: {  	_ =	shalt  }
0x64: {  	_ =	shalt  }
0x65: {  	_ =	shalt  }
0x66: {  	_ =	shalt  }
0x67: {  	_ =	shalt  }
0x68: {  	_ =	shalt  }
0x69: {  	_ =	shalt  }
0x6a: {  	_ =	shalt  }
0x6b: {  	_ =	shalt  }
0x6c: {  	_ =	shalt  }
0x6d: {  	_ =	shalt  }
0x6e: {  	_ =	shalt  }
0x6f: {  	_ =	shalt  }
0x70: {  	_ =	shalt  }
0x71: {  	_ =	shalt  }
0x72: {  	_ =	shalt  }
0x73: {  	_ =	shalt  }
0x74: {  	_ =	shalt  }
0x75: {  	_ =	shalt  }
0x76: {  	_ =	shalt  }
0x77: {  	_ =	shalt  }
0x78: {  	_ =	shalt  }
0x79: {  	_ =	shalt  }
0x7a: {  	_ =	shalt  }
0x7b: {  	_ =	shalt  }
0x7c: {  	_ =	shalt  }
0x7d: {  	_ =	shalt  }
0x7e: {  	_ =	shalt  }
0x7f: {  	_ =	shalt  }
0x80: {  	_ =	shalt  }
0x81: {  	_ =	shalt  }
0x82: {  	_ =	shalt  }
0x83: {  	_ =	shalt  }
0x84: {  	_ =	shalt  }
0x85: {  	_ =	shalt  }
0x86: {  	_ =	shalt  }
0x87: {  	_ =	shalt  }
.Lfunc_end0:
.L_simem_size_0:
called_computation.1_lowered:
.L_overlay_start_0:
0x88: {  	s2 =	sld [smem:$0x3FD9]  }
0x89: {  	s3 =	sld [smem:$0x3FFE];
	_ =	sdelay $0x1  }
0x8a: {  	s1 =	srdreg.scid  }
0x8b: {  	s0 =	sand.u32 $0x1, s1  }
0x8c: {  	s17 =	sshll.u32 s0, $0xA;
	s2 =	sadd.s32 s3, s2  }
0x8d: {  	s2 =	sadd.s32 s2, s17  }
0x8e: {  	[smem:$0x3FBC] =	sst s2  }
0x8f: {  	_ = 	snop  }
0x90: {  	s2 =	sld [smem:$0x3FD0];
	(tm) =	ssettm $0x1  }
0x91: {  	s18 =	sld [smem:$0x3FFB];
	_ =	sdelay $0x3  }
0x92: {  	_ =	strace s18  }
0x93: {  	s3 =	sld [smem:$0x3FFC];
	_ =	sdelay $0x3  }
0x94: {  	_ =	strace s3  }
0x95: {  	s3 =	sld [smem:$0x3FFD];
	_ =	sdelay $0x3  }
0x96: {  	_ =	strace s3  }
0x97: {  	_ =	strace $0x8FFFFFFF  }
0x98: {  	s19 =	sld [smem:$0x3FDB];
	_ =	sdelay $0x1  }
0x99: {  	s4 =	simm.s32 $_scs_section_size  }
0x9a: {  	s5 =	simm.s32 $_size__tile_overlayer_lowered;
	s6 =	simm.s32 $_tile_overlayer_lowered  }
0x9b: {  	s22 =	simm.s32 $0x1BFF;
	s21 =	sshll.u32 s6, $0x1;
	s3 =	sadd.s32 s4, s19  }
0x9c: {  	s7 =	simm.s32 $0x0;
	s20 =	sshll.u32 s5, $0x1;
	s5 =	sadd.s32 s21, s3  }
0x9d: {  	[timem:s7], [sflag:s22] =	dma.local [hbm:s5], s20  }
0x9e: {  	_ =	swait.ge [sflag:s22], s20  }
0x9f: {  	s4 =	ssub.s32 $0x0, s20;
	[sflag:s22] =	ssyncset.done $0x0  }
0xa0: {  	[sflag:s22] =	ssyncadd.s32 s4;
	_ =	sdelay $0x1  }
0xa1: {  	s23 =	simm.s32 $0x1B8B  }
0xa2: {  	_ =	swait.ge [sflag:s23], $0x1  }
0xa3: {  	[sflag:s23] =	ssyncset.done $0x0  }
0xa4: {  	s25 =	simm.s32 $0x1B8E;
	s24 =	sld [smem:$0x3FFE];
	[sflag:s23] =	ssyncadd.s32 $0xFFFFFFFF  }
0xa5: {  	s26 =	simm.s32 $execute0_lowered;
	[smem:$0x3FD2] =	sst s25  }
0xa6: {  	s5 =	sshll.u32 s26, $0x1;
	_ =	strace $0x80000049;
	[dreg:$0x1] =	wrdreg $0xFFFFFFFF  }
0xa7: {  	s28 =	simm.s32 $_size_execute0_lowered;
	s3 =	sadd.s32 s3, s5;
	[dreg:$0x0] =	wrdreg $0x0  }
0xa8: {  	s5 =	sshll.u32 s28, $0x1;
	[dreg:$0x2] =	wrdreg s3  }
0xa9: {  	[dreg:$0x3] =	wrdreg s5  }
0xaa: {  	[dreg:$0x4] =	wrdreg $0xC0  }
0xab: {  	_ =	task [dreg:s7], $0x5FFFF  }
0xac: {  	[dreg:$0x1] =	wrdreg $0xFFFFFFFF  }
0xad: {  	[dreg:$0x0] =	wrdreg $0x60  }
0xae: {  	[dreg:$0x2] =	wrdreg s2  }
0xaf: {  	[dreg:$0x3] =	wrdreg s24  }
0xb0: {  	[dreg:$0x4] =	wrdreg $0x0  }
0xb1: {  	[dreg:$0x5] =	wrdreg $0x9  }
0xb2: {  	_ =	task.clear_ibuf [dreg:s7], $0x6FFFF;
	_ =	strace $0x90000049  }
0xb3: {  	s29 =	simm.s32 $0x9;
	_ =	strace $0x8000004B  }
0xb4: {  	_ =	swait.ge [sflag:s29], $0x1  }
0xb5: {  	[sflag:s29] =	ssyncadd.s32 $0xFFFFFFFF  }
0xb6: {  	_ =	strace $0x9000004B  }
0xb7: {  	_ =	sfence  }
0xb8: {  	s30 =	sld [smem:$0x0];
	_ =	sdelay $0x2  }
0xb9: {  	s31 =	sshll.u32 s1, $0xD;
	s1 =	sshrl.u32 s1, $0x2  }
0xba: {  	s3 =	sand.u32 $0x4000, s31;
	s1 =	sadd.s32 s1, s30  }
0xbb: {  	s0 =	sor.u32 s3, s0;
	s1 =	sshll.u32 s1, $0x11  }
0xbc: {  	s0 =	sor.u32 s1, s0  }
0xbd: {  	s0 =	sadd.s32 $0x8F2B, s0  }
0xbe: {  	[sflag:s0] =	ssyncadd.remote.s32 $0x1  }
0xbf: {  	_ =	sfence.sel $0xFFFF  }
0xc0: {  	[dreg:$0x0] =	wrdreg $0xFFFFFFFF;
	(pc) =	sbr.abs _section_cstart, $3  }
0xc1: {  	[dreg:$0x1] =	wrdreg $0xFFFFFFFF  }
0xc2: {  	_ =	task.clear_ibuf [dreg:s7], $0x2FFFF;
	_ =	strace $0x9FFFFFFF  }
0xc3: {  	(tm) =	ssettm $0x7FFFFFFF  }
tec
execute0_lowered:
.L_overlay_start_1:
0x0: {  	(tag) =	ssettag $0x1  }
0x1: {  	s1 =	rddreg [dreg:$0x0]  }
0x2: {  	s0 =	srdreg.scid;
	s2 =	rddreg [dreg:$0x1]  }
0x3: {  	s11 =	stileid.u32;
	s3 =	rddreg [dreg:$0x2];
	s4 =	simm.s32 $0x0  }
0x4: {  	s23 =	simm.s32 $0x13900;
	s24 =	simm.s32 $0x13980;
	s26 =	simm.s32 $0x13A00  }
0x5: {  	s12 =	simm.s32 $0x13A80;
	s13 =	simm.s32 $0x14580;
	[smem:$0x7FF] =	sst s4  }
0x6: {  	s14 =	simm.s32 $0x13B00;
	_ =	strace $0x8000004A;
	[dreg:$0x6] =	wrdreg s23  }
0x7: {  	s15 =	simm.s32 $0x14600;
	s16 =	simm.s32 $0x13B80;
	[dreg:$0x7] =	wrdreg s24  }
0x8: {  	s17 =	simm.s32 $0x14680;
	s19 =	simm.s32 $0x13C00;
	[dreg:$0x8] =	wrdreg s26  }
0x9: {  	s20 =	simm.s32 $0x14700;
	s28 =	simm.s32 $0x14080;
	[dreg:$0xa] =	wrdreg s12  }
0xa: {  	s29 =	simm.s32 $0x14B80;
	s30 =	simm.s32 $0x14100;
	[dreg:$0xb] =	wrdreg s13  }
0xb: {  	s31 =	simm.s32 $0x14C00;
	s5 =	smul.u32 $0x7800, s11;
	[dreg:$0xc] =	wrdreg s14  }
0xc: {  	s0 =	sand.u32 $0x1, s0;
	s21 =	smul.u32 $0x2700, s11;
	[dreg:$0xd] =	wrdreg s15  }
0xd: {  	s7 =	smul.u32 $0x4E000, s11;
	s9 =	sadd.s32 $0x47E00, s2;
	[dreg:$0xe] =	wrdreg s16  }
0xe: {  	s25 =	smul.u32 $0x13800, s11;
	p0 =	seq.s32 s11, $0xF;
	[dreg:$0xf] =	wrdreg s17  }
0xf: {  	s6 =	smul.u32 $0x3C00, s0;
	s8 =	ssub.s32 $0x2, s0;
	[dreg:$0x10] =	wrdreg s19  }
0x10: {  	s0 =	smul.u32 $0x138800, s0;
	[dreg:$0x11] =	wrdreg s20;
	s23 =	simm.s32 $0x13D00  }
0x11: {  	s24 =	simm.s32 $0x14800;
	s13 =	simm.s32 $0x13880;
	s14 =	simm.s32 $0x4  }
0x12: {  	s26 =	simm.s32 $0x14880;
	s15 =	simm.s32 $0x14480;
	s16 =	simm.s32 $0x64  }
0x13: {  	s17 =	simm.s32 $0x15080;
	s19 =	simm.s32 $0x1B880;
	[dreg:$0x14] =	wrdreg s23  }
0x14: {  	s20 =	simm.s32 $0x1;
	s10 =	sshrl.u32 s8, $0x1;
	[dreg:$0x15] =	wrdreg s24  }
0x15: {  	s7 =	sshrl.u32 s7, $0x2;
	[dreg:$0x17] =	wrdreg s26;
	s5 =	sadd.s32 s6, s5  }
0x16: {  	s6 =	sadd.s32 s21, s2;
	s8 =	ssub.s32 s8, s10;
	s21 =	simm.s32 $0x13C80  }
0x17: {  	s10 =	sadd.s32 s25, s0;
	s25 =	simm.s32 $0x13D80;
	[dreg:$0x12] =	wrdreg s21  }
0x18: {  	s23 =	simm.s32 $0x13F80;
	s6 =	sadd.s32 $0x20C00, s6;
	[dreg:$0x16] =	wrdreg s25  }
0x19: {  	s7 =	sadd.s32 s7, s3;
	s18 =	smax.u32 s8, $0x1;
	[dreg:$0x1e] =	wrdreg s6  }
0x1a: {  	s12 =	sshrl.u32 @!p0 s7, $0x3;
	s7 =	simm.s32 $0x14980;
	[smem:$0x7F9] =	sst s18  }
0x1b: {  	s0 =	sshrl.u32 s0, $0x3;
	s8 =	simm.s32 $0x13F00;
	[dreg:$0x1b] =	wrdreg s7  }
0x1c: {  	s5 =	sshrl.u32 s5, $0x3;
	s0 =	sadd.s32 s9, s0;
	[dreg:$0x1c] =	wrdreg s8  }
0x1d: {  	s5 =	sadd.s32 s5, s2;
	s2 =	sadd.s32 $0x45500, s2;
	[smem:$0x7FD] =	sst s12  }
0x1e: {  	s24 =	simm.s32 $0x14A80;
	s0 =	sadd.s32 $0x24900, s0;
	[dreg:$0x1f] =	wrdreg s2  }
0x1f: {  	s26 =	simm.s32 $0x14B00;
	s22 =	sadd.s32 $0x2400, s5;
	[smem:$0x7F8] =	sst s0  }
0x20: {  	s6 =	sadd.s32 $0x124800, s3;
	s5 =	sadd.s32 $0x11400, s5;
	[dreg:$0x4] =	wrdreg s22  }
0x21: {  	s21 =	simm.s32 $0x2;
	s2 =	sshrl.u32 @p0 s6, $0x3;
	[dreg:$0x5] =	wrdreg s5  }
0x22: {  	s25 =	simm.s32 $0x14000;
	s6 =	simm.s32 $0x13E80;
	[smem:$0x7FA] =	sst s2  }
0x23: {  	s18 =	simm.s32 $0x18480;
	s5 =	simm.s32 $0x14500;
	[dreg:$0x1a] =	wrdreg s6  }
0x24: {  	s2 =	sshll.u32 @!p0 s11, $0x6;
	s22 =	simm.s32 $0x14780;
	[dreg:$0x9] =	wrdreg s5  }
0x25: {  	s11 =	sor.u32 @!p0 $0x1C04, s2;
	[dreg:$0x13] =	wrdreg s22;
	s2 =	simm.s32 $0x13E00  }
0x26: {  	s5 =	sshrl.u32 s10, $0x3;
	s10 =	simm.s32 $0x0;
	[dreg:$0x18] =	wrdreg s2  }
0x27: {  	s7 =	simm.s32 $0x14D80;
	s8 =	simm.s32 $0x14E00;
	[smem:$0x7FB] =	sst s10  }
0x28: {  	s0 =	simm.s32 $0x14C80;
	s5 =	sadd.s32 s9, s5;
	[smem:$0x7FC] =	sst s11  }
0x29: {  	s6 =	simm.s32 $0x14D00;
	s9 =	simm.s32 $0x14A00;
	[smem:$0x7F7] =	sst s5  }
0x2a: {  	s22 =	simm.s32 $0x3;
	s5 =	simm.s32 $0x14900;
	[dreg:$0x1d] =	wrdreg s9  }
0x2b: {  	s2 =	simm.s32 $0x14180;
	[dreg:$0x19] =	wrdreg s5;
	s5 =	simm.s32 $0x14200  }
.LBB2_1:
0x2c: {  	s11 =	sld [smem:$0x7FA];
	_ =	sdelay $0x1  }
0x2d: {  	s10 =	simm.s32 @p0 $0x1FC4;
	s9 =	rddreg [dreg:$0x1f]  }
0x2e: {  	[spmem:s11], [sflag:s10] =	dma.local @p0 [hbm:s9], $0x2800  }
0x2f: {  	s10 =	simm.s32 @p0 $0x4  }
0x30: {  	_ =	swait.ge @p0 [sflag:s10], $0x2800  }
0x31: {  	[sflag:s10] =	ssyncset.done @p0 $0x0  }
0x32: {  	[sflag:s10] =	ssyncadd.s32 @p0 $0xFFFFD800;
	s10 =	sld [smem:$0x7FC];
	_ =	sdelay $0x1  }
0x33: {  	s9 =	rddreg [dreg:$0x1e]  }
0x34: {  	[spmem:s12], [sflag:s10] =	dma.local @!p0 [hbm:s9], $0x2700  }
0x35: {  	s10 =	simm.s32 @!p0 $0x4  }
0x36: {  	_ =	swait.ge @!p0 [sflag:s10], $0x2700  }
0x37: {  	[sflag:s10] =	ssyncset.done @!p0 $0x0  }
0x38: {  	[sflag:s10] =	ssyncadd.s32 @!p0 $0xFFFFD900  }
0x39: {  	[bflag:$0x0] =	sbarrier.arrive $0xFFFF  }
0x3a: {  	s9 =	rddreg [dreg:$0x5]  }
0x3b: {  	s10 =	sadd.s32 $0x0, s9  }
0x3c: {  	[tilespmem:s13], [sflag:$0x4] =	stream.linear.gather [hbm4b:s10+s4], $0xA00, $0x38;
	[tilespmem:$0x1EC80] =	vst v63  }
0x3d: {  	_ =	swait.ge [sflag:s14], $0xA00  }
0x3e: {  	s11 =	rddreg [dreg:$0x4];
	[sflag:s14] =	ssyncset.done $0x0  }
0x3f: {  	[sflag:s14] =	ssyncadd.s32 $0xFFFFF600;
	s10 =	sadd.s32 $0x0, s11  }
0x40: {  	[tilespmem:s15], [sflag:$0x4] =	stream.linear.gather [hbm4b:s10+s4], $0xA00, $0x38;
	[tilespmem:$0x1EC80] =	vst v63  }
0x41: {  	_ =	swait.ge [sflag:s14], $0xA00  }
0x42: {  	[sflag:s14] =	ssyncset.done $0x0  }
0x43: {  	[sflag:s14] =	ssyncadd.s32 $0xFFFFF600  }
0x44: {  	[tilespmem:s17], [sflag:$0x1] =	stream.indirect.gather [hbm4b:s1+s16], $0x80, s13, s16, $0xb8;
	[tilespmem:$0x1EC80] =	vst v63  }
0x45: {  	s12 =	rddreg [dreg:$0x6]  }
0x46: {  	[tilespmem:s18], [sflag:$0x2] =	stream.indirect.gather [hbm4b:s1+s16], $0x80, s12, s16, $0xb8;
	[tilespmem:$0x1EC80] =	vst v63  }
0x47: {  	s9 =	rddreg [dreg:$0x7]  }
0x48: {  	[tilespmem:s19], [sflag:$0x3] =	stream.indirect.gather [hbm4b:s1+s16], $0x80, s9, s16, $0xb8;
	[tilespmem:$0x1EC80] =	vst v63  }
0x49: {  	_ =	swait.ge [sflag:s20], $0x3200  }
0x4a: {  	[sflag:s20] =	ssyncset.done $0x0  }
0x4b: {  	[sflag:s20] =	ssyncadd.s32 $0xFFFFCE00  }
0x4c: {  	[spmem:s3] =	stream.indirect.scatter.add.f32 [tilespmem:s17], [sflag:$0x4], $0x80, s15, s16, $0xb8;
	[tilespmem:$0x1EC80] =	vst v63  }
0x4d: {  	_ =	swait.ge [sflag:s14], $0x3200  }
0x4e: {  	[sflag:s14] =	ssyncset.done $0x0  }
0x4f: {  	s12 =	rddreg [dreg:$0x8];
	[sflag:s14] =	ssyncadd.s32 $0xFFFFCE00  }
0x50: {  	[tilespmem:s17], [sflag:$0x1] =	stream.indirect.gather [hbm4b:s1+s16], $0x80, s12, s16, $0xb8;
	[tilespmem:$0x1EC80] =	vst v63  }
0x51: {  	_ =	swait.ge [sflag:s21], $0x3200  }
0x52: {  	[sflag:s21] =	ssyncset.done $0x0  }
0x53: {  	s9 =	rddreg [dreg:$0x9];
	[sflag:s21] =	ssyncadd.s32 $0xFFFFCE00  }
0x54: {  	[spmem:s3] =	stream.indirect.scatter.add.f32 [tilespmem:s18], [sflag:$0x4], $0x80, s9, s16, $0xb8;
	[tilespmem:$0x1EC80] =	vst v63  }
0x55: {  	_ =	swait.ge [sflag:s14], $0x3200  }
0x56: {  	[sflag:s14] =	ssyncset.done $0x0  }
0x57: {  	s11 =	rddreg [dreg:$0xa];
	[sflag:s14] =	ssyncadd.s32 $0xFFFFCE00  }
0x58: {  	[tilespmem:s18], [sflag:$0x2] =	stream.indirect.gather [hbm4b:s1+s16], $0x80, s11, s16, $0xb8;
	[tilespmem:$0x1EC80] =	vst v63  }
0x59: {  	_ =	swait.ge [sflag:s22], $0x3200  }
0x5a: {  	[sflag:s22] =	ssyncset.done $0x0  }
0x5b: {  	s12 =	rddreg [dreg:$0xb];
	[sflag:s22] =	ssyncadd.s32 $0xFFFFCE00  }
0x5c: {  	[spmem:s3] =	stream.indirect.scatter.add.f32 [tilespmem:s19], [sflag:$0x4], $0x80, s12, s16, $0xb8;
	[tilespmem:$0x1EC80] =	vst v63  }
0x5d: {  	_ =	swait.ge [sflag:s14], $0x3200  }
0x5e: {  	[sflag:s14] =	ssyncset.done $0x0  }
0x5f: {  	s9 =	rddreg [dreg:$0xc];
	[sflag:s14] =	ssyncadd.s32 $0xFFFFCE00  }
0x60: {  	[tilespmem:s19], [sflag:$0x3] =	stream.indirect.gather [hbm4b:s1+s16], $0x80, s9, s16, $0xb8;
	[tilespmem:$0x1EC80] =	vst v63  }
0x61: {  	_ =	swait.ge [sflag:s20], $0x3200  }
0x62: {  	[sflag:s20] =	ssyncset.done $0x0  }
0x63: {  	s11 =	rddreg [dreg:$0xd];
	[sflag:s20] =	ssyncadd.s32 $0xFFFFCE00  }
0x64: {  	[spmem:s3] =	stream.indirect.scatter.add.f32 [tilespmem:s17], [sflag:$0x4], $0x80, s11, s16, $0xb8;
	[tilespmem:$0x1EC80] =	vst v63  }
0x65: {  	_ =	swait.ge [sflag:s14], $0x3200  }
0x66: {  	[sflag:s14] =	ssyncset.done $0x0  }
0x67: {  	s12 =	rddreg [dreg:$0xe];
	[sflag:s14] =	ssyncadd.s32 $0xFFFFCE00  }
0x68: {  	[tilespmem:s17], [sflag:$0x1] =	stream.indirect.gather [hbm4b:s1+s16], $0x80, s12, s16, $0xb8;
	[tilespmem:$0x1EC80] =	vst v63  }
0x69: {  	_ =	swait.ge [sflag:s21], $0x3200  }
0x6a: {  	[sflag:s21] =	ssyncset.done $0x0  }
0x6b: {  	s9 =	rddreg [dreg:$0xf];
	[sflag:s21] =	ssyncadd.s32 $0xFFFFCE00  }
0x6c: {  	[spmem:s3] =	stream.indirect.scatter.add.f32 [tilespmem:s18], [sflag:$0x4], $0x80, s9, s16, $0xb8;
	[tilespmem:$0x1EC80] =	vst v63  }
0x6d: {  	_ =	swait.ge [sflag:s14], $0x3200  }
0x6e: {  	[sflag:s14] =	ssyncset.done $0x0  }
0x6f: {  	s11 =	rddreg [dreg:$0x10];
	[sflag:s14] =	ssyncadd.s32 $0xFFFFCE00  }
0x70: {  	[tilespmem:s18], [sflag:$0x2] =	stream.indirect.gather [hbm4b:s1+s16], $0x80, s11, s16, $0xb8;
	[tilespmem:$0x1EC80] =	vst v63  }
0x71: {  	_ =	swait.ge [sflag:s22], $0x3200  }
0x72: {  	[sflag:s22] =	ssyncset.done $0x0  }
0x73: {  	s12 =	rddreg [dreg:$0x11];
	[sflag:s22] =	ssyncadd.s32 $0xFFFFCE00  }
0x74: {  	[spmem:s3] =	stream.indirect.scatter.add.f32 [tilespmem:s19], [sflag:$0x4], $0x80, s12, s16, $0xb8;
	[tilespmem:$0x1EC80] =	vst v63  }
0x75: {  	_ =	swait.ge [sflag:s14], $0x3200  }
0x76: {  	[sflag:s14] =	ssyncset.done $0x0  }
0x77: {  	s9 =	rddreg [dreg:$0x12];
	[sflag:s14] =	ssyncadd.s32 $0xFFFFCE00  }
0x78: {  	[tilespmem:s19], [sflag:$0x3] =	stream.indirect.gather [hbm4b:s1+s16], $0x80, s9, s16, $0xb8;
	[tilespmem:$0x1EC80] =	vst v63  }
0x79: {  	_ =	swait.ge [sflag:s20], $0x3200  }
0x7a: {  	[sflag:s20] =	ssyncset.done $0x0  }
0x7b: {  	s11 =	rddreg [dreg:$0x13];
	[sflag:s20] =	ssyncadd.s32 $0xFFFFCE00  }
0x7c: {  	[spmem:s3] =	stream.indirect.scatter.add.f32 [tilespmem:s17], [sflag:$0x4], $0x80, s11, s16, $0xb8;
	[tilespmem:$0x1EC80] =	vst v63  }
0x7d: {  	_ =	swait.ge [sflag:s14], $0x3200  }
0x7e: {  	[sflag:s14] =	ssyncset.done $0x0  }
0x7f: {  	s12 =	rddreg [dreg:$0x14];
	[sflag:s14] =	ssyncadd.s32 $0xFFFFCE00  }
0x80: {  	[tilespmem:s17], [sflag:$0x1] =	stream.indirect.gather [hbm4b:s1+s16], $0x80, s12, s16, $0xb8;
	[tilespmem:$0x1EC80] =	vst v63  }
0x81: {  	_ =	swait.ge [sflag:s21], $0x3200  }
0x82: {  	[sflag:s21] =	ssyncset.done $0x0  }
0x83: {  	s9 =	rddreg [dreg:$0x15];
	[sflag:s21] =	ssyncadd.s32 $0xFFFFCE00  }
0x84: {  	[spmem:s3] =	stream.indirect.scatter.add.f32 [tilespmem:s18], [sflag:$0x4], $0x80, s9, s16, $0xb8;
	[tilespmem:$0x1EC80] =	vst v63  }
0x85: {  	_ =	swait.ge [sflag:s14], $0x3200  }
0x86: {  	[sflag:s14] =	ssyncset.done $0x0  }
0x87: {  	s11 =	rddreg [dreg:$0x16];
	[sflag:s14] =	ssyncadd.s32 $0xFFFFCE00  }
0x88: {  	[tilespmem:s18], [sflag:$0x2] =	stream.indirect.gather [hbm4b:s1+s16], $0x80, s11, s16, $0xb8;
	[tilespmem:$0x1EC80] =	vst v63  }
0x89: {  	_ =	swait.ge [sflag:s22], $0x3200  }
0x8a: {  	[sflag:s22] =	ssyncset.done $0x0  }
0x8b: {  	s12 =	rddreg [dreg:$0x17];
	[sflag:s22] =	ssyncadd.s32 $0xFFFFCE00  }
0x8c: {  	[spmem:s3] =	stream.indirect.scatter.add.f32 [tilespmem:s19], [sflag:$0x4], $0x80, s12, s16, $0xb8;
	[tilespmem:$0x1EC80] =	vst v63  }
0x8d: {  	_ =	swait.ge [sflag:s14], $0x3200  }
0x8e: {  	[sflag:s14] =	ssyncset.done $0x0  }
0x8f: {  	s9 =	rddreg [dreg:$0x18];
	[sflag:s14] =	ssyncadd.s32 $0xFFFFCE00  }
0x90: {  	[tilespmem:s19], [sflag:$0x3] =	stream.indirect.gather [hbm4b:s1+s16], $0x80, s9, s16, $0xb8;
	[tilespmem:$0x1EC80] =	vst v63  }
0x91: {  	_ =	swait.ge [sflag:s20], $0x3200  }
0x92: {  	[sflag:s20] =	ssyncset.done $0x0  }
0x93: {  	s11 =	rddreg [dreg:$0x19];
	[sflag:s20] =	ssyncadd.s32 $0xFFFFCE00  }
0x94: {  	[spmem:s3] =	stream.indirect.scatter.add.f32 [tilespmem:s17], [sflag:$0x4], $0x80, s11, s16, $0xb8;
	[tilespmem:$0x1EC80] =	vst v63  }
0x95: {  	_ =	swait.ge [sflag:s14], $0x3200  }
0x96: {  	[sflag:s14] =	ssyncset.done $0x0  }
0x97: {  	s12 =	rddreg [dreg:$0x1a];
	[sflag:s14] =	ssyncadd.s32 $0xFFFFCE00  }
0x98: {  	[tilespmem:s17], [sflag:$0x1] =	stream.indirect.gather [hbm4b:s1+s16], $0x80, s12, s16, $0xb8;
	[tilespmem:$0x1EC80] =	vst v63  }
0x99: {  	_ =	swait.ge [sflag:s21], $0x3200  }
0x9a: {  	[sflag:s21] =	ssyncset.done $0x0  }
0x9b: {  	s9 =	rddreg [dreg:$0x1b];
	[sflag:s21] =	ssyncadd.s32 $0xFFFFCE00  }
0x9c: {  	[spmem:s3] =	stream.indirect.scatter.add.f32 [tilespmem:s18], [sflag:$0x4], $0x80, s9, s16, $0xb8;
	[tilespmem:$0x1EC80] =	vst v63  }
0x9d: {  	_ =	swait.ge [sflag:s14], $0x3200  }
0x9e: {  	[sflag:s14] =	ssyncset.done $0x0  }
0x9f: {  	s11 =	rddreg [dreg:$0x1c];
	[sflag:s14] =	ssyncadd.s32 $0xFFFFCE00  }
0xa0: {  	[tilespmem:s18], [sflag:$0x2] =	stream.indirect.gather [hbm4b:s1+s16], $0x80, s11, s16, $0xb8;
	[tilespmem:$0x1EC80] =	vst v63  }
0xa1: {  	_ =	swait.ge [sflag:s22], $0x3200  }
0xa2: {  	[sflag:s22] =	ssyncset.done $0x0  }
0xa3: {  	s12 =	rddreg [dreg:$0x1d];
	[sflag:s22] =	ssyncadd.s32 $0xFFFFCE00  }
0xa4: {  	[spmem:s3] =	stream.indirect.scatter.add.f32 [tilespmem:s19], [sflag:$0x4], $0x80, s12, s16, $0xb8;
	[tilespmem:$0x1EC80] =	vst v63  }
0xa5: {  	_ =	swait.ge [sflag:s14], $0x3200  }
0xa6: {  	[sflag:s14] =	ssyncset.done $0x0  }
0xa7: {  	[sflag:s14] =	ssyncadd.s32 $0xFFFFCE00  }
0xa8: {  	[tilespmem:s19], [sflag:$0x3] =	stream.indirect.gather [hbm4b:s1+s16], $0x80, s23, s16, $0xb8;
	[tilespmem:$0x1EC80] =	vst v63  }
0xa9: {  	_ =	swait.ge [sflag:s20], $0x3200  }
0xaa: {  	[sflag:s20] =	ssyncset.done $0x0  }
0xab: {  	[sflag:s20] =	ssyncadd.s32 $0xFFFFCE00  }
0xac: {  	[spmem:s3] =	stream.indirect.scatter.add.f32 [tilespmem:s17], [sflag:$0x4], $0x80, s24, s16, $0xb8;
	[tilespmem:$0x1EC80] =	vst v63  }
0xad: {  	_ =	swait.ge [sflag:s14], $0x3200  }
0xae: {  	[sflag:s14] =	ssyncset.done $0x0  }
0xaf: {  	[sflag:s14] =	ssyncadd.s32 $0xFFFFCE00  }
0xb0: {  	[tilespmem:s17], [sflag:$0x1] =	stream.indirect.gather [hbm4b:s1+s16], $0x80, s25, s16, $0xb8;
	[tilespmem:$0x1EC80] =	vst v63  }
0xb1: {  	_ =	swait.ge [sflag:s21], $0x3200  }
0xb2: {  	[sflag:s21] =	ssyncset.done $0x0  }
0xb3: {  	[sflag:s21] =	ssyncadd.s32 $0xFFFFCE00  }
0xb4: {  	[spmem:s3] =	stream.indirect.scatter.add.f32 [tilespmem:s18], [sflag:$0x4], $0x80, s26, s16, $0xb8;
	[tilespmem:$0x1EC80] =	vst v63  }
0xb5: {  	_ =	swait.ge [sflag:s14], $0x3200  }
0xb6: {  	[sflag:s14] =	ssyncset.done $0x0  }
0xb7: {  	[sflag:s14] =	ssyncadd.s32 $0xFFFFCE00  }
0xb8: {  	[tilespmem:s18], [sflag:$0x2] =	stream.indirect.gather [hbm4b:s1+s16], $0x80, s28, s16, $0xb8;
	[tilespmem:$0x1EC80] =	vst v63  }
0xb9: {  	_ =	swait.ge [sflag:s22], $0x3200  }
0xba: {  	[sflag:s22] =	ssyncset.done $0x0  }
0xbb: {  	[sflag:s22] =	ssyncadd.s32 $0xFFFFCE00  }
0xbc: {  	[spmem:s3] =	stream.indirect.scatter.add.f32 [tilespmem:s19], [sflag:$0x4], $0x80, s29, s16, $0xb8;
	[tilespmem:$0x1EC80] =	vst v63  }
0xbd: {  	_ =	swait.ge [sflag:s14], $0x3200  }
0xbe: {  	[sflag:s14] =	ssyncset.done $0x0  }
0xbf: {  	[sflag:s14] =	ssyncadd.s32 $0xFFFFCE00  }
0xc0: {  	[tilespmem:s19], [sflag:$0x3] =	stream.indirect.gather [hbm4b:s1+s16], $0x80, s30, s16, $0xb8;
	[tilespmem:$0x1EC80] =	vst v63  }
0xc1: {  	_ =	swait.ge [sflag:s20], $0x3200  }
0xc2: {  	[sflag:s20] =	ssyncset.done $0x0  }
0xc3: {  	[sflag:s20] =	ssyncadd.s32 $0xFFFFCE00  }
0xc4: {  	[spmem:s3] =	stream.indirect.scatter.add.f32 [tilespmem:s17], [sflag:$0x4], $0x80, s31, s16, $0xb8;
	[tilespmem:$0x1EC80] =	vst v63  }
0xc5: {  	_ =	swait.ge [sflag:s14], $0x3200  }
0xc6: {  	[sflag:s14] =	ssyncset.done $0x0  }
0xc7: {  	[sflag:s14] =	ssyncadd.s32 $0xFFFFCE00  }
0xc8: {  	[tilespmem:s17], [sflag:$0x1] =	stream.indirect.gather [hbm4b:s1+s16], $0x80, s2, s16, $0xb8;
	[tilespmem:$0x1EC80] =	vst v63  }
0xc9: {  	_ =	swait.ge [sflag:s21], $0x3200  }
0xca: {  	[sflag:s21] =	ssyncset.done $0x0  }
0xcb: {  	[sflag:s21] =	ssyncadd.s32 $0xFFFFCE00  }
0xcc: {  	[spmem:s3] =	stream.indirect.scatter.add.f32 [tilespmem:s18], [sflag:$0x4], $0x80, s0, s16, $0xb8;
	[tilespmem:$0x1EC80] =	vst v63  }
0xcd: {  	_ =	swait.ge [sflag:s14], $0x3200  }
0xce: {  	[sflag:s14] =	ssyncset.done $0x0  }
0xcf: {  	[sflag:s14] =	ssyncadd.s32 $0xFFFFCE00  }
0xd0: {  	[tilespmem:s18], [sflag:$0x2] =	stream.indirect.gather [hbm4b:s1+s16], $0x80, s5, s16, $0xb8;
	[tilespmem:$0x1EC80] =	vst v63  }
0xd1: {  	_ =	swait.ge [sflag:s22], $0x3200  }
0xd2: {  	[sflag:s22] =	ssyncset.done $0x0  }
0xd3: {  	[sflag:s22] =	ssyncadd.s32 $0xFFFFCE00  }
0xd4: {  	[spmem:s3] =	stream.indirect.scatter.add.f32 [tilespmem:s19], [sflag:$0x4], $0x80, s6, s16, $0xb8;
	[tilespmem:$0x1EC80] =	vst v63  }
0xd5: {  	_ =	swait.ge [sflag:s14], $0x3200  }
0xd6: {  	[sflag:s14] =	ssyncset.done $0x0  }
0xd7: {  	[sflag:s14] =	ssyncadd.s32 $0xFFFFCE00  }
0xd8: {  	_ =	swait.ge [sflag:s20], $0x3200  }
0xd9: {  	[sflag:s20] =	ssyncset.done $0x0  }
0xda: {  	[sflag:s20] =	ssyncadd.s32 $0xFFFFCE00  }
0xdb: {  	[spmem:s3] =	stream.indirect.scatter.add.f32 [tilespmem:s17], [sflag:$0x4], $0x80, s7, s16, $0xb8;
	[tilespmem:$0x1EC80] =	vst v63  }
0xdc: {  	_ =	swait.ge [sflag:s14], $0x3200  }
0xdd: {  	[sflag:s14] =	ssyncset.done $0x0  }
0xde: {  	[sflag:s14] =	ssyncadd.s32 $0xFFFFCE00  }
0xdf: {  	_ =	swait.ge [sflag:s21], $0x3200  }
0xe0: {  	[sflag:s21] =	ssyncset.done $0x0  }
0xe1: {  	[sflag:s21] =	ssyncadd.s32 $0xFFFFCE00  }
0xe2: {  	[spmem:s3] =	stream.indirect.scatter.add.f32 [tilespmem:s18], [sflag:$0x4], $0x80, s8, s16, $0xb8;
	[tilespmem:$0x1EC80] =	vst v63  }
0xe3: {  	s10 =	simm.s32 $0x180;
	_ =	swait.ge [sflag:s14], $0x3200  }
0xe4: {  	s11 =	simm.s32 $0x300;
	s12 =	rddreg [dreg:$0x5];
	[sflag:s14] =	ssyncset.done $0x0  }
.LBB2_2:
0xe5: {  	[sflag:s14] =	ssyncadd.s32 $0xFFFFCE00;
	s12 =	sadd.s32 s10, s12  }
0xe6: {  	[tilespmem:s13], [sflag:$0x4] =	stream.linear.gather [hbm4b:s12+s4], $0xA00, $0x38;
	[tilespmem:$0x1EC80] =	vst v63  }
0xe7: {  	_ =	swait.ge [sflag:s14], $0xA00  }
0xe8: {  	s12 =	rddreg [dreg:$0x4];
	[sflag:s14] =	ssyncset.done $0x0  }
0xe9: {  	[sflag:s14] =	ssyncadd.s32 $0xFFFFF600;
	s12 =	sadd.s32 s10, s12  }
0xea: {  	[tilespmem:s15], [sflag:$0x4] =	stream.linear.gather [hbm4b:s12+s4], $0xA00, $0x38;
	[tilespmem:$0x1EC80] =	vst v63  }
0xeb: {  	_ =	swait.ge [sflag:s14], $0xA00  }
0xec: {  	[sflag:s14] =	ssyncset.done $0x0  }
0xed: {  	s9 =	smov.u32 s11;
	[sflag:s14] =	ssyncadd.s32 $0xFFFFF600  }
0xee: {  	[tilespmem:s17], [sflag:$0x1] =	stream.indirect.gather [hbm4b:s1+s16], $0x80, s13, s16, $0xb8;
	[tilespmem:$0x1EC80] =	vst v63  }
0xef: {  	s10 =	smov.u32 s9;
	s9 =	rddreg [dreg:$0x6]  }
0xf0: {  	[tilespmem:s18], [sflag:$0x2] =	stream.indirect.gather [hbm4b:s1+s16], $0x80, s9, s16, $0xb8;
	[tilespmem:$0x1EC80] =	vst v63  }
0xf1: {  	s12 =	rddreg [dreg:$0x7]  }
0xf2: {  	[tilespmem:s19], [sflag:$0x3] =	stream.indirect.gather [hbm4b:s1+s16], $0x80, s12, s16, $0xb8;
	[tilespmem:$0x1EC80] =	vst v63  }
0xf3: {  	_ =	swait.ge [sflag:s20], $0x3200  }
0xf4: {  	[sflag:s20] =	ssyncset.done $0x0  }
0xf5: {  	[sflag:s20] =	ssyncadd.s32 $0xFFFFCE00  }
0xf6: {  	[spmem:s3] =	stream.indirect.scatter.add.f32 [tilespmem:s17], [sflag:$0x4], $0x80, s15, s16, $0xb8;
	[tilespmem:$0x1EC80] =	vst v63  }
0xf7: {  	_ =	swait.ge [sflag:s14], $0x3200  }
0xf8: {  	[sflag:s14] =	ssyncset.done $0x0  }
0xf9: {  	s12 =	rddreg [dreg:$0x8];
	[sflag:s14] =	ssyncadd.s32 $0xFFFFCE00  }
0xfa: {  	[tilespmem:s17], [sflag:$0x1] =	stream.indirect.gather [hbm4b:s1+s16], $0x80, s12, s16, $0xb8;
	[tilespmem:$0x1EC80] =	vst v63  }
0xfb: {  	_ =	swait.ge [sflag:s21], $0x3200  }
0xfc: {  	[sflag:s21] =	ssyncset.done $0x0  }
0xfd: {  	s12 =	rddreg [dreg:$0x9];
	[sflag:s21] =	ssyncadd.s32 $0xFFFFCE00  }
0xfe: {  	[spmem:s3] =	stream.indirect.scatter.add.f32 [tilespmem:s18], [sflag:$0x4], $0x80, s12, s16, $0xb8;
	[tilespmem:$0x1EC80] =	vst v63  }
0xff: {  	_ =	swait.ge [sflag:s14], $0x3200  }
0x100: {  	[sflag:s14] =	ssyncset.done $0x0  }
0x101: {  	s12 =	rddreg [dreg:$0xa];
	[sflag:s14] =	ssyncadd.s32 $0xFFFFCE00  }
0x102: {  	[tilespmem:s18], [sflag:$0x2] =	stream.indirect.gather [hbm4b:s1+s16], $0x80, s12, s16, $0xb8;
	[tilespmem:$0x1EC80] =	vst v63  }
0x103: {  	_ =	swait.ge [sflag:s22], $0x3200  }
0x104: {  	[sflag:s22] =	ssyncset.done $0x0  }
0x105: {  	s12 =	rddreg [dreg:$0xb];
	[sflag:s22] =	ssyncadd.s32 $0xFFFFCE00  }
0x106: {  	[spmem:s3] =	stream.indirect.scatter.add.f32 [tilespmem:s19], [sflag:$0x4], $0x80, s12, s16, $0xb8;
	[tilespmem:$0x1EC80] =	vst v63  }
0x107: {  	_ =	swait.ge [sflag:s14], $0x3200  }
0x108: {  	[sflag:s14] =	ssyncset.done $0x0  }
0x109: {  	s12 =	rddreg [dreg:$0xc];
	[sflag:s14] =	ssyncadd.s32 $0xFFFFCE00  }
0x10a: {  	[tilespmem:s19], [sflag:$0x3] =	stream.indirect.gather [hbm4b:s1+s16], $0x80, s12, s16, $0xb8;
	[tilespmem:$0x1EC80] =	vst v63  }
0x10b: {  	_ =	swait.ge [sflag:s20], $0x3200  }
0x10c: {  	[sflag:s20] =	ssyncset.done $0x0  }
0x10d: {  	s12 =	rddreg [dreg:$0xd];
	[sflag:s20] =	ssyncadd.s32 $0xFFFFCE00  }
0x10e: {  	[spmem:s3] =	stream.indirect.scatter.add.f32 [tilespmem:s17], [sflag:$0x4], $0x80, s12, s16, $0xb8;
	[tilespmem:$0x1EC80] =	vst v63  }
0x10f: {  	_ =	swait.ge [sflag:s14], $0x3200  }
0x110: {  	[sflag:s14] =	ssyncset.done $0x0  }
0x111: {  	s12 =	rddreg [dreg:$0xe];
	[sflag:s14] =	ssyncadd.s32 $0xFFFFCE00  }
0x112: {  	[tilespmem:s17], [sflag:$0x1] =	stream.indirect.gather [hbm4b:s1+s16], $0x80, s12, s16, $0xb8;
	[tilespmem:$0x1EC80] =	vst v63  }
0x113: {  	_ =	swait.ge [sflag:s21], $0x3200  }
0x114: {  	[sflag:s21] =	ssyncset.done $0x0  }
0x115: {  	s12 =	rddreg [dreg:$0xf];
	[sflag:s21] =	ssyncadd.s32 $0xFFFFCE00  }
0x116: {  	[spmem:s3] =	stream.indirect.scatter.add.f32 [tilespmem:s18], [sflag:$0x4], $0x80, s12, s16, $0xb8;
	[tilespmem:$0x1EC80] =	vst v63  }
0x117: {  	_ =	swait.ge [sflag:s14], $0x3200  }
0x118: {  	[sflag:s14] =	ssyncset.done $0x0  }
0x119: {  	s12 =	rddreg [dreg:$0x10];
	[sflag:s14] =	ssyncadd.s32 $0xFFFFCE00  }
0x11a: {  	[tilespmem:s18], [sflag:$0x2] =	stream.indirect.gather [hbm4b:s1+s16], $0x80, s12, s16, $0xb8;
	[tilespmem:$0x1EC80] =	vst v63  }
0x11b: {  	_ =	swait.ge [sflag:s22], $0x3200  }
0x11c: {  	[sflag:s22] =	ssyncset.done $0x0  }
0x11d: {  	s12 =	rddreg [dreg:$0x11];
	[sflag:s22] =	ssyncadd.s32 $0xFFFFCE00  }
0x11e: {  	[spmem:s3] =	stream.indirect.scatter.add.f32 [tilespmem:s19], [sflag:$0x4], $0x80, s12, s16, $0xb8;
	[tilespmem:$0x1EC80] =	vst v63  }
0x11f: {  	_ =	swait.ge [sflag:s14], $0x3200  }
0x120: {  	[sflag:s14] =	ssyncset.done $0x0  }
0x121: {  	s12 =	rddreg [dreg:$0x12];
	[sflag:s14] =	ssyncadd.s32 $0xFFFFCE00  }
0x122: {  	[tilespmem:s19], [sflag:$0x3] =	stream.indirect.gather [hbm4b:s1+s16], $0x80, s12, s16, $0xb8;
	[tilespmem:$0x1EC80] =	vst v63  }
0x123: {  	_ =	swait.ge [sflag:s20], $0x3200  }
0x124: {  	[sflag:s20] =	ssyncset.done $0x0  }
0x125: {  	s12 =	rddreg [dreg:$0x13];
	[sflag:s20] =	ssyncadd.s32 $0xFFFFCE00  }
0x126: {  	[spmem:s3] =	stream.indirect.scatter.add.f32 [tilespmem:s17], [sflag:$0x4], $0x80, s12, s16, $0xb8;
	[tilespmem:$0x1EC80] =	vst v63  }
0x127: {  	_ =	swait.ge [sflag:s14], $0x3200  }
0x128: {  	[sflag:s14] =	ssyncset.done $0x0  }
0x129: {  	s12 =	rddreg [dreg:$0x14];
	[sflag:s14] =	ssyncadd.s32 $0xFFFFCE00  }
0x12a: {  	[tilespmem:s17], [sflag:$0x1] =	stream.indirect.gather [hbm4b:s1+s16], $0x80, s12, s16, $0xb8;
	[tilespmem:$0x1EC80] =	vst v63  }
0x12b: {  	_ =	swait.ge [sflag:s21], $0x3200  }
0x12c: {  	[sflag:s21] =	ssyncset.done $0x0  }
0x12d: {  	s12 =	rddreg [dreg:$0x15];
	[sflag:s21] =	ssyncadd.s32 $0xFFFFCE00  }
0x12e: {  	[spmem:s3] =	stream.indirect.scatter.add.f32 [tilespmem:s18], [sflag:$0x4], $0x80, s12, s16, $0xb8;
	[tilespmem:$0x1EC80] =	vst v63  }
0x12f: {  	_ =	swait.ge [sflag:s14], $0x3200  }
0x130: {  	[sflag:s14] =	ssyncset.done $0x0  }
0x131: {  	s12 =	rddreg [dreg:$0x16];
	[sflag:s14] =	ssyncadd.s32 $0xFFFFCE00  }
0x132: {  	[tilespmem:s18], [sflag:$0x2] =	stream.indirect.gather [hbm4b:s1+s16], $0x80, s12, s16, $0xb8;
	[tilespmem:$0x1EC80] =	vst v63  }
0x133: {  	_ =	swait.ge [sflag:s22], $0x3200  }
0x134: {  	[sflag:s22] =	ssyncset.done $0x0  }
0x135: {  	s12 =	rddreg [dreg:$0x17];
	[sflag:s22] =	ssyncadd.s32 $0xFFFFCE00  }
0x136: {  	[spmem:s3] =	stream.indirect.scatter.add.f32 [tilespmem:s19], [sflag:$0x4], $0x80, s12, s16, $0xb8;
	[tilespmem:$0x1EC80] =	vst v63  }
0x137: {  	_ =	swait.ge [sflag:s14], $0x3200  }
0x138: {  	[sflag:s14] =	ssyncset.done $0x0  }
0x139: {  	s12 =	rddreg [dreg:$0x18];
	[sflag:s14] =	ssyncadd.s32 $0xFFFFCE00  }
0x13a: {  	[tilespmem:s19], [sflag:$0x3] =	stream.indirect.gather [hbm4b:s1+s16], $0x80, s12, s16, $0xb8;
	[tilespmem:$0x1EC80] =	vst v63  }
0x13b: {  	_ =	swait.ge [sflag:s20], $0x3200  }
0x13c: {  	[sflag:s20] =	ssyncset.done $0x0  }
0x13d: {  	s12 =	rddreg [dreg:$0x19];
	[sflag:s20] =	ssyncadd.s32 $0xFFFFCE00  }
0x13e: {  	[spmem:s3] =	stream.indirect.scatter.add.f32 [tilespmem:s17], [sflag:$0x4], $0x80, s12, s16, $0xb8;
	[tilespmem:$0x1EC80] =	vst v63  }
0x13f: {  	_ =	swait.ge [sflag:s14], $0x3200  }
0x140: {  	[sflag:s14] =	ssyncset.done $0x0  }
0x141: {  	s12 =	rddreg [dreg:$0x1a];
	[sflag:s14] =	ssyncadd.s32 $0xFFFFCE00  }
0x142: {  	[tilespmem:s17], [sflag:$0x1] =	stream.indirect.gather [hbm4b:s1+s16], $0x80, s12, s16, $0xb8;
	[tilespmem:$0x1EC80] =	vst v63  }
0x143: {  	_ =	swait.ge [sflag:s21], $0x3200  }
0x144: {  	[sflag:s21] =	ssyncset.done $0x0  }
0x145: {  	s12 =	rddreg [dreg:$0x1b];
	[sflag:s21] =	ssyncadd.s32 $0xFFFFCE00  }
0x146: {  	[spmem:s3] =	stream.indirect.scatter.add.f32 [tilespmem:s18], [sflag:$0x4], $0x80, s12, s16, $0xb8;
	[tilespmem:$0x1EC80] =	vst v63  }
0x147: {  	_ =	swait.ge [sflag:s14], $0x3200  }
0x148: {  	[sflag:s14] =	ssyncset.done $0x0  }
0x149: {  	s12 =	rddreg [dreg:$0x1c];
	[sflag:s14] =	ssyncadd.s32 $0xFFFFCE00  }
0x14a: {  	[tilespmem:s18], [sflag:$0x2] =	stream.indirect.gather [hbm4b:s1+s16], $0x80, s12, s16, $0xb8;
	[tilespmem:$0x1EC80] =	vst v63  }
0x14b: {  	_ =	swait.ge [sflag:s22], $0x3200  }
0x14c: {  	[sflag:s22] =	ssyncset.done $0x0  }
0x14d: {  	s12 =	rddreg [dreg:$0x1d];
	[sflag:s22] =	ssyncadd.s32 $0xFFFFCE00  }
0x14e: {  	[spmem:s3] =	stream.indirect.scatter.add.f32 [tilespmem:s19], [sflag:$0x4], $0x80, s12, s16, $0xb8;
	[tilespmem:$0x1EC80] =	vst v63  }
0x14f: {  	_ =	swait.ge [sflag:s14], $0x3200  }
0x150: {  	[sflag:s14] =	ssyncset.done $0x0  }
0x151: {  	[sflag:s14] =	ssyncadd.s32 $0xFFFFCE00  }
0x152: {  	[tilespmem:s19], [sflag:$0x3] =	stream.indirect.gather [hbm4b:s1+s16], $0x80, s23, s16, $0xb8;
	[tilespmem:$0x1EC80] =	vst v63  }
0x153: {  	_ =	swait.ge [sflag:s20], $0x3200  }
0x154: {  	[sflag:s20] =	ssyncset.done $0x0  }
0x155: {  	[sflag:s20] =	ssyncadd.s32 $0xFFFFCE00  }
0x156: {  	[spmem:s3] =	stream.indirect.scatter.add.f32 [tilespmem:s17], [sflag:$0x4], $0x80, s24, s16, $0xb8;
	[tilespmem:$0x1EC80] =	vst v63  }
0x157: {  	_ =	swait.ge [sflag:s14], $0x3200  }
0x158: {  	[sflag:s14] =	ssyncset.done $0x0  }
0x159: {  	[sflag:s14] =	ssyncadd.s32 $0xFFFFCE00  }
0x15a: {  	[tilespmem:s17], [sflag:$0x1] =	stream.indirect.gather [hbm4b:s1+s16], $0x80, s25, s16, $0xb8;
	[tilespmem:$0x1EC80] =	vst v63  }
0x15b: {  	_ =	swait.ge [sflag:s21], $0x3200  }
0x15c: {  	[sflag:s21] =	ssyncset.done $0x0  }
0x15d: {  	[sflag:s21] =	ssyncadd.s32 $0xFFFFCE00  }
0x15e: {  	[spmem:s3] =	stream.indirect.scatter.add.f32 [tilespmem:s18], [sflag:$0x4], $0x80, s26, s16, $0xb8;
	[tilespmem:$0x1EC80] =	vst v63  }
0x15f: {  	_ =	swait.ge [sflag:s14], $0x3200  }
0x160: {  	[sflag:s14] =	ssyncset.done $0x0  }
0x161: {  	[sflag:s14] =	ssyncadd.s32 $0xFFFFCE00  }
0x162: {  	[tilespmem:s18], [sflag:$0x2] =	stream.indirect.gather [hbm4b:s1+s16], $0x80, s28, s16, $0xb8;
	[tilespmem:$0x1EC80] =	vst v63  }
0x163: {  	_ =	swait.ge [sflag:s22], $0x3200  }
0x164: {  	[sflag:s22] =	ssyncset.done $0x0  }
0x165: {  	[sflag:s22] =	ssyncadd.s32 $0xFFFFCE00  }
0x166: {  	[spmem:s3] =	stream.indirect.scatter.add.f32 [tilespmem:s19], [sflag:$0x4], $0x80, s29, s16, $0xb8;
	[tilespmem:$0x1EC80] =	vst v63  }
0x167: {  	_ =	swait.ge [sflag:s14], $0x3200  }
0x168: {  	[sflag:s14] =	ssyncset.done $0x0  }
0x169: {  	[sflag:s14] =	ssyncadd.s32 $0xFFFFCE00  }
0x16a: {  	[tilespmem:s19], [sflag:$0x3] =	stream.indirect.gather [hbm4b:s1+s16], $0x80, s30, s16, $0xb8;
	[tilespmem:$0x1EC80] =	vst v63  }
0x16b: {  	_ =	swait.ge [sflag:s20], $0x3200  }
0x16c: {  	[sflag:s20] =	ssyncset.done $0x0  }
0x16d: {  	[sflag:s20] =	ssyncadd.s32 $0xFFFFCE00  }
0x16e: {  	[spmem:s3] =	stream.indirect.scatter.add.f32 [tilespmem:s17], [sflag:$0x4], $0x80, s31, s16, $0xb8;
	[tilespmem:$0x1EC80] =	vst v63  }
0x16f: {  	_ =	swait.ge [sflag:s14], $0x3200  }
0x170: {  	[sflag:s14] =	ssyncset.done $0x0  }
0x171: {  	[sflag:s14] =	ssyncadd.s32 $0xFFFFCE00  }
0x172: {  	[tilespmem:s17], [sflag:$0x1] =	stream.indirect.gather [hbm4b:s1+s16], $0x80, s2, s16, $0xb8;
	[tilespmem:$0x1EC80] =	vst v63  }
0x173: {  	_ =	swait.ge [sflag:s21], $0x3200  }
0x174: {  	[sflag:s21] =	ssyncset.done $0x0  }
0x175: {  	[sflag:s21] =	ssyncadd.s32 $0xFFFFCE00  }
0x176: {  	[spmem:s3] =	stream.indirect.scatter.add.f32 [tilespmem:s18], [sflag:$0x4], $0x80, s0, s16, $0xb8;
	[tilespmem:$0x1EC80] =	vst v63  }
0x177: {  	_ =	swait.ge [sflag:s14], $0x3200  }
0x178: {  	[sflag:s14] =	ssyncset.done $0x0  }
0x179: {  	[sflag:s14] =	ssyncadd.s32 $0xFFFFCE00  }
0x17a: {  	[tilespmem:s18], [sflag:$0x2] =	stream.indirect.gather [hbm4b:s1+s16], $0x80, s5, s16, $0xb8;
	[tilespmem:$0x1EC80] =	vst v63  }
0x17b: {  	_ =	swait.ge [sflag:s22], $0x3200  }
0x17c: {  	[sflag:s22] =	ssyncset.done $0x0  }
0x17d: {  	[sflag:s22] =	ssyncadd.s32 $0xFFFFCE00  }
0x17e: {  	[spmem:s3] =	stream.indirect.scatter.add.f32 [tilespmem:s19], [sflag:$0x4], $0x80, s6, s16, $0xb8;
	[tilespmem:$0x1EC80] =	vst v63  }
0x17f: {  	_ =	swait.ge [sflag:s14], $0x3200  }
0x180: {  	[sflag:s14] =	ssyncset.done $0x0  }
0x181: {  	[sflag:s14] =	ssyncadd.s32 $0xFFFFCE00  }
0x182: {  	_ =	swait.ge [sflag:s20], $0x3200  }
0x183: {  	[sflag:s20] =	ssyncset.done $0x0  }
0x184: {  	[sflag:s20] =	ssyncadd.s32 $0xFFFFCE00  }
0x185: {  	[spmem:s3] =	stream.indirect.scatter.add.f32 [tilespmem:s17], [sflag:$0x4], $0x80, s7, s16, $0xb8;
	[tilespmem:$0x1EC80] =	vst v63  }
0x186: {  	_ =	swait.ge [sflag:s14], $0x3200  }
0x187: {  	[sflag:s14] =	ssyncset.done $0x0  }
0x188: {  	[sflag:s14] =	ssyncadd.s32 $0xFFFFCE00  }
0x189: {  	p1 =	sne.s32 s11, $0x600;
	_ =	swait.ge [sflag:s21], $0x3200  }
.Ltmp0:
0x18a: {  	[sflag:s21] =	ssyncset.done $0x0;
	(pc) =	sbr.rel @p1 .LBB2_2-.Ltmp0, $4  }
0x18b: {  	[sflag:s21] =	ssyncadd.s32 $0xFFFFCE00  }
0x18c: {  	[spmem:s3] =	stream.indirect.scatter.add.f32 [tilespmem:s18], [sflag:$0x4], $0x80, s8, s16, $0xb8;
	[tilespmem:$0x1EC80] =	vst v63  }
0x18d: {  	_ =	swait.ge [sflag:s14], $0x3200  }
0x18e: {  	s11 =	sadd.s32 $0x180, s11;
	s12 =	rddreg [dreg:$0x5];
	[sflag:s14] =	ssyncset.done $0x0  }
0x18f: {  	[sflag:s14] =	ssyncadd.s32 $0xFFFFCE00;
	s9 =	sadd.s32 s10, s12  }
0x190: {  	[tilespmem:s13], [sflag:$0x4] =	stream.linear.gather [hbm4b:s9+s4], $0xA00, $0x38;
	[tilespmem:$0x1EC80] =	vst v63  }
0x191: {  	_ =	swait.ge [sflag:s14], $0xA00  }
0x192: {  	s12 =	rddreg [dreg:$0x4];
	[sflag:s14] =	ssyncset.done $0x0  }
0x193: {  	[sflag:s14] =	ssyncadd.s32 $0xFFFFF600;
	s9 =	sadd.s32 s10, s12  }
0x194: {  	[tilespmem:s15], [sflag:$0x4] =	stream.linear.gather [hbm4b:s9+s4], $0xA00, $0x38;
	[tilespmem:$0x1EC80] =	vst v63  }
0x195: {  	_ =	swait.ge [sflag:s14], $0xA00  }
0x196: {  	[sflag:s14] =	ssyncset.done $0x0  }
0x197: {  	[sflag:s14] =	ssyncadd.s32 $0xFFFFF600  }
0x198: {  	[tilespmem:s17], [sflag:$0x1] =	stream.indirect.gather [hbm4b:s1+s16], $0x80, s13, s16, $0xb8;
	[tilespmem:$0x1EC80] =	vst v63  }
0x199: {  	s11 =	rddreg [dreg:$0x6]  }
0x19a: {  	[tilespmem:s18], [sflag:$0x2] =	stream.indirect.gather [hbm4b:s1+s16], $0x80, s11, s16, $0xb8;
	[tilespmem:$0x1EC80] =	vst v63  }
0x19b: {  	s12 =	rddreg [dreg:$0x7]  }
0x19c: {  	[tilespmem:s19], [sflag:$0x3] =	stream.indirect.gather [hbm4b:s1+s16], $0x80, s12, s16, $0xb8;
	[tilespmem:$0x1EC80] =	vst v63  }
0x19d: {  	_ =	swait.ge [sflag:s20], $0x3200  }
0x19e: {  	[sflag:s20] =	ssyncset.done $0x0  }
0x19f: {  	[sflag:s20] =	ssyncadd.s32 $0xFFFFCE00  }
0x1a0: {  	[spmem:s3] =	stream.indirect.scatter.add.f32 [tilespmem:s17], [sflag:$0x4], $0x80, s15, s16, $0xb8;
	[tilespmem:$0x1EC80] =	vst v63  }
0x1a1: {  	_ =	swait.ge [sflag:s14], $0x3200  }
0x1a2: {  	[sflag:s14] =	ssyncset.done $0x0  }
0x1a3: {  	s10 =	rddreg [dreg:$0x8];
	[sflag:s14] =	ssyncadd.s32 $0xFFFFCE00  }
0x1a4: {  	[tilespmem:s17], [sflag:$0x1] =	stream.indirect.gather [hbm4b:s1+s16], $0x80, s10, s16, $0xb8;
	[tilespmem:$0x1EC80] =	vst v63  }
0x1a5: {  	_ =	swait.ge [sflag:s21], $0x3200  }
0x1a6: {  	[sflag:s21] =	ssyncset.done $0x0  }
0x1a7: {  	s11 =	rddreg [dreg:$0x9];
	[sflag:s21] =	ssyncadd.s32 $0xFFFFCE00  }
0x1a8: {  	[spmem:s3] =	stream.indirect.scatter.add.f32 [tilespmem:s18], [sflag:$0x4], $0x80, s11, s16, $0xb8;
	[tilespmem:$0x1EC80] =	vst v63  }
0x1a9: {  	_ =	swait.ge [sflag:s14], $0x3200  }
0x1aa: {  	[sflag:s14] =	ssyncset.done $0x0  }
0x1ab: {  	s12 =	rddreg [dreg:$0xa];
	[sflag:s14] =	ssyncadd.s32 $0xFFFFCE00  }
0x1ac: {  	[tilespmem:s18], [sflag:$0x2] =	stream.indirect.gather [hbm4b:s1+s16], $0x80, s12, s16, $0xb8;
	[tilespmem:$0x1EC80] =	vst v63  }
0x1ad: {  	_ =	swait.ge [sflag:s22], $0x3200  }
0x1ae: {  	[sflag:s22] =	ssyncset.done $0x0  }
0x1af: {  	s10 =	rddreg [dreg:$0xb];
	[sflag:s22] =	ssyncadd.s32 $0xFFFFCE00  }
0x1b0: {  	[spmem:s3] =	stream.indirect.scatter.add.f32 [tilespmem:s19], [sflag:$0x4], $0x80, s10, s16, $0xb8;
	[tilespmem:$0x1EC80] =	vst v63  }
0x1b1: {  	_ =	swait.ge [sflag:s14], $0x3200  }
0x1b2: {  	[sflag:s14] =	ssyncset.done $0x0  }
0x1b3: {  	s11 =	rddreg [dreg:$0xc];
	[sflag:s14] =	ssyncadd.s32 $0xFFFFCE00  }
0x1b4: {  	[tilespmem:s19], [sflag:$0x3] =	stream.indirect.gather [hbm4b:s1+s16], $0x80, s11, s16, $0xb8;
	[tilespmem:$0x1EC80] =	vst v63  }
0x1b5: {  	_ =	swait.ge [sflag:s20], $0x3200  }
0x1b6: {  	[sflag:s20] =	ssyncset.done $0x0  }
0x1b7: {  	s12 =	rddreg [dreg:$0xd];
	[sflag:s20] =	ssyncadd.s32 $0xFFFFCE00  }
0x1b8: {  	[spmem:s3] =	stream.indirect.scatter.add.f32 [tilespmem:s17], [sflag:$0x4], $0x80, s12, s16, $0xb8;
	[tilespmem:$0x1EC80] =	vst v63  }
0x1b9: {  	_ =	swait.ge [sflag:s14], $0x3200  }
0x1ba: {  	[sflag:s14] =	ssyncset.done $0x0  }
0x1bb: {  	s10 =	rddreg [dreg:$0xe];
	[sflag:s14] =	ssyncadd.s32 $0xFFFFCE00  }
0x1bc: {  	[tilespmem:s17], [sflag:$0x1] =	stream.indirect.gather [hbm4b:s1+s16], $0x80, s10, s16, $0xb8;
	[tilespmem:$0x1EC80] =	vst v63  }
0x1bd: {  	_ =	swait.ge [sflag:s21], $0x3200  }
0x1be: {  	[sflag:s21] =	ssyncset.done $0x0  }
0x1bf: {  	s11 =	rddreg [dreg:$0xf];
	[sflag:s21] =	ssyncadd.s32 $0xFFFFCE00  }
0x1c0: {  	[spmem:s3] =	stream.indirect.scatter.add.f32 [tilespmem:s18], [sflag:$0x4], $0x80, s11, s16, $0xb8;
	[tilespmem:$0x1EC80] =	vst v63  }
0x1c1: {  	_ =	swait.ge [sflag:s14], $0x3200  }
0x1c2: {  	[sflag:s14] =	ssyncset.done $0x0  }
0x1c3: {  	s12 =	rddreg [dreg:$0x10];
	[sflag:s14] =	ssyncadd.s32 $0xFFFFCE00  }
0x1c4: {  	[tilespmem:s18], [sflag:$0x2] =	stream.indirect.gather [hbm4b:s1+s16], $0x80, s12, s16, $0xb8;
	[tilespmem:$0x1EC80] =	vst v63  }
0x1c5: {  	_ =	swait.ge [sflag:s22], $0x3200  }
0x1c6: {  	[sflag:s22] =	ssyncset.done $0x0  }
0x1c7: {  	s10 =	rddreg [dreg:$0x11];
	[sflag:s22] =	ssyncadd.s32 $0xFFFFCE00  }
0x1c8: {  	[spmem:s3] =	stream.indirect.scatter.add.f32 [tilespmem:s19], [sflag:$0x4], $0x80, s10, s16, $0xb8;
	[tilespmem:$0x1EC80] =	vst v63  }
0x1c9: {  	_ =	swait.ge [sflag:s14], $0x3200  }
0x1ca: {  	[sflag:s14] =	ssyncset.done $0x0  }
0x1cb: {  	s11 =	rddreg [dreg:$0x12];
	[sflag:s14] =	ssyncadd.s32 $0xFFFFCE00  }
0x1cc: {  	[tilespmem:s19], [sflag:$0x3] =	stream.indirect.gather [hbm4b:s1+s16], $0x80, s11, s16, $0xb8;
	[tilespmem:$0x1EC80] =	vst v63  }
0x1cd: {  	_ =	swait.ge [sflag:s20], $0x3200  }
0x1ce: {  	[sflag:s20] =	ssyncset.done $0x0  }
0x1cf: {  	s12 =	rddreg [dreg:$0x13];
	[sflag:s20] =	ssyncadd.s32 $0xFFFFCE00  }
0x1d0: {  	[spmem:s3] =	stream.indirect.scatter.add.f32 [tilespmem:s17], [sflag:$0x4], $0x80, s12, s16, $0xb8;
	[tilespmem:$0x1EC80] =	vst v63  }
0x1d1: {  	_ =	swait.ge [sflag:s14], $0x3200  }
0x1d2: {  	[sflag:s14] =	ssyncset.done $0x0  }
0x1d3: {  	s10 =	rddreg [dreg:$0x14];
	[sflag:s14] =	ssyncadd.s32 $0xFFFFCE00  }
0x1d4: {  	[tilespmem:s17], [sflag:$0x1] =	stream.indirect.gather [hbm4b:s1+s16], $0x80, s10, s16, $0xb8;
	[tilespmem:$0x1EC80] =	vst v63  }
0x1d5: {  	_ =	swait.ge [sflag:s21], $0x3200  }
0x1d6: {  	[sflag:s21] =	ssyncset.done $0x0  }
0x1d7: {  	s11 =	rddreg [dreg:$0x15];
	[sflag:s21] =	ssyncadd.s32 $0xFFFFCE00  }
0x1d8: {  	[spmem:s3] =	stream.indirect.scatter.add.f32 [tilespmem:s18], [sflag:$0x4], $0x80, s11, s16, $0xb8;
	[tilespmem:$0x1EC80] =	vst v63  }
0x1d9: {  	_ =	swait.ge [sflag:s14], $0x3200  }
0x1da: {  	[sflag:s14] =	ssyncset.done $0x0  }
0x1db: {  	s12 =	rddreg [dreg:$0x16];
	[sflag:s14] =	ssyncadd.s32 $0xFFFFCE00  }
0x1dc: {  	[tilespmem:s18], [sflag:$0x2] =	stream.indirect.gather [hbm4b:s1+s16], $0x80, s12, s16, $0xb8;
	[tilespmem:$0x1EC80] =	vst v63  }
0x1dd: {  	_ =	swait.ge [sflag:s22], $0x3200  }
0x1de: {  	[sflag:s22] =	ssyncset.done $0x0  }
0x1df: {  	s10 =	rddreg [dreg:$0x17];
	[sflag:s22] =	ssyncadd.s32 $0xFFFFCE00  }
0x1e0: {  	[spmem:s3] =	stream.indirect.scatter.add.f32 [tilespmem:s19], [sflag:$0x4], $0x80, s10, s16, $0xb8;
	[tilespmem:$0x1EC80] =	vst v63  }
0x1e1: {  	_ =	swait.ge [sflag:s14], $0x3200  }
0x1e2: {  	[sflag:s14] =	ssyncset.done $0x0  }
0x1e3: {  	s11 =	rddreg [dreg:$0x18];
	[sflag:s14] =	ssyncadd.s32 $0xFFFFCE00  }
0x1e4: {  	[tilespmem:s19], [sflag:$0x3] =	stream.indirect.gather [hbm4b:s1+s16], $0x80, s11, s16, $0xb8;
	[tilespmem:$0x1EC80] =	vst v63  }
0x1e5: {  	_ =	swait.ge [sflag:s20], $0x3200  }
0x1e6: {  	[sflag:s20] =	ssyncset.done $0x0  }
0x1e7: {  	s12 =	rddreg [dreg:$0x19];
	[sflag:s20] =	ssyncadd.s32 $0xFFFFCE00  }
0x1e8: {  	[spmem:s3] =	stream.indirect.scatter.add.f32 [tilespmem:s17], [sflag:$0x4], $0x80, s12, s16, $0xb8;
	[tilespmem:$0x1EC80] =	vst v63  }
0x1e9: {  	_ =	swait.ge [sflag:s14], $0x3200  }
0x1ea: {  	[sflag:s14] =	ssyncset.done $0x0  }
0x1eb: {  	s10 =	rddreg [dreg:$0x1a];
	[sflag:s14] =	ssyncadd.s32 $0xFFFFCE00  }
0x1ec: {  	[tilespmem:s17], [sflag:$0x1] =	stream.indirect.gather [hbm4b:s1+s16], $0x80, s10, s16, $0xb8;
	[tilespmem:$0x1EC80] =	vst v63  }
0x1ed: {  	_ =	swait.ge [sflag:s21], $0x3200  }
0x1ee: {  	[sflag:s21] =	ssyncset.done $0x0  }
0x1ef: {  	s11 =	rddreg [dreg:$0x1b];
	[sflag:s21] =	ssyncadd.s32 $0xFFFFCE00  }
0x1f0: {  	[spmem:s3] =	stream.indirect.scatter.add.f32 [tilespmem:s18], [sflag:$0x4], $0x80, s11, s16, $0xb8;
	[tilespmem:$0x1EC80] =	vst v63  }
0x1f1: {  	_ =	swait.ge [sflag:s14], $0x3200  }
0x1f2: {  	[sflag:s14] =	ssyncset.done $0x0  }
0x1f3: {  	s12 =	rddreg [dreg:$0x1c];
	[sflag:s14] =	ssyncadd.s32 $0xFFFFCE00  }
0x1f4: {  	[tilespmem:s18], [sflag:$0x2] =	stream.indirect.gather [hbm4b:s1+s16], $0x80, s12, s16, $0xb8;
	[tilespmem:$0x1EC80] =	vst v63  }
0x1f5: {  	_ =	swait.ge [sflag:s22], $0x3200  }
0x1f6: {  	[sflag:s22] =	ssyncset.done $0x0  }
0x1f7: {  	s10 =	rddreg [dreg:$0x1d];
	[sflag:s22] =	ssyncadd.s32 $0xFFFFCE00  }
0x1f8: {  	[spmem:s3] =	stream.indirect.scatter.add.f32 [tilespmem:s19], [sflag:$0x4], $0x80, s10, s16, $0xb8;
	[tilespmem:$0x1EC80] =	vst v63  }
0x1f9: {  	_ =	swait.ge [sflag:s14], $0x3200  }
0x1fa: {  	[sflag:s14] =	ssyncset.done $0x0  }
0x1fb: {  	[sflag:s14] =	ssyncadd.s32 $0xFFFFCE00  }
0x1fc: {  	[tilespmem:s19], [sflag:$0x3] =	stream.indirect.gather [hbm4b:s1+s16], $0x80, s23, s16, $0xb8;
	[tilespmem:$0x1EC80] =	vst v63  }
0x1fd: {  	_ =	swait.ge [sflag:s20], $0x3200  }
0x1fe: {  	[sflag:s20] =	ssyncset.done $0x0  }
0x1ff: {  	[sflag:s20] =	ssyncadd.s32 $0xFFFFCE00  }
0x200: {  	[spmem:s3] =	stream.indirect.scatter.add.f32 [tilespmem:s17], [sflag:$0x4], $0x80, s24, s16, $0xb8;
	[tilespmem:$0x1EC80] =	vst v63  }
0x201: {  	_ =	swait.ge [sflag:s14], $0x3200  }
0x202: {  	[sflag:s14] =	ssyncset.done $0x0  }
0x203: {  	[sflag:s14] =	ssyncadd.s32 $0xFFFFCE00  }
0x204: {  	[tilespmem:s17], [sflag:$0x1] =	stream.indirect.gather [hbm4b:s1+s16], $0x80, s25, s16, $0xb8;
	[tilespmem:$0x1EC80] =	vst v63  }
0x205: {  	_ =	swait.ge [sflag:s21], $0x3200  }
0x206: {  	[sflag:s21] =	ssyncset.done $0x0  }
0x207: {  	[sflag:s21] =	ssyncadd.s32 $0xFFFFCE00  }
0x208: {  	[spmem:s3] =	stream.indirect.scatter.add.f32 [tilespmem:s18], [sflag:$0x4], $0x80, s26, s16, $0xb8;
	[tilespmem:$0x1EC80] =	vst v63  }
0x209: {  	_ =	swait.ge [sflag:s14], $0x3200  }
0x20a: {  	[sflag:s14] =	ssyncset.done $0x0  }
0x20b: {  	[sflag:s14] =	ssyncadd.s32 $0xFFFFCE00  }
0x20c: {  	[tilespmem:s18], [sflag:$0x2] =	stream.indirect.gather [hbm4b:s1+s16], $0x80, s28, s16, $0xb8;
	[tilespmem:$0x1EC80] =	vst v63  }
0x20d: {  	_ =	swait.ge [sflag:s22], $0x3200  }
0x20e: {  	[sflag:s22] =	ssyncset.done $0x0  }
0x20f: {  	[sflag:s22] =	ssyncadd.s32 $0xFFFFCE00  }
0x210: {  	[spmem:s3] =	stream.indirect.scatter.add.f32 [tilespmem:s19], [sflag:$0x4], $0x80, s29, s16, $0xb8;
	[tilespmem:$0x1EC80] =	vst v63  }
0x211: {  	_ =	swait.ge [sflag:s14], $0x3200  }
0x212: {  	[sflag:s14] =	ssyncset.done $0x0  }
0x213: {  	[sflag:s14] =	ssyncadd.s32 $0xFFFFCE00  }
0x214: {  	[tilespmem:s19], [sflag:$0x3] =	stream.indirect.gather [hbm4b:s1+s16], $0x80, s30, s16, $0xb8;
	[tilespmem:$0x1EC80] =	vst v63  }
0x215: {  	_ =	swait.ge [sflag:s20], $0x3200  }
0x216: {  	[sflag:s20] =	ssyncset.done $0x0  }
0x217: {  	[sflag:s20] =	ssyncadd.s32 $0xFFFFCE00  }
0x218: {  	[spmem:s3] =	stream.indirect.scatter.add.f32 [tilespmem:s17], [sflag:$0x4], $0x80, s31, s16, $0xb8;
	[tilespmem:$0x1EC80] =	vst v63  }
0x219: {  	_ =	swait.ge [sflag:s14], $0x3200  }
0x21a: {  	[sflag:s14] =	ssyncset.done $0x0  }
0x21b: {  	[sflag:s14] =	ssyncadd.s32 $0xFFFFCE00  }
0x21c: {  	[tilespmem:s17], [sflag:$0x1] =	stream.indirect.gather [hbm4b:s1+s16], $0x80, s2, s16, $0xb8;
	[tilespmem:$0x1EC80] =	vst v63  }
0x21d: {  	_ =	swait.ge [sflag:s21], $0x3200  }
0x21e: {  	[sflag:s21] =	ssyncset.done $0x0  }
0x21f: {  	[sflag:s21] =	ssyncadd.s32 $0xFFFFCE00  }
0x220: {  	[spmem:s3] =	stream.indirect.scatter.add.f32 [tilespmem:s18], [sflag:$0x4], $0x80, s0, s16, $0xb8;
	[tilespmem:$0x1EC80] =	vst v63  }
0x221: {  	_ =	swait.ge [sflag:s14], $0x3200  }
0x222: {  	[sflag:s14] =	ssyncset.done $0x0  }
0x223: {  	[sflag:s14] =	ssyncadd.s32 $0xFFFFCE00  }
0x224: {  	[tilespmem:s18], [sflag:$0x2] =	stream.indirect.gather [hbm4b:s1+s16], $0x80, s5, s16, $0xb8;
	[tilespmem:$0x1EC80] =	vst v63  }
0x225: {  	_ =	swait.ge [sflag:s22], $0x3200  }
0x226: {  	[sflag:s22] =	ssyncset.done $0x0  }
0x227: {  	[sflag:s22] =	ssyncadd.s32 $0xFFFFCE00  }
0x228: {  	[spmem:s3] =	stream.indirect.scatter.add.f32 [tilespmem:s19], [sflag:$0x4], $0x80, s6, s16, $0xb8;
	[tilespmem:$0x1EC80] =	vst v63  }
0x229: {  	_ =	swait.ge [sflag:s14], $0x3200  }
0x22a: {  	[sflag:s14] =	ssyncset.done $0x0  }
0x22b: {  	[sflag:s14] =	ssyncadd.s32 $0xFFFFCE00  }
0x22c: {  	_ =	swait.ge [sflag:s20], $0x3200  }
0x22d: {  	[sflag:s20] =	ssyncset.done $0x0  }
0x22e: {  	[sflag:s20] =	ssyncadd.s32 $0xFFFFCE00  }
0x22f: {  	[spmem:s3] =	stream.indirect.scatter.add.f32 [tilespmem:s17], [sflag:$0x4], $0x80, s7, s16, $0xb8;
	[tilespmem:$0x1EC80] =	vst v63  }
0x230: {  	_ =	swait.ge [sflag:s14], $0x3200  }
0x231: {  	[sflag:s14] =	ssyncset.done $0x0  }
0x232: {  	[sflag:s14] =	ssyncadd.s32 $0xFFFFCE00  }
0x233: {  	_ =	swait.ge [sflag:s21], $0x3200  }
0x234: {  	[sflag:s21] =	ssyncset.done $0x0  }
0x235: {  	[sflag:s21] =	ssyncadd.s32 $0xFFFFCE00  }
0x236: {  	[spmem:s3] =	stream.indirect.scatter.add.f32 [tilespmem:s18], [sflag:$0x4], $0x80, s8, s16, $0xb8;
	[tilespmem:$0x1EC80] =	vst v63  }
0x237: {  	_ =	swait.ge [sflag:s14], $0x3200  }
0x238: {  	[sflag:s14] =	ssyncset.done $0x0  }
0x239: {  	[sflag:s14] =	ssyncadd.s32 $0xFFFFCE00  }
0x23a: {  	[bflag:$0x0] =	sbarrier.arrive $0xFFFF  }
0x23b: {  	s10 =	sld [smem:$0x7F8]  }
0x23c: {  	s11 =	sld [smem:$0x7FA];
	_ =	sdelay $0x1  }
0x23d: {  	s9 =	simm.s32 @p0 $0x1FC4  }
0x23e: {  	[hbm:s10], [sflag:s9] =	dma.local @p0 [spmem:s11], $0x2800  }
0x23f: {  	s9 =	simm.s32 @p0 $0x4  }
0x240: {  	_ =	swait.ge @p0 [sflag:s9], $0x2800  }
0x241: {  	s11 =	sld [smem:$0x7FC]  }
0x242: {  	[sflag:s9] =	ssyncset.done @p0 $0x0;
	s12 =	sld [smem:$0x7FD]  }
0x243: {  	[sflag:s9] =	ssyncadd.s32 @p0 $0xFFFFD800;
	s9 =	sld [smem:$0x7F7];
	_ =	sdelay $0x1  }
0x244: {  	s10 =	simm.s32 @!p0 $0x4  }
0x245: {  	[hbm:s9], [sflag:s11] =	dma.local @!p0 [spmem:s12], $0x2700  }
0x246: {  	_ =	swait.ge @!p0 [sflag:s10], $0x2700  }
0x247: {  	s11 =	sld [smem:$0x7FB];
	_ =	sdelay $0x2  }
0x248: {  	s9 =	sadd.s32 $0x1, s11;
	s11 =	sld [smem:$0x7F9];
	_ =	sdelay $0x2  }
0x249: {  	p1 =	sne.s32 s9, s11  }
.Ltmp1:
0x24a: {  	_ = 	snop;
	(pc) =	sbr.rel @p1 .LBB2_1-.Ltmp1, $3  }
0x24b: {  	_ =	sdelay $0x1  }
0x24c: {  	[sflag:s10] =	ssyncset.done @!p0 $0x0;
	[smem:$0x7FB] =	sst s9;
	s9 =	simm.s32 @!p0 $0x4  }
0x24d: {  	[sflag:s9] =	ssyncadd.s32 @!p0 $0xFFFFD900  }
0x24e: {  	_ =	sfence.sel $0x180000  }
0x24f: {  	[bflag:$0x0] =	sbarrier.arrive $0xFFFF  }
0x250: {  	_ =	strace $0x9000004A  }
0x251: {  	s0 =	stileid.u32;
	[bflag:$0x2] =	sbarrier.arrive $0xFFFF  }
0x252: {  	p0 =	sne.s32 s0, $0x0;
	s0 =	rddreg [dreg:$0x3]  }
0x253: {  	s0 =	sadd.s32 @!p0 $0x100000, s0  }
0x254: {  	[sflag:s0] =	ssyncadd.tile.s32 @!p0 $0x1;
	_ =	shalt  }
.Lfunc_end2:
_tile_overlayer_lowered:
.L_overlay_start_2:
0x255: {  	(tag) =	ssettag $0x2  }
0x256: {  	s0 =	rddreg [dreg:$0x0];
	s2 =	stileid.u32  }
0x257: {  	s1 =	rddreg [dreg:$0x1];
	p0 =	sne.s32 s2, $0x0  }
0x258: {  	s3 =	rddreg [dreg:$0x2];
	[bflag:$0x3] =	sbarrier.arrive $0xFFFF;
	s2 =	simm.s32 @!p0 $0x1C04  }
0x259: {  	[timem:s3], [sflag:s2] =	dma.local @!p0 [hbm:s0], s1  }
0x25a: {  	s0 =	simm.s32 @!p0 $0x4  }
0x25b: {  	_ =	swait.ge @!p0 [sflag:s0], s1  }
0x25c: {  	s1 =	ssub.s32 @!p0 $0x0, s1;
	[sflag:s0] =	ssyncset.done @!p0 $0x0  }
0x25d: {  	[sflag:s0] =	ssyncadd.s32 @!p0 s1  }
0x25e: {  	[bflag:$0x3] =	sbarrier.arrive $0xFFFF  }
0x25f: {  	_ =	shalt  }

// kernel: kernel.7.cloned.1.call-start
scs
__scs_entry_jumppad:
0x0: {  	(pc) =	sbr.rel $0x88, $3  }
0x1: {  	(tag) =	ssettag $0x0;
	lr =	simm.s32 $0x1  }
0x2: {  	[smem:$0x3F95] =	sst lr;
	_ =	strace $0xD0000000  }
0x3: {  	_ = 	snop  }
0x4: {  	_ = 	snop  }
0x5: {  	_ = 	snop  }
0x6: {  	_ = 	snop  }
0x7: {  	_ = 	snop  }
__scs_overlays_trampoline_lowered:
0x8: {  	[smem:$0x3FA4] =	sst s0  }
0x9: {  	[smem:$0x3FA5] =	sst s1  }
0xa: {  	[smem:$0x3FA6] =	sst s2  }
0xb: {  	[smem:$0x3FA7] =	sst s3  }
0xc: {  	[smem:$0x3FA8] =	sst s4  }
0xd: {  	[smem:$0x3FA9] =	sst s5  }
0xe: {  	[smem:$0x3FAA] =	sst s6  }
0xf: {  	[smem:$0x3FAB] =	sst s7  }
0x10: {  	[smem:$0x3FAC] =	sst s8  }
0x11: {  	[smem:$0x3FAD] =	sst s9;
	s0 =	simm.s32 @!p0 $0x0  }
0x12: {  	s1 =	sld [smem:$0x3F93];
	s0 =	simm.s32 @p0 $0x1  }
0x13: {  	[smem:$0x3FAE] =	sst s0;
	s0 =	simm.s32 @!p1 $0x0  }
0x14: {  	s2 =	sld [smem:$0x3F92];
	s0 =	simm.s32 @p1 $0x1  }
0x15: {  	[smem:$0x3FAF] =	sst s0;
	s0 =	simm.s32 @!p2 $0x0  }
0x16: {  	s3 =	sld [smem:$0x3FDB];
	s0 =	simm.s32 @p2 $0x1  }
0x17: {  	s4 =	simm.s32 $0x1BF5;
	[smem:$0x3FB1] =	sst s0  }
0x18: {  	s0 =	sld [smem:$0x3F94];
	_ =	swait.ge [sflag:s4], $0x0  }
0x19: {  	s7 =	sld [smem:$0x3F95]  }
0x1a: {  	s8 =	sadd.s32 $0xFFFFE003, lr  }
0x1b: {  	s9 =	sadd.s32 $0xFFFFFEF7, lr;
	s5 =	simm.s32 $0xFFFFFFFF;
	p2 =	slt.u32 s8, $0xFFFFF086  }
0x1c: {  	p1 =	slt.u32 s9, $0xF7A;
	s5 =	simm.s32 @!p2 $0x0  }
0x1d: {  	s5 =	simm.s32 @p1 $0x1;
	p0 =	seq.s32 s7, s2  }
0x1e: {  	s7 =	smul.u32 @!p0 $0xF7A, s2;
	p2 =	seq.s32 @!p0 s5, $0x0  }
0x1f: {  	s9 =	smul.u32 $0xF7A, s1;
	s8 =	simm.s32 @!p0 $0x1BF5;
	p2 =	por !p2, p0  }
0x20: {  	[sflag:s8] =	ssyncset.s32 @!p0 $0xFFFFF086;
	s6 =	sadd.s32 @!p0 s3, s7;
	s7 =	simm.s32 @!p0 $0x108  }
0x21: {  	s3 =	sadd.s32 s3, s9;
	s6 =	sadd.s32 @!p0 $0x88, s6;
	s7 =	simm.s32 @p2 $0x1082  }
0x22: {  	[simem:s7], [sflag:s8] =	dma.local @!p0 [hbm:s6], $0xF7A  }
0x23: {  	s9 =	sor.u32 $0xD0000000, s2;
	s6 =	simm.s32 $0x108;
	_ =	swait.ge @!p0 [sflag:s8], $0x0  }
0x24: {  	s3 =	sadd.s32 $0x88, s3;
	s6 =	simm.s32 @!p1 $0x1082;
	[sflag:s4] =	ssyncset.s32 $0xFFFFF086  }
0x25: {  	[simem:s6], [sflag:s4] =	dma.local [hbm:s3], $0xF7A  }
0x26: {  	[smem:$0x3F95] =	sst s1;
	(tag) =	ssettag s2;
	_ =	strace s9  }
0x27: {  	s1 =	sld [smem:$0x3FA5]  }
0x28: {  	s2 =	sld [smem:$0x3FA6]  }
0x29: {  	s4 =	sld [smem:$0x3FA8]  }
0x2a: {  	p0 =	seq.s32 s5, $0x0;
	s5 =	sld [smem:$0x3FA9]  }
0x2b: {  	s6 =	sld [smem:$0x3FAA]  }
0x2c: {  	s7 =	sld [smem:$0x3FAB]  }
0x2d: {  	s3 =	simm.s32 $0x108;
	s8 =	sld [smem:$0x3FAC]  }
0x2e: {  	s3 =	simm.s32 @!p0 $0x1082;
	s9 =	sld [smem:$0x3FAD]  }
0x2f: {  	lr =	sadd.s32 s0, s3;
	s0 =	sld [smem:$0x3FA4]  }
0x30: {  	s3 =	sld [smem:$0x3FA7]  }
0x31: {  	[smem:$0x3FB0] =	sst s10  }
0x32: {  	s10 =	sld [smem:$0x3FAE];
	_ =	sdelay $0x3  }
0x33: {  	p0 =	seq.s32 s10, $0x1;
	s10 =	sld [smem:$0x3FB0];
	_ =	sdelay $0x3  }
0x34: {  	[smem:$0x3FB0] =	sst s10  }
0x35: {  	s10 =	sld [smem:$0x3FAF];
	_ =	sdelay $0x3  }
0x36: {  	p1 =	seq.s32 s10, $0x1;
	s10 =	sld [smem:$0x3FB0];
	_ =	sdelay $0x3  }
0x37: {  	[smem:$0x3FB0] =	sst s10  }
0x38: {  	s10 =	sld [smem:$0x3FB1]  }
0x39: {  	_ = 	snop;
	(pc) =	sbr.ind lr, $3  }
0x3a: {  	_ = 	snop  }
0x3b: {  	_ = 	snop  }
0x3c: {  	p2 =	seq.s32 s10, $0x1;
	s10 =	sld [smem:$0x3FB0]  }
0x3d: {  	_ =	shalt  }
0x3e: {  	_ =	shalt  }
0x3f: {  	_ =	shalt  }
0x40: {  	_ =	shalt  }
0x41: {  	_ =	shalt  }
0x42: {  	_ =	shalt  }
0x43: {  	_ =	shalt  }
0x44: {  	_ =	shalt  }
0x45: {  	_ =	shalt  }
0x46: {  	_ =	shalt  }
0x47: {  	_ =	shalt  }
0x48: {  	_ =	shalt  }
0x49: {  	_ =	shalt  }
0x4a: {  	_ =	shalt  }
0x4b: {  	_ =	shalt  }
0x4c: {  	_ =	shalt  }
0x4d: {  	_ =	shalt  }
0x4e: {  	_ =	shalt  }
0x4f: {  	_ =	shalt  }
0x50: {  	_ =	shalt  }
0x51: {  	_ =	shalt  }
0x52: {  	_ =	shalt  }
0x53: {  	_ =	shalt  }
0x54: {  	_ =	shalt  }
0x55: {  	_ =	shalt  }
0x56: {  	_ =	shalt  }
0x57: {  	_ =	shalt  }
0x58: {  	_ =	shalt  }
0x59: {  	_ =	shalt  }
0x5a: {  	_ =	shalt  }
0x5b: {  	_ =	shalt  }
0x5c: {  	_ =	shalt  }
0x5d: {  	_ =	shalt  }
0x5e: {  	_ =	shalt  }
0x5f: {  	_ =	shalt  }
0x60: {  	_ =	shalt  }
0x61: {  	_ =	shalt  }
0x62: {  	_ =	shalt  }
0x63: {  	_ =	shalt  }
0x64: {  	_ =	shalt  }
0x65: {  	_ =	shalt  }
0x66: {  	_ =	shalt  }
0x67: {  	_ =	shalt  }
0x68: {  	_ =	shalt  }
0x69: {  	_ =	shalt  }
0x6a: {  	_ =	shalt  }
0x6b: {  	_ =	shalt  }
0x6c: {  	_ =	shalt  }
0x6d: {  	_ =	shalt  }
0x6e: {  	_ =	shalt  }
0x6f: {  	_ =	shalt  }
0x70: {  	_ =	shalt  }
0x71: {  	_ =	shalt  }
0x72: {  	_ =	shalt  }
0x73: {  	_ =	shalt  }
0x74: {  	_ =	shalt  }
0x75: {  	_ =	shalt  }
0x76: {  	_ =	shalt  }
0x77: {  	_ =	shalt  }
0x78: {  	_ =	shalt  }
0x79: {  	_ =	shalt  }
0x7a: {  	_ =	shalt  }
0x7b: {  	_ =	shalt  }
0x7c: {  	_ =	shalt  }
0x7d: {  	_ =	shalt  }
0x7e: {  	_ =	shalt  }
0x7f: {  	_ =	shalt  }
0x80: {  	_ =	shalt  }
0x81: {  	_ =	shalt  }
0x82: {  	_ =	shalt  }
0x83: {  	_ =	shalt  }
0x84: {  	_ =	shalt  }
0x85: {  	_ =	shalt  }
0x86: {  	_ =	shalt  }
0x87: {  	_ =	shalt  }
.Lfunc_end0:
.L_simem_size_0:
called_computation_lowered:
.L_overlay_start_0:
0x88: {  	s2 =	sld [smem:$0x3FD9]  }
0x89: {  	s3 =	sld [smem:$0x3FFE];
	_ =	sdelay $0x1  }
0x8a: {  	s1 =	srdreg.scid  }
0x8b: {  	s0 =	sand.u32 $0x1, s1  }
0x8c: {  	s17 =	sshll.u32 s0, $0xA;
	s2 =	sadd.s32 s3, s2  }
0x8d: {  	s2 =	sadd.s32 s2, s17  }
0x8e: {  	[smem:$0x3FBC] =	sst s2  }
0x8f: {  	_ = 	snop  }
0x90: {  	s2 =	sld [smem:$0x3FD0];
	(tm) =	ssettm $0x1  }
0x91: {  	s18 =	sld [smem:$0x3FFB];
	_ =	sdelay $0x3  }
0x92: {  	_ =	strace s18  }
0x93: {  	s3 =	sld [smem:$0x3FFC];
	_ =	sdelay $0x3  }
0x94: {  	_ =	strace s3  }
0x95: {  	s3 =	sld [smem:$0x3FFD];
	_ =	sdelay $0x3  }
0x96: {  	_ =	strace s3  }
0x97: {  	_ =	strace $0x8FFFFFFF  }
0x98: {  	s19 =	sld [smem:$0x3FDB];
	_ =	sdelay $0x1  }
0x99: {  	s4 =	simm.s32 $_scs_section_size  }
0x9a: {  	s5 =	simm.s32 $_size__tile_overlayer_lowered;
	s6 =	simm.s32 $_tile_overlayer_lowered  }
0x9b: {  	s22 =	simm.s32 $0x1BFF;
	s21 =	sshll.u32 s6, $0x1;
	s3 =	sadd.s32 s4, s19  }
0x9c: {  	s7 =	simm.s32 $0x0;
	s20 =	sshll.u32 s5, $0x1;
	s5 =	sadd.s32 s21, s3  }
0x9d: {  	[timem:s7], [sflag:s22] =	dma.local [hbm:s5], s20  }
0x9e: {  	_ =	swait.ge [sflag:s22], s20  }
0x9f: {  	s4 =	ssub.s32 $0x0, s20;
	[sflag:s22] =	ssyncset.done $0x0  }
0xa0: {  	[sflag:s22] =	ssyncadd.s32 s4;
	_ =	sdelay $0x1  }
0xa1: {  	s23 =	simm.s32 $0x1B8B  }
0xa2: {  	_ =	swait.ge [sflag:s23], $0x1  }
0xa3: {  	[sflag:s23] =	ssyncset.done $0x0  }
0xa4: {  	s25 =	simm.s32 $0x1B8E;
	s24 =	sld [smem:$0x3FFE];
	[sflag:s23] =	ssyncadd.s32 $0xFFFFFFFF  }
0xa5: {  	s26 =	simm.s32 $execute0_lowered;
	[smem:$0x3FD2] =	sst s25  }
0xa6: {  	s5 =	sshll.u32 s26, $0x1;
	_ =	strace $0x80000046;
	[dreg:$0x1] =	wrdreg $0xFFFFFFFF  }
0xa7: {  	s28 =	simm.s32 $_size_execute0_lowered;
	s3 =	sadd.s32 s3, s5;
	[dreg:$0x0] =	wrdreg $0x0  }
0xa8: {  	s5 =	sshll.u32 s28, $0x1;
	[dreg:$0x2] =	wrdreg s3  }
0xa9: {  	[dreg:$0x3] =	wrdreg s5  }
0xaa: {  	[dreg:$0x4] =	wrdreg $0xC0  }
0xab: {  	_ =	task [dreg:s7], $0x5FFFF  }
0xac: {  	[dreg:$0x1] =	wrdreg $0xFFFFFFFF  }
0xad: {  	[dreg:$0x0] =	wrdreg $0x60  }
0xae: {  	[dreg:$0x2] =	wrdreg s2  }
0xaf: {  	[dreg:$0x3] =	wrdreg s24  }
0xb0: {  	[dreg:$0x4] =	wrdreg $0x0  }
0xb1: {  	[dreg:$0x5] =	wrdreg $0x9  }
0xb2: {  	_ =	task.clear_ibuf [dreg:s7], $0x6FFFF;
	_ =	strace $0x90000046  }
0xb3: {  	s29 =	simm.s32 $0x9;
	_ =	strace $0x80000048  }
0xb4: {  	_ =	swait.ge [sflag:s29], $0x1  }
0xb5: {  	[sflag:s29] =	ssyncadd.s32 $0xFFFFFFFF  }
0xb6: {  	_ =	strace $0x90000048  }
0xb7: {  	_ =	sfence  }
0xb8: {  	s30 =	sld [smem:$0x0];
	_ =	sdelay $0x2  }
0xb9: {  	s31 =	sshll.u32 s1, $0xD;
	s1 =	sshrl.u32 s1, $0x2  }
0xba: {  	s3 =	sand.u32 $0x4000, s31;
	s1 =	sadd.s32 s1, s30  }
0xbb: {  	s0 =	sor.u32 s3, s0;
	s1 =	sshll.u32 s1, $0x11  }
0xbc: {  	s0 =	sor.u32 s1, s0  }
0xbd: {  	s0 =	sadd.s32 $0x8F2B, s0  }
0xbe: {  	[sflag:s0] =	ssyncadd.remote.s32 $0x1  }
0xbf: {  	_ =	sfence.sel $0xFFFF  }
0xc0: {  	[dreg:$0x0] =	wrdreg $0xFFFFFFFF;
	(pc) =	sbr.abs _section_cstart, $3  }
0xc1: {  	[dreg:$0x1] =	wrdreg $0xFFFFFFFF  }
0xc2: {  	_ =	task.clear_ibuf [dreg:s7], $0x2FFFF;
	_ =	strace $0x9FFFFFFF  }
0xc3: {  	(tm) =	ssettm $0x7FFFFFFF  }
tec
execute0_lowered:
.L_overlay_start_1:
0x0: {  	(tag) =	ssettag $0x1  }
0x1: {  	s2 =	rddreg [dreg:$0x0]  }
0x2: {  	s0 =	srdreg.scid;
	s5 =	rddreg [dreg:$0x1]  }
0x3: {  	s14 =	stileid.u32;
	s3 =	rddreg [dreg:$0x2];
	s4 =	simm.s32 $0x0  }
0x4: {  	s24 =	simm.s32 $0x13900;
	s25 =	simm.s32 $0x13980;
	s26 =	simm.s32 $0x13A00  }
0x5: {  	s13 =	simm.s32 $0x13C80;
	s15 =	simm.s32 $0x13D00;
	s16 =	simm.s32 $0x13D80  }
0x6: {  	s17 =	simm.s32 $0x13E00;
	[smem:$0x7FF] =	sst s4;
	s8 =	sadd.s32 $0x20400, s5  }
0x7: {  	s18 =	simm.s32 $0x13E80;
	_ =	strace $0x80000047;
	[dreg:$0x19] =	wrdreg s8  }
0x8: {  	s19 =	simm.s32 $0x13F00;
	s30 =	simm.s32 $0x14D00;
	[dreg:$0x5] =	wrdreg s24  }
0x9: {  	s31 =	simm.s32 $0x14D80;
	s1 =	smul.u32 $0x7800, s14;
	[dreg:$0x6] =	wrdreg s25  }
0xa: {  	s0 =	sand.u32 $0x1, s0;
	s20 =	smul.u32 $0x2700, s14;
	[dreg:$0x7] =	wrdreg s26  }
0xb: {  	s7 =	smul.u32 $0x4E000, s14;
	s9 =	sadd.s32 $0x96000, s5;
	[dreg:$0xc] =	wrdreg s13  }
0xc: {  	s10 =	smul.u32 $0x13800, s14;
	s11 =	sadd.s32 $0x47E00, s5;
	[dreg:$0xd] =	wrdreg s15  }
0xd: {  	p0 =	seq.s32 s14, $0xF;
	s6 =	smul.u32 $0x3C00, s0;
	[dreg:$0xe] =	wrdreg s16  }
0xe: {  	s21 =	smul.u32 $0x138800, s0;
	s0 =	ssub.s32 $0x2, s0;
	[dreg:$0xf] =	wrdreg s17  }
0xf: {  	s17 =	simm.s32 $0x15080;
	[dreg:$0x10] =	wrdreg s18;
	s18 =	simm.s32 $0x4  }
0x10: {  	[dreg:$0x11] =	wrdreg s19;
	s24 =	simm.s32 $0x14180;
	s25 =	simm.s32 $0x14200  }
0x11: {  	s19 =	simm.s32 $0x14C80;
	s15 =	simm.s32 $0x18480;
	s16 =	simm.s32 $0x1B880  }
0x12: {  	s13 =	simm.s32 $0x0;
	s12 =	sshrl.u32 s0, $0x1;
	[dreg:$0x16] =	wrdreg s24  }
0x13: {  	s7 =	sshrl.u32 s7, $0x2;
	[dreg:$0x17] =	wrdreg s25;
	s25 =	simm.s32 $0x1  }
0x14: {  	s1 =	sadd.s32 s6, s1;
	s6 =	sadd.s32 s20, s5;
	s0 =	ssub.s32 s0, s12  }
0x15: {  	s7 =	sadd.s32 s7, s3;
	s10 =	sadd.s32 s10, s21;
	s12 =	simm.s32 $0x13C00  }
0x16: {  	s8 =	sshrl.u32 s21, $0x3;
	s20 =	simm.s32 $0x13F80;
	[dreg:$0xb] =	wrdreg s12  }
0x17: {  	s21 =	simm.s32 $0x14000;
	s1 =	sshrl.u32 s1, $0x3;
	[dreg:$0x12] =	wrdreg s20  }
0x18: {  	s6 =	sadd.s32 $0x20C00, s6;
	s10 =	sshrl.u32 s10, $0x3;
	[dreg:$0x13] =	wrdreg s21  }
0x19: {  	s8 =	sadd.s32 $0x24900, s8;
	s0 =	smax.u32 s0, $0x1;
	[dreg:$0x1a] =	wrdreg s6  }
0x1a: {  	s26 =	sshrl.u32 @!p0 s7, $0x3;
	s20 =	simm.s32 $0x64;
	[smem:$0x7FA] =	sst s0  }
0x1b: {  	s1 =	sadd.s32 s1, s5;
	s5 =	sadd.s32 $0x45500, s5;
	[smem:$0x7FD] =	sst s26  }
0x1c: {  	s12 =	simm.s32 $0x14A00;
	s22 =	sadd.s32 s9, s10;
	[dreg:$0x1b] =	wrdreg s5  }
0x1d: {  	s7 =	simm.s32 $0x14B00;
	s9 =	sadd.s32 s9, s8;
	[dreg:$0x1c] =	wrdreg s22  }
0x1e: {  	s21 =	simm.s32 $0x2;
	s4 =	sadd.s32 s11, s10;
	[dreg:$0x1d] =	wrdreg s9  }
0x1f: {  	s6 =	sadd.s32 $0x124800, s3;
	s8 =	sadd.s32 s11, s8;
	[dreg:$0x1e] =	wrdreg s4  }
0x20: {  	s10 =	simm.s32 $0x13B00;
	s11 =	simm.s32 $0x13B80;
	[dreg:$0x1f] =	wrdreg s8  }
0x21: {  	s23 =	sadd.s32 $0x11400, s1;
	s9 =	simm.s32 $0x13A80;
	[dreg:$0x9] =	wrdreg s10  }
0x22: {  	s1 =	sadd.s32 $0x2400, s1;
	[dreg:$0xa] =	wrdreg s11;
	s29 =	sshrl.u32 @p0 s6, $0x3  }
0x23: {  	s22 =	simm.s32 $0x14080;
	s5 =	simm.s32 $0x14780;
	[dreg:$0x4] =	wrdreg s23  }
0x24: {  	s8 =	simm.s32 $0x14800;
	s10 =	simm.s32 $0x14900;
	[dreg:$0x8] =	wrdreg s9  }
0x25: {  	s11 =	simm.s32 $0x14980;
	s6 =	simm.s32 $0x14A80;
	[dreg:$0x18] =	wrdreg s1  }
0x26: {  	s4 =	simm.s32 $0x14C00;
	s1 =	sshll.u32 @!p0 s14, $0x6;
	[dreg:$0x14] =	wrdreg s22  }
0x27: {  	s23 =	simm.s32 $0x14100;
	s9 =	simm.s32 $0x14880;
	[smem:$0x7FB] =	sst s29  }
0x28: {  	s14 =	simm.s32 $0x14B80;
	s28 =	sor.u32 @!p0 $0x1C04, s1;
	[dreg:$0x15] =	wrdreg s23  }
0x29: {  	s22 =	simm.s32 $0x3;
	s1 =	simm.s32 $0x14E00;
	[smem:$0x7FC] =	sst s28  }
.LBB2_1:
0x2a: {  	[smem:$0x7F9] =	sst s13  }
0x2b: {  	s23 =	simm.s32 @p0 $0x1FC4;
	s24 =	rddreg [dreg:$0x1b]  }
0x2c: {  	[spmem:s29], [sflag:s23] =	dma.local @p0 [hbm:s24], $0x2800  }
0x2d: {  	s23 =	simm.s32 @p0 $0x4  }
0x2e: {  	_ =	swait.ge @p0 [sflag:s23], $0x2800  }
0x2f: {  	[sflag:s23] =	ssyncset.done @p0 $0x0  }
0x30: {  	[sflag:s23] =	ssyncadd.s32 @p0 $0xFFFFD800;
	s23 =	rddreg [dreg:$0x1a]  }
0x31: {  	[spmem:s26], [sflag:s28] =	dma.local @!p0 [hbm:s23], $0x2700  }
0x32: {  	s23 =	simm.s32 @!p0 $0x4  }
0x33: {  	_ =	swait.ge @!p0 [sflag:s23], $0x2700  }
0x34: {  	[sflag:s23] =	ssyncset.done @!p0 $0x0  }
0x35: {  	s28 =	simm.s32 $0x0;
	s26 =	rddreg [dreg:$0x19];
	[sflag:s23] =	ssyncadd.s32 @!p0 $0xFFFFD900  }
0x36: {  	[tilespmem:s17], [sflag:$0x4] =	stream.linear.gather [hbm4b:s26+s28], $0x3200, $0x38;
	[tilespmem:$0x1EC80] =	vst v63  }
0x37: {  	_ =	swait.ge [sflag:s18], $0x3200  }
0x38: {  	[sflag:s18] =	ssyncset.done $0x0  }
0x39: {  	[sflag:s18] =	ssyncadd.s32 $0xFFFFCE00  }
0x3a: {  	[bflag:$0x0] =	sbarrier.arrive $0xFFFF  }
0x3b: {  	s29 =	rddreg [dreg:$0x18]  }
0x3c: {  	s13 =	simm.s32 $0x14480;
	s0 =	sadd.s32 $0x0, s29  }
0x3d: {  	[tilespmem:s13], [sflag:$0x4] =	stream.linear.gather [hbm4b:s0+s28], $0xA00, $0x38;
	[tilespmem:$0x1EC80] =	vst v63  }
0x3e: {  	_ =	swait.ge [sflag:s18], $0xA00  }
0x3f: {  	[sflag:s18] =	ssyncset.done $0x0  }
0x40: {  	[sflag:s18] =	ssyncadd.s32 $0xFFFFF600  }
0x41: {  	[spmem:s3] =	stream.indirect.scatter.add.f32 [tilespmem:s17], [sflag:$0x1], $0x80, s13, s20, $0xb8;
	[tilespmem:$0x1EC80] =	vst v63  }
0x42: {  	s24 =	simm.s32 $0x14500  }
0x43: {  	[spmem:s3] =	stream.indirect.scatter.add.f32 [tilespmem:s17], [sflag:$0x1], $0x80, s24, s20, $0xb8;
	[tilespmem:$0x1EC80] =	vst v63  }
0x44: {  	s26 =	simm.s32 $0x14580  }
0x45: {  	[spmem:s3] =	stream.indirect.scatter.add.f32 [tilespmem:s17], [sflag:$0x1], $0x80, s26, s20, $0xb8;
	[tilespmem:$0x1EC80] =	vst v63  }
0x46: {  	s28 =	simm.s32 $0x14600  }
0x47: {  	[spmem:s3] =	stream.indirect.scatter.add.f32 [tilespmem:s17], [sflag:$0x1], $0x80, s28, s20, $0xb8;
	[tilespmem:$0x1EC80] =	vst v63  }
0x48: {  	s29 =	simm.s32 $0x14680  }
0x49: {  	[spmem:s3] =	stream.indirect.scatter.add.f32 [tilespmem:s17], [sflag:$0x1], $0x80, s29, s20, $0xb8;
	[tilespmem:$0x1EC80] =	vst v63  }
0x4a: {  	_ =	swait.ge [sflag:s25], $0x3200  }
0x4b: {  	[sflag:s25] =	ssyncset.done $0x0  }
0x4c: {  	s0 =	simm.s32 $0x14700;
	[sflag:s25] =	ssyncadd.s32 $0xFFFFCE00  }
0x4d: {  	[spmem:s3] =	stream.indirect.scatter.add.f32 [tilespmem:s17], [sflag:$0x1], $0x80, s0, s20, $0xb8;
	[tilespmem:$0x1EC80] =	vst v63  }
0x4e: {  	_ =	swait.ge [sflag:s25], $0x3200  }
0x4f: {  	[sflag:s25] =	ssyncset.done $0x0  }
0x50: {  	[sflag:s25] =	ssyncadd.s32 $0xFFFFCE00  }
0x51: {  	[spmem:s3] =	stream.indirect.scatter.add.f32 [tilespmem:s17], [sflag:$0x1], $0x80, s5, s20, $0xb8;
	[tilespmem:$0x1EC80] =	vst v63  }
0x52: {  	_ =	swait.ge [sflag:s25], $0x3200  }
0x53: {  	[sflag:s25] =	ssyncset.done $0x0  }
0x54: {  	[sflag:s25] =	ssyncadd.s32 $0xFFFFCE00  }
0x55: {  	[spmem:s3] =	stream.indirect.scatter.add.f32 [tilespmem:s17], [sflag:$0x1], $0x80, s8, s20, $0xb8;
	[tilespmem:$0x1EC80] =	vst v63  }
0x56: {  	_ =	swait.ge [sflag:s25], $0x3200  }
0x57: {  	[sflag:s25] =	ssyncset.done $0x0  }
0x58: {  	[sflag:s25] =	ssyncadd.s32 $0xFFFFCE00  }
0x59: {  	[spmem:s3] =	stream.indirect.scatter.add.f32 [tilespmem:s17], [sflag:$0x1], $0x80, s9, s20, $0xb8;
	[tilespmem:$0x1EC80] =	vst v63  }
0x5a: {  	_ =	swait.ge [sflag:s25], $0x3200  }
0x5b: {  	[sflag:s25] =	ssyncset.done $0x0  }
0x5c: {  	[sflag:s25] =	ssyncadd.s32 $0xFFFFCE00  }
0x5d: {  	[spmem:s3] =	stream.indirect.scatter.add.f32 [tilespmem:s17], [sflag:$0x1], $0x80, s10, s20, $0xb8;
	[tilespmem:$0x1EC80] =	vst v63  }
0x5e: {  	_ =	swait.ge [sflag:s25], $0x3200  }
0x5f: {  	[sflag:s25] =	ssyncset.done $0x0  }
0x60: {  	[sflag:s25] =	ssyncadd.s32 $0xFFFFCE00  }
0x61: {  	[spmem:s3] =	stream.indirect.scatter.add.f32 [tilespmem:s17], [sflag:$0x1], $0x80, s11, s20, $0xb8;
	[tilespmem:$0x1EC80] =	vst v63  }
0x62: {  	_ =	swait.ge [sflag:s25], $0x3200  }
0x63: {  	[sflag:s25] =	ssyncset.done $0x0  }
0x64: {  	[sflag:s25] =	ssyncadd.s32 $0xFFFFCE00  }
0x65: {  	[spmem:s3] =	stream.indirect.scatter.add.f32 [tilespmem:s17], [sflag:$0x1], $0x80, s12, s20, $0xb8;
	[tilespmem:$0x1EC80] =	vst v63  }
0x66: {  	_ =	swait.ge [sflag:s25], $0x3200  }
0x67: {  	[sflag:s25] =	ssyncset.done $0x0  }
0x68: {  	[sflag:s25] =	ssyncadd.s32 $0xFFFFCE00  }
0x69: {  	[spmem:s3] =	stream.indirect.scatter.add.f32 [tilespmem:s17], [sflag:$0x1], $0x80, s6, s20, $0xb8;
	[tilespmem:$0x1EC80] =	vst v63  }
0x6a: {  	_ =	swait.ge [sflag:s25], $0x3200  }
0x6b: {  	[sflag:s25] =	ssyncset.done $0x0  }
0x6c: {  	[sflag:s25] =	ssyncadd.s32 $0xFFFFCE00  }
0x6d: {  	[spmem:s3] =	stream.indirect.scatter.add.f32 [tilespmem:s17], [sflag:$0x1], $0x80, s7, s20, $0xb8;
	[tilespmem:$0x1EC80] =	vst v63  }
0x6e: {  	_ =	swait.ge [sflag:s25], $0x3200  }
0x6f: {  	[sflag:s25] =	ssyncset.done $0x0  }
0x70: {  	[sflag:s25] =	ssyncadd.s32 $0xFFFFCE00  }
0x71: {  	[spmem:s3] =	stream.indirect.scatter.add.f32 [tilespmem:s17], [sflag:$0x1], $0x80, s14, s20, $0xb8;
	[tilespmem:$0x1EC80] =	vst v63  }
0x72: {  	_ =	swait.ge [sflag:s25], $0x3200  }
0x73: {  	[sflag:s25] =	ssyncset.done $0x0  }
0x74: {  	[sflag:s25] =	ssyncadd.s32 $0xFFFFCE00  }
0x75: {  	[spmem:s3] =	stream.indirect.scatter.add.f32 [tilespmem:s17], [sflag:$0x1], $0x80, s4, s20, $0xb8;
	[tilespmem:$0x1EC80] =	vst v63  }
0x76: {  	_ =	swait.ge [sflag:s25], $0x3200  }
0x77: {  	[sflag:s25] =	ssyncset.done $0x0  }
0x78: {  	[sflag:s25] =	ssyncadd.s32 $0xFFFFCE00  }
0x79: {  	[spmem:s3] =	stream.indirect.scatter.add.f32 [tilespmem:s17], [sflag:$0x1], $0x80, s19, s20, $0xb8;
	[tilespmem:$0x1EC80] =	vst v63  }
0x7a: {  	_ =	swait.ge [sflag:s25], $0x3200  }
0x7b: {  	[sflag:s25] =	ssyncset.done $0x0  }
0x7c: {  	[sflag:s25] =	ssyncadd.s32 $0xFFFFCE00  }
0x7d: {  	[spmem:s3] =	stream.indirect.scatter.add.f32 [tilespmem:s17], [sflag:$0x1], $0x80, s30, s20, $0xb8;
	[tilespmem:$0x1EC80] =	vst v63  }
0x7e: {  	_ =	swait.ge [sflag:s25], $0x3200  }
0x7f: {  	[sflag:s25] =	ssyncset.done $0x0  }
0x80: {  	[sflag:s25] =	ssyncadd.s32 $0xFFFFCE00  }
0x81: {  	[spmem:s3] =	stream.indirect.scatter.add.f32 [tilespmem:s17], [sflag:$0x1], $0x80, s31, s20, $0xb8;
	[tilespmem:$0x1EC80] =	vst v63  }
0x82: {  	_ =	swait.ge [sflag:s25], $0x3200  }
0x83: {  	[sflag:s25] =	ssyncset.done $0x0  }
0x84: {  	[sflag:s25] =	ssyncadd.s32 $0xFFFFCE00  }
0x85: {  	[spmem:s3] =	stream.indirect.scatter.add.f32 [tilespmem:s17], [sflag:$0x1], $0x80, s1, s20, $0xb8;
	[tilespmem:$0x1EC80] =	vst v63  }
0x86: {  	_ =	swait.ge [sflag:s25], $0x3200  }
0x87: {  	[sflag:s25] =	ssyncset.done $0x0  }
0x88: {  	[sflag:s25] =	ssyncadd.s32 $0xFFFFCE00  }
0x89: {  	_ =	swait.ge [sflag:s25], $0x3200  }
0x8a: {  	[sflag:s25] =	ssyncset.done $0x0  }
0x8b: {  	[sflag:s25] =	ssyncadd.s32 $0xFFFFCE00  }
0x8c: {  	_ =	swait.ge [sflag:s25], $0x3200  }
0x8d: {  	[sflag:s25] =	ssyncset.done $0x0  }
0x8e: {  	[sflag:s25] =	ssyncadd.s32 $0xFFFFCE00  }
0x8f: {  	_ =	swait.ge [sflag:s25], $0x3200  }
0x90: {  	[sflag:s25] =	ssyncset.done $0x0  }
0x91: {  	[sflag:s25] =	ssyncadd.s32 $0xFFFFCE00  }
0x92: {  	_ =	swait.ge [sflag:s25], $0x3200  }
0x93: {  	s23 =	simm.s32 $0x180;
	s26 =	simm.s32 $0x300;
	[sflag:s25] =	ssyncset.done $0x0  }
.LBB2_2:
0x94: {  	s24 =	rddreg [dreg:$0x18];
	[sflag:s25] =	ssyncadd.s32 $0xFFFFCE00  }
0x95: {  	s13 =	simm.s32 $0x14480;
	s29 =	simm.s32 $0x0;
	s28 =	sadd.s32 s23, s24  }
0x96: {  	[tilespmem:s13], [sflag:$0x4] =	stream.linear.gather [hbm4b:s28+s29], $0xA00, $0x38;
	[tilespmem:$0x1EC80] =	vst v63  }
0x97: {  	_ =	swait.ge [sflag:s18], $0xA00  }
0x98: {  	[sflag:s18] =	ssyncset.done $0x0  }
0x99: {  	[sflag:s18] =	ssyncadd.s32 $0xFFFFF600  }
0x9a: {  	[spmem:s3] =	stream.indirect.scatter.add.f32 [tilespmem:s17], [sflag:$0x1], $0x80, s13, s20, $0xb8;
	[tilespmem:$0x1EC80] =	vst v63  }
0x9b: {  	p1 =	sne.s32 s26, $0x600;
	s0 =	simm.s32 $0x14500  }
0x9c: {  	[spmem:s3] =	stream.indirect.scatter.add.f32 [tilespmem:s17], [sflag:$0x1], $0x80, s0, s20, $0xb8;
	[tilespmem:$0x1EC80] =	vst v63  }
0x9d: {  	s23 =	smov.u32 s26;
	s24 =	sadd.s32 $0x180, s26;
	s26 =	simm.s32 $0x14580  }
0x9e: {  	[spmem:s3] =	stream.indirect.scatter.add.f32 [tilespmem:s17], [sflag:$0x1], $0x80, s26, s20, $0xb8;
	[tilespmem:$0x1EC80] =	vst v63  }
0x9f: {  	s28 =	simm.s32 $0x14600  }
0xa0: {  	[spmem:s3] =	stream.indirect.scatter.add.f32 [tilespmem:s17], [sflag:$0x1], $0x80, s28, s20, $0xb8;
	[tilespmem:$0x1EC80] =	vst v63  }
0xa1: {  	s29 =	simm.s32 $0x14680  }
0xa2: {  	[spmem:s3] =	stream.indirect.scatter.add.f32 [tilespmem:s17], [sflag:$0x1], $0x80, s29, s20, $0xb8;
	[tilespmem:$0x1EC80] =	vst v63  }
0xa3: {  	_ =	swait.ge [sflag:s25], $0x3200  }
0xa4: {  	[sflag:s25] =	ssyncset.done $0x0  }
0xa5: {  	s0 =	simm.s32 $0x14700;
	[sflag:s25] =	ssyncadd.s32 $0xFFFFCE00  }
0xa6: {  	[spmem:s3] =	stream.indirect.scatter.add.f32 [tilespmem:s17], [sflag:$0x1], $0x80, s0, s20, $0xb8;
	[tilespmem:$0x1EC80] =	vst v63  }
0xa7: {  	_ =	swait.ge [sflag:s25], $0x3200  }
0xa8: {  	[sflag:s25] =	ssyncset.done $0x0  }
0xa9: {  	[sflag:s25] =	ssyncadd.s32 $0xFFFFCE00  }
0xaa: {  	[spmem:s3] =	stream.indirect.scatter.add.f32 [tilespmem:s17], [sflag:$0x1], $0x80, s5, s20, $0xb8;
	[tilespmem:$0x1EC80] =	vst v63  }
0xab: {  	_ =	swait.ge [sflag:s25], $0x3200  }
0xac: {  	[sflag:s25] =	ssyncset.done $0x0  }
0xad: {  	[sflag:s25] =	ssyncadd.s32 $0xFFFFCE00  }
0xae: {  	[spmem:s3] =	stream.indirect.scatter.add.f32 [tilespmem:s17], [sflag:$0x1], $0x80, s8, s20, $0xb8;
	[tilespmem:$0x1EC80] =	vst v63  }
0xaf: {  	_ =	swait.ge [sflag:s25], $0x3200  }
0xb0: {  	[sflag:s25] =	ssyncset.done $0x0  }
0xb1: {  	[sflag:s25] =	ssyncadd.s32 $0xFFFFCE00  }
0xb2: {  	[spmem:s3] =	stream.indirect.scatter.add.f32 [tilespmem:s17], [sflag:$0x1], $0x80, s9, s20, $0xb8;
	[tilespmem:$0x1EC80] =	vst v63  }
0xb3: {  	_ =	swait.ge [sflag:s25], $0x3200  }
0xb4: {  	[sflag:s25] =	ssyncset.done $0x0  }
0xb5: {  	[sflag:s25] =	ssyncadd.s32 $0xFFFFCE00  }
0xb6: {  	[spmem:s3] =	stream.indirect.scatter.add.f32 [tilespmem:s17], [sflag:$0x1], $0x80, s10, s20, $0xb8;
	[tilespmem:$0x1EC80] =	vst v63  }
0xb7: {  	_ =	swait.ge [sflag:s25], $0x3200  }
0xb8: {  	[sflag:s25] =	ssyncset.done $0x0  }
0xb9: {  	[sflag:s25] =	ssyncadd.s32 $0xFFFFCE00  }
0xba: {  	[spmem:s3] =	stream.indirect.scatter.add.f32 [tilespmem:s17], [sflag:$0x1], $0x80, s11, s20, $0xb8;
	[tilespmem:$0x1EC80] =	vst v63  }
0xbb: {  	_ =	swait.ge [sflag:s25], $0x3200  }
0xbc: {  	[sflag:s25] =	ssyncset.done $0x0  }
0xbd: {  	[sflag:s25] =	ssyncadd.s32 $0xFFFFCE00  }
0xbe: {  	[spmem:s3] =	stream.indirect.scatter.add.f32 [tilespmem:s17], [sflag:$0x1], $0x80, s12, s20, $0xb8;
	[tilespmem:$0x1EC80] =	vst v63  }
0xbf: {  	_ =	swait.ge [sflag:s25], $0x3200  }
0xc0: {  	[sflag:s25] =	ssyncset.done $0x0  }
0xc1: {  	[sflag:s25] =	ssyncadd.s32 $0xFFFFCE00  }
0xc2: {  	[spmem:s3] =	stream.indirect.scatter.add.f32 [tilespmem:s17], [sflag:$0x1], $0x80, s6, s20, $0xb8;
	[tilespmem:$0x1EC80] =	vst v63  }
0xc3: {  	_ =	swait.ge [sflag:s25], $0x3200  }
0xc4: {  	[sflag:s25] =	ssyncset.done $0x0  }
0xc5: {  	[sflag:s25] =	ssyncadd.s32 $0xFFFFCE00  }
0xc6: {  	[spmem:s3] =	stream.indirect.scatter.add.f32 [tilespmem:s17], [sflag:$0x1], $0x80, s7, s20, $0xb8;
	[tilespmem:$0x1EC80] =	vst v63  }
0xc7: {  	_ =	swait.ge [sflag:s25], $0x3200  }
0xc8: {  	[sflag:s25] =	ssyncset.done $0x0  }
0xc9: {  	[sflag:s25] =	ssyncadd.s32 $0xFFFFCE00  }
0xca: {  	[spmem:s3] =	stream.indirect.scatter.add.f32 [tilespmem:s17], [sflag:$0x1], $0x80, s14, s20, $0xb8;
	[tilespmem:$0x1EC80] =	vst v63  }
0xcb: {  	_ =	swait.ge [sflag:s25], $0x3200  }
0xcc: {  	[sflag:s25] =	ssyncset.done $0x0  }
0xcd: {  	[sflag:s25] =	ssyncadd.s32 $0xFFFFCE00  }
0xce: {  	[spmem:s3] =	stream.indirect.scatter.add.f32 [tilespmem:s17], [sflag:$0x1], $0x80, s4, s20, $0xb8;
	[tilespmem:$0x1EC80] =	vst v63  }
0xcf: {  	_ =	swait.ge [sflag:s25], $0x3200  }
0xd0: {  	[sflag:s25] =	ssyncset.done $0x0  }
0xd1: {  	[sflag:s25] =	ssyncadd.s32 $0xFFFFCE00  }
0xd2: {  	[spmem:s3] =	stream.indirect.scatter.add.f32 [tilespmem:s17], [sflag:$0x1], $0x80, s19, s20, $0xb8;
	[tilespmem:$0x1EC80] =	vst v63  }
0xd3: {  	_ =	swait.ge [sflag:s25], $0x3200  }
0xd4: {  	[sflag:s25] =	ssyncset.done $0x0  }
0xd5: {  	[sflag:s25] =	ssyncadd.s32 $0xFFFFCE00  }
0xd6: {  	[spmem:s3] =	stream.indirect.scatter.add.f32 [tilespmem:s17], [sflag:$0x1], $0x80, s30, s20, $0xb8;
	[tilespmem:$0x1EC80] =	vst v63  }
0xd7: {  	_ =	swait.ge [sflag:s25], $0x3200  }
0xd8: {  	[sflag:s25] =	ssyncset.done $0x0  }
0xd9: {  	[sflag:s25] =	ssyncadd.s32 $0xFFFFCE00  }
0xda: {  	[spmem:s3] =	stream.indirect.scatter.add.f32 [tilespmem:s17], [sflag:$0x1], $0x80, s31, s20, $0xb8;
	[tilespmem:$0x1EC80] =	vst v63  }
0xdb: {  	_ =	swait.ge [sflag:s25], $0x3200  }
0xdc: {  	[sflag:s25] =	ssyncset.done $0x0  }
0xdd: {  	[sflag:s25] =	ssyncadd.s32 $0xFFFFCE00  }
0xde: {  	[spmem:s3] =	stream.indirect.scatter.add.f32 [tilespmem:s17], [sflag:$0x1], $0x80, s1, s20, $0xb8;
	[tilespmem:$0x1EC80] =	vst v63  }
0xdf: {  	_ =	swait.ge [sflag:s25], $0x3200  }
0xe0: {  	[sflag:s25] =	ssyncset.done $0x0  }
0xe1: {  	[sflag:s25] =	ssyncadd.s32 $0xFFFFCE00  }
0xe2: {  	_ =	swait.ge [sflag:s25], $0x3200  }
0xe3: {  	[sflag:s25] =	ssyncset.done $0x0  }
0xe4: {  	[sflag:s25] =	ssyncadd.s32 $0xFFFFCE00  }
0xe5: {  	_ =	swait.ge [sflag:s25], $0x3200  }
0xe6: {  	[sflag:s25] =	ssyncset.done $0x0  }
0xe7: {  	[sflag:s25] =	ssyncadd.s32 $0xFFFFCE00  }
.Ltmp0:
0xe8: {  	_ =	swait.ge [sflag:s25], $0x3200;
	(pc) =	sbr.rel @p1 .LBB2_2-.Ltmp0, $4  }
0xe9: {  	[sflag:s25] =	ssyncset.done $0x0  }
0xea: {  	[sflag:s25] =	ssyncadd.s32 $0xFFFFCE00  }
0xeb: {  	_ =	swait.ge [sflag:s25], $0x3200  }
0xec: {  	s26 =	smov.u32 s24;
	[sflag:s25] =	ssyncset.done $0x0  }
0xed: {  	s1 =	rddreg [dreg:$0x18];
	[sflag:s25] =	ssyncadd.s32 $0xFFFFCE00  }
0xee: {  	s0 =	simm.s32 $0x0;
	s4 =	simm.s32 $0x14480;
	s23 =	sadd.s32 s23, s1  }
0xef: {  	[tilespmem:s4], [sflag:$0x4] =	stream.linear.gather [hbm4b:s23+s0], $0xA00, $0x38;
	[tilespmem:$0x1EC80] =	vst v63  }
0xf0: {  	_ =	swait.ge [sflag:s18], $0xA00  }
0xf1: {  	[sflag:s18] =	ssyncset.done $0x0  }
0xf2: {  	[sflag:s18] =	ssyncadd.s32 $0xFFFFF600  }
0xf3: {  	[spmem:s3] =	stream.indirect.scatter.add.f32 [tilespmem:s17], [sflag:$0x1], $0x80, s4, s20, $0xb8;
	[tilespmem:$0x1EC80] =	vst v63  }
0xf4: {  	s5 =	simm.s32 $0x14500  }
0xf5: {  	[spmem:s3] =	stream.indirect.scatter.add.f32 [tilespmem:s17], [sflag:$0x1], $0x80, s5, s20, $0xb8;
	[tilespmem:$0x1EC80] =	vst v63  }
0xf6: {  	s19 =	simm.s32 $0x14580  }
0xf7: {  	[spmem:s3] =	stream.indirect.scatter.add.f32 [tilespmem:s17], [sflag:$0x1], $0x80, s19, s20, $0xb8;
	[tilespmem:$0x1EC80] =	vst v63  }
0xf8: {  	s23 =	simm.s32 $0x14600  }
0xf9: {  	[spmem:s3] =	stream.indirect.scatter.add.f32 [tilespmem:s17], [sflag:$0x1], $0x80, s23, s20, $0xb8;
	[tilespmem:$0x1EC80] =	vst v63  }
0xfa: {  	s24 =	simm.s32 $0x14680  }
0xfb: {  	[spmem:s3] =	stream.indirect.scatter.add.f32 [tilespmem:s17], [sflag:$0x1], $0x80, s24, s20, $0xb8;
	[tilespmem:$0x1EC80] =	vst v63  }
0xfc: {  	_ =	swait.ge [sflag:s25], $0x3200  }
0xfd: {  	[sflag:s25] =	ssyncset.done $0x0  }
0xfe: {  	s31 =	simm.s32 $0x14700;
	[sflag:s25] =	ssyncadd.s32 $0xFFFFCE00  }
0xff: {  	[spmem:s3] =	stream.indirect.scatter.add.f32 [tilespmem:s17], [sflag:$0x1], $0x80, s31, s20, $0xb8;
	[tilespmem:$0x1EC80] =	vst v63  }
0x100: {  	_ =	swait.ge [sflag:s25], $0x3200  }
0x101: {  	[sflag:s25] =	ssyncset.done $0x0  }
0x102: {  	s8 =	simm.s32 $0x14780;
	[sflag:s25] =	ssyncadd.s32 $0xFFFFCE00  }
0x103: {  	[spmem:s3] =	stream.indirect.scatter.add.f32 [tilespmem:s17], [sflag:$0x1], $0x80, s8, s20, $0xb8;
	[tilespmem:$0x1EC80] =	vst v63  }
0x104: {  	_ =	swait.ge [sflag:s25], $0x3200  }
0x105: {  	[sflag:s25] =	ssyncset.done $0x0  }
0x106: {  	s9 =	simm.s32 $0x14800;
	[sflag:s25] =	ssyncadd.s32 $0xFFFFCE00  }
0x107: {  	[spmem:s3] =	stream.indirect.scatter.add.f32 [tilespmem:s17], [sflag:$0x1], $0x80, s9, s20, $0xb8;
	[tilespmem:$0x1EC80] =	vst v63  }
0x108: {  	_ =	swait.ge [sflag:s25], $0x3200  }
0x109: {  	[sflag:s25] =	ssyncset.done $0x0  }
0x10a: {  	s10 =	simm.s32 $0x14880;
	[sflag:s25] =	ssyncadd.s32 $0xFFFFCE00  }
0x10b: {  	[spmem:s3] =	stream.indirect.scatter.add.f32 [tilespmem:s17], [sflag:$0x1], $0x80, s10, s20, $0xb8;
	[tilespmem:$0x1EC80] =	vst v63  }
0x10c: {  	_ =	swait.ge [sflag:s25], $0x3200  }
0x10d: {  	[sflag:s25] =	ssyncset.done $0x0  }
0x10e: {  	s11 =	simm.s32 $0x14900;
	[sflag:s25] =	ssyncadd.s32 $0xFFFFCE00  }
0x10f: {  	[spmem:s3] =	stream.indirect.scatter.add.f32 [tilespmem:s17], [sflag:$0x1], $0x80, s11, s20, $0xb8;
	[tilespmem:$0x1EC80] =	vst v63  }
0x110: {  	_ =	swait.ge [sflag:s25], $0x3200  }
0x111: {  	[sflag:s25] =	ssyncset.done $0x0  }
0x112: {  	s12 =	simm.s32 $0x14980;
	[sflag:s25] =	ssyncadd.s32 $0xFFFFCE00  }
0x113: {  	[spmem:s3] =	stream.indirect.scatter.add.f32 [tilespmem:s17], [sflag:$0x1], $0x80, s12, s20, $0xb8;
	[tilespmem:$0x1EC80] =	vst v63  }
0x114: {  	_ =	swait.ge [sflag:s25], $0x3200  }
0x115: {  	[sflag:s25] =	ssyncset.done $0x0  }
0x116: {  	s6 =	simm.s32 $0x14A00;
	[sflag:s25] =	ssyncadd.s32 $0xFFFFCE00  }
0x117: {  	[spmem:s3] =	stream.indirect.scatter.add.f32 [tilespmem:s17], [sflag:$0x1], $0x80, s6, s20, $0xb8;
	[tilespmem:$0x1EC80] =	vst v63  }
0x118: {  	_ =	swait.ge [sflag:s25], $0x3200  }
0x119: {  	[sflag:s25] =	ssyncset.done $0x0  }
0x11a: {  	s7 =	simm.s32 $0x14A80;
	[sflag:s25] =	ssyncadd.s32 $0xFFFFCE00  }
0x11b: {  	[spmem:s3] =	stream.indirect.scatter.add.f32 [tilespmem:s17], [sflag:$0x1], $0x80, s7, s20, $0xb8;
	[tilespmem:$0x1EC80] =	vst v63  }
0x11c: {  	_ =	swait.ge [sflag:s25], $0x3200  }
0x11d: {  	[sflag:s25] =	ssyncset.done $0x0  }
0x11e: {  	s14 =	simm.s32 $0x14B00;
	[sflag:s25] =	ssyncadd.s32 $0xFFFFCE00  }
0x11f: {  	[spmem:s3] =	stream.indirect.scatter.add.f32 [tilespmem:s17], [sflag:$0x1], $0x80, s14, s20, $0xb8;
	[tilespmem:$0x1EC80] =	vst v63  }
0x120: {  	_ =	swait.ge [sflag:s25], $0x3200  }
0x121: {  	[sflag:s25] =	ssyncset.done $0x0  }
0x122: {  	s30 =	simm.s32 $0x14B80;
	[sflag:s25] =	ssyncadd.s32 $0xFFFFCE00  }
0x123: {  	[spmem:s3] =	stream.indirect.scatter.add.f32 [tilespmem:s17], [sflag:$0x1], $0x80, s30, s20, $0xb8;
	[tilespmem:$0x1EC80] =	vst v63  }
0x124: {  	_ =	swait.ge [sflag:s25], $0x3200  }
0x125: {  	[sflag:s25] =	ssyncset.done $0x0  }
0x126: {  	s19 =	simm.s32 $0x14C00;
	[sflag:s25] =	ssyncadd.s32 $0xFFFFCE00  }
0x127: {  	[spmem:s3] =	stream.indirect.scatter.add.f32 [tilespmem:s17], [sflag:$0x1], $0x80, s19, s20, $0xb8;
	[tilespmem:$0x1EC80] =	vst v63  }
0x128: {  	_ =	swait.ge [sflag:s25], $0x3200  }
0x129: {  	[sflag:s25] =	ssyncset.done $0x0  }
0x12a: {  	s29 =	simm.s32 $0x14C80;
	[sflag:s25] =	ssyncadd.s32 $0xFFFFCE00  }
0x12b: {  	[spmem:s3] =	stream.indirect.scatter.add.f32 [tilespmem:s17], [sflag:$0x1], $0x80, s29, s20, $0xb8;
	[tilespmem:$0x1EC80] =	vst v63  }
0x12c: {  	_ =	swait.ge [sflag:s25], $0x3200  }
0x12d: {  	[sflag:s25] =	ssyncset.done $0x0  }
0x12e: {  	s26 =	simm.s32 $0x14D00;
	[sflag:s25] =	ssyncadd.s32 $0xFFFFCE00  }
0x12f: {  	[spmem:s3] =	stream.indirect.scatter.add.f32 [tilespmem:s17], [sflag:$0x1], $0x80, s26, s20, $0xb8;
	[tilespmem:$0x1EC80] =	vst v63  }
0x130: {  	_ =	swait.ge [sflag:s25], $0x3200  }
0x131: {  	[sflag:s25] =	ssyncset.done $0x0  }
0x132: {  	s28 =	simm.s32 $0x14D80;
	[sflag:s25] =	ssyncadd.s32 $0xFFFFCE00  }
0x133: {  	[spmem:s3] =	stream.indirect.scatter.add.f32 [tilespmem:s17], [sflag:$0x1], $0x80, s28, s20, $0xb8;
	[tilespmem:$0x1EC80] =	vst v63  }
0x134: {  	_ =	swait.ge [sflag:s25], $0x3200  }
0x135: {  	[sflag:s25] =	ssyncset.done $0x0  }
0x136: {  	s23 =	simm.s32 $0x14E00;
	[sflag:s25] =	ssyncadd.s32 $0xFFFFCE00  }
0x137: {  	[spmem:s3] =	stream.indirect.scatter.add.f32 [tilespmem:s17], [sflag:$0x1], $0x80, s23, s20, $0xb8;
	[tilespmem:$0x1EC80] =	vst v63  }
0x138: {  	_ =	swait.ge [sflag:s25], $0x3200  }
0x139: {  	[sflag:s25] =	ssyncset.done $0x0  }
0x13a: {  	[sflag:s25] =	ssyncadd.s32 $0xFFFFCE00  }
0x13b: {  	_ =	swait.ge [sflag:s25], $0x3200  }
0x13c: {  	[sflag:s25] =	ssyncset.done $0x0  }
0x13d: {  	[sflag:s25] =	ssyncadd.s32 $0xFFFFCE00  }
0x13e: {  	_ =	swait.ge [sflag:s25], $0x3200  }
0x13f: {  	[sflag:s25] =	ssyncset.done $0x0  }
0x140: {  	[sflag:s25] =	ssyncadd.s32 $0xFFFFCE00  }
0x141: {  	_ =	swait.ge [sflag:s25], $0x3200  }
0x142: {  	[sflag:s25] =	ssyncset.done $0x0  }
0x143: {  	[sflag:s25] =	ssyncadd.s32 $0xFFFFCE00  }
0x144: {  	_ =	swait.ge [sflag:s25], $0x3200  }
0x145: {  	[sflag:s25] =	ssyncset.done $0x0  }
0x146: {  	[sflag:s25] =	ssyncadd.s32 $0xFFFFCE00  }
0x147: {  	[bflag:$0x0] =	sbarrier.arrive $0xFFFF  }
0x148: {  	s28 =	sld [smem:$0x7FB];
	_ =	sdelay $0x1  }
0x149: {  	s23 =	simm.s32 @p0 $0x1FC4;
	s24 =	rddreg [dreg:$0x1d]  }
0x14a: {  	[hbm:s24], [sflag:s23] =	dma.local @p0 [spmem:s28], $0x2800  }
0x14b: {  	s24 =	simm.s32 @p0 $0x4  }
0x14c: {  	_ =	swait.ge @p0 [sflag:s24], $0x2800  }
0x14d: {  	[sflag:s24] =	ssyncset.done @p0 $0x0  }
0x14e: {  	s26 =	rddreg [dreg:$0x1b];
	[sflag:s24] =	ssyncadd.s32 @p0 $0xFFFFD800  }
0x14f: {  	[spmem:s28], [sflag:s23] =	dma.local @p0 [hbm:s26], $0x2800  }
0x150: {  	_ =	swait.ge @p0 [sflag:s24], $0x2800  }
0x151: {  	s26 =	sld [smem:$0x7FC]  }
0x152: {  	s28 =	sld [smem:$0x7FD]  }
0x153: {  	[sflag:s24] =	ssyncset.done @p0 $0x0  }
0x154: {  	s23 =	rddreg [dreg:$0x1c];
	[sflag:s24] =	ssyncadd.s32 @p0 $0xFFFFD800  }
0x155: {  	[hbm:s23], [sflag:s26] =	dma.local @!p0 [spmem:s28], $0x2700  }
0x156: {  	s23 =	simm.s32 @!p0 $0x4  }
0x157: {  	_ =	swait.ge @!p0 [sflag:s23], $0x2700  }
0x158: {  	[sflag:s23] =	ssyncset.done @!p0 $0x0  }
0x159: {  	s24 =	rddreg [dreg:$0x1a];
	[sflag:s23] =	ssyncadd.s32 @!p0 $0xFFFFD900  }
0x15a: {  	[spmem:s28], [sflag:s26] =	dma.local @!p0 [hbm:s24], $0x2700  }
0x15b: {  	_ =	swait.ge @!p0 [sflag:s23], $0x2700  }
0x15c: {  	[sflag:s23] =	ssyncset.done @!p0 $0x0  }
0x15d: {  	[sflag:s23] =	ssyncadd.s32 @!p0 $0xFFFFD900  }
0x15e: {  	[bflag:$0x0] =	sbarrier.arrive $0xFFFF  }
0x15f: {  	s24 =	rddreg [dreg:$0x4]  }
0x160: {  	s26 =	simm.s32 $0x13880;
	s23 =	sadd.s32 $0x0, s24  }
0x161: {  	[tilespmem:s26], [sflag:$0x4] =	stream.linear.gather [hbm4b:s23+s0], $0xA00, $0x38;
	[tilespmem:$0x1EC80] =	vst v63  }
0x162: {  	_ =	swait.ge [sflag:s18], $0xA00  }
0x163: {  	[sflag:s18] =	ssyncset.done $0x0  }
0x164: {  	s28 =	sadd.s32 $0x0, s1;
	[sflag:s18] =	ssyncadd.s32 $0xFFFFF600  }
0x165: {  	[tilespmem:s4], [sflag:$0x4] =	stream.linear.gather [hbm4b:s28+s0], $0xA00, $0x38;
	[tilespmem:$0x1EC80] =	vst v63  }
0x166: {  	_ =	swait.ge [sflag:s18], $0xA00  }
0x167: {  	[sflag:s18] =	ssyncset.done $0x0  }
0x168: {  	[sflag:s18] =	ssyncadd.s32 $0xFFFFF600  }
0x169: {  	[tilespmem:s17], [sflag:$0x1] =	stream.indirect.gather [hbm4b:s2+s20], $0x80, s26, s20, $0xb8;
	[tilespmem:$0x1EC80] =	vst v63  }
0x16a: {  	s0 =	rddreg [dreg:$0x5]  }
0x16b: {  	[tilespmem:s15], [sflag:$0x2] =	stream.indirect.gather [hbm4b:s2+s20], $0x80, s0, s20, $0xb8;
	[tilespmem:$0x1EC80] =	vst v63  }
0x16c: {  	s1 =	rddreg [dreg:$0x6]  }
0x16d: {  	[tilespmem:s16], [sflag:$0x3] =	stream.indirect.gather [hbm4b:s2+s20], $0x80, s1, s20, $0xb8;
	[tilespmem:$0x1EC80] =	vst v63  }
0x16e: {  	_ =	swait.ge [sflag:s25], $0x3200  }
0x16f: {  	[sflag:s25] =	ssyncset.done $0x0  }
0x170: {  	[sflag:s25] =	ssyncadd.s32 $0xFFFFCE00  }
0x171: {  	[spmem:s3] =	stream.indirect.scatter.add.f32 [tilespmem:s17], [sflag:$0x4], $0x80, s4, s20, $0xb8;
	[tilespmem:$0x1EC80] =	vst v63  }
0x172: {  	_ =	swait.ge [sflag:s18], $0x3200  }
0x173: {  	[sflag:s18] =	ssyncset.done $0x0  }
0x174: {  	s5 =	rddreg [dreg:$0x7];
	[sflag:s18] =	ssyncadd.s32 $0xFFFFCE00  }
0x175: {  	[tilespmem:s17], [sflag:$0x1] =	stream.indirect.gather [hbm4b:s2+s20], $0x80, s5, s20, $0xb8;
	[tilespmem:$0x1EC80] =	vst v63  }
0x176: {  	_ =	swait.ge [sflag:s21], $0x3200  }
0x177: {  	[sflag:s21] =	ssyncset.done $0x0  }
0x178: {  	s13 =	simm.s32 $0x14500;
	[sflag:s21] =	ssyncadd.s32 $0xFFFFCE00  }
0x179: {  	[spmem:s3] =	stream.indirect.scatter.add.f32 [tilespmem:s15], [sflag:$0x4], $0x80, s13, s20, $0xb8;
	[tilespmem:$0x1EC80] =	vst v63  }
0x17a: {  	_ =	swait.ge [sflag:s18], $0x3200  }
0x17b: {  	[sflag:s18] =	ssyncset.done $0x0  }
0x17c: {  	s13 =	rddreg [dreg:$0x8];
	[sflag:s18] =	ssyncadd.s32 $0xFFFFCE00  }
0x17d: {  	[tilespmem:s15], [sflag:$0x2] =	stream.indirect.gather [hbm4b:s2+s20], $0x80, s13, s20, $0xb8;
	[tilespmem:$0x1EC80] =	vst v63  }
0x17e: {  	_ =	swait.ge [sflag:s22], $0x3200  }
0x17f: {  	[sflag:s22] =	ssyncset.done $0x0  }
0x180: {  	s24 =	simm.s32 $0x14580;
	[sflag:s22] =	ssyncadd.s32 $0xFFFFCE00  }
0x181: {  	[spmem:s3] =	stream.indirect.scatter.add.f32 [tilespmem:s16], [sflag:$0x4], $0x80, s24, s20, $0xb8;
	[tilespmem:$0x1EC80] =	vst v63  }
0x182: {  	_ =	swait.ge [sflag:s18], $0x3200  }
0x183: {  	[sflag:s18] =	ssyncset.done $0x0  }
0x184: {  	s26 =	rddreg [dreg:$0x9];
	[sflag:s18] =	ssyncadd.s32 $0xFFFFCE00  }
0x185: {  	[tilespmem:s16], [sflag:$0x3] =	stream.indirect.gather [hbm4b:s2+s20], $0x80, s26, s20, $0xb8;
	[tilespmem:$0x1EC80] =	vst v63  }
0x186: {  	_ =	swait.ge [sflag:s25], $0x3200  }
0x187: {  	[sflag:s25] =	ssyncset.done $0x0  }
0x188: {  	s28 =	simm.s32 $0x14600;
	[sflag:s25] =	ssyncadd.s32 $0xFFFFCE00  }
0x189: {  	[spmem:s3] =	stream.indirect.scatter.add.f32 [tilespmem:s17], [sflag:$0x4], $0x80, s28, s20, $0xb8;
	[tilespmem:$0x1EC80] =	vst v63  }
0x18a: {  	_ =	swait.ge [sflag:s18], $0x3200  }
0x18b: {  	[sflag:s18] =	ssyncset.done $0x0  }
0x18c: {  	s0 =	rddreg [dreg:$0xa];
	[sflag:s18] =	ssyncadd.s32 $0xFFFFCE00  }
0x18d: {  	[tilespmem:s17], [sflag:$0x1] =	stream.indirect.gather [hbm4b:s2+s20], $0x80, s0, s20, $0xb8;
	[tilespmem:$0x1EC80] =	vst v63  }
0x18e: {  	_ =	swait.ge [sflag:s21], $0x3200  }
0x18f: {  	[sflag:s21] =	ssyncset.done $0x0  }
0x190: {  	s1 =	simm.s32 $0x14680;
	[sflag:s21] =	ssyncadd.s32 $0xFFFFCE00  }
0x191: {  	[spmem:s3] =	stream.indirect.scatter.add.f32 [tilespmem:s15], [sflag:$0x4], $0x80, s1, s20, $0xb8;
	[tilespmem:$0x1EC80] =	vst v63  }
0x192: {  	_ =	swait.ge [sflag:s18], $0x3200  }
0x193: {  	[sflag:s18] =	ssyncset.done $0x0  }
0x194: {  	s4 =	rddreg [dreg:$0xb];
	[sflag:s18] =	ssyncadd.s32 $0xFFFFCE00  }
0x195: {  	[tilespmem:s15], [sflag:$0x2] =	stream.indirect.gather [hbm4b:s2+s20], $0x80, s4, s20, $0xb8;
	[tilespmem:$0x1EC80] =	vst v63  }
0x196: {  	_ =	swait.ge [sflag:s22], $0x3200  }
0x197: {  	[sflag:s22] =	ssyncset.done $0x0  }
0x198: {  	[sflag:s22] =	ssyncadd.s32 $0xFFFFCE00  }
0x199: {  	[spmem:s3] =	stream.indirect.scatter.add.f32 [tilespmem:s16], [sflag:$0x4], $0x80, s31, s20, $0xb8;
	[tilespmem:$0x1EC80] =	vst v63  }
0x19a: {  	_ =	swait.ge [sflag:s18], $0x3200  }
0x19b: {  	[sflag:s18] =	ssyncset.done $0x0  }
0x19c: {  	s5 =	rddreg [dreg:$0xc];
	[sflag:s18] =	ssyncadd.s32 $0xFFFFCE00  }
0x19d: {  	[tilespmem:s16], [sflag:$0x3] =	stream.indirect.gather [hbm4b:s2+s20], $0x80, s5, s20, $0xb8;
	[tilespmem:$0x1EC80] =	vst v63  }
0x19e: {  	_ =	swait.ge [sflag:s25], $0x3200  }
0x19f: {  	[sflag:s25] =	ssyncset.done $0x0  }
0x1a0: {  	[sflag:s25] =	ssyncadd.s32 $0xFFFFCE00  }
0x1a1: {  	[spmem:s3] =	stream.indirect.scatter.add.f32 [tilespmem:s17], [sflag:$0x4], $0x80, s8, s20, $0xb8;
	[tilespmem:$0x1EC80] =	vst v63  }
0x1a2: {  	_ =	swait.ge [sflag:s18], $0x3200  }
0x1a3: {  	[sflag:s18] =	ssyncset.done $0x0  }
0x1a4: {  	s8 =	rddreg [dreg:$0xd];
	[sflag:s18] =	ssyncadd.s32 $0xFFFFCE00  }
0x1a5: {  	[tilespmem:s17], [sflag:$0x1] =	stream.indirect.gather [hbm4b:s2+s20], $0x80, s8, s20, $0xb8;
	[tilespmem:$0x1EC80] =	vst v63  }
0x1a6: {  	_ =	swait.ge [sflag:s21], $0x3200  }
0x1a7: {  	[sflag:s21] =	ssyncset.done $0x0  }
0x1a8: {  	[sflag:s21] =	ssyncadd.s32 $0xFFFFCE00  }
0x1a9: {  	[spmem:s3] =	stream.indirect.scatter.add.f32 [tilespmem:s15], [sflag:$0x4], $0x80, s9, s20, $0xb8;
	[tilespmem:$0x1EC80] =	vst v63  }
0x1aa: {  	_ =	swait.ge [sflag:s18], $0x3200  }
0x1ab: {  	[sflag:s18] =	ssyncset.done $0x0  }
0x1ac: {  	s13 =	rddreg [dreg:$0xe];
	[sflag:s18] =	ssyncadd.s32 $0xFFFFCE00  }
0x1ad: {  	[tilespmem:s15], [sflag:$0x2] =	stream.indirect.gather [hbm4b:s2+s20], $0x80, s13, s20, $0xb8;
	[tilespmem:$0x1EC80] =	vst v63  }
0x1ae: {  	_ =	swait.ge [sflag:s22], $0x3200  }
0x1af: {  	[sflag:s22] =	ssyncset.done $0x0  }
0x1b0: {  	[sflag:s22] =	ssyncadd.s32 $0xFFFFCE00  }
0x1b1: {  	[spmem:s3] =	stream.indirect.scatter.add.f32 [tilespmem:s16], [sflag:$0x4], $0x80, s10, s20, $0xb8;
	[tilespmem:$0x1EC80] =	vst v63  }
0x1b2: {  	_ =	swait.ge [sflag:s18], $0x3200  }
0x1b3: {  	[sflag:s18] =	ssyncset.done $0x0  }
0x1b4: {  	s24 =	rddreg [dreg:$0xf];
	[sflag:s18] =	ssyncadd.s32 $0xFFFFCE00  }
0x1b5: {  	[tilespmem:s16], [sflag:$0x3] =	stream.indirect.gather [hbm4b:s2+s20], $0x80, s24, s20, $0xb8;
	[tilespmem:$0x1EC80] =	vst v63  }
0x1b6: {  	_ =	swait.ge [sflag:s25], $0x3200  }
0x1b7: {  	[sflag:s25] =	ssyncset.done $0x0  }
0x1b8: {  	[sflag:s25] =	ssyncadd.s32 $0xFFFFCE00  }
0x1b9: {  	[spmem:s3] =	stream.indirect.scatter.add.f32 [tilespmem:s17], [sflag:$0x4], $0x80, s11, s20, $0xb8;
	[tilespmem:$0x1EC80] =	vst v63  }
0x1ba: {  	_ =	swait.ge [sflag:s18], $0x3200  }
0x1bb: {  	[sflag:s18] =	ssyncset.done $0x0  }
0x1bc: {  	s26 =	rddreg [dreg:$0x10];
	[sflag:s18] =	ssyncadd.s32 $0xFFFFCE00  }
0x1bd: {  	[tilespmem:s17], [sflag:$0x1] =	stream.indirect.gather [hbm4b:s2+s20], $0x80, s26, s20, $0xb8;
	[tilespmem:$0x1EC80] =	vst v63  }
0x1be: {  	_ =	swait.ge [sflag:s21], $0x3200  }
0x1bf: {  	[sflag:s21] =	ssyncset.done $0x0  }
0x1c0: {  	[sflag:s21] =	ssyncadd.s32 $0xFFFFCE00  }
0x1c1: {  	[spmem:s3] =	stream.indirect.scatter.add.f32 [tilespmem:s15], [sflag:$0x4], $0x80, s12, s20, $0xb8;
	[tilespmem:$0x1EC80] =	vst v63  }
0x1c2: {  	_ =	swait.ge [sflag:s18], $0x3200  }
0x1c3: {  	[sflag:s18] =	ssyncset.done $0x0  }
0x1c4: {  	s28 =	rddreg [dreg:$0x11];
	[sflag:s18] =	ssyncadd.s32 $0xFFFFCE00  }
0x1c5: {  	[tilespmem:s15], [sflag:$0x2] =	stream.indirect.gather [hbm4b:s2+s20], $0x80, s28, s20, $0xb8;
	[tilespmem:$0x1EC80] =	vst v63  }
0x1c6: {  	_ =	swait.ge [sflag:s22], $0x3200  }
0x1c7: {  	[sflag:s22] =	ssyncset.done $0x0  }
0x1c8: {  	[sflag:s22] =	ssyncadd.s32 $0xFFFFCE00  }
0x1c9: {  	[spmem:s3] =	stream.indirect.scatter.add.f32 [tilespmem:s16], [sflag:$0x4], $0x80, s6, s20, $0xb8;
	[tilespmem:$0x1EC80] =	vst v63  }
0x1ca: {  	_ =	swait.ge [sflag:s18], $0x3200  }
0x1cb: {  	[sflag:s18] =	ssyncset.done $0x0  }
0x1cc: {  	s0 =	rddreg [dreg:$0x12];
	[sflag:s18] =	ssyncadd.s32 $0xFFFFCE00  }
0x1cd: {  	[tilespmem:s16], [sflag:$0x3] =	stream.indirect.gather [hbm4b:s2+s20], $0x80, s0, s20, $0xb8;
	[tilespmem:$0x1EC80] =	vst v63  }
0x1ce: {  	_ =	swait.ge [sflag:s25], $0x3200  }
0x1cf: {  	[sflag:s25] =	ssyncset.done $0x0  }
0x1d0: {  	[sflag:s25] =	ssyncadd.s32 $0xFFFFCE00  }
0x1d1: {  	[spmem:s3] =	stream.indirect.scatter.add.f32 [tilespmem:s17], [sflag:$0x4], $0x80, s7, s20, $0xb8;
	[tilespmem:$0x1EC80] =	vst v63  }
0x1d2: {  	_ =	swait.ge [sflag:s18], $0x3200  }
0x1d3: {  	[sflag:s18] =	ssyncset.done $0x0  }
0x1d4: {  	s1 =	rddreg [dreg:$0x13];
	[sflag:s18] =	ssyncadd.s32 $0xFFFFCE00  }
0x1d5: {  	[tilespmem:s17], [sflag:$0x1] =	stream.indirect.gather [hbm4b:s2+s20], $0x80, s1, s20, $0xb8;
	[tilespmem:$0x1EC80] =	vst v63  }
0x1d6: {  	_ =	swait.ge [sflag:s21], $0x3200  }
0x1d7: {  	[sflag:s21] =	ssyncset.done $0x0  }
0x1d8: {  	[sflag:s21] =	ssyncadd.s32 $0xFFFFCE00  }
0x1d9: {  	[spmem:s3] =	stream.indirect.scatter.add.f32 [tilespmem:s15], [sflag:$0x4], $0x80, s14, s20, $0xb8;
	[tilespmem:$0x1EC80] =	vst v63  }
0x1da: {  	_ =	swait.ge [sflag:s18], $0x3200  }
0x1db: {  	[sflag:s18] =	ssyncset.done $0x0  }
0x1dc: {  	s4 =	rddreg [dreg:$0x14];
	[sflag:s18] =	ssyncadd.s32 $0xFFFFCE00  }
0x1dd: {  	[tilespmem:s15], [sflag:$0x2] =	stream.indirect.gather [hbm4b:s2+s20], $0x80, s4, s20, $0xb8;
	[tilespmem:$0x1EC80] =	vst v63  }
0x1de: {  	_ =	swait.ge [sflag:s22], $0x3200  }
0x1df: {  	[sflag:s22] =	ssyncset.done $0x0  }
0x1e0: {  	[sflag:s22] =	ssyncadd.s32 $0xFFFFCE00  }
0x1e1: {  	[spmem:s3] =	stream.indirect.scatter.add.f32 [tilespmem:s16], [sflag:$0x4], $0x80, s30, s20, $0xb8;
	[tilespmem:$0x1EC80] =	vst v63  }
0x1e2: {  	_ =	swait.ge [sflag:s18], $0x3200  }
0x1e3: {  	[sflag:s18] =	ssyncset.done $0x0  }
0x1e4: {  	s13 =	rddreg [dreg:$0x15];
	[sflag:s18] =	ssyncadd.s32 $0xFFFFCE00  }
0x1e5: {  	[tilespmem:s16], [sflag:$0x3] =	stream.indirect.gather [hbm4b:s2+s20], $0x80, s13, s20, $0xb8;
	[tilespmem:$0x1EC80] =	vst v63  }
0x1e6: {  	_ =	swait.ge [sflag:s25], $0x3200  }
0x1e7: {  	[sflag:s25] =	ssyncset.done $0x0  }
0x1e8: {  	[sflag:s25] =	ssyncadd.s32 $0xFFFFCE00  }
0x1e9: {  	[spmem:s3] =	stream.indirect.scatter.add.f32 [tilespmem:s17], [sflag:$0x4], $0x80, s19, s20, $0xb8;
	[tilespmem:$0x1EC80] =	vst v63  }
0x1ea: {  	_ =	swait.ge [sflag:s18], $0x3200  }
0x1eb: {  	[sflag:s18] =	ssyncset.done $0x0  }
0x1ec: {  	s19 =	rddreg [dreg:$0x16];
	[sflag:s18] =	ssyncadd.s32 $0xFFFFCE00  }
0x1ed: {  	[tilespmem:s17], [sflag:$0x1] =	stream.indirect.gather [hbm4b:s2+s20], $0x80, s19, s20, $0xb8;
	[tilespmem:$0x1EC80] =	vst v63  }
0x1ee: {  	_ =	swait.ge [sflag:s21], $0x3200  }
0x1ef: {  	[sflag:s21] =	ssyncset.done $0x0  }
0x1f0: {  	[sflag:s21] =	ssyncadd.s32 $0xFFFFCE00  }
0x1f1: {  	[spmem:s3] =	stream.indirect.scatter.add.f32 [tilespmem:s15], [sflag:$0x4], $0x80, s29, s20, $0xb8;
	[tilespmem:$0x1EC80] =	vst v63  }
0x1f2: {  	_ =	swait.ge [sflag:s18], $0x3200  }
0x1f3: {  	[sflag:s18] =	ssyncset.done $0x0  }
0x1f4: {  	s24 =	rddreg [dreg:$0x17];
	[sflag:s18] =	ssyncadd.s32 $0xFFFFCE00  }
0x1f5: {  	[tilespmem:s15], [sflag:$0x2] =	stream.indirect.gather [hbm4b:s2+s20], $0x80, s24, s20, $0xb8;
	[tilespmem:$0x1EC80] =	vst v63  }
0x1f6: {  	_ =	swait.ge [sflag:s22], $0x3200  }
0x1f7: {  	[sflag:s22] =	ssyncset.done $0x0  }
0x1f8: {  	s26 =	simm.s32 $0x14D00;
	[sflag:s22] =	ssyncadd.s32 $0xFFFFCE00  }
0x1f9: {  	[spmem:s3] =	stream.indirect.scatter.add.f32 [tilespmem:s16], [sflag:$0x4], $0x80, s26, s20, $0xb8;
	[tilespmem:$0x1EC80] =	vst v63  }
0x1fa: {  	_ =	swait.ge [sflag:s18], $0x3200  }
0x1fb: {  	[sflag:s18] =	ssyncset.done $0x0  }
0x1fc: {  	[sflag:s18] =	ssyncadd.s32 $0xFFFFCE00  }
0x1fd: {  	_ =	swait.ge [sflag:s25], $0x3200  }
0x1fe: {  	s23 =	simm.s32 $0x180;
	[sflag:s25] =	ssyncset.done $0x0  }
0x1ff: {  	s31 =	simm.s32 $0x14D80;
	s28 =	simm.s32 $0x14D80;
	[sflag:s25] =	ssyncadd.s32 $0xFFFFCE00  }
0x200: {  	[spmem:s3] =	stream.indirect.scatter.add.f32 [tilespmem:s17], [sflag:$0x4], $0x80, s28, s20, $0xb8;
	[tilespmem:$0x1EC80] =	vst v63  }
0x201: {  	s5 =	simm.s32 $0x14780;
	s8 =	simm.s32 $0x14800;
	_ =	swait.ge [sflag:s18], $0x3200  }
0x202: {  	s9 =	simm.s32 $0x14880;
	s10 =	simm.s32 $0x14900;
	[sflag:s18] =	ssyncset.done $0x0  }
0x203: {  	s11 =	simm.s32 $0x14980;
	s12 =	simm.s32 $0x14A00;
	[sflag:s18] =	ssyncadd.s32 $0xFFFFCE00  }
0x204: {  	s6 =	simm.s32 $0x14A80;
	s7 =	simm.s32 $0x14B00;
	_ =	swait.ge [sflag:s21], $0x3200  }
0x205: {  	s1 =	simm.s32 $0x14E00;
	s14 =	simm.s32 $0x14B80;
	[sflag:s21] =	ssyncset.done $0x0  }
0x206: {  	s4 =	simm.s32 $0x14C00;
	s29 =	simm.s32 $0x14E00;
	[sflag:s21] =	ssyncadd.s32 $0xFFFFCE00  }
0x207: {  	[spmem:s3] =	stream.indirect.scatter.add.f32 [tilespmem:s15], [sflag:$0x4], $0x80, s29, s20, $0xb8;
	[tilespmem:$0x1EC80] =	vst v63  }
0x208: {  	s30 =	simm.s32 $0x14D00;
	s19 =	simm.s32 $0x14C80;
	_ =	swait.ge [sflag:s18], $0x3200  }
0x209: {  	s24 =	simm.s32 $0x300;
	s26 =	rddreg [dreg:$0x4];
	[sflag:s18] =	ssyncset.done $0x0  }
.LBB2_4:
0x20a: {  	[sflag:s18] =	ssyncadd.s32 $0xFFFFCE00  }
0x20b: {  	s26 =	sadd.s32 s23, s26;
	s13 =	simm.s32 $0x0;
	s0 =	simm.s32 $0x13880  }
0x20c: {  	[tilespmem:s0], [sflag:$0x4] =	stream.linear.gather [hbm4b:s26+s13], $0xA00, $0x38;
	[tilespmem:$0x1EC80] =	vst v63  }
0x20d: {  	_ =	swait.ge [sflag:s18], $0xA00  }
0x20e: {  	[sflag:s18] =	ssyncset.done $0x0;
	s29 =	rddreg [dreg:$0x18]  }
0x20f: {  	[sflag:s18] =	ssyncadd.s32 $0xFFFFF600;
	s26 =	sadd.s32 s23, s29;
	s29 =	simm.s32 $0x14480  }
0x210: {  	[tilespmem:s29], [sflag:$0x4] =	stream.linear.gather [hbm4b:s26+s13], $0xA00, $0x38;
	[tilespmem:$0x1EC80] =	vst v63  }
0x211: {  	_ =	swait.ge [sflag:s18], $0xA00  }
0x212: {  	[sflag:s18] =	ssyncset.done $0x0  }
0x213: {  	[sflag:s18] =	ssyncadd.s32 $0xFFFFF600  }
0x214: {  	[tilespmem:s17], [sflag:$0x1] =	stream.indirect.gather [hbm4b:s2+s20], $0x80, s0, s20, $0xb8;
	[tilespmem:$0x1EC80] =	vst v63  }
0x215: {  	s26 =	rddreg [dreg:$0x5]  }
0x216: {  	[tilespmem:s15], [sflag:$0x2] =	stream.indirect.gather [hbm4b:s2+s20], $0x80, s26, s20, $0xb8;
	[tilespmem:$0x1EC80] =	vst v63  }
0x217: {  	s13 =	rddreg [dreg:$0x6]  }
0x218: {  	[tilespmem:s16], [sflag:$0x3] =	stream.indirect.gather [hbm4b:s2+s20], $0x80, s13, s20, $0xb8;
	[tilespmem:$0x1EC80] =	vst v63  }
0x219: {  	_ =	swait.ge [sflag:s25], $0x3200  }
0x21a: {  	[sflag:s25] =	ssyncset.done $0x0  }
0x21b: {  	[sflag:s25] =	ssyncadd.s32 $0xFFFFCE00  }
0x21c: {  	[spmem:s3] =	stream.indirect.scatter.add.f32 [tilespmem:s17], [sflag:$0x4], $0x80, s29, s20, $0xb8;
	[tilespmem:$0x1EC80] =	vst v63  }
0x21d: {  	_ =	swait.ge [sflag:s18], $0x3200  }
0x21e: {  	[sflag:s18] =	ssyncset.done $0x0  }
0x21f: {  	s29 =	rddreg [dreg:$0x7];
	[sflag:s18] =	ssyncadd.s32 $0xFFFFCE00  }
0x220: {  	[tilespmem:s17], [sflag:$0x1] =	stream.indirect.gather [hbm4b:s2+s20], $0x80, s29, s20, $0xb8;
	[tilespmem:$0x1EC80] =	vst v63  }
0x221: {  	_ =	swait.ge [sflag:s21], $0x3200  }
0x222: {  	[sflag:s21] =	ssyncset.done $0x0  }
0x223: {  	s0 =	simm.s32 $0x14500;
	[sflag:s21] =	ssyncadd.s32 $0xFFFFCE00  }
0x224: {  	[spmem:s3] =	stream.indirect.scatter.add.f32 [tilespmem:s15], [sflag:$0x4], $0x80, s0, s20, $0xb8;
	[tilespmem:$0x1EC80] =	vst v63  }
0x225: {  	_ =	swait.ge [sflag:s18], $0x3200  }
0x226: {  	[sflag:s18] =	ssyncset.done $0x0  }
0x227: {  	s13 =	rddreg [dreg:$0x8];
	[sflag:s18] =	ssyncadd.s32 $0xFFFFCE00  }
0x228: {  	[tilespmem:s15], [sflag:$0x2] =	stream.indirect.gather [hbm4b:s2+s20], $0x80, s13, s20, $0xb8;
	[tilespmem:$0x1EC80] =	vst v63  }
0x229: {  	_ =	swait.ge [sflag:s22], $0x3200  }
0x22a: {  	s28 =	smov.u32 s24;
	[sflag:s22] =	ssyncset.done $0x0  }
0x22b: {  	s23 =	smov.u32 s28;
	s28 =	simm.s32 $0x14580;
	[sflag:s22] =	ssyncadd.s32 $0xFFFFCE00  }
0x22c: {  	[spmem:s3] =	stream.indirect.scatter.add.f32 [tilespmem:s16], [sflag:$0x4], $0x80, s28, s20, $0xb8;
	[tilespmem:$0x1EC80] =	vst v63  }
0x22d: {  	_ =	swait.ge [sflag:s18], $0x3200  }
0x22e: {  	[sflag:s18] =	ssyncset.done $0x0  }
0x22f: {  	s29 =	rddreg [dreg:$0x9];
	[sflag:s18] =	ssyncadd.s32 $0xFFFFCE00  }
0x230: {  	[tilespmem:s16], [sflag:$0x3] =	stream.indirect.gather [hbm4b:s2+s20], $0x80, s29, s20, $0xb8;
	[tilespmem:$0x1EC80] =	vst v63  }
0x231: {  	_ =	swait.ge [sflag:s25], $0x3200  }
0x232: {  	[sflag:s25] =	ssyncset.done $0x0  }
0x233: {  	s0 =	simm.s32 $0x14600;
	[sflag:s25] =	ssyncadd.s32 $0xFFFFCE00  }
0x234: {  	[spmem:s3] =	stream.indirect.scatter.add.f32 [tilespmem:s17], [sflag:$0x4], $0x80, s0, s20, $0xb8;
	[tilespmem:$0x1EC80] =	vst v63  }
0x235: {  	_ =	swait.ge [sflag:s18], $0x3200  }
0x236: {  	[sflag:s18] =	ssyncset.done $0x0  }
0x237: {  	s13 =	rddreg [dreg:$0xa];
	[sflag:s18] =	ssyncadd.s32 $0xFFFFCE00  }
0x238: {  	[tilespmem:s17], [sflag:$0x1] =	stream.indirect.gather [hbm4b:s2+s20], $0x80, s13, s20, $0xb8;
	[tilespmem:$0x1EC80] =	vst v63  }
0x239: {  	_ =	swait.ge [sflag:s21], $0x3200  }
0x23a: {  	[sflag:s21] =	ssyncset.done $0x0  }
0x23b: {  	s26 =	simm.s32 $0x14680;
	[sflag:s21] =	ssyncadd.s32 $0xFFFFCE00  }
0x23c: {  	[spmem:s3] =	stream.indirect.scatter.add.f32 [tilespmem:s15], [sflag:$0x4], $0x80, s26, s20, $0xb8;
	[tilespmem:$0x1EC80] =	vst v63  }
0x23d: {  	_ =	swait.ge [sflag:s18], $0x3200  }
0x23e: {  	[sflag:s18] =	ssyncset.done $0x0  }
0x23f: {  	s28 =	rddreg [dreg:$0xb];
	[sflag:s18] =	ssyncadd.s32 $0xFFFFCE00  }
0x240: {  	[tilespmem:s15], [sflag:$0x2] =	stream.indirect.gather [hbm4b:s2+s20], $0x80, s28, s20, $0xb8;
	[tilespmem:$0x1EC80] =	vst v63  }
0x241: {  	_ =	swait.ge [sflag:s22], $0x3200  }
0x242: {  	[sflag:s22] =	ssyncset.done $0x0  }
0x243: {  	s29 =	simm.s32 $0x14700;
	[sflag:s22] =	ssyncadd.s32 $0xFFFFCE00  }
0x244: {  	[spmem:s3] =	stream.indirect.scatter.add.f32 [tilespmem:s16], [sflag:$0x4], $0x80, s29, s20, $0xb8;
	[tilespmem:$0x1EC80] =	vst v63  }
0x245: {  	_ =	swait.ge [sflag:s18], $0x3200  }
0x246: {  	[sflag:s18] =	ssyncset.done $0x0  }
0x247: {  	s0 =	rddreg [dreg:$0xc];
	[sflag:s18] =	ssyncadd.s32 $0xFFFFCE00  }
0x248: {  	[tilespmem:s16], [sflag:$0x3] =	stream.indirect.gather [hbm4b:s2+s20], $0x80, s0, s20, $0xb8;
	[tilespmem:$0x1EC80] =	vst v63  }
0x249: {  	_ =	swait.ge [sflag:s25], $0x3200  }
0x24a: {  	[sflag:s25] =	ssyncset.done $0x0  }
0x24b: {  	[sflag:s25] =	ssyncadd.s32 $0xFFFFCE00  }
0x24c: {  	[spmem:s3] =	stream.indirect.scatter.add.f32 [tilespmem:s17], [sflag:$0x4], $0x80, s5, s20, $0xb8;
	[tilespmem:$0x1EC80] =	vst v63  }
0x24d: {  	_ =	swait.ge [sflag:s18], $0x3200  }
0x24e: {  	[sflag:s18] =	ssyncset.done $0x0  }
0x24f: {  	s13 =	rddreg [dreg:$0xd];
	[sflag:s18] =	ssyncadd.s32 $0xFFFFCE00  }
0x250: {  	[tilespmem:s17], [sflag:$0x1] =	stream.indirect.gather [hbm4b:s2+s20], $0x80, s13, s20, $0xb8;
	[tilespmem:$0x1EC80] =	vst v63  }
0x251: {  	_ =	swait.ge [sflag:s21], $0x3200  }
0x252: {  	[sflag:s21] =	ssyncset.done $0x0  }
0x253: {  	[sflag:s21] =	ssyncadd.s32 $0xFFFFCE00  }
0x254: {  	[spmem:s3] =	stream.indirect.scatter.add.f32 [tilespmem:s15], [sflag:$0x4], $0x80, s8, s20, $0xb8;
	[tilespmem:$0x1EC80] =	vst v63  }
0x255: {  	_ =	swait.ge [sflag:s18], $0x3200  }
0x256: {  	[sflag:s18] =	ssyncset.done $0x0  }
0x257: {  	s28 =	rddreg [dreg:$0xe];
	[sflag:s18] =	ssyncadd.s32 $0xFFFFCE00  }
0x258: {  	[tilespmem:s15], [sflag:$0x2] =	stream.indirect.gather [hbm4b:s2+s20], $0x80, s28, s20, $0xb8;
	[tilespmem:$0x1EC80] =	vst v63  }
0x259: {  	_ =	swait.ge [sflag:s22], $0x3200  }
0x25a: {  	[sflag:s22] =	ssyncset.done $0x0  }
0x25b: {  	[sflag:s22] =	ssyncadd.s32 $0xFFFFCE00  }
0x25c: {  	[spmem:s3] =	stream.indirect.scatter.add.f32 [tilespmem:s16], [sflag:$0x4], $0x80, s9, s20, $0xb8;
	[tilespmem:$0x1EC80] =	vst v63  }
0x25d: {  	_ =	swait.ge [sflag:s18], $0x3200  }
0x25e: {  	[sflag:s18] =	ssyncset.done $0x0  }
0x25f: {  	s29 =	rddreg [dreg:$0xf];
	[sflag:s18] =	ssyncadd.s32 $0xFFFFCE00  }
0x260: {  	[tilespmem:s16], [sflag:$0x3] =	stream.indirect.gather [hbm4b:s2+s20], $0x80, s29, s20, $0xb8;
	[tilespmem:$0x1EC80] =	vst v63  }
0x261: {  	_ =	swait.ge [sflag:s25], $0x3200  }
0x262: {  	[sflag:s25] =	ssyncset.done $0x0  }
0x263: {  	[sflag:s25] =	ssyncadd.s32 $0xFFFFCE00  }
0x264: {  	[spmem:s3] =	stream.indirect.scatter.add.f32 [tilespmem:s17], [sflag:$0x4], $0x80, s10, s20, $0xb8;
	[tilespmem:$0x1EC80] =	vst v63  }
0x265: {  	_ =	swait.ge [sflag:s18], $0x3200  }
0x266: {  	[sflag:s18] =	ssyncset.done $0x0  }
0x267: {  	s0 =	rddreg [dreg:$0x10];
	[sflag:s18] =	ssyncadd.s32 $0xFFFFCE00  }
0x268: {  	[tilespmem:s17], [sflag:$0x1] =	stream.indirect.gather [hbm4b:s2+s20], $0x80, s0, s20, $0xb8;
	[tilespmem:$0x1EC80] =	vst v63  }
0x269: {  	_ =	swait.ge [sflag:s21], $0x3200  }
0x26a: {  	[sflag:s21] =	ssyncset.done $0x0  }
0x26b: {  	[sflag:s21] =	ssyncadd.s32 $0xFFFFCE00  }
0x26c: {  	[spmem:s3] =	stream.indirect.scatter.add.f32 [tilespmem:s15], [sflag:$0x4], $0x80, s11, s20, $0xb8;
	[tilespmem:$0x1EC80] =	vst v63  }
0x26d: {  	_ =	swait.ge [sflag:s18], $0x3200  }
0x26e: {  	[sflag:s18] =	ssyncset.done $0x0  }
0x26f: {  	s13 =	rddreg [dreg:$0x11];
	[sflag:s18] =	ssyncadd.s32 $0xFFFFCE00  }
0x270: {  	[tilespmem:s15], [sflag:$0x2] =	stream.indirect.gather [hbm4b:s2+s20], $0x80, s13, s20, $0xb8;
	[tilespmem:$0x1EC80] =	vst v63  }
0x271: {  	_ =	swait.ge [sflag:s22], $0x3200  }
0x272: {  	[sflag:s22] =	ssyncset.done $0x0  }
0x273: {  	[sflag:s22] =	ssyncadd.s32 $0xFFFFCE00  }
0x274: {  	[spmem:s3] =	stream.indirect.scatter.add.f32 [tilespmem:s16], [sflag:$0x4], $0x80, s12, s20, $0xb8;
	[tilespmem:$0x1EC80] =	vst v63  }
0x275: {  	_ =	swait.ge [sflag:s18], $0x3200  }
0x276: {  	[sflag:s18] =	ssyncset.done $0x0  }
0x277: {  	s28 =	rddreg [dreg:$0x12];
	[sflag:s18] =	ssyncadd.s32 $0xFFFFCE00  }
0x278: {  	[tilespmem:s16], [sflag:$0x3] =	stream.indirect.gather [hbm4b:s2+s20], $0x80, s28, s20, $0xb8;
	[tilespmem:$0x1EC80] =	vst v63  }
0x279: {  	_ =	swait.ge [sflag:s25], $0x3200  }
0x27a: {  	[sflag:s25] =	ssyncset.done $0x0  }
0x27b: {  	[sflag:s25] =	ssyncadd.s32 $0xFFFFCE00  }
0x27c: {  	[spmem:s3] =	stream.indirect.scatter.add.f32 [tilespmem:s17], [sflag:$0x4], $0x80, s6, s20, $0xb8;
	[tilespmem:$0x1EC80] =	vst v63  }
0x27d: {  	_ =	swait.ge [sflag:s18], $0x3200  }
0x27e: {  	[sflag:s18] =	ssyncset.done $0x0  }
0x27f: {  	s29 =	rddreg [dreg:$0x13];
	[sflag:s18] =	ssyncadd.s32 $0xFFFFCE00  }
0x280: {  	[tilespmem:s17], [sflag:$0x1] =	stream.indirect.gather [hbm4b:s2+s20], $0x80, s29, s20, $0xb8;
	[tilespmem:$0x1EC80] =	vst v63  }
0x281: {  	_ =	swait.ge [sflag:s21], $0x3200  }
0x282: {  	[sflag:s21] =	ssyncset.done $0x0  }
0x283: {  	[sflag:s21] =	ssyncadd.s32 $0xFFFFCE00  }
0x284: {  	[spmem:s3] =	stream.indirect.scatter.add.f32 [tilespmem:s15], [sflag:$0x4], $0x80, s7, s20, $0xb8;
	[tilespmem:$0x1EC80] =	vst v63  }
0x285: {  	_ =	swait.ge [sflag:s18], $0x3200  }
0x286: {  	[sflag:s18] =	ssyncset.done $0x0  }
0x287: {  	s0 =	rddreg [dreg:$0x14];
	[sflag:s18] =	ssyncadd.s32 $0xFFFFCE00  }
0x288: {  	[tilespmem:s15], [sflag:$0x2] =	stream.indirect.gather [hbm4b:s2+s20], $0x80, s0, s20, $0xb8;
	[tilespmem:$0x1EC80] =	vst v63  }
0x289: {  	_ =	swait.ge [sflag:s22], $0x3200  }
0x28a: {  	[sflag:s22] =	ssyncset.done $0x0  }
0x28b: {  	[sflag:s22] =	ssyncadd.s32 $0xFFFFCE00  }
0x28c: {  	[spmem:s3] =	stream.indirect.scatter.add.f32 [tilespmem:s16], [sflag:$0x4], $0x80, s14, s20, $0xb8;
	[tilespmem:$0x1EC80] =	vst v63  }
0x28d: {  	_ =	swait.ge [sflag:s18], $0x3200  }
0x28e: {  	[sflag:s18] =	ssyncset.done $0x0  }
0x28f: {  	s13 =	rddreg [dreg:$0x15];
	[sflag:s18] =	ssyncadd.s32 $0xFFFFCE00  }
0x290: {  	[tilespmem:s16], [sflag:$0x3] =	stream.indirect.gather [hbm4b:s2+s20], $0x80, s13, s20, $0xb8;
	[tilespmem:$0x1EC80] =	vst v63  }
0x291: {  	_ =	swait.ge [sflag:s25], $0x3200  }
0x292: {  	[sflag:s25] =	ssyncset.done $0x0  }
0x293: {  	[sflag:s25] =	ssyncadd.s32 $0xFFFFCE00  }
0x294: {  	[spmem:s3] =	stream.indirect.scatter.add.f32 [tilespmem:s17], [sflag:$0x4], $0x80, s4, s20, $0xb8;
	[tilespmem:$0x1EC80] =	vst v63  }
0x295: {  	_ =	swait.ge [sflag:s18], $0x3200  }
0x296: {  	[sflag:s18] =	ssyncset.done $0x0  }
0x297: {  	s28 =	rddreg [dreg:$0x16];
	[sflag:s18] =	ssyncadd.s32 $0xFFFFCE00  }
0x298: {  	[tilespmem:s17], [sflag:$0x1] =	stream.indirect.gather [hbm4b:s2+s20], $0x80, s28, s20, $0xb8;
	[tilespmem:$0x1EC80] =	vst v63  }
0x299: {  	_ =	swait.ge [sflag:s21], $0x3200  }
0x29a: {  	[sflag:s21] =	ssyncset.done $0x0  }
0x29b: {  	[sflag:s21] =	ssyncadd.s32 $0xFFFFCE00  }
0x29c: {  	[spmem:s3] =	stream.indirect.scatter.add.f32 [tilespmem:s15], [sflag:$0x4], $0x80, s19, s20, $0xb8;
	[tilespmem:$0x1EC80] =	vst v63  }
0x29d: {  	_ =	swait.ge [sflag:s18], $0x3200  }
0x29e: {  	[sflag:s18] =	ssyncset.done $0x0  }
0x29f: {  	s29 =	rddreg [dreg:$0x17];
	[sflag:s18] =	ssyncadd.s32 $0xFFFFCE00  }
0x2a0: {  	[tilespmem:s15], [sflag:$0x2] =	stream.indirect.gather [hbm4b:s2+s20], $0x80, s29, s20, $0xb8;
	[tilespmem:$0x1EC80] =	vst v63  }
0x2a1: {  	_ =	swait.ge [sflag:s22], $0x3200  }
0x2a2: {  	[sflag:s22] =	ssyncset.done $0x0  }
0x2a3: {  	[sflag:s22] =	ssyncadd.s32 $0xFFFFCE00  }
0x2a4: {  	[spmem:s3] =	stream.indirect.scatter.add.f32 [tilespmem:s16], [sflag:$0x4], $0x80, s30, s20, $0xb8;
	[tilespmem:$0x1EC80] =	vst v63  }
0x2a5: {  	_ =	swait.ge [sflag:s18], $0x3200  }
0x2a6: {  	[sflag:s18] =	ssyncset.done $0x0  }
0x2a7: {  	[sflag:s18] =	ssyncadd.s32 $0xFFFFCE00  }
0x2a8: {  	_ =	swait.ge [sflag:s25], $0x3200  }
0x2a9: {  	[sflag:s25] =	ssyncset.done $0x0  }
0x2aa: {  	[sflag:s25] =	ssyncadd.s32 $0xFFFFCE00  }
0x2ab: {  	[spmem:s3] =	stream.indirect.scatter.add.f32 [tilespmem:s17], [sflag:$0x4], $0x80, s31, s20, $0xb8;
	[tilespmem:$0x1EC80] =	vst v63  }
0x2ac: {  	_ =	swait.ge [sflag:s18], $0x3200  }
0x2ad: {  	[sflag:s18] =	ssyncset.done $0x0  }
0x2ae: {  	[sflag:s18] =	ssyncadd.s32 $0xFFFFCE00  }
0x2af: {  	p1 =	sne.s32 s24, $0x600;
	_ =	swait.ge [sflag:s21], $0x3200  }
.Ltmp1:
0x2b0: {  	[sflag:s21] =	ssyncset.done $0x0;
	(pc) =	sbr.rel @p1 .LBB2_4-.Ltmp1, $4  }
0x2b1: {  	[sflag:s21] =	ssyncadd.s32 $0xFFFFCE00  }
0x2b2: {  	[spmem:s3] =	stream.indirect.scatter.add.f32 [tilespmem:s15], [sflag:$0x4], $0x80, s1, s20, $0xb8;
	[tilespmem:$0x1EC80] =	vst v63  }
0x2b3: {  	_ =	swait.ge [sflag:s18], $0x3200  }
0x2b4: {  	s24 =	sadd.s32 $0x180, s24;
	s26 =	rddreg [dreg:$0x4];
	[sflag:s18] =	ssyncset.done $0x0  }
0x2b5: {  	[sflag:s18] =	ssyncadd.s32 $0xFFFFCE00  }
0x2b6: {  	s24 =	sadd.s32 s23, s26;
	s13 =	simm.s32 $0x0;
	s0 =	simm.s32 $0x13880  }
0x2b7: {  	[tilespmem:s0], [sflag:$0x4] =	stream.linear.gather [hbm4b:s24+s13], $0xA00, $0x38;
	[tilespmem:$0x1EC80] =	vst v63  }
0x2b8: {  	_ =	swait.ge [sflag:s18], $0xA00  }
0x2b9: {  	[sflag:s18] =	ssyncset.done $0x0;
	s26 =	rddreg [dreg:$0x18]  }
0x2ba: {  	[sflag:s18] =	ssyncadd.s32 $0xFFFFF600;
	s24 =	sadd.s32 s23, s26;
	s26 =	simm.s32 $0x14480  }
0x2bb: {  	[tilespmem:s26], [sflag:$0x4] =	stream.linear.gather [hbm4b:s24+s13], $0xA00, $0x38;
	[tilespmem:$0x1EC80] =	vst v63  }
0x2bc: {  	_ =	swait.ge [sflag:s18], $0xA00  }
0x2bd: {  	[sflag:s18] =	ssyncset.done $0x0  }
0x2be: {  	[sflag:s18] =	ssyncadd.s32 $0xFFFFF600  }
0x2bf: {  	[tilespmem:s17], [sflag:$0x1] =	stream.indirect.gather [hbm4b:s2+s20], $0x80, s0, s20, $0xb8;
	[tilespmem:$0x1EC80] =	vst v63  }
0x2c0: {  	s24 =	rddreg [dreg:$0x5]  }
0x2c1: {  	[tilespmem:s15], [sflag:$0x2] =	stream.indirect.gather [hbm4b:s2+s20], $0x80, s24, s20, $0xb8;
	[tilespmem:$0x1EC80] =	vst v63  }
0x2c2: {  	s0 =	rddreg [dreg:$0x6]  }
0x2c3: {  	[tilespmem:s16], [sflag:$0x3] =	stream.indirect.gather [hbm4b:s2+s20], $0x80, s0, s20, $0xb8;
	[tilespmem:$0x1EC80] =	vst v63  }
0x2c4: {  	_ =	swait.ge [sflag:s25], $0x3200  }
0x2c5: {  	[sflag:s25] =	ssyncset.done $0x0  }
0x2c6: {  	[sflag:s25] =	ssyncadd.s32 $0xFFFFCE00  }
0x2c7: {  	[spmem:s3] =	stream.indirect.scatter.add.f32 [tilespmem:s17], [sflag:$0x4], $0x80, s26, s20, $0xb8;
	[tilespmem:$0x1EC80] =	vst v63  }
0x2c8: {  	_ =	swait.ge [sflag:s18], $0x3200  }
0x2c9: {  	[sflag:s18] =	ssyncset.done $0x0  }
0x2ca: {  	s13 =	rddreg [dreg:$0x7];
	[sflag:s18] =	ssyncadd.s32 $0xFFFFCE00  }
0x2cb: {  	[tilespmem:s17], [sflag:$0x1] =	stream.indirect.gather [hbm4b:s2+s20], $0x80, s13, s20, $0xb8;
	[tilespmem:$0x1EC80] =	vst v63  }
0x2cc: {  	_ =	swait.ge [sflag:s21], $0x3200  }
0x2cd: {  	[sflag:s21] =	ssyncset.done $0x0  }
0x2ce: {  	s24 =	simm.s32 $0x14500;
	[sflag:s21] =	ssyncadd.s32 $0xFFFFCE00  }
0x2cf: {  	[spmem:s3] =	stream.indirect.scatter.add.f32 [tilespmem:s15], [sflag:$0x4], $0x80, s24, s20, $0xb8;
	[tilespmem:$0x1EC80] =	vst v63  }
0x2d0: {  	_ =	swait.ge [sflag:s18], $0x3200  }
0x2d1: {  	[sflag:s18] =	ssyncset.done $0x0  }
0x2d2: {  	s26 =	rddreg [dreg:$0x8];
	[sflag:s18] =	ssyncadd.s32 $0xFFFFCE00  }
0x2d3: {  	[tilespmem:s15], [sflag:$0x2] =	stream.indirect.gather [hbm4b:s2+s20], $0x80, s26, s20, $0xb8;
	[tilespmem:$0x1EC80] =	vst v63  }
0x2d4: {  	_ =	swait.ge [sflag:s22], $0x3200  }
0x2d5: {  	[sflag:s22] =	ssyncset.done $0x0  }
0x2d6: {  	s0 =	simm.s32 $0x14580;
	[sflag:s22] =	ssyncadd.s32 $0xFFFFCE00  }
0x2d7: {  	[spmem:s3] =	stream.indirect.scatter.add.f32 [tilespmem:s16], [sflag:$0x4], $0x80, s0, s20, $0xb8;
	[tilespmem:$0x1EC80] =	vst v63  }
0x2d8: {  	_ =	swait.ge [sflag:s18], $0x3200  }
0x2d9: {  	[sflag:s18] =	ssyncset.done $0x0  }
0x2da: {  	s13 =	rddreg [dreg:$0x9];
	[sflag:s18] =	ssyncadd.s32 $0xFFFFCE00  }
0x2db: {  	[tilespmem:s16], [sflag:$0x3] =	stream.indirect.gather [hbm4b:s2+s20], $0x80, s13, s20, $0xb8;
	[tilespmem:$0x1EC80] =	vst v63  }
0x2dc: {  	_ =	swait.ge [sflag:s25], $0x3200  }
0x2dd: {  	[sflag:s25] =	ssyncset.done $0x0  }
0x2de: {  	s24 =	simm.s32 $0x14600;
	[sflag:s25] =	ssyncadd.s32 $0xFFFFCE00  }
0x2df: {  	[spmem:s3] =	stream.indirect.scatter.add.f32 [tilespmem:s17], [sflag:$0x4], $0x80, s24, s20, $0xb8;
	[tilespmem:$0x1EC80] =	vst v63  }
0x2e0: {  	_ =	swait.ge [sflag:s18], $0x3200  }
0x2e1: {  	[sflag:s18] =	ssyncset.done $0x0  }
0x2e2: {  	s26 =	rddreg [dreg:$0xa];
	[sflag:s18] =	ssyncadd.s32 $0xFFFFCE00  }
0x2e3: {  	[tilespmem:s17], [sflag:$0x1] =	stream.indirect.gather [hbm4b:s2+s20], $0x80, s26, s20, $0xb8;
	[tilespmem:$0x1EC80] =	vst v63  }
0x2e4: {  	_ =	swait.ge [sflag:s21], $0x3200  }
0x2e5: {  	[sflag:s21] =	ssyncset.done $0x0  }
0x2e6: {  	s0 =	simm.s32 $0x14680;
	[sflag:s21] =	ssyncadd.s32 $0xFFFFCE00  }
0x2e7: {  	[spmem:s3] =	stream.indirect.scatter.add.f32 [tilespmem:s15], [sflag:$0x4], $0x80, s0, s20, $0xb8;
	[tilespmem:$0x1EC80] =	vst v63  }
0x2e8: {  	_ =	swait.ge [sflag:s18], $0x3200  }
0x2e9: {  	[sflag:s18] =	ssyncset.done $0x0  }
0x2ea: {  	s13 =	rddreg [dreg:$0xb];
	[sflag:s18] =	ssyncadd.s32 $0xFFFFCE00  }
0x2eb: {  	[tilespmem:s15], [sflag:$0x2] =	stream.indirect.gather [hbm4b:s2+s20], $0x80, s13, s20, $0xb8;
	[tilespmem:$0x1EC80] =	vst v63  }
0x2ec: {  	_ =	swait.ge [sflag:s22], $0x3200  }
0x2ed: {  	[sflag:s22] =	ssyncset.done $0x0  }
0x2ee: {  	s23 =	simm.s32 $0x14700;
	[sflag:s22] =	ssyncadd.s32 $0xFFFFCE00  }
0x2ef: {  	[spmem:s3] =	stream.indirect.scatter.add.f32 [tilespmem:s16], [sflag:$0x4], $0x80, s23, s20, $0xb8;
	[tilespmem:$0x1EC80] =	vst v63  }
0x2f0: {  	_ =	swait.ge [sflag:s18], $0x3200  }
0x2f1: {  	[sflag:s18] =	ssyncset.done $0x0  }
0x2f2: {  	s24 =	rddreg [dreg:$0xc];
	[sflag:s18] =	ssyncadd.s32 $0xFFFFCE00  }
0x2f3: {  	[tilespmem:s16], [sflag:$0x3] =	stream.indirect.gather [hbm4b:s2+s20], $0x80, s24, s20, $0xb8;
	[tilespmem:$0x1EC80] =	vst v63  }
0x2f4: {  	_ =	swait.ge [sflag:s25], $0x3200  }
0x2f5: {  	[sflag:s25] =	ssyncset.done $0x0  }
0x2f6: {  	[sflag:s25] =	ssyncadd.s32 $0xFFFFCE00  }
0x2f7: {  	[spmem:s3] =	stream.indirect.scatter.add.f32 [tilespmem:s17], [sflag:$0x4], $0x80, s5, s20, $0xb8;
	[tilespmem:$0x1EC80] =	vst v63  }
0x2f8: {  	_ =	swait.ge [sflag:s18], $0x3200  }
0x2f9: {  	[sflag:s18] =	ssyncset.done $0x0  }
0x2fa: {  	s26 =	rddreg [dreg:$0xd];
	[sflag:s18] =	ssyncadd.s32 $0xFFFFCE00  }
0x2fb: {  	[tilespmem:s17], [sflag:$0x1] =	stream.indirect.gather [hbm4b:s2+s20], $0x80, s26, s20, $0xb8;
	[tilespmem:$0x1EC80] =	vst v63  }
0x2fc: {  	_ =	swait.ge [sflag:s21], $0x3200  }
0x2fd: {  	[sflag:s21] =	ssyncset.done $0x0  }
0x2fe: {  	[sflag:s21] =	ssyncadd.s32 $0xFFFFCE00  }
0x2ff: {  	[spmem:s3] =	stream.indirect.scatter.add.f32 [tilespmem:s15], [sflag:$0x4], $0x80, s8, s20, $0xb8;
	[tilespmem:$0x1EC80] =	vst v63  }
0x300: {  	_ =	swait.ge [sflag:s18], $0x3200  }
0x301: {  	[sflag:s18] =	ssyncset.done $0x0  }
0x302: {  	s0 =	rddreg [dreg:$0xe];
	[sflag:s18] =	ssyncadd.s32 $0xFFFFCE00  }
0x303: {  	[tilespmem:s15], [sflag:$0x2] =	stream.indirect.gather [hbm4b:s2+s20], $0x80, s0, s20, $0xb8;
	[tilespmem:$0x1EC80] =	vst v63  }
0x304: {  	_ =	swait.ge [sflag:s22], $0x3200  }
0x305: {  	[sflag:s22] =	ssyncset.done $0x0  }
0x306: {  	[sflag:s22] =	ssyncadd.s32 $0xFFFFCE00  }
0x307: {  	[spmem:s3] =	stream.indirect.scatter.add.f32 [tilespmem:s16], [sflag:$0x4], $0x80, s9, s20, $0xb8;
	[tilespmem:$0x1EC80] =	vst v63  }
0x308: {  	_ =	swait.ge [sflag:s18], $0x3200  }
0x309: {  	[sflag:s18] =	ssyncset.done $0x0  }
0x30a: {  	s13 =	rddreg [dreg:$0xf];
	[sflag:s18] =	ssyncadd.s32 $0xFFFFCE00  }
0x30b: {  	[tilespmem:s16], [sflag:$0x3] =	stream.indirect.gather [hbm4b:s2+s20], $0x80, s13, s20, $0xb8;
	[tilespmem:$0x1EC80] =	vst v63  }
0x30c: {  	_ =	swait.ge [sflag:s25], $0x3200  }
0x30d: {  	[sflag:s25] =	ssyncset.done $0x0  }
0x30e: {  	[sflag:s25] =	ssyncadd.s32 $0xFFFFCE00  }
0x30f: {  	[spmem:s3] =	stream.indirect.scatter.add.f32 [tilespmem:s17], [sflag:$0x4], $0x80, s10, s20, $0xb8;
	[tilespmem:$0x1EC80] =	vst v63  }
0x310: {  	_ =	swait.ge [sflag:s18], $0x3200  }
0x311: {  	[sflag:s18] =	ssyncset.done $0x0  }
0x312: {  	s24 =	rddreg [dreg:$0x10];
	[sflag:s18] =	ssyncadd.s32 $0xFFFFCE00  }
0x313: {  	[tilespmem:s17], [sflag:$0x1] =	stream.indirect.gather [hbm4b:s2+s20], $0x80, s24, s20, $0xb8;
	[tilespmem:$0x1EC80] =	vst v63  }
0x314: {  	_ =	swait.ge [sflag:s21], $0x3200  }
0x315: {  	[sflag:s21] =	ssyncset.done $0x0  }
0x316: {  	[sflag:s21] =	ssyncadd.s32 $0xFFFFCE00  }
0x317: {  	[spmem:s3] =	stream.indirect.scatter.add.f32 [tilespmem:s15], [sflag:$0x4], $0x80, s11, s20, $0xb8;
	[tilespmem:$0x1EC80] =	vst v63  }
0x318: {  	_ =	swait.ge [sflag:s18], $0x3200  }
0x319: {  	[sflag:s18] =	ssyncset.done $0x0  }
0x31a: {  	s26 =	rddreg [dreg:$0x11];
	[sflag:s18] =	ssyncadd.s32 $0xFFFFCE00  }
0x31b: {  	[tilespmem:s15], [sflag:$0x2] =	stream.indirect.gather [hbm4b:s2+s20], $0x80, s26, s20, $0xb8;
	[tilespmem:$0x1EC80] =	vst v63  }
0x31c: {  	_ =	swait.ge [sflag:s22], $0x3200  }
0x31d: {  	[sflag:s22] =	ssyncset.done $0x0  }
0x31e: {  	[sflag:s22] =	ssyncadd.s32 $0xFFFFCE00  }
0x31f: {  	[spmem:s3] =	stream.indirect.scatter.add.f32 [tilespmem:s16], [sflag:$0x4], $0x80, s12, s20, $0xb8;
	[tilespmem:$0x1EC80] =	vst v63  }
0x320: {  	_ =	swait.ge [sflag:s18], $0x3200  }
0x321: {  	[sflag:s18] =	ssyncset.done $0x0  }
0x322: {  	s0 =	rddreg [dreg:$0x12];
	[sflag:s18] =	ssyncadd.s32 $0xFFFFCE00  }
0x323: {  	[tilespmem:s16], [sflag:$0x3] =	stream.indirect.gather [hbm4b:s2+s20], $0x80, s0, s20, $0xb8;
	[tilespmem:$0x1EC80] =	vst v63  }
0x324: {  	_ =	swait.ge [sflag:s25], $0x3200  }
0x325: {  	[sflag:s25] =	ssyncset.done $0x0  }
0x326: {  	[sflag:s25] =	ssyncadd.s32 $0xFFFFCE00  }
0x327: {  	[spmem:s3] =	stream.indirect.scatter.add.f32 [tilespmem:s17], [sflag:$0x4], $0x80, s6, s20, $0xb8;
	[tilespmem:$0x1EC80] =	vst v63  }
0x328: {  	_ =	swait.ge [sflag:s18], $0x3200  }
0x329: {  	[sflag:s18] =	ssyncset.done $0x0  }
0x32a: {  	s13 =	rddreg [dreg:$0x13];
	[sflag:s18] =	ssyncadd.s32 $0xFFFFCE00  }
0x32b: {  	[tilespmem:s17], [sflag:$0x1] =	stream.indirect.gather [hbm4b:s2+s20], $0x80, s13, s20, $0xb8;
	[tilespmem:$0x1EC80] =	vst v63  }
0x32c: {  	_ =	swait.ge [sflag:s21], $0x3200  }
0x32d: {  	[sflag:s21] =	ssyncset.done $0x0  }
0x32e: {  	[sflag:s21] =	ssyncadd.s32 $0xFFFFCE00  }
0x32f: {  	[spmem:s3] =	stream.indirect.scatter.add.f32 [tilespmem:s15], [sflag:$0x4], $0x80, s7, s20, $0xb8;
	[tilespmem:$0x1EC80] =	vst v63  }
0x330: {  	_ =	swait.ge [sflag:s18], $0x3200  }
0x331: {  	[sflag:s18] =	ssyncset.done $0x0  }
0x332: {  	s24 =	rddreg [dreg:$0x14];
	[sflag:s18] =	ssyncadd.s32 $0xFFFFCE00  }
0x333: {  	[tilespmem:s15], [sflag:$0x2] =	stream.indirect.gather [hbm4b:s2+s20], $0x80, s24, s20, $0xb8;
	[tilespmem:$0x1EC80] =	vst v63  }
0x334: {  	_ =	swait.ge [sflag:s22], $0x3200  }
0x335: {  	[sflag:s22] =	ssyncset.done $0x0  }
0x336: {  	[sflag:s22] =	ssyncadd.s32 $0xFFFFCE00  }
0x337: {  	[spmem:s3] =	stream.indirect.scatter.add.f32 [tilespmem:s16], [sflag:$0x4], $0x80, s14, s20, $0xb8;
	[tilespmem:$0x1EC80] =	vst v63  }
0x338: {  	_ =	swait.ge [sflag:s18], $0x3200  }
0x339: {  	[sflag:s18] =	ssyncset.done $0x0  }
0x33a: {  	s26 =	rddreg [dreg:$0x15];
	[sflag:s18] =	ssyncadd.s32 $0xFFFFCE00  }
0x33b: {  	[tilespmem:s16], [sflag:$0x3] =	stream.indirect.gather [hbm4b:s2+s20], $0x80, s26, s20, $0xb8;
	[tilespmem:$0x1EC80] =	vst v63  }
0x33c: {  	_ =	swait.ge [sflag:s25], $0x3200  }
0x33d: {  	[sflag:s25] =	ssyncset.done $0x0  }
0x33e: {  	[sflag:s25] =	ssyncadd.s32 $0xFFFFCE00  }
0x33f: {  	[spmem:s3] =	stream.indirect.scatter.add.f32 [tilespmem:s17], [sflag:$0x4], $0x80, s4, s20, $0xb8;
	[tilespmem:$0x1EC80] =	vst v63  }
0x340: {  	_ =	swait.ge [sflag:s18], $0x3200  }
0x341: {  	[sflag:s18] =	ssyncset.done $0x0  }
0x342: {  	s0 =	rddreg [dreg:$0x16];
	[sflag:s18] =	ssyncadd.s32 $0xFFFFCE00  }
0x343: {  	[tilespmem:s17], [sflag:$0x1] =	stream.indirect.gather [hbm4b:s2+s20], $0x80, s0, s20, $0xb8;
	[tilespmem:$0x1EC80] =	vst v63  }
0x344: {  	_ =	swait.ge [sflag:s21], $0x3200  }
0x345: {  	[sflag:s21] =	ssyncset.done $0x0  }
0x346: {  	[sflag:s21] =	ssyncadd.s32 $0xFFFFCE00  }
0x347: {  	[spmem:s3] =	stream.indirect.scatter.add.f32 [tilespmem:s15], [sflag:$0x4], $0x80, s19, s20, $0xb8;
	[tilespmem:$0x1EC80] =	vst v63  }
0x348: {  	_ =	swait.ge [sflag:s18], $0x3200  }
0x349: {  	[sflag:s18] =	ssyncset.done $0x0  }
0x34a: {  	s13 =	rddreg [dreg:$0x17];
	[sflag:s18] =	ssyncadd.s32 $0xFFFFCE00  }
0x34b: {  	[tilespmem:s15], [sflag:$0x2] =	stream.indirect.gather [hbm4b:s2+s20], $0x80, s13, s20, $0xb8;
	[tilespmem:$0x1EC80] =	vst v63  }
0x34c: {  	_ =	swait.ge [sflag:s22], $0x3200  }
0x34d: {  	[sflag:s22] =	ssyncset.done $0x0  }
0x34e: {  	[sflag:s22] =	ssyncadd.s32 $0xFFFFCE00  }
0x34f: {  	[spmem:s3] =	stream.indirect.scatter.add.f32 [tilespmem:s16], [sflag:$0x4], $0x80, s30, s20, $0xb8;
	[tilespmem:$0x1EC80] =	vst v63  }
0x350: {  	_ =	swait.ge [sflag:s18], $0x3200  }
0x351: {  	[sflag:s18] =	ssyncset.done $0x0  }
0x352: {  	[sflag:s18] =	ssyncadd.s32 $0xFFFFCE00  }
0x353: {  	_ =	swait.ge [sflag:s25], $0x3200  }
0x354: {  	[sflag:s25] =	ssyncset.done $0x0  }
0x355: {  	[sflag:s25] =	ssyncadd.s32 $0xFFFFCE00  }
0x356: {  	[spmem:s3] =	stream.indirect.scatter.add.f32 [tilespmem:s17], [sflag:$0x4], $0x80, s31, s20, $0xb8;
	[tilespmem:$0x1EC80] =	vst v63  }
0x357: {  	_ =	swait.ge [sflag:s18], $0x3200  }
0x358: {  	[sflag:s18] =	ssyncset.done $0x0  }
0x359: {  	[sflag:s18] =	ssyncadd.s32 $0xFFFFCE00  }
0x35a: {  	_ =	swait.ge [sflag:s21], $0x3200  }
0x35b: {  	[sflag:s21] =	ssyncset.done $0x0  }
0x35c: {  	[sflag:s21] =	ssyncadd.s32 $0xFFFFCE00  }
0x35d: {  	[spmem:s3] =	stream.indirect.scatter.add.f32 [tilespmem:s15], [sflag:$0x4], $0x80, s1, s20, $0xb8;
	[tilespmem:$0x1EC80] =	vst v63  }
0x35e: {  	_ =	swait.ge [sflag:s18], $0x3200  }
0x35f: {  	[sflag:s18] =	ssyncset.done $0x0  }
0x360: {  	[sflag:s18] =	ssyncadd.s32 $0xFFFFCE00  }
0x361: {  	[bflag:$0x0] =	sbarrier.arrive $0xFFFF  }
0x362: {  	s29 =	sld [smem:$0x7FB];
	_ =	sdelay $0x1  }
0x363: {  	s23 =	simm.s32 @p0 $0x1FC4;
	s24 =	rddreg [dreg:$0x1f]  }
0x364: {  	[hbm:s24], [sflag:s23] =	dma.local @p0 [spmem:s29], $0x2800  }
0x365: {  	s23 =	simm.s32 @p0 $0x4  }
0x366: {  	_ =	swait.ge @p0 [sflag:s23], $0x2800  }
0x367: {  	s28 =	sld [smem:$0x7FC]  }
0x368: {  	s26 =	sld [smem:$0x7FD]  }
0x369: {  	[sflag:s23] =	ssyncset.done @p0 $0x0  }
0x36a: {  	[sflag:s23] =	ssyncadd.s32 @p0 $0xFFFFD800;
	s23 =	rddreg [dreg:$0x1e]  }
0x36b: {  	[hbm:s23], [sflag:s28] =	dma.local @!p0 [spmem:s26], $0x2700  }
0x36c: {  	s23 =	simm.s32 @!p0 $0x4  }
0x36d: {  	_ =	swait.ge @!p0 [sflag:s23], $0x2700  }
0x36e: {  	s24 =	sld [smem:$0x7F9]  }
0x36f: {  	s0 =	sld [smem:$0x7FA];
	_ =	sdelay $0x1  }
0x370: {  	s13 =	sadd.s32 $0x1, s24  }
0x371: {  	p1 =	sne.s32 s13, s0  }
.Ltmp2:
0x372: {  	_ = 	snop;
	(pc) =	sbr.rel @p1 .LBB2_1-.Ltmp2, $3  }
0x373: {  	_ =	sdelay $0x1  }
0x374: {  	[sflag:s23] =	ssyncset.done @!p0 $0x0  }
0x375: {  	[sflag:s23] =	ssyncadd.s32 @!p0 $0xFFFFD900  }
0x376: {  	_ =	sfence.sel $0x180000  }
0x377: {  	[bflag:$0x0] =	sbarrier.arrive $0xFFFF  }
0x378: {  	_ =	strace $0x90000047  }
0x379: {  	s0 =	stileid.u32;
	[bflag:$0x2] =	sbarrier.arrive $0xFFFF  }
0x37a: {  	p0 =	sne.s32 s0, $0x0;
	s0 =	rddreg [dreg:$0x3]  }
0x37b: {  	s0 =	sadd.s32 @!p0 $0x100000, s0  }
0x37c: {  	[sflag:s0] =	ssyncadd.tile.s32 @!p0 $0x1;
	_ =	shalt  }
.Lfunc_end2:
_tile_overlayer_lowered:
.L_overlay_start_2:
0x37d: {  	(tag) =	ssettag $0x2  }
0x37e: {  	s0 =	rddreg [dreg:$0x0];
	s2 =	stileid.u32  }
0x37f: {  	s1 =	rddreg [dreg:$0x1];
	p0 =	sne.s32 s2, $0x0  }
0x380: {  	s3 =	rddreg [dreg:$0x2];
	[bflag:$0x3] =	sbarrier.arrive $0xFFFF;
	s2 =	simm.s32 @!p0 $0x1C04  }
0x381: {  	[timem:s3], [sflag:s2] =	dma.local @!p0 [hbm:s0], s1  }
0x382: {  	s0 =	simm.s32 @!p0 $0x4  }
0x383: {  	_ =	swait.ge @!p0 [sflag:s0], s1  }
0x384: {  	s1 =	ssub.s32 @!p0 $0x0, s1;
	[sflag:s0] =	ssyncset.done @!p0 $0x0  }
0x385: {  	[sflag:s0] =	ssyncadd.s32 @!p0 s1  }
0x386: {  	[bflag:$0x3] =	sbarrier.arrive $0xFFFF  }
0x387: {  	_ =	shalt  }

</sc_bundles>
